<compile_context>
chip_gen: v7x
topology: tpu7x:2x2x1
jax: 0.10.2.dev20260603
libtpu: 0.0.44.dev20260713+nightly
codegen_flags: <defaults>
</compile_context>

<pallas_src>
import functools

import jax
import jax.numpy as jnp
import numpy as np
from jax import lax
from jax.experimental import pallas as pl
from jax.experimental.pallas import tpu as pltpu
from jax.experimental.pallas import tpu_sc as plsc

_N = 10000
_E = 160000
_F = 128
_C = 16
_NB = 8
_MSG = 256
_AVG = 16.0

_PERM = np.empty(_MSG, np.int32)
for _j in range(_MSG):
    _c, _k = _j // 16, _j % 16
    _PERM[_j] = _c if _k == 0 else 16 + _c * 15 + (_k - 1)

_KMASK = (np.arange(16)[:, None] == (np.arange(_MSG)[None, :] % 16)).astype(
    np.float32)

_NC = 2
_NS = 16
_KB = 64
_EPAD = 163840
_EPT = _EPAD // _NS
_NBATCH = _EPT // _KB
_RPT = 624
_ZR = 16


def _pre_body(nf_ref, wup_ref, wproj_ref, hp_ref):
    h = jnp.dot(nf_ref[:], wup_ref[:], preferred_element_type=jnp.float32)
    h = h * lax.rsqrt(jnp.mean(h * h, axis=-1, keepdims=True) + 1e-6)
    hp_ref[:] = jnp.dot(h, wproj_ref[:], preferred_element_type=jnp.float32)


def _pre(nf, wup, wproj_exp):
    bn = 2000
    return pl.pallas_call(
        _pre_body,
        grid=(_N // bn,),
        in_specs=[
            pl.BlockSpec((bn, _F), lambda i: (i, 0)),
            pl.BlockSpec((_F, _F), lambda i: (0, 0)),
            pl.BlockSpec((_F, _F), lambda i: (0, 0)),
        ],
        out_specs=pl.BlockSpec((bn, _F), lambda i: (i, 0)),
        out_shape=jax.ShapeDtypeStruct((_N, _F), jnp.float32),
    )(nf, wup, wproj_exp)


def _edge_body(vt_ref, ret_ref, w2_ref, p_ref):
    x = vt_ref[0:1, :]
    y = vt_ref[1:2, :]
    z = vt_ref[2:3, :]
    r = lax.rsqrt(x * x + y * y + z * z + 1e-12)
    x = x * r
    y = y * r
    z = z * r
    s3 = 3.0 ** 0.5
    s5 = 5.0 ** 0.5
    s15 = 15.0 ** 0.5
    s358 = (35.0 / 8.0) ** 0.5
    s105 = 105.0 ** 0.5
    s218 = (21.0 / 8.0) ** 0.5
    s7 = 7.0 ** 0.5
    comps = [
        jnp.ones_like(x),
        s3 * x, s3 * y, s3 * z,
        s15 * x * y, s15 * y * z, (s5 / 2.0) * (3.0 * z * z - 1.0),
        s15 * x * z, (s15 / 2.0) * (x * x - y * y),
        s358 * y * (3.0 * x * x - y * y), s105 * x * y * z,
        s218 * y * (5.0 * z * z - 1.0),
        (s7 / 2.0) * (5.0 * z ** 3 - 3.0 * z),
        s218 * x * (5.0 * z * z - 1.0),
        (s105 / 2.0) * (x * x - y * y) * z,
        s358 * x * (x * x - 3.0 * y * y),
    ]
    be = x.shape[1]
    col = lax.broadcasted_iota(jnp.int32, (1, be), 1) + pl.program_id(0) * be
    valid = (col < _E).astype(jnp.float32)
    sT = jnp.concatenate(comps, axis=0) * valid
    blocks = [ret_ref[b:b + 1, :] * sT for b in range(_NB)]
    gT = jnp.concatenate(blocks + [sT], axis=0)
    p_ref[:] = lax.dot_general(
        gT, w2_ref[:], (((0,), (0,)), ((), ())),
        preferred_element_type=jnp.float32)


def _edge(vecT, reT, w2f):
    be = 2048
    return pl.pallas_call(
        _edge_body,
        grid=(_EPAD // be,),
        in_specs=[
            pl.BlockSpec((3, be), lambda i: (0, i)),
            pl.BlockSpec((_NB, be), lambda i: (0, i)),
            pl.BlockSpec((_NB * 16 + 16, _MSG), lambda i: (0, 0)),
        ],
        out_specs=pl.BlockSpec((be, _MSG), lambda i: (i, 0)),
        out_shape=jax.ShapeDtypeStruct((_EPAD, _MSG), jnp.float32),
    )(vecT, reT, w2f)


def _sc_body(hp_hbm, p_hbm, idx_hbm, out_hbm,
             agg_sh, packed, sb0, sb1, rb0, rb1, mr0, mr1, pr0, pr1,
             zbuf, gsem0, gsem1, psem0, psem1, ssem0, ssem1):
    cid = lax.axis_index("c")
    sid = lax.axis_index("s")
    coff = cid * 128

    for rr in range(_ZR):
        for q in range(8):
            zbuf[rr, pl.ds(q * 16, 16)] = jnp.zeros((16,), jnp.float32)
    row0 = sid * _RPT
    for i in range(_RPT // _ZR):
        pltpu.sync_copy(zbuf, agg_sh.at[pl.ds(row0 + i * _ZR, _ZR)])

    @pl.when(sid == _NS - 1)
    def _zero_tail():
        pltpu.sync_copy(zbuf, agg_sh.at[pl.ds(row0 + _RPT, _ZR)])

    ebase = sid * _EPT
    pltpu.sync_copy(idx_hbm.at[pl.ds(ebase, _EPT)], packed)
    plsc.subcore_barrier()

    def fire_g(i, mr, sb, sem):
        for k in range(_KB // 16):
            sb[pl.ds(k * 16, 16)] = lax.shift_right_logical(
                packed[pl.ds(i * _KB + k * 16, 16)], 16)
        pltpu.async_copy(hp_hbm.at[sb], mr, sem)

    def fire_p(i, pr, sem):
        e0 = ebase + i * _KB
        pltpu.async_copy(p_hbm.at[pl.ds(e0, _KB), pl.ds(coff, 128)], pr, sem)

    def drain(pr, mr, gsem, psem):
        pltpu.make_async_copy(
            p_hbm.at[pl.ds(0, _KB), pl.ds(0, 128)], mr, gsem).wait()
        pltpu.make_async_copy(
            p_hbm.at[pl.ds(0, _KB), pl.ds(0, 128)], pr, psem).wait()

    lane0 = cid * 8

    def mult(pr, mr):
        def edge(e, c2):
            mv = mr[e, pl.ds(lane0, 16)]
            for cc in range(8):
                pr[e, pl.ds(cc * 16, 16)] = pr[e, pl.ds(cc * 16, 16)] * mv[cc]
            return c2

        lax.fori_loop(0, _KB, edge, 0, unroll=2)

    def scat_fire(i, pr, rb, sem):
        for k in range(_KB // 16):
            rb[0, pl.ds(k * 16, 16)] = lax.bitwise_and(
                packed[pl.ds(i * _KB + k * 16, 16)], 0xFFFF)
        pltpu.async_copy(pr, agg_sh.at[rb.at[0]], sem, add=True)

    def scat_drain(pr, rb, sem):
        pltpu.make_async_copy(pr, agg_sh.at[rb.at[0]], sem).wait()

    fire_g(0, mr0, sb0, gsem0)
    fire_p(0, pr0, psem0)
    fire_g(1, mr1, sb1, gsem1)
    fire_p(1, pr1, psem1)

    def pair(j, c2):
        b0 = 2 * j
        drain(pr0, mr0, gsem0, psem0)
        mult(pr0, mr0)

        @pl.when(b0 + 2 < _NBATCH)
        def _g0():
            fire_g(b0 + 2, mr0, sb0, gsem0)

        scat_fire(b0, pr0, rb0, ssem0)
        drain(pr1, mr1, gsem1, psem1)
        mult(pr1, mr1)

        @pl.when(b0 + 3 < _NBATCH)
        def _g1():
            fire_g(b0 + 3, mr1, sb1, gsem1)

        scat_fire(b0 + 1, pr1, rb1, ssem1)
        scat_drain(pr0, rb0, ssem0)

        @pl.when(b0 + 2 < _NBATCH)
        def _p0():
            fire_p(b0 + 2, pr0, psem0)

        scat_drain(pr1, rb1, ssem1)

        @pl.when(b0 + 3 < _NBATCH)
        def _p1():
            fire_p(b0 + 3, pr1, psem1)

        return c2

    lax.fori_loop(0, _NBATCH // 2, pair, 0)

    plsc.subcore_barrier()
    pltpu.sync_copy(
        agg_sh.at[pl.ds(row0, _RPT)],
        out_hbm.at[cid, pl.ds(row0, _RPT)],
    )

    @pl.when(sid == _NS - 1)
    def _out_tail():
        pltpu.sync_copy(
            agg_sh.at[pl.ds(row0 + _RPT, _ZR)],
            out_hbm.at[cid, pl.ds(row0 + _RPT, _ZR)],
        )


def _sc_scatter(hp, p, idx_packed):
    mesh = plsc.VectorSubcoreMesh(
        core_axis_name="c", subcore_axis_name="s",
        num_cores=_NC, num_subcores=_NS,
    )
    fn = functools.partial(
        pl.kernel,
        out_type=jax.ShapeDtypeStruct((_NC, _N, 128), jnp.float32),
        mesh=mesh,
        scratch_types=[
            pltpu.VMEM_SHARED((_N, 128), jnp.float32),
            pltpu.VMEM((_EPT,), jnp.int32),
            pltpu.VMEM((_KB,), jnp.int32),
            pltpu.VMEM((_KB,), jnp.int32),
            pltpu.VMEM((1, _KB), jnp.int32),
            pltpu.VMEM((1, _KB), jnp.int32),
            pltpu.VMEM((_KB, 128), jnp.float32),
            pltpu.VMEM((_KB, 128), jnp.float32),
            pltpu.VMEM((_KB, 128), jnp.float32),
            pltpu.VMEM((_KB, 128), jnp.float32),
            pltpu.VMEM((_ZR, 128), jnp.float32),
            pltpu.SemaphoreType.DMA,
            pltpu.SemaphoreType.DMA,
            pltpu.SemaphoreType.DMA,
            pltpu.SemaphoreType.DMA,
            pltpu.SemaphoreType.DMA,
            pltpu.SemaphoreType.DMA,
        ],
    )(_sc_body)
    return fn(hp, p, idx_packed)


def _post_body(a0_ref, a1_ref, nf_ref, wd0_ref, wd1_ref, wself_ref, wread_ref,
               outr_ref, outf_ref):
    a0 = a0_ref[:] * (1.0 / _AVG)
    a1 = a1_ref[:] * (1.0 / _AVG)
    ms = (jnp.sum(a0 * a0, axis=-1, keepdims=True)
          + jnp.sum(a1 * a1, axis=-1, keepdims=True)) * (1.0 / _MSG)
    inv = lax.rsqrt(ms + 1e-6)
    a0 = a0 * inv
    a1 = a1 * inv
    new = (jnp.dot(a0, wd0_ref[:], preferred_element_type=jnp.float32)
           + jnp.dot(a1, wd1_ref[:], preferred_element_type=jnp.float32))
    new = new * lax.rsqrt(jnp.mean(new * new, axis=-1, keepdims=True) + 1e-6)
    nfo = jnp.dot(nf_ref[:] + new, wself_ref[:],
                  preferred_element_type=jnp.float32)
    outf_ref[:] = nfo
    outr_ref[:] = jnp.dot(nfo, wread_ref[:],
                          preferred_element_type=jnp.float32)


def _post(a0, a1, nf, wd0, wd1, wself, wread):
    bn = 2000
    return pl.pallas_call(
        _post_body,
        grid=(_N // bn,),
        in_specs=[
            pl.BlockSpec((bn, 128), lambda i: (i, 0)),
            pl.BlockSpec((bn, 128), lambda i: (i, 0)),
            pl.BlockSpec((bn, _F), lambda i: (i, 0)),
            pl.BlockSpec((128, _F), lambda i: (0, 0)),
            pl.BlockSpec((128, _F), lambda i: (0, 0)),
            pl.BlockSpec((_F, _F), lambda i: (0, 0)),
            pl.BlockSpec((_F, 1), lambda i: (0, 0)),
        ],
        out_specs=[
            pl.BlockSpec((bn, 1), lambda i: (i, 0)),
            pl.BlockSpec((bn, _F), lambda i: (i, 0)),
        ],
        out_shape=[
            jax.ShapeDtypeStruct((_N, 1), jnp.float32),
            jax.ShapeDtypeStruct((_N, _F), jnp.float32),
        ],
    )(a0, a1, nf, wd0, wd1, wself, wread)


def kernel(vectors, node_feats, radial_embedding, senders, receivers,
           W_up, W_proj, W_rad, b_rad, W_down, W_self, W_read):
    wradp = W_rad[:, _PERM]
    bradp = b_rad[_PERM].reshape(1, _MSG)
    wdp = W_down[_PERM, :]
    wproj_exp = jnp.pad(W_proj, ((0, 0), (0, _F - _C)))
    kmask = jnp.asarray(_KMASK)
    w2_top = (wradp[:, None, :] * kmask[None, :, :]).reshape(_NB * 16, _MSG)
    w2f = jnp.concatenate([w2_top, bradp * kmask], axis=0)
    idx_packed = (lax.shift_left(senders.astype(jnp.int32), 16)
                  | receivers.astype(jnp.int32))
    idx_packed = jnp.pad(idx_packed, (0, _EPAD - _E))

    hp = _pre(node_feats, W_up, wproj_exp)
    vecT = jnp.pad(vectors.T, ((0, 0), (0, _EPAD - _E)))
    reT = jnp.pad(radial_embedding.T, ((0, 0), (0, _EPAD - _E)))
    p = _edge(vecT, reT, w2f)
    agg2 = _sc_scatter(hp, p, idx_packed)
    return _post(agg2[0], agg2[1], node_feats,
                 wdp[:128], wdp[128:], W_self, W_read)

# --- scband reference (transcript-rebuilt; emitter-appended) ---
"""Pipeline reference for scband-mace-63479616635123 (READ-ONLY COPY).

The authoritative reference and input builder live on the scoring server;
editing this copy changes nothing except your own understanding.
"""

import jax, jax.numpy as jnp
import numpy as np

N = 10000
E = 160000
F = 128
C = 16
NB = 8
AVG_NUM_NEIGHBORS = 16.0
MSG_DIM = C * 16  # C scalar prefix + C*15 tensor-product components


def _sph_harm_l123(v):
    # real spherical harmonics l=1..3 (component normalization), nan-safe
    r = jnp.sqrt(jnp.sum(v * v, axis=-1, keepdims=True) + 1e-12)
    u = v / r
    x, y, z = u[..., 0], u[..., 1], u[..., 2]
    s3 = 3.0 ** 0.5
    s5 = 5.0 ** 0.5
    s15 = 15.0 ** 0.5
    s358 = (35.0 / 8.0) ** 0.5
    s105 = 105.0 ** 0.5
    s218 = (21.0 / 8.0) ** 0.5
    s7 = 7.0 ** 0.5
    comps = [
        s3 * x, s3 * y, s3 * z,
        s15 * x * y, s15 * y * z, (s5 / 2.0) * (3.0 * z * z - 1.0), s15 * x * z, (s15 / 2.0) * (x * x - y * y),
        s358 * y * (3.0 * x * x - y * y), s105 * x * y * z, s218 * y * (5.0 * z * z - 1.0),
        (s7 / 2.0) * (5.0 * z ** 3 - 3.0 * z), s218 * x * (5.0 * z * z - 1.0),
        (s105 / 2.0) * (x * x - y * y) * z, s358 * x * (x * x - 3.0 * y * y),
    ]
    return jnp.stack(comps, axis=-1)


def _normnorm(h):
    # E3NormNorm analogue: normalize by mean irrep norm (RMS over channels)
    return h / jnp.sqrt(jnp.mean(h * h, axis=-1, keepdims=True) + 1e-6)


def setup_inputs(seed: int = 0) -> dict:
    key = jax.random.key(seed)
    ks = jax.random.split(key, 12)
    vectors = jax.random.normal(ks[0], (E, 3), dtype=jnp.float32)
    node_feats = jax.random.normal(ks[1], (N, F), dtype=jnp.float32)
    radial_embedding = jax.random.uniform(ks[2], (E, NB), dtype=jnp.float32)
    senders = jax.random.randint(ks[3], (E,), 0, N)
    receivers = jax.random.randint(ks[4], (E,), 0, N)
    W_up = jax.random.normal(ks[5], (F, F), dtype=jnp.float32) / np.sqrt(F)
    W_proj = jax.random.normal(ks[6], (F, C), dtype=jnp.float32) / np.sqrt(F)
    W_rad = jax.random.normal(ks[7], (NB, MSG_DIM), dtype=jnp.float32) / np.sqrt(NB)
    b_rad = jnp.zeros((MSG_DIM,), dtype=jnp.float32)
    W_down = jax.random.normal(ks[8], (MSG_DIM, F), dtype=jnp.float32) / np.sqrt(MSG_DIM)
    W_self = jax.random.normal(ks[9], (F, F), dtype=jnp.float32) / np.sqrt(F)
    W_read = jax.random.normal(ks[10], (F, 1), dtype=jnp.float32) / np.sqrt(F)
    return {
        'vectors': vectors, 'node_feats': node_feats, 'radial_embedding': radial_embedding,
        'senders': senders, 'receivers': receivers,
        'W_up': W_up, 'W_proj': W_proj, 'W_rad': W_rad, 'b_rad': b_rad,
        'W_down': W_down, 'W_self': W_self, 'W_read': W_read,
    }


def reference(vectors, node_feats, radial_embedding, senders, receivers,
              W_up, W_proj, W_rad, b_rad, W_down, W_self, W_read):
    # InteractionBlock: linear_up + norm
    h = _normnorm(node_feats @ W_up)
    # MessagePassingConvolution (mix='mix')
    m = h[senders] @ W_proj                       # gather sender feats, channel mix [E, C]
    sh = _sph_harm_l123(vectors)                  # [E, 15]
    tp = (m[:, :, None] * sh[:, None, :]).reshape(m.shape[0], -1)  # tensor product [E, C*15]
    messages = jnp.concatenate([m, tp], axis=-1)  # prefix + vec harms [E, MSG_DIM]
    radial = radial_embedding @ W_rad + b_rad     # radial_mix MLP
    messages = messages * radial
    agg = jnp.zeros((node_feats.shape[0], messages.shape[-1]), messages.dtype)
    agg = agg.at[receivers].add(messages) / AVG_NUM_NEIGHBORS  # scatter-add
    # norm + linear_down + norm + residual
    agg = _normnorm(agg)
    new = _normnorm(agg @ W_down)
    node_feats_out = node_feats + new
    # LinearSelfConnection
    node_feats_out = node_feats_out @ W_self
    # LinearReadoutBlock
    node_outputs = node_feats_out @ W_read
    return node_outputs, node_feats_out

if __name__ == "__main__":
    import jax
    _d = setup_inputs()
    print(jax.jit(kernel)(*tuple(_d.values())))

</pallas_src>

<mosaic_0001>
#map = affine_map<(d0, d1) -> (0, 0)>
#map1 = affine_map<(d0, d1) -> (0)>
#map2 = affine_map<(d0, d1) -> (0, 0, 0)>
module attributes {stable_mosaic.version = 14 : i64} {
  func.func @_sc_body(%arg0: i32, %arg1: i32, %arg2: memref<10000x128xf32, #tpu.memory_space<hbm>>, %arg3: memref<163840x256xf32, #tpu.memory_space<hbm>>, %arg4: memref<163840xi32, #tpu.memory_space<hbm>>, %arg5: memref<2x10000x128xf32, #tpu.memory_space<hbm>>, %arg6: memref<10000x128xf32, #tpu.memory_space<vmem_shared>>, %arg7: memref<10240xi32, #tpu.memory_space<vmem>>, %arg8: memref<64xi32, #tpu.memory_space<vmem>>, %arg9: memref<64xi32, #tpu.memory_space<vmem>>, %arg10: memref<1x64xi32, #tpu.memory_space<vmem>>, %arg11: memref<1x64xi32, #tpu.memory_space<vmem>>, %arg12: memref<64x128xf32, #tpu.memory_space<vmem>>, %arg13: memref<64x128xf32, #tpu.memory_space<vmem>>, %arg14: memref<64x128xf32, #tpu.memory_space<vmem>>, %arg15: memref<64x128xf32, #tpu.memory_space<vmem>>, %arg16: memref<16x128xf32, #tpu.memory_space<vmem>>, %arg17: memref<!tpu.dma_semaphore, #tpu.memory_space<semaphore_mem>>, %arg18: memref<!tpu.dma_semaphore, #tpu.memory_space<semaphore_mem>>, %arg19: memref<!tpu.dma_semaphore, #tpu.memory_space<semaphore_mem>>, %arg20: memref<!tpu.dma_semaphore, #tpu.memory_space<semaphore_mem>>, %arg21: memref<!tpu.dma_semaphore, #tpu.memory_space<semaphore_mem>>, %arg22: memref<!tpu.dma_semaphore, #tpu.memory_space<semaphore_mem>>) attributes {dimension_semantics = [#tpu.dimension_semantics<core_parallel>, #tpu.dimension_semantics<subcore_parallel>], iteration_bounds = array<i64: 2, 16>, scalar_prefetch = 0 : i64, scratch_operands = 17 : i64, tpu.core_type = #tpu.core_type<sc_vector_subcore>, window_params = [{transform_indices = #map}, {transform_indices = #map}, {transform_indices = #map1}, {transform_indices = #map2}]} {
    %mul3A = arith.constant 128 : i32
    %mul3A_0 = arith.muli %arg0, %mul3A : i32
    %broadcast_in_dim3A = arith.constant 0.000000e+00 : f32
    %broadcast_in_dim3A_1 = vector.broadcast %broadcast_in_dim3A : f32 to vector<16xf32>
    %swap3A = arith.constant 0 : i32
    %swap3A_2 = arith.index_cast %swap3A : i32 to index
    %swap3A_3 = arith.constant 0 : index
    %swap3A_4 = tpu.vector_load %arg16[%swap3A_2, %swap3A_3] {strides = array<i32>} : memref<16x128xf32, #tpu.memory_space<vmem>>, vector<1x16xf32>,
    %swap3A_5 = vector.shape_cast %swap3A_4 : vector<1x16xf32> to vector<16xf32>
    %swap3A_6 = vector.shape_cast %broadcast_in_dim3A_1 : vector<16xf32> to vector<1x16xf32>
    tpu.vector_store %arg16[%swap3A_2, %swap3A_3], %swap3A_6 {strides = array<i32>} : memref<16x128xf32, #tpu.memory_space<vmem>>, vector<1x16xf32>,
    %broadcast_in_dim3A_7 = arith.constant 0.000000e+00 : f32
    %broadcast_in_dim3A_8 = vector.broadcast %broadcast_in_dim3A_7 : f32 to vector<16xf32>
    %swap3A_9 = arith.constant 0 : i32
    %swap3A_10 = arith.index_cast %swap3A_9 : i32 to index
    %swap3A_11 = arith.constant 16 : index
    %swap3A_12 = tpu.vector_load %arg16[%swap3A_10, %swap3A_11] {strides = array<i32>} : memref<16x128xf32, #tpu.memory_space<vmem>>, vector<1x16xf32>,
    %swap3A_13 = vector.shape_cast %swap3A_12 : vector<1x16xf32> to vector<16xf32>
    %swap3A_14 = vector.shape_cast %broadcast_in_dim3A_8 : vector<16xf32> to vector<1x16xf32>
    tpu.vector_store %arg16[%swap3A_10, %swap3A_11], %swap3A_14 {strides = array<i32>} : memref<16x128xf32, #tpu.memory_space<vmem>>, vector<1x16xf32>,
    %broadcast_in_dim3A_15 = arith.constant 0.000000e+00 : f32
    %broadcast_in_dim3A_16 = vector.broadcast %broadcast_in_dim3A_15 : f32 to vector<16xf32>
    %swap3A_17 = arith.constant 0 : i32
    %swap3A_18 = arith.index_cast %swap3A_17 : i32 to index
    %swap3A_19 = arith.constant 32 : index
    %swap3A_20 = tpu.vector_load %arg16[%swap3A_18, %swap3A_19] {strides = array<i32>} : memref<16x128xf32, #tpu.memory_space<vmem>>, vector<1x16xf32>,
    %swap3A_21 = vector.shape_cast %swap3A_20 : vector<1x16xf32> to vector<16xf32>
    %swap3A_22 = vector.shape_cast %broadcast_in_dim3A_16 : vector<16xf32> to vector<1x16xf32>
    tpu.vector_store %arg16[%swap3A_18, %swap3A_19], %swap3A_22 {strides = array<i32>} : memref<16x128xf32, #tpu.memory_space<vmem>>, vector<1x16xf32>,
    %broadcast_in_dim3A_23 = arith.constant 0.000000e+00 : f32
    %broadcast_in_dim3A_24 = vector.broadcast %broadcast_in_dim3A_23 : f32 to vector<16xf32>
    %swap3A_25 = arith.constant 0 : i32
    %swap3A_26 = arith.index_cast %swap3A_25 : i32 to index
    %swap3A_27 = arith.constant 48 : index
    %swap3A_28 = tpu.vector_load %arg16[%swap3A_26, %swap3A_27] {strides = array<i32>} : memref<16x128xf32, #tpu.memory_space<vmem>>, vector<1x16xf32>,
    %swap3A_29 = vector.shape_cast %swap3A_28 : vector<1x16xf32> to vector<16xf32>
    %swap3A_30 = vector.shape_cast %broadcast_in_dim3A_24 : vector<16xf32> to vector<1x16xf32>
    tpu.vector_store %arg16[%swap3A_26, %swap3A_27], %swap3A_30 {strides = array<i32>} : memref<16x128xf32, #tpu.memory_space<vmem>>, vector<1x16xf32>,
    %broadcast_in_dim3A_31 = arith.constant 0.000000e+00 : f32
    %broadcast_in_dim3A_32 = vector.broadcast %broadcast_in_dim3A_31 : f32 to vector<16xf32>
    %swap3A_33 = arith.constant 0 : i32
    %swap3A_34 = arith.index_cast %swap3A_33 : i32 to index
    %swap3A_35 = arith.constant 64 : index
    %swap3A_36 = tpu.vector_load %arg16[%swap3A_34, %swap3A_35] {strides = array<i32>} : memref<16x128xf32, #tpu.memory_space<vmem>>, vector<1x16xf32>,
    %swap3A_37 = vector.shape_cast %swap3A_36 : vector<1x16xf32> to vector<16xf32>
    %swap3A_38 = vector.shape_cast %broadcast_in_dim3A_32 : vector<16xf32> to vector<1x16xf32>
    tpu.vector_store %arg16[%swap3A_34, %swap3A_35], %swap3A_38 {strides = array<i32>} : memref<16x128xf32, #tpu.memory_space<vmem>>, vector<1x16xf32>,
    %broadcast_in_dim3A_39 = arith.constant 0.000000e+00 : f32
    %broadcast_in_dim3A_40 = vector.broadcast %broadcast_in_dim3A_39 : f32 to vector<16xf32>
    %swap3A_41 = arith.constant 0 : i32
    %swap3A_42 = arith.index_cast %swap3A_41 : i32 to index
    %swap3A_43 = arith.constant 80 : index
    %swap3A_44 = tpu.vector_load %arg16[%swap3A_42, %swap3A_43] {strides = array<i32>} : memref<16x128xf32, #tpu.memory_space<vmem>>, vector<1x16xf32>,
    %swap3A_45 = vector.shape_cast %swap3A_44 : vector<1x16xf32> to vector<16xf32>
    %swap3A_46 = vector.shape_cast %broadcast_in_dim3A_40 : vector<16xf32> to vector<1x16xf32>
    tpu.vector_store %arg16[%swap3A_42, %swap3A_43], %swap3A_46 {strides = array<i32>} : memref<16x128xf32, #tpu.memory_space<vmem>>, vector<1x16xf32>,
    %broadcast_in_dim3A_47 = arith.constant 0.000000e+00 : f32
    %broadcast_in_dim3A_48 = vector.broadcast %broadcast_in_dim3A_47 : f32 to vector<16xf32>
    %swap3A_49 = arith.constant 0 : i32
    %swap3A_50 = arith.index_cast %swap3A_49 : i32 to index
    %swap3A_51 = arith.constant 96 : index
    %swap3A_52 = tpu.vector_load %arg16[%swap3A_50, %swap3A_51] {strides = array<i32>} : memref<16x128xf32, #tpu.memory_space<vmem>>, vector<1x16xf32>,
    %swap3A_53 = vector.shape_cast %swap3A_52 : vector<1x16xf32> to vector<16xf32>
    %swap3A_54 = vector.shape_cast %broadcast_in_dim3A_48 : vector<16xf32> to vector<1x16xf32>
    tpu.vector_store %arg16[%swap3A_50, %swap3A_51], %swap3A_54 {strides = array<i32>} : memref<16x128xf32, #tpu.memory_space<vmem>>, vector<1x16xf32>,
    %broadcast_in_dim3A_55 = arith.constant 0.000000e+00 : f32
    %broadcast_in_dim3A_56 = vector.broadcast %broadcast_in_dim3A_55 : f32 to vector<16xf32>
    %swap3A_57 = arith.constant 0 : i32
    %swap3A_58 = arith.index_cast %swap3A_57 : i32 to index
    %swap3A_59 = arith.constant 112 : index
    %swap3A_60 = tpu.vector_load %arg16[%swap3A_58, %swap3A_59] {strides = array<i32>} : memref<16x128xf32, #tpu.memory_space<vmem>>, vector<1x16xf32>,
    %swap3A_61 = vector.shape_cast %swap3A_60 : vector<1x16xf32> to vector<16xf32>
    %swap3A_62 = vector.shape_cast %broadcast_in_dim3A_56 : vector<16xf32> to vector<1x16xf32>
    tpu.vector_store %arg16[%swap3A_58, %swap3A_59], %swap3A_62 {strides = array<i32>} : memref<16x128xf32, #tpu.memory_space<vmem>>, vector<1x16xf32>,
    %broadcast_in_dim3A_63 = arith.constant 0.000000e+00 : f32
    %broadcast_in_dim3A_64 = vector.broadcast %broadcast_in_dim3A_63 : f32 to vector<16xf32>
    %swap3A_65 = arith.constant 1 : i32
    %swap3A_66 = arith.index_cast %swap3A_65 : i32 to index
    %swap3A_67 = arith.constant 0 : index
    %swap3A_68 = tpu.vector_load %arg16[%swap3A_66, %swap3A_67] {strides = array<i32>} : memref<16x128xf32, #tpu.memory_space<vmem>>, vector<1x16xf32>,
    %swap3A_69 = vector.shape_cast %swap3A_68 : vector<1x16xf32> to vector<16xf32>
    %swap3A_70 = vector.shape_cast %broadcast_in_dim3A_64 : vector<16xf32> to vector<1x16xf32>
    tpu.vector_store %arg16[%swap3A_66, %swap3A_67], %swap3A_70 {strides = array<i32>} : memref<16x128xf32, #tpu.memory_space<vmem>>, vector<1x16xf32>,
    %broadcast_in_dim3A_71 = arith.constant 0.000000e+00 : f32
    %broadcast_in_dim3A_72 = vector.broadcast %broadcast_in_dim3A_71 : f32 to vector<16xf32>
    %swap3A_73 = arith.constant 1 : i32
    %swap3A_74 = arith.index_cast %swap3A_73 : i32 to index
    %swap3A_75 = arith.constant 16 : index
    %swap3A_76 = tpu.vector_load %arg16[%swap3A_74, %swap3A_75] {strides = array<i32>} : memref<16x128xf32, #tpu.memory_space<vmem>>, vector<1x16xf32>,
    %swap3A_77 = vector.shape_cast %swap3A_76 : vector<1x16xf32> to vector<16xf32>
    %swap3A_78 = vector.shape_cast %broadcast_in_dim3A_72 : vector<16xf32> to vector<1x16xf32>
    tpu.vector_store %arg16[%swap3A_74, %swap3A_75], %swap3A_78 {strides = array<i32>} : memref<16x128xf32, #tpu.memory_space<vmem>>, vector<1x16xf32>,
    %broadcast_in_dim3A_79 = arith.constant 0.000000e+00 : f32
    %broadcast_in_dim3A_80 = vector.broadcast %broadcast_in_dim3A_79 : f32 to vector<16xf32>
    %swap3A_81 = arith.constant 1 : i32
    %swap3A_82 = arith.index_cast %swap3A_81 : i32 to index
    %swap3A_83 = arith.constant 32 : index
    %swap3A_84 = tpu.vector_load %arg16[%swap3A_82, %swap3A_83] {strides = array<i32>} : memref<16x128xf32, #tpu.memory_space<vmem>>, vector<1x16xf32>,
    %swap3A_85 = vector.shape_cast %swap3A_84 : vector<1x16xf32> to vector<16xf32>
    %swap3A_86 = vector.shape_cast %broadcast_in_dim3A_80 : vector<16xf32> to vector<1x16xf32>
    tpu.vector_store %arg16[%swap3A_82, %swap3A_83], %swap3A_86 {strides = array<i32>} : memref<16x128xf32, #tpu.memory_space<vmem>>, vector<1x16xf32>,
    %broadcast_in_dim3A_87 = arith.constant 0.000000e+00 : f32
    %broadcast_in_dim3A_88 = vector.broadcast %broadcast_in_dim3A_87 : f32 to vector<16xf32>
    %swap3A_89 = arith.constant 1 : i32
    %swap3A_90 = arith.index_cast %swap3A_89 : i32 to index
    %swap3A_91 = arith.constant 48 : index
    %swap3A_92 = tpu.vector_load %arg16[%swap3A_90, %swap3A_91] {strides = array<i32>} : memref<16x128xf32, #tpu.memory_space<vmem>>, vector<1x16xf32>,
    %swap3A_93 = vector.shape_cast %swap3A_92 : vector<1x16xf32> to vector<16xf32>
    %swap3A_94 = vector.shape_cast %broadcast_in_dim3A_88 : vector<16xf32> to vector<1x16xf32>
    tpu.vector_store %arg16[%swap3A_90, %swap3A_91], %swap3A_94 {strides = array<i32>} : memref<16x128xf32, #tpu.memory_space<vmem>>, vector<1x16xf32>,
    %broadcast_in_dim3A_95 = arith.constant 0.000000e+00 : f32
    %broadcast_in_dim3A_96 = vector.broadcast %broadcast_in_dim3A_95 : f32 to vector<16xf32>
    %swap3A_97 = arith.constant 1 : i32
    %swap3A_98 = arith.index_cast %swap3A_97 : i32 to index
    %swap3A_99 = arith.constant 64 : index
    %swap3A_100 = tpu.vector_load %arg16[%swap3A_98, %swap3A_99] {strides = array<i32>} : memref<16x128xf32, #tpu.memory_space<vmem>>, vector<1x16xf32>,
    %swap3A_101 = vector.shape_cast %swap3A_100 : vector<1x16xf32> to vector<16xf32>
    %swap3A_102 = vector.shape_cast %broadcast_in_dim3A_96 : vector<16xf32> to vector<1x16xf32>
    tpu.vector_store %arg16[%swap3A_98, %swap3A_99], %swap3A_102 {strides = array<i32>} : memref<16x128xf32, #tpu.memory_space<vmem>>, vector<1x16xf32>,
    %broadcast_in_dim3A_103 = arith.constant 0.000000e+00 : f32
    %broadcast_in_dim3A_104 = vector.broadcast %broadcast_in_dim3A_103 : f32 to vector<16xf32>
    %swap3A_105 = arith.constant 1 : i32
    %swap3A_106 = arith.index_cast %swap3A_105 : i32 to index
    %swap3A_107 = arith.constant 80 : index
    %swap3A_108 = tpu.vector_load %arg16[%swap3A_106, %swap3A_107] {strides = array<i32>} : memref<16x128xf32, #tpu.memory_space<vmem>>, vector<1x16xf32>,
    %swap3A_109 = vector.shape_cast %swap3A_108 : vector<1x16xf32> to vector<16xf32>
    %swap3A_110 = vector.shape_cast %broadcast_in_dim3A_104 : vector<16xf32> to vector<1x16xf32>
    tpu.vector_store %arg16[%swap3A_106, %swap3A_107], %swap3A_110 {strides = array<i32>} : memref<16x128xf32, #tpu.memory_space<vmem>>, vector<1x16xf32>,
    %broadcast_in_dim3A_111 = arith.constant 0.000000e+00 : f32
    %broadcast_in_dim3A_112 = vector.broadcast %broadcast_in_dim3A_111 : f32 to vector<16xf32>
    %swap3A_113 = arith.constant 1 : i32
    %swap3A_114 = arith.index_cast %swap3A_113 : i32 to index
    %swap3A_115 = arith.constant 96 : index
    %swap3A_116 = tpu.vector_load %arg16[%swap3A_114, %swap3A_115] {strides = array<i32>} : memref<16x128xf32, #tpu.memory_space<vmem>>, vector<1x16xf32>,
    %swap3A_117 = vector.shape_cast %swap3A_116 : vector<1x16xf32> to vector<16xf32>
    %swap3A_118 = vector.shape_cast %broadcast_in_dim3A_112 : vector<16xf32> to vector<1x16xf32>
    tpu.vector_store %arg16[%swap3A_114, %swap3A_115], %swap3A_118 {strides = array<i32>} : memref<16x128xf32, #tpu.memory_space<vmem>>, vector<1x16xf32>,
    %broadcast_in_dim3A_119 = arith.constant 0.000000e+00 : f32
    %broadcast_in_dim3A_120 = vector.broadcast %broadcast_in_dim3A_119 : f32 to vector<16xf32>
    %swap3A_121 = arith.constant 1 : i32
    %swap3A_122 = arith.index_cast %swap3A_121 : i32 to index
    %swap3A_123 = arith.constant 112 : index
    %swap3A_124 = tpu.vector_load %arg16[%swap3A_122, %swap3A_123] {strides = array<i32>} : memref<16x128xf32, #tpu.memory_space<vmem>>, vector<1x16xf32>,
    %swap3A_125 = vector.shape_cast %swap3A_124 : vector<1x16xf32> to vector<16xf32>
    %swap3A_126 = vector.shape_cast %broadcast_in_dim3A_120 : vector<16xf32> to vector<1x16xf32>
    tpu.vector_store %arg16[%swap3A_122, %swap3A_123], %swap3A_126 {strides = array<i32>} : memref<16x128xf32, #tpu.memory_space<vmem>>, vector<1x16xf32>,
    %broadcast_in_dim3A_127 = arith.constant 0.000000e+00 : f32
    %broadcast_in_dim3A_128 = vector.broadcast %broadcast_in_dim3A_127 : f32 to vector<16xf32>
    %swap3A_129 = arith.constant 2 : i32
    %swap3A_130 = arith.index_cast %swap3A_129 : i32 to index
    %swap3A_131 = arith.constant 0 : index
    %swap3A_132 = tpu.vector_load %arg16[%swap3A_130, %swap3A_131] {strides = array<i32>} : memref<16x128xf32, #tpu.memory_space<vmem>>, vector<1x16xf32>,
    %swap3A_133 = vector.shape_cast %swap3A_132 : vector<1x16xf32> to vector<16xf32>
    %swap3A_134 = vector.shape_cast %broadcast_in_dim3A_128 : vector<16xf32> to vector<1x16xf32>
    tpu.vector_store %arg16[%swap3A_130, %swap3A_131], %swap3A_134 {strides = array<i32>} : memref<16x128xf32, #tpu.memory_space<vmem>>, vector<1x16xf32>,
    %broadcast_in_dim3A_135 = arith.constant 0.000000e+00 : f32
    %broadcast_in_dim3A_136 = vector.broadcast %broadcast_in_dim3A_135 : f32 to vector<16xf32>
    %swap3A_137 = arith.constant 2 : i32
    %swap3A_138 = arith.index_cast %swap3A_137 : i32 to index
    %swap3A_139 = arith.constant 16 : index
    %swap3A_140 = tpu.vector_load %arg16[%swap3A_138, %swap3A_139] {strides = array<i32>} : memref<16x128xf32, #tpu.memory_space<vmem>>, vector<1x16xf32>,
    %swap3A_141 = vector.shape_cast %swap3A_140 : vector<1x16xf32> to vector<16xf32>
    %swap3A_142 = vector.shape_cast %broadcast_in_dim3A_136 : vector<16xf32> to vector<1x16xf32>
    tpu.vector_store %arg16[%swap3A_138, %swap3A_139], %swap3A_142 {strides = array<i32>} : memref<16x128xf32, #tpu.memory_space<vmem>>, vector<1x16xf32>,
    %broadcast_in_dim3A_143 = arith.constant 0.000000e+00 : f32
    %broadcast_in_dim3A_144 = vector.broadcast %broadcast_in_dim3A_143 : f32 to vector<16xf32>
    %swap3A_145 = arith.constant 2 : i32
    %swap3A_146 = arith.index_cast %swap3A_145 : i32 to index
    %swap3A_147 = arith.constant 32 : index
    %swap3A_148 = tpu.vector_load %arg16[%swap3A_146, %swap3A_147] {strides = array<i32>} : memref<16x128xf32, #tpu.memory_space<vmem>>, vector<1x16xf32>,
    %swap3A_149 = vector.shape_cast %swap3A_148 : vector<1x16xf32> to vector<16xf32>
    %swap3A_150 = vector.shape_cast %broadcast_in_dim3A_144 : vector<16xf32> to vector<1x16xf32>
    tpu.vector_store %arg16[%swap3A_146, %swap3A_147], %swap3A_150 {strides = array<i32>} : memref<16x128xf32, #tpu.memory_space<vmem>>, vector<1x16xf32>,
    %broadcast_in_dim3A_151 = arith.constant 0.000000e+00 : f32
    %broadcast_in_dim3A_152 = vector.broadcast %broadcast_in_dim3A_151 : f32 to vector<16xf32>
    %swap3A_153 = arith.constant 2 : i32
    %swap3A_154 = arith.index_cast %swap3A_153 : i32 to index
    %swap3A_155 = arith.constant 48 : index
    %swap3A_156 = tpu.vector_load %arg16[%swap3A_154, %swap3A_155] {strides = array<i32>} : memref<16x128xf32, #tpu.memory_space<vmem>>, vector<1x16xf32>,
    %swap3A_157 = vector.shape_cast %swap3A_156 : vector<1x16xf32> to vector<16xf32>
    %swap3A_158 = vector.shape_cast %broadcast_in_dim3A_152 : vector<16xf32> to vector<1x16xf32>
    tpu.vector_store %arg16[%swap3A_154, %swap3A_155], %swap3A_158 {strides = array<i32>} : memref<16x128xf32, #tpu.memory_space<vmem>>, vector<1x16xf32>,
    %broadcast_in_dim3A_159 = arith.constant 0.000000e+00 : f32
    %broadcast_in_dim3A_160 = vector.broadcast %broadcast_in_dim3A_159 : f32 to vector<16xf32>
    %swap3A_161 = arith.constant 2 : i32
    %swap3A_162 = arith.index_cast %swap3A_161 : i32 to index
    %swap3A_163 = arith.constant 64 : index
    %swap3A_164 = tpu.vector_load %arg16[%swap3A_162, %swap3A_163] {strides = array<i32>} : memref<16x128xf32, #tpu.memory_space<vmem>>, vector<1x16xf32>,
    %swap3A_165 = vector.shape_cast %swap3A_164 : vector<1x16xf32> to vector<16xf32>
    %swap3A_166 = vector.shape_cast %broadcast_in_dim3A_160 : vector<16xf32> to vector<1x16xf32>
    tpu.vector_store %arg16[%swap3A_162, %swap3A_163], %swap3A_166 {strides = array<i32>} : memref<16x128xf32, #tpu.memory_space<vmem>>, vector<1x16xf32>,
    %broadcast_in_dim3A_167 = arith.constant 0.000000e+00 : f32
    %broadcast_in_dim3A_168 = vector.broadcast %broadcast_in_dim3A_167 : f32 to vector<16xf32>
    %swap3A_169 = arith.constant 2 : i32
    %swap3A_170 = arith.index_cast %swap3A_169 : i32 to index
    %swap3A_171 = arith.constant 80 : index
    %swap3A_172 = tpu.vector_load %arg16[%swap3A_170, %swap3A_171] {strides = array<i32>} : memref<16x128xf32, #tpu.memory_space<vmem>>, vector<1x16xf32>,
    %swap3A_173 = vector.shape_cast %swap3A_172 : vector<1x16xf32> to vector<16xf32>
    %swap3A_174 = vector.shape_cast %broadcast_in_dim3A_168 : vector<16xf32> to vector<1x16xf32>
    tpu.vector_store %arg16[%swap3A_170, %swap3A_171], %swap3A_174 {strides = array<i32>} : memref<16x128xf32, #tpu.memory_space<vmem>>, vector<1x16xf32>,
    %broadcast_in_dim3A_175 = arith.constant 0.000000e+00 : f32
    %broadcast_in_dim3A_176 = vector.broadcast %broadcast_in_dim3A_175 : f32 to vector<16xf32>
    %swap3A_177 = arith.constant 2 : i32
    %swap3A_178 = arith.index_cast %swap3A_177 : i32 to index
    %swap3A_179 = arith.constant 96 : index
    %swap3A_180 = tpu.vector_load %arg16[%swap3A_178, %swap3A_179] {strides = array<i32>} : memref<16x128xf32, #tpu.memory_space<vmem>>, vector<1x16xf32>,
    %swap3A_181 = vector.shape_cast %swap3A_180 : vector<1x16xf32> to vector<16xf32>
    %swap3A_182 = vector.shape_cast %broadcast_in_dim3A_176 : vector<16xf32> to vector<1x16xf32>
    tpu.vector_store %arg16[%swap3A_178, %swap3A_179], %swap3A_182 {strides = array<i32>} : memref<16x128xf32, #tpu.memory_space<vmem>>, vector<1x16xf32>,
    %broadcast_in_dim3A_183 = arith.constant 0.000000e+00 : f32
    %broadcast_in_dim3A_184 = vector.broadcast %broadcast_in_dim3A_183 : f32 to vector<16xf32>
    %swap3A_185 = arith.constant 2 : i32
    %swap3A_186 = arith.index_cast %swap3A_185 : i32 to index
    %swap3A_187 = arith.constant 112 : index
    %swap3A_188 = tpu.vector_load %arg16[%swap3A_186, %swap3A_187] {strides = array<i32>} : memref<16x128xf32, #tpu.memory_space<vmem>>, vector<1x16xf32>,
    %swap3A_189 = vector.shape_cast %swap3A_188 : vector<1x16xf32> to vector<16xf32>
    %swap3A_190 = vector.shape_cast %broadcast_in_dim3A_184 : vector<16xf32> to vector<1x16xf32>
    tpu.vector_store %arg16[%swap3A_186, %swap3A_187], %swap3A_190 {strides = array<i32>} : memref<16x128xf32, #tpu.memory_space<vmem>>, vector<1x16xf32>,
    %broadcast_in_dim3A_191 = arith.constant 0.000000e+00 : f32
    %broadcast_in_dim3A_192 = vector.broadcast %broadcast_in_dim3A_191 : f32 to vector<16xf32>
    %swap3A_193 = arith.constant 3 : i32
    %swap3A_194 = arith.index_cast %swap3A_193 : i32 to index
    %swap3A_195 = arith.constant 0 : index
    %swap3A_196 = tpu.vector_load %arg16[%swap3A_194, %swap3A_195] {strides = array<i32>} : memref<16x128xf32, #tpu.memory_space<vmem>>, vector<1x16xf32>,
    %swap3A_197 = vector.shape_cast %swap3A_196 : vector<1x16xf32> to vector<16xf32>
    %swap3A_198 = vector.shape_cast %broadcast_in_dim3A_192 : vector<16xf32> to vector<1x16xf32>
    tpu.vector_store %arg16[%swap3A_194, %swap3A_195], %swap3A_198 {strides = array<i32>} : memref<16x128xf32, #tpu.memory_space<vmem>>, vector<1x16xf32>,
    %broadcast_in_dim3A_199 = arith.constant 0.000000e+00 : f32
    %broadcast_in_dim3A_200 = vector.broadcast %broadcast_in_dim3A_199 : f32 to vector<16xf32>
    %swap3A_201 = arith.constant 3 : i32
    %swap3A_202 = arith.index_cast %swap3A_201 : i32 to index
    %swap3A_203 = arith.constant 16 : index
    %swap3A_204 = tpu.vector_load %arg16[%swap3A_202, %swap3A_203] {strides = array<i32>} : memref<16x128xf32, #tpu.memory_space<vmem>>, vector<1x16xf32>,
    %swap3A_205 = vector.shape_cast %swap3A_204 : vector<1x16xf32> to vector<16xf32>
    %swap3A_206 = vector.shape_cast %broadcast_in_dim3A_200 : vector<16xf32> to vector<1x16xf32>
    tpu.vector_store %arg16[%swap3A_202, %swap3A_203], %swap3A_206 {strides = array<i32>} : memref<16x128xf32, #tpu.memory_space<vmem>>, vector<1x16xf32>,
    %broadcast_in_dim3A_207 = arith.constant 0.000000e+00 : f32
    %broadcast_in_dim3A_208 = vector.broadcast %broadcast_in_dim3A_207 : f32 to vector<16xf32>
    %swap3A_209 = arith.constant 3 : i32
    %swap3A_210 = arith.index_cast %swap3A_209 : i32 to index
    %swap3A_211 = arith.constant 32 : index
    %swap3A_212 = tpu.vector_load %arg16[%swap3A_210, %swap3A_211] {strides = array<i32>} : memref<16x128xf32, #tpu.memory_space<vmem>>, vector<1x16xf32>,
    %swap3A_213 = vector.shape_cast %swap3A_212 : vector<1x16xf32> to vector<16xf32>
    %swap3A_214 = vector.shape_cast %broadcast_in_dim3A_208 : vector<16xf32> to vector<1x16xf32>
    tpu.vector_store %arg16[%swap3A_210, %swap3A_211], %swap3A_214 {strides = array<i32>} : memref<16x128xf32, #tpu.memory_space<vmem>>, vector<1x16xf32>,
    %broadcast_in_dim3A_215 = arith.constant 0.000000e+00 : f32
    %broadcast_in_dim3A_216 = vector.broadcast %broadcast_in_dim3A_215 : f32 to vector<16xf32>
    %swap3A_217 = arith.constant 3 : i32
    %swap3A_218 = arith.index_cast %swap3A_217 : i32 to index
    %swap3A_219 = arith.constant 48 : index
    %swap3A_220 = tpu.vector_load %arg16[%swap3A_218, %swap3A_219] {strides = array<i32>} : memref<16x128xf32, #tpu.memory_space<vmem>>, vector<1x16xf32>,
    %swap3A_221 = vector.shape_cast %swap3A_220 : vector<1x16xf32> to vector<16xf32>
    %swap3A_222 = vector.shape_cast %broadcast_in_dim3A_216 : vector<16xf32> to vector<1x16xf32>
    tpu.vector_store %arg16[%swap3A_218, %swap3A_219], %swap3A_222 {strides = array<i32>} : memref<16x128xf32, #tpu.memory_space<vmem>>, vector<1x16xf32>,
    %broadcast_in_dim3A_223 = arith.constant 0.000000e+00 : f32
    %broadcast_in_dim3A_224 = vector.broadcast %broadcast_in_dim3A_223 : f32 to vector<16xf32>
    %swap3A_225 = arith.constant 3 : i32
    %swap3A_226 = arith.index_cast %swap3A_225 : i32 to index
    %swap3A_227 = arith.constant 64 : index
    %swap3A_228 = tpu.vector_load %arg16[%swap3A_226, %swap3A_227] {strides = array<i32>} : memref<16x128xf32, #tpu.memory_space<vmem>>, vector<1x16xf32>,
    %swap3A_229 = vector.shape_cast %swap3A_228 : vector<1x16xf32> to vector<16xf32>
    %swap3A_230 = vector.shape_cast %broadcast_in_dim3A_224 : vector<16xf32> to vector<1x16xf32>
    tpu.vector_store %arg16[%swap3A_226, %swap3A_227], %swap3A_230 {strides = array<i32>} : memref<16x128xf32, #tpu.memory_space<vmem>>, vector<1x16xf32>,
    %broadcast_in_dim3A_231 = arith.constant 0.000000e+00 : f32
    %broadcast_in_dim3A_232 = vector.broadcast %broadcast_in_dim3A_231 : f32 to vector<16xf32>
    %swap3A_233 = arith.constant 3 : i32
    %swap3A_234 = arith.index_cast %swap3A_233 : i32 to index
    %swap3A_235 = arith.constant 80 : index
    %swap3A_236 = tpu.vector_load %arg16[%swap3A_234, %swap3A_235] {strides = array<i32>} : memref<16x128xf32, #tpu.memory_space<vmem>>, vector<1x16xf32>,
    %swap3A_237 = vector.shape_cast %swap3A_236 : vector<1x16xf32> to vector<16xf32>
    %swap3A_238 = vector.shape_cast %broadcast_in_dim3A_232 : vector<16xf32> to vector<1x16xf32>
    tpu.vector_store %arg16[%swap3A_234, %swap3A_235], %swap3A_238 {strides = array<i32>} : memref<16x128xf32, #tpu.memory_space<vmem>>, vector<1x16xf32>,
    %broadcast_in_dim3A_239 = arith.constant 0.000000e+00 : f32
    %broadcast_in_dim3A_240 = vector.broadcast %broadcast_in_dim3A_239 : f32 to vector<16xf32>
    %swap3A_241 = arith.constant 3 : i32
    %swap3A_242 = arith.index_cast %swap3A_241 : i32 to index
    %swap3A_243 = arith.constant 96 : index
    %swap3A_244 = tpu.vector_load %arg16[%swap3A_242, %swap3A_243] {strides = array<i32>} : memref<16x128xf32, #tpu.memory_space<vmem>>, vector<1x16xf32>,
    %swap3A_245 = vector.shape_cast %swap3A_244 : vector<1x16xf32> to vector<16xf32>
    %swap3A_246 = vector.shape_cast %broadcast_in_dim3A_240 : vector<16xf32> to vector<1x16xf32>
    tpu.vector_store %arg16[%swap3A_242, %swap3A_243], %swap3A_246 {strides = array<i32>} : memref<16x128xf32, #tpu.memory_space<vmem>>, vector<1x16xf32>,
    %broadcast_in_dim3A_247 = arith.constant 0.000000e+00 : f32
    %broadcast_in_dim3A_248 = vector.broadcast %broadcast_in_dim3A_247 : f32 to vector<16xf32>
    %swap3A_249 = arith.constant 3 : i32
    %swap3A_250 = arith.index_cast %swap3A_249 : i32 to index
    %swap3A_251 = arith.constant 112 : index
    %swap3A_252 = tpu.vector_load %arg16[%swap3A_250, %swap3A_251] {strides = array<i32>} : memref<16x128xf32, #tpu.memory_space<vmem>>, vector<1x16xf32>,
    %swap3A_253 = vector.shape_cast %swap3A_252 : vector<1x16xf32> to vector<16xf32>
    %swap3A_254 = vector.shape_cast %broadcast_in_dim3A_248 : vector<16xf32> to vector<1x16xf32>
    tpu.vector_store %arg16[%swap3A_250, %swap3A_251], %swap3A_254 {strides = array<i32>} : memref<16x128xf32, #tpu.memory_space<vmem>>, vector<1x16xf32>,
    %broadcast_in_dim3A_255 = arith.constant 0.000000e+00 : f32
    %broadcast_in_dim3A_256 = vector.broadcast %broadcast_in_dim3A_255 : f32 to vector<16xf32>
    %swap3A_257 = arith.constant 4 : i32
    %swap3A_258 = arith.index_cast %swap3A_257 : i32 to index
    %swap3A_259 = arith.constant 0 : index
    %swap3A_260 = tpu.vector_load %arg16[%swap3A_258, %swap3A_259] {strides = array<i32>} : memref<16x128xf32, #tpu.memory_space<vmem>>, vector<1x16xf32>,
    %swap3A_261 = vector.shape_cast %swap3A_260 : vector<1x16xf32> to vector<16xf32>
    %swap3A_262 = vector.shape_cast %broadcast_in_dim3A_256 : vector<16xf32> to vector<1x16xf32>
    tpu.vector_store %arg16[%swap3A_258, %swap3A_259], %swap3A_262 {strides = array<i32>} : memref<16x128xf32, #tpu.memory_space<vmem>>, vector<1x16xf32>,
    %broadcast_in_dim3A_263 = arith.constant 0.000000e+00 : f32
    %broadcast_in_dim3A_264 = vector.broadcast %broadcast_in_dim3A_263 : f32 to vector<16xf32>
    %swap3A_265 = arith.constant 4 : i32
    %swap3A_266 = arith.index_cast %swap3A_265 : i32 to index
    %swap3A_267 = arith.constant 16 : index
    %swap3A_268 = tpu.vector_load %arg16[%swap3A_266, %swap3A_267] {strides = array<i32>} : memref<16x128xf32, #tpu.memory_space<vmem>>, vector<1x16xf32>,
    %swap3A_269 = vector.shape_cast %swap3A_268 : vector<1x16xf32> to vector<16xf32>
    %swap3A_270 = vector.shape_cast %broadcast_in_dim3A_264 : vector<16xf32> to vector<1x16xf32>
    tpu.vector_store %arg16[%swap3A_266, %swap3A_267], %swap3A_270 {strides = array<i32>} : memref<16x128xf32, #tpu.memory_space<vmem>>, vector<1x16xf32>,
    %broadcast_in_dim3A_271 = arith.constant 0.000000e+00 : f32
    %broadcast_in_dim3A_272 = vector.broadcast %broadcast_in_dim3A_271 : f32 to vector<16xf32>
    %swap3A_273 = arith.constant 4 : i32
    %swap3A_274 = arith.index_cast %swap3A_273 : i32 to index
    %swap3A_275 = arith.constant 32 : index
    %swap3A_276 = tpu.vector_load %arg16[%swap3A_274, %swap3A_275] {strides = array<i32>} : memref<16x128xf32, #tpu.memory_space<vmem>>, vector<1x16xf32>,
    %swap3A_277 = vector.shape_cast %swap3A_276 : vector<1x16xf32> to vector<16xf32>
    %swap3A_278 = vector.shape_cast %broadcast_in_dim3A_272 : vector<16xf32> to vector<1x16xf32>
    tpu.vector_store %arg16[%swap3A_274, %swap3A_275], %swap3A_278 {strides = array<i32>} : memref<16x128xf32, #tpu.memory_space<vmem>>, vector<1x16xf32>,
    %broadcast_in_dim3A_279 = arith.constant 0.000000e+00 : f32
    %broadcast_in_dim3A_280 = vector.broadcast %broadcast_in_dim3A_279 : f32 to vector<16xf32>
    %swap3A_281 = arith.constant 4 : i32
    %swap3A_282 = arith.index_cast %swap3A_281 : i32 to index
    %swap3A_283 = arith.constant 48 : index
    %swap3A_284 = tpu.vector_load %arg16[%swap3A_282, %swap3A_283] {strides = array<i32>} : memref<16x128xf32, #tpu.memory_space<vmem>>, vector<1x16xf32>,
    %swap3A_285 = vector.shape_cast %swap3A_284 : vector<1x16xf32> to vector<16xf32>
    %swap3A_286 = vector.shape_cast %broadcast_in_dim3A_280 : vector<16xf32> to vector<1x16xf32>
    tpu.vector_store %arg16[%swap3A_282, %swap3A_283], %swap3A_286 {strides = array<i32>} : memref<16x128xf32, #tpu.memory_space<vmem>>, vector<1x16xf32>,
    %broadcast_in_dim3A_287 = arith.constant 0.000000e+00 : f32
    %broadcast_in_dim3A_288 = vector.broadcast %broadcast_in_dim3A_287 : f32 to vector<16xf32>
    %swap3A_289 = arith.constant 4 : i32
    %swap3A_290 = arith.index_cast %swap3A_289 : i32 to index
    %swap3A_291 = arith.constant 64 : index
    %swap3A_292 = tpu.vector_load %arg16[%swap3A_290, %swap3A_291] {strides = array<i32>} : memref<16x128xf32, #tpu.memory_space<vmem>>, vector<1x16xf32>,
    %swap3A_293 = vector.shape_cast %swap3A_292 : vector<1x16xf32> to vector<16xf32>
    %swap3A_294 = vector.shape_cast %broadcast_in_dim3A_288 : vector<16xf32> to vector<1x16xf32>
    tpu.vector_store %arg16[%swap3A_290, %swap3A_291], %swap3A_294 {strides = array<i32>} : memref<16x128xf32, #tpu.memory_space<vmem>>, vector<1x16xf32>,
    %broadcast_in_dim3A_295 = arith.constant 0.000000e+00 : f32
    %broadcast_in_dim3A_296 = vector.broadcast %broadcast_in_dim3A_295 : f32 to vector<16xf32>
    %swap3A_297 = arith.constant 4 : i32
    %swap3A_298 = arith.index_cast %swap3A_297 : i32 to index
    %swap3A_299 = arith.constant 80 : index
    %swap3A_300 = tpu.vector_load %arg16[%swap3A_298, %swap3A_299] {strides = array<i32>} : memref<16x128xf32, #tpu.memory_space<vmem>>, vector<1x16xf32>,
    %swap3A_301 = vector.shape_cast %swap3A_300 : vector<1x16xf32> to vector<16xf32>
    %swap3A_302 = vector.shape_cast %broadcast_in_dim3A_296 : vector<16xf32> to vector<1x16xf32>
    tpu.vector_store %arg16[%swap3A_298, %swap3A_299], %swap3A_302 {strides = array<i32>} : memref<16x128xf32, #tpu.memory_space<vmem>>, vector<1x16xf32>,
    %broadcast_in_dim3A_303 = arith.constant 0.000000e+00 : f32
    %broadcast_in_dim3A_304 = vector.broadcast %broadcast_in_dim3A_303 : f32 to vector<16xf32>
    %swap3A_305 = arith.constant 4 : i32
    %swap3A_306 = arith.index_cast %swap3A_305 : i32 to index
    %swap3A_307 = arith.constant 96 : index
    %swap3A_308 = tpu.vector_load %arg16[%swap3A_306, %swap3A_307] {strides = array<i32>} : memref<16x128xf32, #tpu.memory_space<vmem>>, vector<1x16xf32>,
    %swap3A_309 = vector.shape_cast %swap3A_308 : vector<1x16xf32> to vector<16xf32>
    %swap3A_310 = vector.shape_cast %broadcast_in_dim3A_304 : vector<16xf32> to vector<1x16xf32>
    tpu.vector_store %arg16[%swap3A_306, %swap3A_307], %swap3A_310 {strides = array<i32>} : memref<16x128xf32, #tpu.memory_space<vmem>>, vector<1x16xf32>,
    %broadcast_in_dim3A_311 = arith.constant 0.000000e+00 : f32
    %broadcast_in_dim3A_312 = vector.broadcast %broadcast_in_dim3A_311 : f32 to vector<16xf32>
    %swap3A_313 = arith.constant 4 : i32
    %swap3A_314 = arith.index_cast %swap3A_313 : i32 to index
    %swap3A_315 = arith.constant 112 : index
    %swap3A_316 = tpu.vector_load %arg16[%swap3A_314, %swap3A_315] {strides = array<i32>} : memref<16x128xf32, #tpu.memory_space<vmem>>, vector<1x16xf32>,
    %swap3A_317 = vector.shape_cast %swap3A_316 : vector<1x16xf32> to vector<16xf32>
    %swap3A_318 = vector.shape_cast %broadcast_in_dim3A_312 : vector<16xf32> to vector<1x16xf32>
    tpu.vector_store %arg16[%swap3A_314, %swap3A_315], %swap3A_318 {strides = array<i32>} : memref<16x128xf32, #tpu.memory_space<vmem>>, vector<1x16xf32>,
    %broadcast_in_dim3A_319 = arith.constant 0.000000e+00 : f32
    %broadcast_in_dim3A_320 = vector.broadcast %broadcast_in_dim3A_319 : f32 to vector<16xf32>
    %swap3A_321 = arith.constant 5 : i32
    %swap3A_322 = arith.index_cast %swap3A_321 : i32 to index
    %swap3A_323 = arith.constant 0 : index
    %swap3A_324 = tpu.vector_load %arg16[%swap3A_322, %swap3A_323] {strides = array<i32>} : memref<16x128xf32, #tpu.memory_space<vmem>>, vector<1x16xf32>,
    %swap3A_325 = vector.shape_cast %swap3A_324 : vector<1x16xf32> to vector<16xf32>
    %swap3A_326 = vector.shape_cast %broadcast_in_dim3A_320 : vector<16xf32> to vector<1x16xf32>
    tpu.vector_store %arg16[%swap3A_322, %swap3A_323], %swap3A_326 {strides = array<i32>} : memref<16x128xf32, #tpu.memory_space<vmem>>, vector<1x16xf32>,
    %broadcast_in_dim3A_327 = arith.constant 0.000000e+00 : f32
    %broadcast_in_dim3A_328 = vector.broadcast %broadcast_in_dim3A_327 : f32 to vector<16xf32>
    %swap3A_329 = arith.constant 5 : i32
    %swap3A_330 = arith.index_cast %swap3A_329 : i32 to index
    %swap3A_331 = arith.constant 16 : index
    %swap3A_332 = tpu.vector_load %arg16[%swap3A_330, %swap3A_331] {strides = array<i32>} : memref<16x128xf32, #tpu.memory_space<vmem>>, vector<1x16xf32>,
    %swap3A_333 = vector.shape_cast %swap3A_332 : vector<1x16xf32> to vector<16xf32>
    %swap3A_334 = vector.shape_cast %broadcast_in_dim3A_328 : vector<16xf32> to vector<1x16xf32>
    tpu.vector_store %arg16[%swap3A_330, %swap3A_331], %swap3A_334 {strides = array<i32>} : memref<16x128xf32, #tpu.memory_space<vmem>>, vector<1x16xf32>,
    %broadcast_in_dim3A_335 = arith.constant 0.000000e+00 : f32
    %broadcast_in_dim3A_336 = vector.broadcast %broadcast_in_dim3A_335 : f32 to vector<16xf32>
    %swap3A_337 = arith.constant 5 : i32
    %swap3A_338 = arith.index_cast %swap3A_337 : i32 to index
    %swap3A_339 = arith.constant 32 : index
    %swap3A_340 = tpu.vector_load %arg16[%swap3A_338, %swap3A_339] {strides = array<i32>} : memref<16x128xf32, #tpu.memory_space<vmem>>, vector<1x16xf32>,
    %swap3A_341 = vector.shape_cast %swap3A_340 : vector<1x16xf32> to vector<16xf32>
    %swap3A_342 = vector.shape_cast %broadcast_in_dim3A_336 : vector<16xf32> to vector<1x16xf32>
    tpu.vector_store %arg16[%swap3A_338, %swap3A_339], %swap3A_342 {strides = array<i32>} : memref<16x128xf32, #tpu.memory_space<vmem>>, vector<1x16xf32>,
    %broadcast_in_dim3A_343 = arith.constant 0.000000e+00 : f32
    %broadcast_in_dim3A_344 = vector.broadcast %broadcast_in_dim3A_343 : f32 to vector<16xf32>
    %swap3A_345 = arith.constant 5 : i32
    %swap3A_346 = arith.index_cast %swap3A_345 : i32 to index
    %swap3A_347 = arith.constant 48 : index
    %swap3A_348 = tpu.vector_load %arg16[%swap3A_346, %swap3A_347] {strides = array<i32>} : memref<16x128xf32, #tpu.memory_space<vmem>>, vector<1x16xf32>,
    %swap3A_349 = vector.shape_cast %swap3A_348 : vector<1x16xf32> to vector<16xf32>
    %swap3A_350 = vector.shape_cast %broadcast_in_dim3A_344 : vector<16xf32> to vector<1x16xf32>
    tpu.vector_store %arg16[%swap3A_346, %swap3A_347], %swap3A_350 {strides = array<i32>} : memref<16x128xf32, #tpu.memory_space<vmem>>, vector<1x16xf32>,
    %broadcast_in_dim3A_351 = arith.constant 0.000000e+00 : f32
    %broadcast_in_dim3A_352 = vector.broadcast %broadcast_in_dim3A_351 : f32 to vector<16xf32>
    %swap3A_353 = arith.constant 5 : i32
    %swap3A_354 = arith.index_cast %swap3A_353 : i32 to index
    %swap3A_355 = arith.constant 64 : index
    %swap3A_356 = tpu.vector_load %arg16[%swap3A_354, %swap3A_355] {strides = array<i32>} : memref<16x128xf32, #tpu.memory_space<vmem>>, vector<1x16xf32>,
    %swap3A_357 = vector.shape_cast %swap3A_356 : vector<1x16xf32> to vector<16xf32>
    %swap3A_358 = vector.shape_cast %broadcast_in_dim3A_352 : vector<16xf32> to vector<1x16xf32>
    tpu.vector_store %arg16[%swap3A_354, %swap3A_355], %swap3A_358 {strides = array<i32>} : memref<16x128xf32, #tpu.memory_space<vmem>>, vector<1x16xf32>,
    %broadcast_in_dim3A_359 = arith.constant 0.000000e+00 : f32
    %broadcast_in_dim3A_360 = vector.broadcast %broadcast_in_dim3A_359 : f32 to vector<16xf32>
    %swap3A_361 = arith.constant 5 : i32
    %swap3A_362 = arith.index_cast %swap3A_361 : i32 to index
    %swap3A_363 = arith.constant 80 : index
    %swap3A_364 = tpu.vector_load %arg16[%swap3A_362, %swap3A_363] {strides = array<i32>} : memref<16x128xf32, #tpu.memory_space<vmem>>, vector<1x16xf32>,
    %swap3A_365 = vector.shape_cast %swap3A_364 : vector<1x16xf32> to vector<16xf32>
    %swap3A_366 = vector.shape_cast %broadcast_in_dim3A_360 : vector<16xf32> to vector<1x16xf32>
    tpu.vector_store %arg16[%swap3A_362, %swap3A_363], %swap3A_366 {strides = array<i32>} : memref<16x128xf32, #tpu.memory_space<vmem>>, vector<1x16xf32>,
    %broadcast_in_dim3A_367 = arith.constant 0.000000e+00 : f32
    %broadcast_in_dim3A_368 = vector.broadcast %broadcast_in_dim3A_367 : f32 to vector<16xf32>
    %swap3A_369 = arith.constant 5 : i32
    %swap3A_370 = arith.index_cast %swap3A_369 : i32 to index
    %swap3A_371 = arith.constant 96 : index
    %swap3A_372 = tpu.vector_load %arg16[%swap3A_370, %swap3A_371] {strides = array<i32>} : memref<16x128xf32, #tpu.memory_space<vmem>>, vector<1x16xf32>,
    %swap3A_373 = vector.shape_cast %swap3A_372 : vector<1x16xf32> to vector<16xf32>
    %swap3A_374 = vector.shape_cast %broadcast_in_dim3A_368 : vector<16xf32> to vector<1x16xf32>
    tpu.vector_store %arg16[%swap3A_370, %swap3A_371], %swap3A_374 {strides = array<i32>} : memref<16x128xf32, #tpu.memory_space<vmem>>, vector<1x16xf32>,
    %broadcast_in_dim3A_375 = arith.constant 0.000000e+00 : f32
    %broadcast_in_dim3A_376 = vector.broadcast %broadcast_in_dim3A_375 : f32 to vector<16xf32>
    %swap3A_377 = arith.constant 5 : i32
    %swap3A_378 = arith.index_cast %swap3A_377 : i32 to index
    %swap3A_379 = arith.constant 112 : index
    %swap3A_380 = tpu.vector_load %arg16[%swap3A_378, %swap3A_379] {strides = array<i32>} : memref<16x128xf32, #tpu.memory_space<vmem>>, vector<1x16xf32>,
    %swap3A_381 = vector.shape_cast %swap3A_380 : vector<1x16xf32> to vector<16xf32>
    %swap3A_382 = vector.shape_cast %broadcast_in_dim3A_376 : vector<16xf32> to vector<1x16xf32>
    tpu.vector_store %arg16[%swap3A_378, %swap3A_379], %swap3A_382 {strides = array<i32>} : memref<16x128xf32, #tpu.memory_space<vmem>>, vector<1x16xf32>,
    %broadcast_in_dim3A_383 = arith.constant 0.000000e+00 : f32
    %broadcast_in_dim3A_384 = vector.broadcast %broadcast_in_dim3A_383 : f32 to vector<16xf32>
    %swap3A_385 = arith.constant 6 : i32
    %swap3A_386 = arith.index_cast %swap3A_385 : i32 to index
    %swap3A_387 = arith.constant 0 : index
    %swap3A_388 = tpu.vector_load %arg16[%swap3A_386, %swap3A_387] {strides = array<i32>} : memref<16x128xf32, #tpu.memory_space<vmem>>, vector<1x16xf32>,
    %swap3A_389 = vector.shape_cast %swap3A_388 : vector<1x16xf32> to vector<16xf32>
    %swap3A_390 = vector.shape_cast %broadcast_in_dim3A_384 : vector<16xf32> to vector<1x16xf32>
    tpu.vector_store %arg16[%swap3A_386, %swap3A_387], %swap3A_390 {strides = array<i32>} : memref<16x128xf32, #tpu.memory_space<vmem>>, vector<1x16xf32>,
    %broadcast_in_dim3A_391 = arith.constant 0.000000e+00 : f32
    %broadcast_in_dim3A_392 = vector.broadcast %broadcast_in_dim3A_391 : f32 to vector<16xf32>
    %swap3A_393 = arith.constant 6 : i32
    %swap3A_394 = arith.index_cast %swap3A_393 : i32 to index
    %swap3A_395 = arith.constant 16 : index
    %swap3A_396 = tpu.vector_load %arg16[%swap3A_394, %swap3A_395] {strides = array<i32>} : memref<16x128xf32, #tpu.memory_space<vmem>>, vector<1x16xf32>,
    %swap3A_397 = vector.shape_cast %swap3A_396 : vector<1x16xf32> to vector<16xf32>
    %swap3A_398 = vector.shape_cast %broadcast_in_dim3A_392 : vector<16xf32> to vector<1x16xf32>
    tpu.vector_store %arg16[%swap3A_394, %swap3A_395], %swap3A_398 {strides = array<i32>} : memref<16x128xf32, #tpu.memory_space<vmem>>, vector<1x16xf32>,
    %broadcast_in_dim3A_399 = arith.constant 0.000000e+00 : f32
    %broadcast_in_dim3A_400 = vector.broadcast %broadcast_in_dim3A_399 : f32 to vector<16xf32>
    %swap3A_401 = arith.constant 6 : i32
    %swap3A_402 = arith.index_cast %swap3A_401 : i32 to index
    %swap3A_403 = arith.constant 32 : index
    %swap3A_404 = tpu.vector_load %arg16[%swap3A_402, %swap3A_403] {strides = array<i32>} : memref<16x128xf32, #tpu.memory_space<vmem>>, vector<1x16xf32>,
    %swap3A_405 = vector.shape_cast %swap3A_404 : vector<1x16xf32> to vector<16xf32>
    %swap3A_406 = vector.shape_cast %broadcast_in_dim3A_400 : vector<16xf32> to vector<1x16xf32>
    tpu.vector_store %arg16[%swap3A_402, %swap3A_403], %swap3A_406 {strides = array<i32>} : memref<16x128xf32, #tpu.memory_space<vmem>>, vector<1x16xf32>,
    %broadcast_in_dim3A_407 = arith.constant 0.000000e+00 : f32
    %broadcast_in_dim3A_408 = vector.broadcast %broadcast_in_dim3A_407 : f32 to vector<16xf32>
    %swap3A_409 = arith.constant 6 : i32
    %swap3A_410 = arith.index_cast %swap3A_409 : i32 to index
    %swap3A_411 = arith.constant 48 : index
    %swap3A_412 = tpu.vector_load %arg16[%swap3A_410, %swap3A_411] {strides = array<i32>} : memref<16x128xf32, #tpu.memory_space<vmem>>, vector<1x16xf32>,
    %swap3A_413 = vector.shape_cast %swap3A_412 : vector<1x16xf32> to vector<16xf32>
    %swap3A_414 = vector.shape_cast %broadcast_in_dim3A_408 : vector<16xf32> to vector<1x16xf32>
    tpu.vector_store %arg16[%swap3A_410, %swap3A_411], %swap3A_414 {strides = array<i32>} : memref<16x128xf32, #tpu.memory_space<vmem>>, vector<1x16xf32>,
    %broadcast_in_dim3A_415 = arith.constant 0.000000e+00 : f32
    %broadcast_in_dim3A_416 = vector.broadcast %broadcast_in_dim3A_415 : f32 to vector<16xf32>
    %swap3A_417 = arith.constant 6 : i32
    %swap3A_418 = arith.index_cast %swap3A_417 : i32 to index
    %swap3A_419 = arith.constant 64 : index
    %swap3A_420 = tpu.vector_load %arg16[%swap3A_418, %swap3A_419] {strides = array<i32>} : memref<16x128xf32, #tpu.memory_space<vmem>>, vector<1x16xf32>,
    %swap3A_421 = vector.shape_cast %swap3A_420 : vector<1x16xf32> to vector<16xf32>
    %swap3A_422 = vector.shape_cast %broadcast_in_dim3A_416 : vector<16xf32> to vector<1x16xf32>
    tpu.vector_store %arg16[%swap3A_418, %swap3A_419], %swap3A_422 {strides = array<i32>} : memref<16x128xf32, #tpu.memory_space<vmem>>, vector<1x16xf32>,
    %broadcast_in_dim3A_423 = arith.constant 0.000000e+00 : f32
    %broadcast_in_dim3A_424 = vector.broadcast %broadcast_in_dim3A_423 : f32 to vector<16xf32>
    %swap3A_425 = arith.constant 6 : i32
    %swap3A_426 = arith.index_cast %swap3A_425 : i32 to index
    %swap3A_427 = arith.constant 80 : index
    %swap3A_428 = tpu.vector_load %arg16[%swap3A_426, %swap3A_427] {strides = array<i32>} : memref<16x128xf32, #tpu.memory_space<vmem>>, vector<1x16xf32>,
    %swap3A_429 = vector.shape_cast %swap3A_428 : vector<1x16xf32> to vector<16xf32>
    %swap3A_430 = vector.shape_cast %broadcast_in_dim3A_424 : vector<16xf32> to vector<1x16xf32>
    tpu.vector_store %arg16[%swap3A_426, %swap3A_427], %swap3A_430 {strides = array<i32>} : memref<16x128xf32, #tpu.memory_space<vmem>>, vector<1x16xf32>,
    %broadcast_in_dim3A_431 = arith.constant 0.000000e+00 : f32
    %broadcast_in_dim3A_432 = vector.broadcast %broadcast_in_dim3A_431 : f32 to vector<16xf32>
    %swap3A_433 = arith.constant 6 : i32
    %swap3A_434 = arith.index_cast %swap3A_433 : i32 to index
    %swap3A_435 = arith.constant 96 : index
    %swap3A_436 = tpu.vector_load %arg16[%swap3A_434, %swap3A_435] {strides = array<i32>} : memref<16x128xf32, #tpu.memory_space<vmem>>, vector<1x16xf32>,
    %swap3A_437 = vector.shape_cast %swap3A_436 : vector<1x16xf32> to vector<16xf32>
    %swap3A_438 = vector.shape_cast %broadcast_in_dim3A_432 : vector<16xf32> to vector<1x16xf32>
    tpu.vector_store %arg16[%swap3A_434, %swap3A_435], %swap3A_438 {strides = array<i32>} : memref<16x128xf32, #tpu.memory_space<vmem>>, vector<1x16xf32>,
    %broadcast_in_dim3A_439 = arith.constant 0.000000e+00 : f32
    %broadcast_in_dim3A_440 = vector.broadcast %broadcast_in_dim3A_439 : f32 to vector<16xf32>
    %swap3A_441 = arith.constant 6 : i32
    %swap3A_442 = arith.index_cast %swap3A_441 : i32 to index
    %swap3A_443 = arith.constant 112 : index
    %swap3A_444 = tpu.vector_load %arg16[%swap3A_442, %swap3A_443] {strides = array<i32>} : memref<16x128xf32, #tpu.memory_space<vmem>>, vector<1x16xf32>,
    %swap3A_445 = vector.shape_cast %swap3A_444 : vector<1x16xf32> to vector<16xf32>
    %swap3A_446 = vector.shape_cast %broadcast_in_dim3A_440 : vector<16xf32> to vector<1x16xf32>
    tpu.vector_store %arg16[%swap3A_442, %swap3A_443], %swap3A_446 {strides = array<i32>} : memref<16x128xf32, #tpu.memory_space<vmem>>, vector<1x16xf32>,
    %broadcast_in_dim3A_447 = arith.constant 0.000000e+00 : f32
    %broadcast_in_dim3A_448 = vector.broadcast %broadcast_in_dim3A_447 : f32 to vector<16xf32>
    %swap3A_449 = arith.constant 7 : i32
    %swap3A_450 = arith.index_cast %swap3A_449 : i32 to index
    %swap3A_451 = arith.constant 0 : index
    %swap3A_452 = tpu.vector_load %arg16[%swap3A_450, %swap3A_451] {strides = array<i32>} : memref<16x128xf32, #tpu.memory_space<vmem>>, vector<1x16xf32>,
    %swap3A_453 = vector.shape_cast %swap3A_452 : vector<1x16xf32> to vector<16xf32>
    %swap3A_454 = vector.shape_cast %broadcast_in_dim3A_448 : vector<16xf32> to vector<1x16xf32>
    tpu.vector_store %arg16[%swap3A_450, %swap3A_451], %swap3A_454 {strides = array<i32>} : memref<16x128xf32, #tpu.memory_space<vmem>>, vector<1x16xf32>,
    %broadcast_in_dim3A_455 = arith.constant 0.000000e+00 : f32
    %broadcast_in_dim3A_456 = vector.broadcast %broadcast_in_dim3A_455 : f32 to vector<16xf32>
    %swap3A_457 = arith.constant 7 : i32
    %swap3A_458 = arith.index_cast %swap3A_457 : i32 to index
    %swap3A_459 = arith.constant 16 : index
    %swap3A_460 = tpu.vector_load %arg16[%swap3A_458, %swap3A_459] {strides = array<i32>} : memref<16x128xf32, #tpu.memory_space<vmem>>, vector<1x16xf32>,
    %swap3A_461 = vector.shape_cast %swap3A_460 : vector<1x16xf32> to vector<16xf32>
    %swap3A_462 = vector.shape_cast %broadcast_in_dim3A_456 : vector<16xf32> to vector<1x16xf32>
    tpu.vector_store %arg16[%swap3A_458, %swap3A_459], %swap3A_462 {strides = array<i32>} : memref<16x128xf32, #tpu.memory_space<vmem>>, vector<1x16xf32>,
    %broadcast_in_dim3A_463 = arith.constant 0.000000e+00 : f32
    %broadcast_in_dim3A_464 = vector.broadcast %broadcast_in_dim3A_463 : f32 to vector<16xf32>
    %swap3A_465 = arith.constant 7 : i32
    %swap3A_466 = arith.index_cast %swap3A_465 : i32 to index
    %swap3A_467 = arith.constant 32 : index
    %swap3A_468 = tpu.vector_load %arg16[%swap3A_466, %swap3A_467] {strides = array<i32>} : memref<16x128xf32, #tpu.memory_space<vmem>>, vector<1x16xf32>,
    %swap3A_469 = vector.shape_cast %swap3A_468 : vector<1x16xf32> to vector<16xf32>
    %swap3A_470 = vector.shape_cast %broadcast_in_dim3A_464 : vector<16xf32> to vector<1x16xf32>
    tpu.vector_store %arg16[%swap3A_466, %swap3A_467], %swap3A_470 {strides = array<i32>} : memref<16x128xf32, #tpu.memory_space<vmem>>, vector<1x16xf32>,
    %broadcast_in_dim3A_471 = arith.constant 0.000000e+00 : f32
    %broadcast_in_dim3A_472 = vector.broadcast %broadcast_in_dim3A_471 : f32 to vector<16xf32>
    %swap3A_473 = arith.constant 7 : i32
    %swap3A_474 = arith.index_cast %swap3A_473 : i32 to index
    %swap3A_475 = arith.constant 48 : index
    %swap3A_476 = tpu.vector_load %arg16[%swap3A_474, %swap3A_475] {strides = array<i32>} : memref<16x128xf32, #tpu.memory_space<vmem>>, vector<1x16xf32>,
    %swap3A_477 = vector.shape_cast %swap3A_476 : vector<1x16xf32> to vector<16xf32>
    %swap3A_478 = vector.shape_cast %broadcast_in_dim3A_472 : vector<16xf32> to vector<1x16xf32>
    tpu.vector_store %arg16[%swap3A_474, %swap3A_475], %swap3A_478 {strides = array<i32>} : memref<16x128xf32, #tpu.memory_space<vmem>>, vector<1x16xf32>,
    %broadcast_in_dim3A_479 = arith.constant 0.000000e+00 : f32
    %broadcast_in_dim3A_480 = vector.broadcast %broadcast_in_dim3A_479 : f32 to vector<16xf32>
    %swap3A_481 = arith.constant 7 : i32
    %swap3A_482 = arith.index_cast %swap3A_481 : i32 to index
    %swap3A_483 = arith.constant 64 : index
    %swap3A_484 = tpu.vector_load %arg16[%swap3A_482, %swap3A_483] {strides = array<i32>} : memref<16x128xf32, #tpu.memory_space<vmem>>, vector<1x16xf32>,
    %swap3A_485 = vector.shape_cast %swap3A_484 : vector<1x16xf32> to vector<16xf32>
    %swap3A_486 = vector.shape_cast %broadcast_in_dim3A_480 : vector<16xf32> to vector<1x16xf32>
    tpu.vector_store %arg16[%swap3A_482, %swap3A_483], %swap3A_486 {strides = array<i32>} : memref<16x128xf32, #tpu.memory_space<vmem>>, vector<1x16xf32>,
    %broadcast_in_dim3A_487 = arith.constant 0.000000e+00 : f32
    %broadcast_in_dim3A_488 = vector.broadcast %broadcast_in_dim3A_487 : f32 to vector<16xf32>
    %swap3A_489 = arith.constant 7 : i32
    %swap3A_490 = arith.index_cast %swap3A_489 : i32 to index
    %swap3A_491 = arith.constant 80 : index
    %swap3A_492 = tpu.vector_load %arg16[%swap3A_490, %swap3A_491] {strides = array<i32>} : memref<16x128xf32, #tpu.memory_space<vmem>>, vector<1x16xf32>,
    %swap3A_493 = vector.shape_cast %swap3A_492 : vector<1x16xf32> to vector<16xf32>
    %swap3A_494 = vector.shape_cast %broadcast_in_dim3A_488 : vector<16xf32> to vector<1x16xf32>
    tpu.vector_store %arg16[%swap3A_490, %swap3A_491], %swap3A_494 {strides = array<i32>} : memref<16x128xf32, #tpu.memory_space<vmem>>, vector<1x16xf32>,
    %broadcast_in_dim3A_495 = arith.constant 0.000000e+00 : f32
    %broadcast_in_dim3A_496 = vector.broadcast %broadcast_in_dim3A_495 : f32 to vector<16xf32>
    %swap3A_497 = arith.constant 7 : i32
    %swap3A_498 = arith.index_cast %swap3A_497 : i32 to index
    %swap3A_499 = arith.constant 96 : index
    %swap3A_500 = tpu.vector_load %arg16[%swap3A_498, %swap3A_499] {strides = array<i32>} : memref<16x128xf32, #tpu.memory_space<vmem>>, vector<1x16xf32>,
    %swap3A_501 = vector.shape_cast %swap3A_500 : vector<1x16xf32> to vector<16xf32>
    %swap3A_502 = vector.shape_cast %broadcast_in_dim3A_496 : vector<16xf32> to vector<1x16xf32>
    tpu.vector_store %arg16[%swap3A_498, %swap3A_499], %swap3A_502 {strides = array<i32>} : memref<16x128xf32, #tpu.memory_space<vmem>>, vector<1x16xf32>,
    %broadcast_in_dim3A_503 = arith.constant 0.000000e+00 : f32
    %broadcast_in_dim3A_504 = vector.broadcast %broadcast_in_dim3A_503 : f32 to vector<16xf32>
    %swap3A_505 = arith.constant 7 : i32
    %swap3A_506 = arith.index_cast %swap3A_505 : i32 to index
    %swap3A_507 = arith.constant 112 : index
    %swap3A_508 = tpu.vector_load %arg16[%swap3A_506, %swap3A_507] {strides = array<i32>} : memref<16x128xf32, #tpu.memory_space<vmem>>, vector<1x16xf32>,
    %swap3A_509 = vector.shape_cast %swap3A_508 : vector<1x16xf32> to vector<16xf32>
    %swap3A_510 = vector.shape_cast %broadcast_in_dim3A_504 : vector<16xf32> to vector<1x16xf32>
    tpu.vector_store %arg16[%swap3A_506, %swap3A_507], %swap3A_510 {strides = array<i32>} : memref<16x128xf32, #tpu.memory_space<vmem>>, vector<1x16xf32>,
    %broadcast_in_dim3A_511 = arith.constant 0.000000e+00 : f32
    %broadcast_in_dim3A_512 = vector.broadcast %broadcast_in_dim3A_511 : f32 to vector<16xf32>
    %swap3A_513 = arith.constant 8 : i32
    %swap3A_514 = arith.index_cast %swap3A_513 : i32 to index
    %swap3A_515 = arith.constant 0 : index
    %swap3A_516 = tpu.vector_load %arg16[%swap3A_514, %swap3A_515] {strides = array<i32>} : memref<16x128xf32, #tpu.memory_space<vmem>>, vector<1x16xf32>,
    %swap3A_517 = vector.shape_cast %swap3A_516 : vector<1x16xf32> to vector<16xf32>
    %swap3A_518 = vector.shape_cast %broadcast_in_dim3A_512 : vector<16xf32> to vector<1x16xf32>
    tpu.vector_store %arg16[%swap3A_514, %swap3A_515], %swap3A_518 {strides = array<i32>} : memref<16x128xf32, #tpu.memory_space<vmem>>, vector<1x16xf32>,
    %broadcast_in_dim3A_519 = arith.constant 0.000000e+00 : f32
    %broadcast_in_dim3A_520 = vector.broadcast %broadcast_in_dim3A_519 : f32 to vector<16xf32>
    %swap3A_521 = arith.constant 8 : i32
    %swap3A_522 = arith.index_cast %swap3A_521 : i32 to index
    %swap3A_523 = arith.constant 16 : index
    %swap3A_524 = tpu.vector_load %arg16[%swap3A_522, %swap3A_523] {strides = array<i32>} : memref<16x128xf32, #tpu.memory_space<vmem>>, vector<1x16xf32>,
    %swap3A_525 = vector.shape_cast %swap3A_524 : vector<1x16xf32> to vector<16xf32>
    %swap3A_526 = vector.shape_cast %broadcast_in_dim3A_520 : vector<16xf32> to vector<1x16xf32>
    tpu.vector_store %arg16[%swap3A_522, %swap3A_523], %swap3A_526 {strides = array<i32>} : memref<16x128xf32, #tpu.memory_space<vmem>>, vector<1x16xf32>,
    %broadcast_in_dim3A_527 = arith.constant 0.000000e+00 : f32
    %broadcast_in_dim3A_528 = vector.broadcast %broadcast_in_dim3A_527 : f32 to vector<16xf32>
    %swap3A_529 = arith.constant 8 : i32
    %swap3A_530 = arith.index_cast %swap3A_529 : i32 to index
    %swap3A_531 = arith.constant 32 : index
    %swap3A_532 = tpu.vector_load %arg16[%swap3A_530, %swap3A_531] {strides = array<i32>} : memref<16x128xf32, #tpu.memory_space<vmem>>, vector<1x16xf32>,
    %swap3A_533 = vector.shape_cast %swap3A_532 : vector<1x16xf32> to vector<16xf32>
    %swap3A_534 = vector.shape_cast %broadcast_in_dim3A_528 : vector<16xf32> to vector<1x16xf32>
    tpu.vector_store %arg16[%swap3A_530, %swap3A_531], %swap3A_534 {strides = array<i32>} : memref<16x128xf32, #tpu.memory_space<vmem>>, vector<1x16xf32>,
    %broadcast_in_dim3A_535 = arith.constant 0.000000e+00 : f32
    %broadcast_in_dim3A_536 = vector.broadcast %broadcast_in_dim3A_535 : f32 to vector<16xf32>
    %swap3A_537 = arith.constant 8 : i32
    %swap3A_538 = arith.index_cast %swap3A_537 : i32 to index
    %swap3A_539 = arith.constant 48 : index
    %swap3A_540 = tpu.vector_load %arg16[%swap3A_538, %swap3A_539] {strides = array<i32>} : memref<16x128xf32, #tpu.memory_space<vmem>>, vector<1x16xf32>,
    %swap3A_541 = vector.shape_cast %swap3A_540 : vector<1x16xf32> to vector<16xf32>
    %swap3A_542 = vector.shape_cast %broadcast_in_dim3A_536 : vector<16xf32> to vector<1x16xf32>
    tpu.vector_store %arg16[%swap3A_538, %swap3A_539], %swap3A_542 {strides = array<i32>} : memref<16x128xf32, #tpu.memory_space<vmem>>, vector<1x16xf32>,
    %broadcast_in_dim3A_543 = arith.constant 0.000000e+00 : f32
    %broadcast_in_dim3A_544 = vector.broadcast %broadcast_in_dim3A_543 : f32 to vector<16xf32>
    %swap3A_545 = arith.constant 8 : i32
    %swap3A_546 = arith.index_cast %swap3A_545 : i32 to index
    %swap3A_547 = arith.constant 64 : index
    %swap3A_548 = tpu.vector_load %arg16[%swap3A_546, %swap3A_547] {strides = array<i32>} : memref<16x128xf32, #tpu.memory_space<vmem>>, vector<1x16xf32>,
    %swap3A_549 = vector.shape_cast %swap3A_548 : vector<1x16xf32> to vector<16xf32>
    %swap3A_550 = vector.shape_cast %broadcast_in_dim3A_544 : vector<16xf32> to vector<1x16xf32>
    tpu.vector_store %arg16[%swap3A_546, %swap3A_547], %swap3A_550 {strides = array<i32>} : memref<16x128xf32, #tpu.memory_space<vmem>>, vector<1x16xf32>,
    %broadcast_in_dim3A_551 = arith.constant 0.000000e+00 : f32
    %broadcast_in_dim3A_552 = vector.broadcast %broadcast_in_dim3A_551 : f32 to vector<16xf32>
    %swap3A_553 = arith.constant 8 : i32
    %swap3A_554 = arith.index_cast %swap3A_553 : i32 to index
    %swap3A_555 = arith.constant 80 : index
    %swap3A_556 = tpu.vector_load %arg16[%swap3A_554, %swap3A_555] {strides = array<i32>} : memref<16x128xf32, #tpu.memory_space<vmem>>, vector<1x16xf32>,
    %swap3A_557 = vector.shape_cast %swap3A_556 : vector<1x16xf32> to vector<16xf32>
    %swap3A_558 = vector.shape_cast %broadcast_in_dim3A_552 : vector<16xf32> to vector<1x16xf32>
    tpu.vector_store %arg16[%swap3A_554, %swap3A_555], %swap3A_558 {strides = array<i32>} : memref<16x128xf32, #tpu.memory_space<vmem>>, vector<1x16xf32>,
    %broadcast_in_dim3A_559 = arith.constant 0.000000e+00 : f32
    %broadcast_in_dim3A_560 = vector.broadcast %broadcast_in_dim3A_559 : f32 to vector<16xf32>
    %swap3A_561 = arith.constant 8 : i32
    %swap3A_562 = arith.index_cast %swap3A_561 : i32 to index
    %swap3A_563 = arith.constant 96 : index
    %swap3A_564 = tpu.vector_load %arg16[%swap3A_562, %swap3A_563] {strides = array<i32>} : memref<16x128xf32, #tpu.memory_space<vmem>>, vector<1x16xf32>,
    %swap3A_565 = vector.shape_cast %swap3A_564 : vector<1x16xf32> to vector<16xf32>
    %swap3A_566 = vector.shape_cast %broadcast_in_dim3A_560 : vector<16xf32> to vector<1x16xf32>
    tpu.vector_store %arg16[%swap3A_562, %swap3A_563], %swap3A_566 {strides = array<i32>} : memref<16x128xf32, #tpu.memory_space<vmem>>, vector<1x16xf32>,
    %broadcast_in_dim3A_567 = arith.constant 0.000000e+00 : f32
    %broadcast_in_dim3A_568 = vector.broadcast %broadcast_in_dim3A_567 : f32 to vector<16xf32>
    %swap3A_569 = arith.constant 8 : i32
    %swap3A_570 = arith.index_cast %swap3A_569 : i32 to index
    %swap3A_571 = arith.constant 112 : index
    %swap3A_572 = tpu.vector_load %arg16[%swap3A_570, %swap3A_571] {strides = array<i32>} : memref<16x128xf32, #tpu.memory_space<vmem>>, vector<1x16xf32>,
    %swap3A_573 = vector.shape_cast %swap3A_572 : vector<1x16xf32> to vector<16xf32>
    %swap3A_574 = vector.shape_cast %broadcast_in_dim3A_568 : vector<16xf32> to vector<1x16xf32>
    tpu.vector_store %arg16[%swap3A_570, %swap3A_571], %swap3A_574 {strides = array<i32>} : memref<16x128xf32, #tpu.memory_space<vmem>>, vector<1x16xf32>,
    %broadcast_in_dim3A_575 = arith.constant 0.000000e+00 : f32
    %broadcast_in_dim3A_576 = vector.broadcast %broadcast_in_dim3A_575 : f32 to vector<16xf32>
    %swap3A_577 = arith.constant 9 : i32
    %swap3A_578 = arith.index_cast %swap3A_577 : i32 to index
    %swap3A_579 = arith.constant 0 : index
    %swap3A_580 = tpu.vector_load %arg16[%swap3A_578, %swap3A_579] {strides = array<i32>} : memref<16x128xf32, #tpu.memory_space<vmem>>, vector<1x16xf32>,
    %swap3A_581 = vector.shape_cast %swap3A_580 : vector<1x16xf32> to vector<16xf32>
    %swap3A_582 = vector.shape_cast %broadcast_in_dim3A_576 : vector<16xf32> to vector<1x16xf32>
    tpu.vector_store %arg16[%swap3A_578, %swap3A_579], %swap3A_582 {strides = array<i32>} : memref<16x128xf32, #tpu.memory_space<vmem>>, vector<1x16xf32>,
    %broadcast_in_dim3A_583 = arith.constant 0.000000e+00 : f32
    %broadcast_in_dim3A_584 = vector.broadcast %broadcast_in_dim3A_583 : f32 to vector<16xf32>
    %swap3A_585 = arith.constant 9 : i32
    %swap3A_586 = arith.index_cast %swap3A_585 : i32 to index
    %swap3A_587 = arith.constant 16 : index
    %swap3A_588 = tpu.vector_load %arg16[%swap3A_586, %swap3A_587] {strides = array<i32>} : memref<16x128xf32, #tpu.memory_space<vmem>>, vector<1x16xf32>,
    %swap3A_589 = vector.shape_cast %swap3A_588 : vector<1x16xf32> to vector<16xf32>
    %swap3A_590 = vector.shape_cast %broadcast_in_dim3A_584 : vector<16xf32> to vector<1x16xf32>
    tpu.vector_store %arg16[%swap3A_586, %swap3A_587], %swap3A_590 {strides = array<i32>} : memref<16x128xf32, #tpu.memory_space<vmem>>, vector<1x16xf32>,
    %broadcast_in_dim3A_591 = arith.constant 0.000000e+00 : f32
    %broadcast_in_dim3A_592 = vector.broadcast %broadcast_in_dim3A_591 : f32 to vector<16xf32>
    %swap3A_593 = arith.constant 9 : i32
    %swap3A_594 = arith.index_cast %swap3A_593 : i32 to index
    %swap3A_595 = arith.constant 32 : index
    %swap3A_596 = tpu.vector_load %arg16[%swap3A_594, %swap3A_595] {strides = array<i32>} : memref<16x128xf32, #tpu.memory_space<vmem>>, vector<1x16xf32>,
    %swap3A_597 = vector.shape_cast %swap3A_596 : vector<1x16xf32> to vector<16xf32>
    %swap3A_598 = vector.shape_cast %broadcast_in_dim3A_592 : vector<16xf32> to vector<1x16xf32>
    tpu.vector_store %arg16[%swap3A_594, %swap3A_595], %swap3A_598 {strides = array<i32>} : memref<16x128xf32, #tpu.memory_space<vmem>>, vector<1x16xf32>,
    %broadcast_in_dim3A_599 = arith.constant 0.000000e+00 : f32
    %broadcast_in_dim3A_600 = vector.broadcast %broadcast_in_dim3A_599 : f32 to vector<16xf32>
    %swap3A_601 = arith.constant 9 : i32
    %swap3A_602 = arith.index_cast %swap3A_601 : i32 to index
    %swap3A_603 = arith.constant 48 : index
    %swap3A_604 = tpu.vector_load %arg16[%swap3A_602, %swap3A_603] {strides = array<i32>} : memref<16x128xf32, #tpu.memory_space<vmem>>, vector<1x16xf32>,
    %swap3A_605 = vector.shape_cast %swap3A_604 : vector<1x16xf32> to vector<16xf32>
    %swap3A_606 = vector.shape_cast %broadcast_in_dim3A_600 : vector<16xf32> to vector<1x16xf32>
    tpu.vector_store %arg16[%swap3A_602, %swap3A_603], %swap3A_606 {strides = array<i32>} : memref<16x128xf32, #tpu.memory_space<vmem>>, vector<1x16xf32>,
    %broadcast_in_dim3A_607 = arith.constant 0.000000e+00 : f32
    %broadcast_in_dim3A_608 = vector.broadcast %broadcast_in_dim3A_607 : f32 to vector<16xf32>
    %swap3A_609 = arith.constant 9 : i32
    %swap3A_610 = arith.index_cast %swap3A_609 : i32 to index
    %swap3A_611 = arith.constant 64 : index
    %swap3A_612 = tpu.vector_load %arg16[%swap3A_610, %swap3A_611] {strides = array<i32>} : memref<16x128xf32, #tpu.memory_space<vmem>>, vector<1x16xf32>,
    %swap3A_613 = vector.shape_cast %swap3A_612 : vector<1x16xf32> to vector<16xf32>
    %swap3A_614 = vector.shape_cast %broadcast_in_dim3A_608 : vector<16xf32> to vector<1x16xf32>
    tpu.vector_store %arg16[%swap3A_610, %swap3A_611], %swap3A_614 {strides = array<i32>} : memref<16x128xf32, #tpu.memory_space<vmem>>, vector<1x16xf32>,
    %broadcast_in_dim3A_615 = arith.constant 0.000000e+00 : f32
    %broadcast_in_dim3A_616 = vector.broadcast %broadcast_in_dim3A_615 : f32 to vector<16xf32>
    %swap3A_617 = arith.constant 9 : i32
    %swap3A_618 = arith.index_cast %swap3A_617 : i32 to index
    %swap3A_619 = arith.constant 80 : index
    %swap3A_620 = tpu.vector_load %arg16[%swap3A_618, %swap3A_619] {strides = array<i32>} : memref<16x128xf32, #tpu.memory_space<vmem>>, vector<1x16xf32>,
    %swap3A_621 = vector.shape_cast %swap3A_620 : vector<1x16xf32> to vector<16xf32>
    %swap3A_622 = vector.shape_cast %broadcast_in_dim3A_616 : vector<16xf32> to vector<1x16xf32>
    tpu.vector_store %arg16[%swap3A_618, %swap3A_619], %swap3A_622 {strides = array<i32>} : memref<16x128xf32, #tpu.memory_space<vmem>>, vector<1x16xf32>,
    %broadcast_in_dim3A_623 = arith.constant 0.000000e+00 : f32
    %broadcast_in_dim3A_624 = vector.broadcast %broadcast_in_dim3A_623 : f32 to vector<16xf32>
    %swap3A_625 = arith.constant 9 : i32
    %swap3A_626 = arith.index_cast %swap3A_625 : i32 to index
    %swap3A_627 = arith.constant 96 : index
    %swap3A_628 = tpu.vector_load %arg16[%swap3A_626, %swap3A_627] {strides = array<i32>} : memref<16x128xf32, #tpu.memory_space<vmem>>, vector<1x16xf32>,
    %swap3A_629 = vector.shape_cast %swap3A_628 : vector<1x16xf32> to vector<16xf32>
    %swap3A_630 = vector.shape_cast %broadcast_in_dim3A_624 : vector<16xf32> to vector<1x16xf32>
    tpu.vector_store %arg16[%swap3A_626, %swap3A_627], %swap3A_630 {strides = array<i32>} : memref<16x128xf32, #tpu.memory_space<vmem>>, vector<1x16xf32>,
    %broadcast_in_dim3A_631 = arith.constant 0.000000e+00 : f32
    %broadcast_in_dim3A_632 = vector.broadcast %broadcast_in_dim3A_631 : f32 to vector<16xf32>
    %swap3A_633 = arith.constant 9 : i32
    %swap3A_634 = arith.index_cast %swap3A_633 : i32 to index
    %swap3A_635 = arith.constant 112 : index
    %swap3A_636 = tpu.vector_load %arg16[%swap3A_634, %swap3A_635] {strides = array<i32>} : memref<16x128xf32, #tpu.memory_space<vmem>>, vector<1x16xf32>,
    %swap3A_637 = vector.shape_cast %swap3A_636 : vector<1x16xf32> to vector<16xf32>
    %swap3A_638 = vector.shape_cast %broadcast_in_dim3A_632 : vector<16xf32> to vector<1x16xf32>
    tpu.vector_store %arg16[%swap3A_634, %swap3A_635], %swap3A_638 {strides = array<i32>} : memref<16x128xf32, #tpu.memory_space<vmem>>, vector<1x16xf32>,
    %broadcast_in_dim3A_639 = arith.constant 0.000000e+00 : f32
    %broadcast_in_dim3A_640 = vector.broadcast %broadcast_in_dim3A_639 : f32 to vector<16xf32>
    %swap3A_641 = arith.constant 10 : i32
    %swap3A_642 = arith.index_cast %swap3A_641 : i32 to index
    %swap3A_643 = arith.constant 0 : index
    %swap3A_644 = tpu.vector_load %arg16[%swap3A_642, %swap3A_643] {strides = array<i32>} : memref<16x128xf32, #tpu.memory_space<vmem>>, vector<1x16xf32>,
    %swap3A_645 = vector.shape_cast %swap3A_644 : vector<1x16xf32> to vector<16xf32>
    %swap3A_646 = vector.shape_cast %broadcast_in_dim3A_640 : vector<16xf32> to vector<1x16xf32>
    tpu.vector_store %arg16[%swap3A_642, %swap3A_643], %swap3A_646 {strides = array<i32>} : memref<16x128xf32, #tpu.memory_space<vmem>>, vector<1x16xf32>,
    %broadcast_in_dim3A_647 = arith.constant 0.000000e+00 : f32
    %broadcast_in_dim3A_648 = vector.broadcast %broadcast_in_dim3A_647 : f32 to vector<16xf32>
    %swap3A_649 = arith.constant 10 : i32
    %swap3A_650 = arith.index_cast %swap3A_649 : i32 to index
    %swap3A_651 = arith.constant 16 : index
    %swap3A_652 = tpu.vector_load %arg16[%swap3A_650, %swap3A_651] {strides = array<i32>} : memref<16x128xf32, #tpu.memory_space<vmem>>, vector<1x16xf32>,
    %swap3A_653 = vector.shape_cast %swap3A_652 : vector<1x16xf32> to vector<16xf32>
    %swap3A_654 = vector.shape_cast %broadcast_in_dim3A_648 : vector<16xf32> to vector<1x16xf32>
    tpu.vector_store %arg16[%swap3A_650, %swap3A_651], %swap3A_654 {strides = array<i32>} : memref<16x128xf32, #tpu.memory_space<vmem>>, vector<1x16xf32>,
    %broadcast_in_dim3A_655 = arith.constant 0.000000e+00 : f32
    %broadcast_in_dim3A_656 = vector.broadcast %broadcast_in_dim3A_655 : f32 to vector<16xf32>
    %swap3A_657 = arith.constant 10 : i32
    %swap3A_658 = arith.index_cast %swap3A_657 : i32 to index
    %swap3A_659 = arith.constant 32 : index
    %swap3A_660 = tpu.vector_load %arg16[%swap3A_658, %swap3A_659] {strides = array<i32>} : memref<16x128xf32, #tpu.memory_space<vmem>>, vector<1x16xf32>,
    %swap3A_661 = vector.shape_cast %swap3A_660 : vector<1x16xf32> to vector<16xf32>
    %swap3A_662 = vector.shape_cast %broadcast_in_dim3A_656 : vector<16xf32> to vector<1x16xf32>
    tpu.vector_store %arg16[%swap3A_658, %swap3A_659], %swap3A_662 {strides = array<i32>} : memref<16x128xf32, #tpu.memory_space<vmem>>, vector<1x16xf32>,
    %broadcast_in_dim3A_663 = arith.constant 0.000000e+00 : f32
    %broadcast_in_dim3A_664 = vector.broadcast %broadcast_in_dim3A_663 : f32 to vector<16xf32>
    %swap3A_665 = arith.constant 10 : i32
    %swap3A_666 = arith.index_cast %swap3A_665 : i32 to index
    %swap3A_667 = arith.constant 48 : index
    %swap3A_668 = tpu.vector_load %arg16[%swap3A_666, %swap3A_667] {strides = array<i32>} : memref<16x128xf32, #tpu.memory_space<vmem>>, vector<1x16xf32>,
    %swap3A_669 = vector.shape_cast %swap3A_668 : vector<1x16xf32> to vector<16xf32>
    %swap3A_670 = vector.shape_cast %broadcast_in_dim3A_664 : vector<16xf32> to vector<1x16xf32>
    tpu.vector_store %arg16[%swap3A_666, %swap3A_667], %swap3A_670 {strides = array<i32>} : memref<16x128xf32, #tpu.memory_space<vmem>>, vector<1x16xf32>,
    %broadcast_in_dim3A_671 = arith.constant 0.000000e+00 : f32
    %broadcast_in_dim3A_672 = vector.broadcast %broadcast_in_dim3A_671 : f32 to vector<16xf32>
    %swap3A_673 = arith.constant 10 : i32
    %swap3A_674 = arith.index_cast %swap3A_673 : i32 to index
    %swap3A_675 = arith.constant 64 : index
    %swap3A_676 = tpu.vector_load %arg16[%swap3A_674, %swap3A_675] {strides = array<i32>} : memref<16x128xf32, #tpu.memory_space<vmem>>, vector<1x16xf32>,
    %swap3A_677 = vector.shape_cast %swap3A_676 : vector<1x16xf32> to vector<16xf32>
    %swap3A_678 = vector.shape_cast %broadcast_in_dim3A_672 : vector<16xf32> to vector<1x16xf32>
    tpu.vector_store %arg16[%swap3A_674, %swap3A_675], %swap3A_678 {strides = array<i32>} : memref<16x128xf32, #tpu.memory_space<vmem>>, vector<1x16xf32>,
    %broadcast_in_dim3A_679 = arith.constant 0.000000e+00 : f32
    %broadcast_in_dim3A_680 = vector.broadcast %broadcast_in_dim3A_679 : f32 to vector<16xf32>
    %swap3A_681 = arith.constant 10 : i32
    %swap3A_682 = arith.index_cast %swap3A_681 : i32 to index
    %swap3A_683 = arith.constant 80 : index
    %swap3A_684 = tpu.vector_load %arg16[%swap3A_682, %swap3A_683] {strides = array<i32>} : memref<16x128xf32, #tpu.memory_space<vmem>>, vector<1x16xf32>,
    %swap3A_685 = vector.shape_cast %swap3A_684 : vector<1x16xf32> to vector<16xf32>
    %swap3A_686 = vector.shape_cast %broadcast_in_dim3A_680 : vector<16xf32> to vector<1x16xf32>
    tpu.vector_store %arg16[%swap3A_682, %swap3A_683], %swap3A_686 {strides = array<i32>} : memref<16x128xf32, #tpu.memory_space<vmem>>, vector<1x16xf32>,
    %broadcast_in_dim3A_687 = arith.constant 0.000000e+00 : f32
    %broadcast_in_dim3A_688 = vector.broadcast %broadcast_in_dim3A_687 : f32 to vector<16xf32>
    %swap3A_689 = arith.constant 10 : i32
    %swap3A_690 = arith.index_cast %swap3A_689 : i32 to index
    %swap3A_691 = arith.constant 96 : index
    %swap3A_692 = tpu.vector_load %arg16[%swap3A_690, %swap3A_691] {strides = array<i32>} : memref<16x128xf32, #tpu.memory_space<vmem>>, vector<1x16xf32>,
    %swap3A_693 = vector.shape_cast %swap3A_692 : vector<1x16xf32> to vector<16xf32>
    %swap3A_694 = vector.shape_cast %broadcast_in_dim3A_688 : vector<16xf32> to vector<1x16xf32>
    tpu.vector_store %arg16[%swap3A_690, %swap3A_691], %swap3A_694 {strides = array<i32>} : memref<16x128xf32, #tpu.memory_space<vmem>>, vector<1x16xf32>,
    %broadcast_in_dim3A_695 = arith.constant 0.000000e+00 : f32
    %broadcast_in_dim3A_696 = vector.broadcast %broadcast_in_dim3A_695 : f32 to vector<16xf32>
    %swap3A_697 = arith.constant 10 : i32
    %swap3A_698 = arith.index_cast %swap3A_697 : i32 to index
    %swap3A_699 = arith.constant 112 : index
    %swap3A_700 = tpu.vector_load %arg16[%swap3A_698, %swap3A_699] {strides = array<i32>} : memref<16x128xf32, #tpu.memory_space<vmem>>, vector<1x16xf32>,
    %swap3A_701 = vector.shape_cast %swap3A_700 : vector<1x16xf32> to vector<16xf32>
    %swap3A_702 = vector.shape_cast %broadcast_in_dim3A_696 : vector<16xf32> to vector<1x16xf32>
    tpu.vector_store %arg16[%swap3A_698, %swap3A_699], %swap3A_702 {strides = array<i32>} : memref<16x128xf32, #tpu.memory_space<vmem>>, vector<1x16xf32>,
    %broadcast_in_dim3A_703 = arith.constant 0.000000e+00 : f32
    %broadcast_in_dim3A_704 = vector.broadcast %broadcast_in_dim3A_703 : f32 to vector<16xf32>
    %swap3A_705 = arith.constant 11 : i32
    %swap3A_706 = arith.index_cast %swap3A_705 : i32 to index
    %swap3A_707 = arith.constant 0 : index
    %swap3A_708 = tpu.vector_load %arg16[%swap3A_706, %swap3A_707] {strides = array<i32>} : memref<16x128xf32, #tpu.memory_space<vmem>>, vector<1x16xf32>,
    %swap3A_709 = vector.shape_cast %swap3A_708 : vector<1x16xf32> to vector<16xf32>
    %swap3A_710 = vector.shape_cast %broadcast_in_dim3A_704 : vector<16xf32> to vector<1x16xf32>
    tpu.vector_store %arg16[%swap3A_706, %swap3A_707], %swap3A_710 {strides = array<i32>} : memref<16x128xf32, #tpu.memory_space<vmem>>, vector<1x16xf32>,
    %broadcast_in_dim3A_711 = arith.constant 0.000000e+00 : f32
    %broadcast_in_dim3A_712 = vector.broadcast %broadcast_in_dim3A_711 : f32 to vector<16xf32>
    %swap3A_713 = arith.constant 11 : i32
    %swap3A_714 = arith.index_cast %swap3A_713 : i32 to index
    %swap3A_715 = arith.constant 16 : index
    %swap3A_716 = tpu.vector_load %arg16[%swap3A_714, %swap3A_715] {strides = array<i32>} : memref<16x128xf32, #tpu.memory_space<vmem>>, vector<1x16xf32>,
    %swap3A_717 = vector.shape_cast %swap3A_716 : vector<1x16xf32> to vector<16xf32>
    %swap3A_718 = vector.shape_cast %broadcast_in_dim3A_712 : vector<16xf32> to vector<1x16xf32>
    tpu.vector_store %arg16[%swap3A_714, %swap3A_715], %swap3A_718 {strides = array<i32>} : memref<16x128xf32, #tpu.memory_space<vmem>>, vector<1x16xf32>,
    %broadcast_in_dim3A_719 = arith.constant 0.000000e+00 : f32
    %broadcast_in_dim3A_720 = vector.broadcast %broadcast_in_dim3A_719 : f32 to vector<16xf32>
    %swap3A_721 = arith.constant 11 : i32
    %swap3A_722 = arith.index_cast %swap3A_721 : i32 to index
    %swap3A_723 = arith.constant 32 : index
    %swap3A_724 = tpu.vector_load %arg16[%swap3A_722, %swap3A_723] {strides = array<i32>} : memref<16x128xf32, #tpu.memory_space<vmem>>, vector<1x16xf32>,
    %swap3A_725 = vector.shape_cast %swap3A_724 : vector<1x16xf32> to vector<16xf32>
    %swap3A_726 = vector.shape_cast %broadcast_in_dim3A_720 : vector<16xf32> to vector<1x16xf32>
    tpu.vector_store %arg16[%swap3A_722, %swap3A_723], %swap3A_726 {strides = array<i32>} : memref<16x128xf32, #tpu.memory_space<vmem>>, vector<1x16xf32>,
    %broadcast_in_dim3A_727 = arith.constant 0.000000e+00 : f32
    %broadcast_in_dim3A_728 = vector.broadcast %broadcast_in_dim3A_727 : f32 to vector<16xf32>
    %swap3A_729 = arith.constant 11 : i32
    %swap3A_730 = arith.index_cast %swap3A_729 : i32 to index
    %swap3A_731 = arith.constant 48 : index
    %swap3A_732 = tpu.vector_load %arg16[%swap3A_730, %swap3A_731] {strides = array<i32>} : memref<16x128xf32, #tpu.memory_space<vmem>>, vector<1x16xf32>,
    %swap3A_733 = vector.shape_cast %swap3A_732 : vector<1x16xf32> to vector<16xf32>
    %swap3A_734 = vector.shape_cast %broadcast_in_dim3A_728 : vector<16xf32> to vector<1x16xf32>
    tpu.vector_store %arg16[%swap3A_730, %swap3A_731], %swap3A_734 {strides = array<i32>} : memref<16x128xf32, #tpu.memory_space<vmem>>, vector<1x16xf32>,
    %broadcast_in_dim3A_735 = arith.constant 0.000000e+00 : f32
    %broadcast_in_dim3A_736 = vector.broadcast %broadcast_in_dim3A_735 : f32 to vector<16xf32>
    %swap3A_737 = arith.constant 11 : i32
    %swap3A_738 = arith.index_cast %swap3A_737 : i32 to index
    %swap3A_739 = arith.constant 64 : index
    %swap3A_740 = tpu.vector_load %arg16[%swap3A_738, %swap3A_739] {strides = array<i32>} : memref<16x128xf32, #tpu.memory_space<vmem>>, vector<1x16xf32>,
    %swap3A_741 = vector.shape_cast %swap3A_740 : vector<1x16xf32> to vector<16xf32>
    %swap3A_742 = vector.shape_cast %broadcast_in_dim3A_736 : vector<16xf32> to vector<1x16xf32>
    tpu.vector_store %arg16[%swap3A_738, %swap3A_739], %swap3A_742 {strides = array<i32>} : memref<16x128xf32, #tpu.memory_space<vmem>>, vector<1x16xf32>,
    %broadcast_in_dim3A_743 = arith.constant 0.000000e+00 : f32
    %broadcast_in_dim3A_744 = vector.broadcast %broadcast_in_dim3A_743 : f32 to vector<16xf32>
    %swap3A_745 = arith.constant 11 : i32
    %swap3A_746 = arith.index_cast %swap3A_745 : i32 to index
    %swap3A_747 = arith.constant 80 : index
    %swap3A_748 = tpu.vector_load %arg16[%swap3A_746, %swap3A_747] {strides = array<i32>} : memref<16x128xf32, #tpu.memory_space<vmem>>, vector<1x16xf32>,
    %swap3A_749 = vector.shape_cast %swap3A_748 : vector<1x16xf32> to vector<16xf32>
    %swap3A_750 = vector.shape_cast %broadcast_in_dim3A_744 : vector<16xf32> to vector<1x16xf32>
    tpu.vector_store %arg16[%swap3A_746, %swap3A_747], %swap3A_750 {strides = array<i32>} : memref<16x128xf32, #tpu.memory_space<vmem>>, vector<1x16xf32>,
    %broadcast_in_dim3A_751 = arith.constant 0.000000e+00 : f32
    %broadcast_in_dim3A_752 = vector.broadcast %broadcast_in_dim3A_751 : f32 to vector<16xf32>
    %swap3A_753 = arith.constant 11 : i32
    %swap3A_754 = arith.index_cast %swap3A_753 : i32 to index
    %swap3A_755 = arith.constant 96 : index
    %swap3A_756 = tpu.vector_load %arg16[%swap3A_754, %swap3A_755] {strides = array<i32>} : memref<16x128xf32, #tpu.memory_space<vmem>>, vector<1x16xf32>,
    %swap3A_757 = vector.shape_cast %swap3A_756 : vector<1x16xf32> to vector<16xf32>
    %swap3A_758 = vector.shape_cast %broadcast_in_dim3A_752 : vector<16xf32> to vector<1x16xf32>
    tpu.vector_store %arg16[%swap3A_754, %swap3A_755], %swap3A_758 {strides = array<i32>} : memref<16x128xf32, #tpu.memory_space<vmem>>, vector<1x16xf32>,
    %broadcast_in_dim3A_759 = arith.constant 0.000000e+00 : f32
    %broadcast_in_dim3A_760 = vector.broadcast %broadcast_in_dim3A_759 : f32 to vector<16xf32>
    %swap3A_761 = arith.constant 11 : i32
    %swap3A_762 = arith.index_cast %swap3A_761 : i32 to index
    %swap3A_763 = arith.constant 112 : index
    %swap3A_764 = tpu.vector_load %arg16[%swap3A_762, %swap3A_763] {strides = array<i32>} : memref<16x128xf32, #tpu.memory_space<vmem>>, vector<1x16xf32>,
    %swap3A_765 = vector.shape_cast %swap3A_764 : vector<1x16xf32> to vector<16xf32>
    %swap3A_766 = vector.shape_cast %broadcast_in_dim3A_760 : vector<16xf32> to vector<1x16xf32>
    tpu.vector_store %arg16[%swap3A_762, %swap3A_763], %swap3A_766 {strides = array<i32>} : memref<16x128xf32, #tpu.memory_space<vmem>>, vector<1x16xf32>,
    %broadcast_in_dim3A_767 = arith.constant 0.000000e+00 : f32
    %broadcast_in_dim3A_768 = vector.broadcast %broadcast_in_dim3A_767 : f32 to vector<16xf32>
    %swap3A_769 = arith.constant 12 : i32
    %swap3A_770 = arith.index_cast %swap3A_769 : i32 to index
    %swap3A_771 = arith.constant 0 : index
    %swap3A_772 = tpu.vector_load %arg16[%swap3A_770, %swap3A_771] {strides = array<i32>} : memref<16x128xf32, #tpu.memory_space<vmem>>, vector<1x16xf32>,
    %swap3A_773 = vector.shape_cast %swap3A_772 : vector<1x16xf32> to vector<16xf32>
    %swap3A_774 = vector.shape_cast %broadcast_in_dim3A_768 : vector<16xf32> to vector<1x16xf32>
    tpu.vector_store %arg16[%swap3A_770, %swap3A_771], %swap3A_774 {strides = array<i32>} : memref<16x128xf32, #tpu.memory_space<vmem>>, vector<1x16xf32>,
    %broadcast_in_dim3A_775 = arith.constant 0.000000e+00 : f32
    %broadcast_in_dim3A_776 = vector.broadcast %broadcast_in_dim3A_775 : f32 to vector<16xf32>
    %swap3A_777 = arith.constant 12 : i32
    %swap3A_778 = arith.index_cast %swap3A_777 : i32 to index
    %swap3A_779 = arith.constant 16 : index
    %swap3A_780 = tpu.vector_load %arg16[%swap3A_778, %swap3A_779] {strides = array<i32>} : memref<16x128xf32, #tpu.memory_space<vmem>>, vector<1x16xf32>,
    %swap3A_781 = vector.shape_cast %swap3A_780 : vector<1x16xf32> to vector<16xf32>
    %swap3A_782 = vector.shape_cast %broadcast_in_dim3A_776 : vector<16xf32> to vector<1x16xf32>
    tpu.vector_store %arg16[%swap3A_778, %swap3A_779], %swap3A_782 {strides = array<i32>} : memref<16x128xf32, #tpu.memory_space<vmem>>, vector<1x16xf32>,
    %broadcast_in_dim3A_783 = arith.constant 0.000000e+00 : f32
    %broadcast_in_dim3A_784 = vector.broadcast %broadcast_in_dim3A_783 : f32 to vector<16xf32>
    %swap3A_785 = arith.constant 12 : i32
    %swap3A_786 = arith.index_cast %swap3A_785 : i32 to index
    %swap3A_787 = arith.constant 32 : index
    %swap3A_788 = tpu.vector_load %arg16[%swap3A_786, %swap3A_787] {strides = array<i32>} : memref<16x128xf32, #tpu.memory_space<vmem>>, vector<1x16xf32>,
    %swap3A_789 = vector.shape_cast %swap3A_788 : vector<1x16xf32> to vector<16xf32>
    %swap3A_790 = vector.shape_cast %broadcast_in_dim3A_784 : vector<16xf32> to vector<1x16xf32>
    tpu.vector_store %arg16[%swap3A_786, %swap3A_787], %swap3A_790 {strides = array<i32>} : memref<16x128xf32, #tpu.memory_space<vmem>>, vector<1x16xf32>,
    %broadcast_in_dim3A_791 = arith.constant 0.000000e+00 : f32
    %broadcast_in_dim3A_792 = vector.broadcast %broadcast_in_dim3A_791 : f32 to vector<16xf32>
    %swap3A_793 = arith.constant 12 : i32
    %swap3A_794 = arith.index_cast %swap3A_793 : i32 to index
    %swap3A_795 = arith.constant 48 : index
    %swap3A_796 = tpu.vector_load %arg16[%swap3A_794, %swap3A_795] {strides = array<i32>} : memref<16x128xf32, #tpu.memory_space<vmem>>, vector<1x16xf32>,
    %swap3A_797 = vector.shape_cast %swap3A_796 : vector<1x16xf32> to vector<16xf32>
    %swap3A_798 = vector.shape_cast %broadcast_in_dim3A_792 : vector<16xf32> to vector<1x16xf32>
    tpu.vector_store %arg16[%swap3A_794, %swap3A_795], %swap3A_798 {strides = array<i32>} : memref<16x128xf32, #tpu.memory_space<vmem>>, vector<1x16xf32>,
    %broadcast_in_dim3A_799 = arith.constant 0.000000e+00 : f32
    %broadcast_in_dim3A_800 = vector.broadcast %broadcast_in_dim3A_799 : f32 to vector<16xf32>
    %swap3A_801 = arith.constant 12 : i32
    %swap3A_802 = arith.index_cast %swap3A_801 : i32 to index
    %swap3A_803 = arith.constant 64 : index
    %swap3A_804 = tpu.vector_load %arg16[%swap3A_802, %swap3A_803] {strides = array<i32>} : memref<16x128xf32, #tpu.memory_space<vmem>>, vector<1x16xf32>,
    %swap3A_805 = vector.shape_cast %swap3A_804 : vector<1x16xf32> to vector<16xf32>
    %swap3A_806 = vector.shape_cast %broadcast_in_dim3A_800 : vector<16xf32> to vector<1x16xf32>
    tpu.vector_store %arg16[%swap3A_802, %swap3A_803], %swap3A_806 {strides = array<i32>} : memref<16x128xf32, #tpu.memory_space<vmem>>, vector<1x16xf32>,
    %broadcast_in_dim3A_807 = arith.constant 0.000000e+00 : f32
    %broadcast_in_dim3A_808 = vector.broadcast %broadcast_in_dim3A_807 : f32 to vector<16xf32>
    %swap3A_809 = arith.constant 12 : i32
    %swap3A_810 = arith.index_cast %swap3A_809 : i32 to index
    %swap3A_811 = arith.constant 80 : index
    %swap3A_812 = tpu.vector_load %arg16[%swap3A_810, %swap3A_811] {strides = array<i32>} : memref<16x128xf32, #tpu.memory_space<vmem>>, vector<1x16xf32>,
    %swap3A_813 = vector.shape_cast %swap3A_812 : vector<1x16xf32> to vector<16xf32>
    %swap3A_814 = vector.shape_cast %broadcast_in_dim3A_808 : vector<16xf32> to vector<1x16xf32>
    tpu.vector_store %arg16[%swap3A_810, %swap3A_811], %swap3A_814 {strides = array<i32>} : memref<16x128xf32, #tpu.memory_space<vmem>>, vector<1x16xf32>,
    %broadcast_in_dim3A_815 = arith.constant 0.000000e+00 : f32
    %broadcast_in_dim3A_816 = vector.broadcast %broadcast_in_dim3A_815 : f32 to vector<16xf32>
    %swap3A_817 = arith.constant 12 : i32
    %swap3A_818 = arith.index_cast %swap3A_817 : i32 to index
    %swap3A_819 = arith.constant 96 : index
    %swap3A_820 = tpu.vector_load %arg16[%swap3A_818, %swap3A_819] {strides = array<i32>} : memref<16x128xf32, #tpu.memory_space<vmem>>, vector<1x16xf32>,
    %swap3A_821 = vector.shape_cast %swap3A_820 : vector<1x16xf32> to vector<16xf32>
    %swap3A_822 = vector.shape_cast %broadcast_in_dim3A_816 : vector<16xf32> to vector<1x16xf32>
    tpu.vector_store %arg16[%swap3A_818, %swap3A_819], %swap3A_822 {strides = array<i32>} : memref<16x128xf32, #tpu.memory_space<vmem>>, vector<1x16xf32>,
    %broadcast_in_dim3A_823 = arith.constant 0.000000e+00 : f32
    %broadcast_in_dim3A_824 = vector.broadcast %broadcast_in_dim3A_823 : f32 to vector<16xf32>
    %swap3A_825 = arith.constant 12 : i32
    %swap3A_826 = arith.index_cast %swap3A_825 : i32 to index
    %swap3A_827 = arith.constant 112 : index
    %swap3A_828 = tpu.vector_load %arg16[%swap3A_826, %swap3A_827] {strides = array<i32>} : memref<16x128xf32, #tpu.memory_space<vmem>>, vector<1x16xf32>,
    %swap3A_829 = vector.shape_cast %swap3A_828 : vector<1x16xf32> to vector<16xf32>
    %swap3A_830 = vector.shape_cast %broadcast_in_dim3A_824 : vector<16xf32> to vector<1x16xf32>
    tpu.vector_store %arg16[%swap3A_826, %swap3A_827], %swap3A_830 {strides = array<i32>} : memref<16x128xf32, #tpu.memory_space<vmem>>, vector<1x16xf32>,
    %broadcast_in_dim3A_831 = arith.constant 0.000000e+00 : f32
    %broadcast_in_dim3A_832 = vector.broadcast %broadcast_in_dim3A_831 : f32 to vector<16xf32>
    %swap3A_833 = arith.constant 13 : i32
    %swap3A_834 = arith.index_cast %swap3A_833 : i32 to index
    %swap3A_835 = arith.constant 0 : index
    %swap3A_836 = tpu.vector_load %arg16[%swap3A_834, %swap3A_835] {strides = array<i32>} : memref<16x128xf32, #tpu.memory_space<vmem>>, vector<1x16xf32>,
    %swap3A_837 = vector.shape_cast %swap3A_836 : vector<1x16xf32> to vector<16xf32>
    %swap3A_838 = vector.shape_cast %broadcast_in_dim3A_832 : vector<16xf32> to vector<1x16xf32>
    tpu.vector_store %arg16[%swap3A_834, %swap3A_835], %swap3A_838 {strides = array<i32>} : memref<16x128xf32, #tpu.memory_space<vmem>>, vector<1x16xf32>,
    %broadcast_in_dim3A_839 = arith.constant 0.000000e+00 : f32
    %broadcast_in_dim3A_840 = vector.broadcast %broadcast_in_dim3A_839 : f32 to vector<16xf32>
    %swap3A_841 = arith.constant 13 : i32
    %swap3A_842 = arith.index_cast %swap3A_841 : i32 to index
    %swap3A_843 = arith.constant 16 : index
    %swap3A_844 = tpu.vector_load %arg16[%swap3A_842, %swap3A_843] {strides = array<i32>} : memref<16x128xf32, #tpu.memory_space<vmem>>, vector<1x16xf32>,
    %swap3A_845 = vector.shape_cast %swap3A_844 : vector<1x16xf32> to vector<16xf32>
    %swap3A_846 = vector.shape_cast %broadcast_in_dim3A_840 : vector<16xf32> to vector<1x16xf32>
    tpu.vector_store %arg16[%swap3A_842, %swap3A_843], %swap3A_846 {strides = array<i32>} : memref<16x128xf32, #tpu.memory_space<vmem>>, vector<1x16xf32>,
    %broadcast_in_dim3A_847 = arith.constant 0.000000e+00 : f32
    %broadcast_in_dim3A_848 = vector.broadcast %broadcast_in_dim3A_847 : f32 to vector<16xf32>
    %swap3A_849 = arith.constant 13 : i32
    %swap3A_850 = arith.index_cast %swap3A_849 : i32 to index
    %swap3A_851 = arith.constant 32 : index
    %swap3A_852 = tpu.vector_load %arg16[%swap3A_850, %swap3A_851] {strides = array<i32>} : memref<16x128xf32, #tpu.memory_space<vmem>>, vector<1x16xf32>,
    %swap3A_853 = vector.shape_cast %swap3A_852 : vector<1x16xf32> to vector<16xf32>
    %swap3A_854 = vector.shape_cast %broadcast_in_dim3A_848 : vector<16xf32> to vector<1x16xf32>
    tpu.vector_store %arg16[%swap3A_850, %swap3A_851], %swap3A_854 {strides = array<i32>} : memref<16x128xf32, #tpu.memory_space<vmem>>, vector<1x16xf32>,
    %broadcast_in_dim3A_855 = arith.constant 0.000000e+00 : f32
    %broadcast_in_dim3A_856 = vector.broadcast %broadcast_in_dim3A_855 : f32 to vector<16xf32>
    %swap3A_857 = arith.constant 13 : i32
    %swap3A_858 = arith.index_cast %swap3A_857 : i32 to index
    %swap3A_859 = arith.constant 48 : index
    %swap3A_860 = tpu.vector_load %arg16[%swap3A_858, %swap3A_859] {strides = array<i32>} : memref<16x128xf32, #tpu.memory_space<vmem>>, vector<1x16xf32>,
    %swap3A_861 = vector.shape_cast %swap3A_860 : vector<1x16xf32> to vector<16xf32>
    %swap3A_862 = vector.shape_cast %broadcast_in_dim3A_856 : vector<16xf32> to vector<1x16xf32>
    tpu.vector_store %arg16[%swap3A_858, %swap3A_859], %swap3A_862 {strides = array<i32>} : memref<16x128xf32, #tpu.memory_space<vmem>>, vector<1x16xf32>,
    %broadcast_in_dim3A_863 = arith.constant 0.000000e+00 : f32
    %broadcast_in_dim3A_864 = vector.broadcast %broadcast_in_dim3A_863 : f32 to vector<16xf32>
    %swap3A_865 = arith.constant 13 : i32
    %swap3A_866 = arith.index_cast %swap3A_865 : i32 to index
    %swap3A_867 = arith.constant 64 : index
    %swap3A_868 = tpu.vector_load %arg16[%swap3A_866, %swap3A_867] {strides = array<i32>} : memref<16x128xf32, #tpu.memory_space<vmem>>, vector<1x16xf32>,
    %swap3A_869 = vector.shape_cast %swap3A_868 : vector<1x16xf32> to vector<16xf32>
    %swap3A_870 = vector.shape_cast %broadcast_in_dim3A_864 : vector<16xf32> to vector<1x16xf32>
    tpu.vector_store %arg16[%swap3A_866, %swap3A_867], %swap3A_870 {strides = array<i32>} : memref<16x128xf32, #tpu.memory_space<vmem>>, vector<1x16xf32>,
    %broadcast_in_dim3A_871 = arith.constant 0.000000e+00 : f32
    %broadcast_in_dim3A_872 = vector.broadcast %broadcast_in_dim3A_871 : f32 to vector<16xf32>
    %swap3A_873 = arith.constant 13 : i32
    %swap3A_874 = arith.index_cast %swap3A_873 : i32 to index
    %swap3A_875 = arith.constant 80 : index
    %swap3A_876 = tpu.vector_load %arg16[%swap3A_874, %swap3A_875] {strides = array<i32>} : memref<16x128xf32, #tpu.memory_space<vmem>>, vector<1x16xf32>,
    %swap3A_877 = vector.shape_cast %swap3A_876 : vector<1x16xf32> to vector<16xf32>
    %swap3A_878 = vector.shape_cast %broadcast_in_dim3A_872 : vector<16xf32> to vector<1x16xf32>
    tpu.vector_store %arg16[%swap3A_874, %swap3A_875], %swap3A_878 {strides = array<i32>} : memref<16x128xf32, #tpu.memory_space<vmem>>, vector<1x16xf32>,
    %broadcast_in_dim3A_879 = arith.constant 0.000000e+00 : f32
    %broadcast_in_dim3A_880 = vector.broadcast %broadcast_in_dim3A_879 : f32 to vector<16xf32>
    %swap3A_881 = arith.constant 13 : i32
    %swap3A_882 = arith.index_cast %swap3A_881 : i32 to index
    %swap3A_883 = arith.constant 96 : index
    %swap3A_884 = tpu.vector_load %arg16[%swap3A_882, %swap3A_883] {strides = array<i32>} : memref<16x128xf32, #tpu.memory_space<vmem>>, vector<1x16xf32>,
    %swap3A_885 = vector.shape_cast %swap3A_884 : vector<1x16xf32> to vector<16xf32>
    %swap3A_886 = vector.shape_cast %broadcast_in_dim3A_880 : vector<16xf32> to vector<1x16xf32>
    tpu.vector_store %arg16[%swap3A_882, %swap3A_883], %swap3A_886 {strides = array<i32>} : memref<16x128xf32, #tpu.memory_space<vmem>>, vector<1x16xf32>,
    %broadcast_in_dim3A_887 = arith.constant 0.000000e+00 : f32
    %broadcast_in_dim3A_888 = vector.broadcast %broadcast_in_dim3A_887 : f32 to vector<16xf32>
    %swap3A_889 = arith.constant 13 : i32
    %swap3A_890 = arith.index_cast %swap3A_889 : i32 to index
    %swap3A_891 = arith.constant 112 : index
    %swap3A_892 = tpu.vector_load %arg16[%swap3A_890, %swap3A_891] {strides = array<i32>} : memref<16x128xf32, #tpu.memory_space<vmem>>, vector<1x16xf32>,
    %swap3A_893 = vector.shape_cast %swap3A_892 : vector<1x16xf32> to vector<16xf32>
    %swap3A_894 = vector.shape_cast %broadcast_in_dim3A_888 : vector<16xf32> to vector<1x16xf32>
    tpu.vector_store %arg16[%swap3A_890, %swap3A_891], %swap3A_894 {strides = array<i32>} : memref<16x128xf32, #tpu.memory_space<vmem>>, vector<1x16xf32>,
    %broadcast_in_dim3A_895 = arith.constant 0.000000e+00 : f32
    %broadcast_in_dim3A_896 = vector.broadcast %broadcast_in_dim3A_895 : f32 to vector<16xf32>
    %swap3A_897 = arith.constant 14 : i32
    %swap3A_898 = arith.index_cast %swap3A_897 : i32 to index
    %swap3A_899 = arith.constant 0 : index
    %swap3A_900 = tpu.vector_load %arg16[%swap3A_898, %swap3A_899] {strides = array<i32>} : memref<16x128xf32, #tpu.memory_space<vmem>>, vector<1x16xf32>,
    %swap3A_901 = vector.shape_cast %swap3A_900 : vector<1x16xf32> to vector<16xf32>
    %swap3A_902 = vector.shape_cast %broadcast_in_dim3A_896 : vector<16xf32> to vector<1x16xf32>
    tpu.vector_store %arg16[%swap3A_898, %swap3A_899], %swap3A_902 {strides = array<i32>} : memref<16x128xf32, #tpu.memory_space<vmem>>, vector<1x16xf32>,
    %broadcast_in_dim3A_903 = arith.constant 0.000000e+00 : f32
    %broadcast_in_dim3A_904 = vector.broadcast %broadcast_in_dim3A_903 : f32 to vector<16xf32>
    %swap3A_905 = arith.constant 14 : i32
    %swap3A_906 = arith.index_cast %swap3A_905 : i32 to index
    %swap3A_907 = arith.constant 16 : index
    %swap3A_908 = tpu.vector_load %arg16[%swap3A_906, %swap3A_907] {strides = array<i32>} : memref<16x128xf32, #tpu.memory_space<vmem>>, vector<1x16xf32>,
    %swap3A_909 = vector.shape_cast %swap3A_908 : vector<1x16xf32> to vector<16xf32>
    %swap3A_910 = vector.shape_cast %broadcast_in_dim3A_904 : vector<16xf32> to vector<1x16xf32>
    tpu.vector_store %arg16[%swap3A_906, %swap3A_907], %swap3A_910 {strides = array<i32>} : memref<16x128xf32, #tpu.memory_space<vmem>>, vector<1x16xf32>,
    %broadcast_in_dim3A_911 = arith.constant 0.000000e+00 : f32
    %broadcast_in_dim3A_912 = vector.broadcast %broadcast_in_dim3A_911 : f32 to vector<16xf32>
    %swap3A_913 = arith.constant 14 : i32
    %swap3A_914 = arith.index_cast %swap3A_913 : i32 to index
    %swap3A_915 = arith.constant 32 : index
    %swap3A_916 = tpu.vector_load %arg16[%swap3A_914, %swap3A_915] {strides = array<i32>} : memref<16x128xf32, #tpu.memory_space<vmem>>, vector<1x16xf32>,
    %swap3A_917 = vector.shape_cast %swap3A_916 : vector<1x16xf32> to vector<16xf32>
    %swap3A_918 = vector.shape_cast %broadcast_in_dim3A_912 : vector<16xf32> to vector<1x16xf32>
    tpu.vector_store %arg16[%swap3A_914, %swap3A_915], %swap3A_918 {strides = array<i32>} : memref<16x128xf32, #tpu.memory_space<vmem>>, vector<1x16xf32>,
    %broadcast_in_dim3A_919 = arith.constant 0.000000e+00 : f32
    %broadcast_in_dim3A_920 = vector.broadcast %broadcast_in_dim3A_919 : f32 to vector<16xf32>
    %swap3A_921 = arith.constant 14 : i32
    %swap3A_922 = arith.index_cast %swap3A_921 : i32 to index
    %swap3A_923 = arith.constant 48 : index
    %swap3A_924 = tpu.vector_load %arg16[%swap3A_922, %swap3A_923] {strides = array<i32>} : memref<16x128xf32, #tpu.memory_space<vmem>>, vector<1x16xf32>,
    %swap3A_925 = vector.shape_cast %swap3A_924 : vector<1x16xf32> to vector<16xf32>
    %swap3A_926 = vector.shape_cast %broadcast_in_dim3A_920 : vector<16xf32> to vector<1x16xf32>
    tpu.vector_store %arg16[%swap3A_922, %swap3A_923], %swap3A_926 {strides = array<i32>} : memref<16x128xf32, #tpu.memory_space<vmem>>, vector<1x16xf32>,
    %broadcast_in_dim3A_927 = arith.constant 0.000000e+00 : f32
    %broadcast_in_dim3A_928 = vector.broadcast %broadcast_in_dim3A_927 : f32 to vector<16xf32>
    %swap3A_929 = arith.constant 14 : i32
    %swap3A_930 = arith.index_cast %swap3A_929 : i32 to index
    %swap3A_931 = arith.constant 64 : index
    %swap3A_932 = tpu.vector_load %arg16[%swap3A_930, %swap3A_931] {strides = array<i32>} : memref<16x128xf32, #tpu.memory_space<vmem>>, vector<1x16xf32>,
    %swap3A_933 = vector.shape_cast %swap3A_932 : vector<1x16xf32> to vector<16xf32>
    %swap3A_934 = vector.shape_cast %broadcast_in_dim3A_928 : vector<16xf32> to vector<1x16xf32>
    tpu.vector_store %arg16[%swap3A_930, %swap3A_931], %swap3A_934 {strides = array<i32>} : memref<16x128xf32, #tpu.memory_space<vmem>>, vector<1x16xf32>,
    %broadcast_in_dim3A_935 = arith.constant 0.000000e+00 : f32
    %broadcast_in_dim3A_936 = vector.broadcast %broadcast_in_dim3A_935 : f32 to vector<16xf32>
    %swap3A_937 = arith.constant 14 : i32
    %swap3A_938 = arith.index_cast %swap3A_937 : i32 to index
    %swap3A_939 = arith.constant 80 : index
    %swap3A_940 = tpu.vector_load %arg16[%swap3A_938, %swap3A_939] {strides = array<i32>} : memref<16x128xf32, #tpu.memory_space<vmem>>, vector<1x16xf32>,
    %swap3A_941 = vector.shape_cast %swap3A_940 : vector<1x16xf32> to vector<16xf32>
    %swap3A_942 = vector.shape_cast %broadcast_in_dim3A_936 : vector<16xf32> to vector<1x16xf32>
    tpu.vector_store %arg16[%swap3A_938, %swap3A_939], %swap3A_942 {strides = array<i32>} : memref<16x128xf32, #tpu.memory_space<vmem>>, vector<1x16xf32>,
    %broadcast_in_dim3A_943 = arith.constant 0.000000e+00 : f32
    %broadcast_in_dim3A_944 = vector.broadcast %broadcast_in_dim3A_943 : f32 to vector<16xf32>
    %swap3A_945 = arith.constant 14 : i32
    %swap3A_946 = arith.index_cast %swap3A_945 : i32 to index
    %swap3A_947 = arith.constant 96 : index
    %swap3A_948 = tpu.vector_load %arg16[%swap3A_946, %swap3A_947] {strides = array<i32>} : memref<16x128xf32, #tpu.memory_space<vmem>>, vector<1x16xf32>,
    %swap3A_949 = vector.shape_cast %swap3A_948 : vector<1x16xf32> to vector<16xf32>
    %swap3A_950 = vector.shape_cast %broadcast_in_dim3A_944 : vector<16xf32> to vector<1x16xf32>
    tpu.vector_store %arg16[%swap3A_946, %swap3A_947], %swap3A_950 {strides = array<i32>} : memref<16x128xf32, #tpu.memory_space<vmem>>, vector<1x16xf32>,
    %broadcast_in_dim3A_951 = arith.constant 0.000000e+00 : f32
    %broadcast_in_dim3A_952 = vector.broadcast %broadcast_in_dim3A_951 : f32 to vector<16xf32>
    %swap3A_953 = arith.constant 14 : i32
    %swap3A_954 = arith.index_cast %swap3A_953 : i32 to index
    %swap3A_955 = arith.constant 112 : index
    %swap3A_956 = tpu.vector_load %arg16[%swap3A_954, %swap3A_955] {strides = array<i32>} : memref<16x128xf32, #tpu.memory_space<vmem>>, vector<1x16xf32>,
    %swap3A_957 = vector.shape_cast %swap3A_956 : vector<1x16xf32> to vector<16xf32>
    %swap3A_958 = vector.shape_cast %broadcast_in_dim3A_952 : vector<16xf32> to vector<1x16xf32>
    tpu.vector_store %arg16[%swap3A_954, %swap3A_955], %swap3A_958 {strides = array<i32>} : memref<16x128xf32, #tpu.memory_space<vmem>>, vector<1x16xf32>,
    %broadcast_in_dim3A_959 = arith.constant 0.000000e+00 : f32
    %broadcast_in_dim3A_960 = vector.broadcast %broadcast_in_dim3A_959 : f32 to vector<16xf32>
    %swap3A_961 = arith.constant 15 : i32
    %swap3A_962 = arith.index_cast %swap3A_961 : i32 to index
    %swap3A_963 = arith.constant 0 : index
    %swap3A_964 = tpu.vector_load %arg16[%swap3A_962, %swap3A_963] {strides = array<i32>} : memref<16x128xf32, #tpu.memory_space<vmem>>, vector<1x16xf32>,
    %swap3A_965 = vector.shape_cast %swap3A_964 : vector<1x16xf32> to vector<16xf32>
    %swap3A_966 = vector.shape_cast %broadcast_in_dim3A_960 : vector<16xf32> to vector<1x16xf32>
    tpu.vector_store %arg16[%swap3A_962, %swap3A_963], %swap3A_966 {strides = array<i32>} : memref<16x128xf32, #tpu.memory_space<vmem>>, vector<1x16xf32>,
    %broadcast_in_dim3A_967 = arith.constant 0.000000e+00 : f32
    %broadcast_in_dim3A_968 = vector.broadcast %broadcast_in_dim3A_967 : f32 to vector<16xf32>
    %swap3A_969 = arith.constant 15 : i32
    %swap3A_970 = arith.index_cast %swap3A_969 : i32 to index
    %swap3A_971 = arith.constant 16 : index
    %swap3A_972 = tpu.vector_load %arg16[%swap3A_970, %swap3A_971] {strides = array<i32>} : memref<16x128xf32, #tpu.memory_space<vmem>>, vector<1x16xf32>,
    %swap3A_973 = vector.shape_cast %swap3A_972 : vector<1x16xf32> to vector<16xf32>
    %swap3A_974 = vector.shape_cast %broadcast_in_dim3A_968 : vector<16xf32> to vector<1x16xf32>
    tpu.vector_store %arg16[%swap3A_970, %swap3A_971], %swap3A_974 {strides = array<i32>} : memref<16x128xf32, #tpu.memory_space<vmem>>, vector<1x16xf32>,
    %broadcast_in_dim3A_975 = arith.constant 0.000000e+00 : f32
    %broadcast_in_dim3A_976 = vector.broadcast %broadcast_in_dim3A_975 : f32 to vector<16xf32>
    %swap3A_977 = arith.constant 15 : i32
    %swap3A_978 = arith.index_cast %swap3A_977 : i32 to index
    %swap3A_979 = arith.constant 32 : index
    %swap3A_980 = tpu.vector_load %arg16[%swap3A_978, %swap3A_979] {strides = array<i32>} : memref<16x128xf32, #tpu.memory_space<vmem>>, vector<1x16xf32>,
    %swap3A_981 = vector.shape_cast %swap3A_980 : vector<1x16xf32> to vector<16xf32>
    %swap3A_982 = vector.shape_cast %broadcast_in_dim3A_976 : vector<16xf32> to vector<1x16xf32>
    tpu.vector_store %arg16[%swap3A_978, %swap3A_979], %swap3A_982 {strides = array<i32>} : memref<16x128xf32, #tpu.memory_space<vmem>>, vector<1x16xf32>,
    %broadcast_in_dim3A_983 = arith.constant 0.000000e+00 : f32
    %broadcast_in_dim3A_984 = vector.broadcast %broadcast_in_dim3A_983 : f32 to vector<16xf32>
    %swap3A_985 = arith.constant 15 : i32
    %swap3A_986 = arith.index_cast %swap3A_985 : i32 to index
    %swap3A_987 = arith.constant 48 : index
    %swap3A_988 = tpu.vector_load %arg16[%swap3A_986, %swap3A_987] {strides = array<i32>} : memref<16x128xf32, #tpu.memory_space<vmem>>, vector<1x16xf32>,
    %swap3A_989 = vector.shape_cast %swap3A_988 : vector<1x16xf32> to vector<16xf32>
    %swap3A_990 = vector.shape_cast %broadcast_in_dim3A_984 : vector<16xf32> to vector<1x16xf32>
    tpu.vector_store %arg16[%swap3A_986, %swap3A_987], %swap3A_990 {strides = array<i32>} : memref<16x128xf32, #tpu.memory_space<vmem>>, vector<1x16xf32>,
    %broadcast_in_dim3A_991 = arith.constant 0.000000e+00 : f32
    %broadcast_in_dim3A_992 = vector.broadcast %broadcast_in_dim3A_991 : f32 to vector<16xf32>
    %swap3A_993 = arith.constant 15 : i32
    %swap3A_994 = arith.index_cast %swap3A_993 : i32 to index
    %swap3A_995 = arith.constant 64 : index
    %swap3A_996 = tpu.vector_load %arg16[%swap3A_994, %swap3A_995] {strides = array<i32>} : memref<16x128xf32, #tpu.memory_space<vmem>>, vector<1x16xf32>,
    %swap3A_997 = vector.shape_cast %swap3A_996 : vector<1x16xf32> to vector<16xf32>
    %swap3A_998 = vector.shape_cast %broadcast_in_dim3A_992 : vector<16xf32> to vector<1x16xf32>
    tpu.vector_store %arg16[%swap3A_994, %swap3A_995], %swap3A_998 {strides = array<i32>} : memref<16x128xf32, #tpu.memory_space<vmem>>, vector<1x16xf32>,
    %broadcast_in_dim3A_999 = arith.constant 0.000000e+00 : f32
    %broadcast_in_dim3A_1000 = vector.broadcast %broadcast_in_dim3A_999 : f32 to vector<16xf32>
    %swap3A_1001 = arith.constant 15 : i32
    %swap3A_1002 = arith.index_cast %swap3A_1001 : i32 to index
    %swap3A_1003 = arith.constant 80 : index
    %swap3A_1004 = tpu.vector_load %arg16[%swap3A_1002, %swap3A_1003] {strides = array<i32>} : memref<16x128xf32, #tpu.memory_space<vmem>>, vector<1x16xf32>,
    %swap3A_1005 = vector.shape_cast %swap3A_1004 : vector<1x16xf32> to vector<16xf32>
    %swap3A_1006 = vector.shape_cast %broadcast_in_dim3A_1000 : vector<16xf32> to vector<1x16xf32>
    tpu.vector_store %arg16[%swap3A_1002, %swap3A_1003], %swap3A_1006 {strides = array<i32>} : memref<16x128xf32, #tpu.memory_space<vmem>>, vector<1x16xf32>,
    %broadcast_in_dim3A_1007 = arith.constant 0.000000e+00 : f32
    %broadcast_in_dim3A_1008 = vector.broadcast %broadcast_in_dim3A_1007 : f32 to vector<16xf32>
    %swap3A_1009 = arith.constant 15 : i32
    %swap3A_1010 = arith.index_cast %swap3A_1009 : i32 to index
    %swap3A_1011 = arith.constant 96 : index
    %swap3A_1012 = tpu.vector_load %arg16[%swap3A_1010, %swap3A_1011] {strides = array<i32>} : memref<16x128xf32, #tpu.memory_space<vmem>>, vector<1x16xf32>,
    %swap3A_1013 = vector.shape_cast %swap3A_1012 : vector<1x16xf32> to vector<16xf32>
    %swap3A_1014 = vector.shape_cast %broadcast_in_dim3A_1008 : vector<16xf32> to vector<1x16xf32>
    tpu.vector_store %arg16[%swap3A_1010, %swap3A_1011], %swap3A_1014 {strides = array<i32>} : memref<16x128xf32, #tpu.memory_space<vmem>>, vector<1x16xf32>,
    %broadcast_in_dim3A_1015 = arith.constant 0.000000e+00 : f32
    %broadcast_in_dim3A_1016 = vector.broadcast %broadcast_in_dim3A_1015 : f32 to vector<16xf32>
    %swap3A_1017 = arith.constant 15 : i32
    %swap3A_1018 = arith.index_cast %swap3A_1017 : i32 to index
    %swap3A_1019 = arith.constant 112 : index
    %swap3A_1020 = tpu.vector_load %arg16[%swap3A_1018, %swap3A_1019] {strides = array<i32>} : memref<16x128xf32, #tpu.memory_space<vmem>>, vector<1x16xf32>,
    %swap3A_1021 = vector.shape_cast %swap3A_1020 : vector<1x16xf32> to vector<16xf32>
    %swap3A_1022 = vector.shape_cast %broadcast_in_dim3A_1016 : vector<16xf32> to vector<1x16xf32>
    tpu.vector_store %arg16[%swap3A_1018, %swap3A_1019], %swap3A_1022 {strides = array<i32>} : memref<16x128xf32, #tpu.memory_space<vmem>>, vector<1x16xf32>,
    %mul3A_1023 = arith.constant 624 : i32
    %mul3A_1024 = arith.muli %arg1, %mul3A_1023 : i32
    %add3A = arith.constant 0 : i32
    %add3A_1025 = arith.addi %mul3A_1024, %add3A : i32
    "tpu.region"() ({
      %run_scoped3A = tpu.sem_alloc : memref<!tpu.dma_semaphore, #tpu.memory_space<semaphore_mem>>
      %dma_start3A_1210 = arith.constant 0 : i32
      %dma_start3A_1211 = tpu.memref_slice %arg6[%add3A_1025, %dma_start3A_1210] : memref<10000x128xf32, #tpu.memory_space<vmem_shared>> -> memref<16x128xf32, #tpu.memory_space<vmem_shared>>
      %dma_start3A_1212 = arith.constant 0 : i32
      %dma_start3A_1213 = tpu.memref_slice %arg6[%add3A_1025, %dma_start3A_1212] : memref<10000x128xf32, #tpu.memory_space<vmem_shared>> -> memref<16x128xf32, #tpu.memory_space<vmem_shared>>
      tpu.enqueue_dma source(%arg16 : memref<16x128xf32, #tpu.memory_space<vmem>>) target(%dma_start3A_1213 : memref<16x128xf32, #tpu.memory_space<vmem_shared>>) target_semaphore(%run_scoped3A : memref<!tpu.dma_semaphore, #tpu.memory_space<semaphore_mem>>)
      %dma_wait3A = arith.constant 0 : i32
      %dma_wait3A_1214 = tpu.memref_slice %arg6[%add3A_1025, %dma_wait3A] : memref<10000x128xf32, #tpu.memory_space<vmem_shared>> -> memref<16x128xf32, #tpu.memory_space<vmem_shared>>
      %dma_wait3A_1215 = arith.constant 0 : i32
      %dma_wait3A_1216 = tpu.memref_slice %arg6[%add3A_1025, %dma_wait3A_1215] : memref<10000x128xf32, #tpu.memory_space<vmem_shared>> -> memref<16x128xf32, #tpu.memory_space<vmem_shared>>
      tpu.wait_dma2 semaphore(%run_scoped3A : memref<!tpu.dma_semaphore, #tpu.memory_space<semaphore_mem>>) src(%arg16 : memref<16x128xf32, #tpu.memory_space<vmem>>) dst(%dma_wait3A_1216 : memref<16x128xf32, #tpu.memory_space<vmem_shared>>)
      tpu.yield
    }) : () -> ()
    %add3A_1026 = arith.constant 16 : i32
    %add3A_1027 = arith.addi %mul3A_1024, %add3A_1026 : i32
    "tpu.region"() ({
      %run_scoped3A = tpu.sem_alloc : memref<!tpu.dma_semaphore, #tpu.memory_space<semaphore_mem>>
      %dma_start3A_1210 = arith.constant 0 : i32
      %dma_start3A_1211 = tpu.memref_slice %arg6[%add3A_1027, %dma_start3A_1210] : memref<10000x128xf32, #tpu.memory_space<vmem_shared>> -> memref<16x128xf32, #tpu.memory_space<vmem_shared>>
      %dma_start3A_1212 = arith.constant 0 : i32
      %dma_start3A_1213 = tpu.memref_slice %arg6[%add3A_1027, %dma_start3A_1212] : memref<10000x128xf32, #tpu.memory_space<vmem_shared>> -> memref<16x128xf32, #tpu.memory_space<vmem_shared>>
      tpu.enqueue_dma source(%arg16 : memref<16x128xf32, #tpu.memory_space<vmem>>) target(%dma_start3A_1213 : memref<16x128xf32, #tpu.memory_space<vmem_shared>>) target_semaphore(%run_scoped3A : memref<!tpu.dma_semaphore, #tpu.memory_space<semaphore_mem>>)
      %dma_wait3A = arith.constant 0 : i32
      %dma_wait3A_1214 = tpu.memref_slice %arg6[%add3A_1027, %dma_wait3A] : memref<10000x128xf32, #tpu.memory_space<vmem_shared>> -> memref<16x128xf32, #tpu.memory_space<vmem_shared>>
      %dma_wait3A_1215 = arith.constant 0 : i32
      %dma_wait3A_1216 = tpu.memref_slice %arg6[%add3A_1027, %dma_wait3A_1215] : memref<10000x128xf32, #tpu.memory_space<vmem_shared>> -> memref<16x128xf32, #tpu.memory_space<vmem_shared>>
      tpu.wait_dma2 semaphore(%run_scoped3A : memref<!tpu.dma_semaphore, #tpu.memory_space<semaphore_mem>>) src(%arg16 : memref<16x128xf32, #tpu.memory_space<vmem>>) dst(%dma_wait3A_1216 : memref<16x128xf32, #tpu.memory_space<vmem_shared>>)
      tpu.yield
    }) : () -> ()
    %add3A_1028 = arith.constant 32 : i32
    %add3A_1029 = arith.addi %mul3A_1024, %add3A_1028 : i32
    "tpu.region"() ({
      %run_scoped3A = tpu.sem_alloc : memref<!tpu.dma_semaphore, #tpu.memory_space<semaphore_mem>>
      %dma_start3A_1210 = arith.constant 0 : i32
      %dma_start3A_1211 = tpu.memref_slice %arg6[%add3A_1029, %dma_start3A_1210] : memref<10000x128xf32, #tpu.memory_space<vmem_shared>> -> memref<16x128xf32, #tpu.memory_space<vmem_shared>>
      %dma_start3A_1212 = arith.constant 0 : i32
      %dma_start3A_1213 = tpu.memref_slice %arg6[%add3A_1029, %dma_start3A_1212] : memref<10000x128xf32, #tpu.memory_space<vmem_shared>> -> memref<16x128xf32, #tpu.memory_space<vmem_shared>>
      tpu.enqueue_dma source(%arg16 : memref<16x128xf32, #tpu.memory_space<vmem>>) target(%dma_start3A_1213 : memref<16x128xf32, #tpu.memory_space<vmem_shared>>) target_semaphore(%run_scoped3A : memref<!tpu.dma_semaphore, #tpu.memory_space<semaphore_mem>>)
      %dma_wait3A = arith.constant 0 : i32
      %dma_wait3A_1214 = tpu.memref_slice %arg6[%add3A_1029, %dma_wait3A] : memref<10000x128xf32, #tpu.memory_space<vmem_shared>> -> memref<16x128xf32, #tpu.memory_space<vmem_shared>>
      %dma_wait3A_1215 = arith.constant 0 : i32
      %dma_wait3A_1216 = tpu.memref_slice %arg6[%add3A_1029, %dma_wait3A_1215] : memref<10000x128xf32, #tpu.memory_space<vmem_shared>> -> memref<16x128xf32, #tpu.memory_space<vmem_shared>>
      tpu.wait_dma2 semaphore(%run_scoped3A : memref<!tpu.dma_semaphore, #tpu.memory_space<semaphore_mem>>) src(%arg16 : memref<16x128xf32, #tpu.memory_space<vmem>>) dst(%dma_wait3A_1216 : memref<16x128xf32, #tpu.memory_space<vmem_shared>>)
      tpu.yield
    }) : () -> ()
    %add3A_1030 = arith.constant 48 : i32
    %add3A_1031 = arith.addi %mul3A_1024, %add3A_1030 : i32
    "tpu.region"() ({
      %run_scoped3A = tpu.sem_alloc : memref<!tpu.dma_semaphore, #tpu.memory_space<semaphore_mem>>
      %dma_start3A_1210 = arith.constant 0 : i32
      %dma_start3A_1211 = tpu.memref_slice %arg6[%add3A_1031, %dma_start3A_1210] : memref<10000x128xf32, #tpu.memory_space<vmem_shared>> -> memref<16x128xf32, #tpu.memory_space<vmem_shared>>
      %dma_start3A_1212 = arith.constant 0 : i32
      %dma_start3A_1213 = tpu.memref_slice %arg6[%add3A_1031, %dma_start3A_1212] : memref<10000x128xf32, #tpu.memory_space<vmem_shared>> -> memref<16x128xf32, #tpu.memory_space<vmem_shared>>
      tpu.enqueue_dma source(%arg16 : memref<16x128xf32, #tpu.memory_space<vmem>>) target(%dma_start3A_1213 : memref<16x128xf32, #tpu.memory_space<vmem_shared>>) target_semaphore(%run_scoped3A : memref<!tpu.dma_semaphore, #tpu.memory_space<semaphore_mem>>)
      %dma_wait3A = arith.constant 0 : i32
      %dma_wait3A_1214 = tpu.memref_slice %arg6[%add3A_1031, %dma_wait3A] : memref<10000x128xf32, #tpu.memory_space<vmem_shared>> -> memref<16x128xf32, #tpu.memory_space<vmem_shared>>
      %dma_wait3A_1215 = arith.constant 0 : i32
      %dma_wait3A_1216 = tpu.memref_slice %arg6[%add3A_1031, %dma_wait3A_1215] : memref<10000x128xf32, #tpu.memory_space<vmem_shared>> -> memref<16x128xf32, #tpu.memory_space<vmem_shared>>
      tpu.wait_dma2 semaphore(%run_scoped3A : memref<!tpu.dma_semaphore, #tpu.memory_space<semaphore_mem>>) src(%arg16 : memref<16x128xf32, #tpu.memory_space<vmem>>) dst(%dma_wait3A_1216 : memref<16x128xf32, #tpu.memory_space<vmem_shared>>)
      tpu.yield
    }) : () -> ()
    %add3A_1032 = arith.constant 64 : i32
    %add3A_1033 = arith.addi %mul3A_1024, %add3A_1032 : i32
    "tpu.region"() ({
      %run_scoped3A = tpu.sem_alloc : memref<!tpu.dma_semaphore, #tpu.memory_space<semaphore_mem>>
      %dma_start3A_1210 = arith.constant 0 : i32
      %dma_start3A_1211 = tpu.memref_slice %arg6[%add3A_1033, %dma_start3A_1210] : memref<10000x128xf32, #tpu.memory_space<vmem_shared>> -> memref<16x128xf32, #tpu.memory_space<vmem_shared>>
      %dma_start3A_1212 = arith.constant 0 : i32
      %dma_start3A_1213 = tpu.memref_slice %arg6[%add3A_1033, %dma_start3A_1212] : memref<10000x128xf32, #tpu.memory_space<vmem_shared>> -> memref<16x128xf32, #tpu.memory_space<vmem_shared>>
      tpu.enqueue_dma source(%arg16 : memref<16x128xf32, #tpu.memory_space<vmem>>) target(%dma_start3A_1213 : memref<16x128xf32, #tpu.memory_space<vmem_shared>>) target_semaphore(%run_scoped3A : memref<!tpu.dma_semaphore, #tpu.memory_space<semaphore_mem>>)
      %dma_wait3A = arith.constant 0 : i32
      %dma_wait3A_1214 = tpu.memref_slice %arg6[%add3A_1033, %dma_wait3A] : memref<10000x128xf32, #tpu.memory_space<vmem_shared>> -> memref<16x128xf32, #tpu.memory_space<vmem_shared>>
      %dma_wait3A_1215 = arith.constant 0 : i32
      %dma_wait3A_1216 = tpu.memref_slice %arg6[%add3A_1033, %dma_wait3A_1215] : memref<10000x128xf32, #tpu.memory_space<vmem_shared>> -> memref<16x128xf32, #tpu.memory_space<vmem_shared>>
      tpu.wait_dma2 semaphore(%run_scoped3A : memref<!tpu.dma_semaphore, #tpu.memory_space<semaphore_mem>>) src(%arg16 : memref<16x128xf32, #tpu.memory_space<vmem>>) dst(%dma_wait3A_1216 : memref<16x128xf32, #tpu.memory_space<vmem_shared>>)
      tpu.yield
    }) : () -> ()
    %add3A_1034 = arith.constant 80 : i32
    %add3A_1035 = arith.addi %mul3A_1024, %add3A_1034 : i32
    "tpu.region"() ({
      %run_scoped3A = tpu.sem_alloc : memref<!tpu.dma_semaphore, #tpu.memory_space<semaphore_mem>>
      %dma_start3A_1210 = arith.constant 0 : i32
      %dma_start3A_1211 = tpu.memref_slice %arg6[%add3A_1035, %dma_start3A_1210] : memref<10000x128xf32, #tpu.memory_space<vmem_shared>> -> memref<16x128xf32, #tpu.memory_space<vmem_shared>>
      %dma_start3A_1212 = arith.constant 0 : i32
      %dma_start3A_1213 = tpu.memref_slice %arg6[%add3A_1035, %dma_start3A_1212] : memref<10000x128xf32, #tpu.memory_space<vmem_shared>> -> memref<16x128xf32, #tpu.memory_space<vmem_shared>>
      tpu.enqueue_dma source(%arg16 : memref<16x128xf32, #tpu.memory_space<vmem>>) target(%dma_start3A_1213 : memref<16x128xf32, #tpu.memory_space<vmem_shared>>) target_semaphore(%run_scoped3A : memref<!tpu.dma_semaphore, #tpu.memory_space<semaphore_mem>>)
      %dma_wait3A = arith.constant 0 : i32
      %dma_wait3A_1214 = tpu.memref_slice %arg6[%add3A_1035, %dma_wait3A] : memref<10000x128xf32, #tpu.memory_space<vmem_shared>> -> memref<16x128xf32, #tpu.memory_space<vmem_shared>>
      %dma_wait3A_1215 = arith.constant 0 : i32
      %dma_wait3A_1216 = tpu.memref_slice %arg6[%add3A_1035, %dma_wait3A_1215] : memref<10000x128xf32, #tpu.memory_space<vmem_shared>> -> memref<16x128xf32, #tpu.memory_space<vmem_shared>>
      tpu.wait_dma2 semaphore(%run_scoped3A : memref<!tpu.dma_semaphore, #tpu.memory_space<semaphore_mem>>) src(%arg16 : memref<16x128xf32, #tpu.memory_space<vmem>>) dst(%dma_wait3A_1216 : memref<16x128xf32, #tpu.memory_space<vmem_shared>>)
      tpu.yield
    }) : () -> ()
    %add3A_1036 = arith.constant 96 : i32
    %add3A_1037 = arith.addi %mul3A_1024, %add3A_1036 : i32
    "tpu.region"() ({
      %run_scoped3A = tpu.sem_alloc : memref<!tpu.dma_semaphore, #tpu.memory_space<semaphore_mem>>
      %dma_start3A_1210 = arith.constant 0 : i32
      %dma_start3A_1211 = tpu.memref_slice %arg6[%add3A_1037, %dma_start3A_1210] : memref<10000x128xf32, #tpu.memory_space<vmem_shared>> -> memref<16x128xf32, #tpu.memory_space<vmem_shared>>
      %dma_start3A_1212 = arith.constant 0 : i32
      %dma_start3A_1213 = tpu.memref_slice %arg6[%add3A_1037, %dma_start3A_1212] : memref<10000x128xf32, #tpu.memory_space<vmem_shared>> -> memref<16x128xf32, #tpu.memory_space<vmem_shared>>
      tpu.enqueue_dma source(%arg16 : memref<16x128xf32, #tpu.memory_space<vmem>>) target(%dma_start3A_1213 : memref<16x128xf32, #tpu.memory_space<vmem_shared>>) target_semaphore(%run_scoped3A : memref<!tpu.dma_semaphore, #tpu.memory_space<semaphore_mem>>)
      %dma_wait3A = arith.constant 0 : i32
      %dma_wait3A_1214 = tpu.memref_slice %arg6[%add3A_1037, %dma_wait3A] : memref<10000x128xf32, #tpu.memory_space<vmem_shared>> -> memref<16x128xf32, #tpu.memory_space<vmem_shared>>
      %dma_wait3A_1215 = arith.constant 0 : i32
      %dma_wait3A_1216 = tpu.memref_slice %arg6[%add3A_1037, %dma_wait3A_1215] : memref<10000x128xf32, #tpu.memory_space<vmem_shared>> -> memref<16x128xf32, #tpu.memory_space<vmem_shared>>
      tpu.wait_dma2 semaphore(%run_scoped3A : memref<!tpu.dma_semaphore, #tpu.memory_space<semaphore_mem>>) src(%arg16 : memref<16x128xf32, #tpu.memory_space<vmem>>) dst(%dma_wait3A_1216 : memref<16x128xf32, #tpu.memory_space<vmem_shared>>)
      tpu.yield
    }) : () -> ()
    %add3A_1038 = arith.constant 112 : i32
    %add3A_1039 = arith.addi %mul3A_1024, %add3A_1038 : i32
    "tpu.region"() ({
      %run_scoped3A = tpu.sem_alloc : memref<!tpu.dma_semaphore, #tpu.memory_space<semaphore_mem>>
      %dma_start3A_1210 = arith.constant 0 : i32
      %dma_start3A_1211 = tpu.memref_slice %arg6[%add3A_1039, %dma_start3A_1210] : memref<10000x128xf32, #tpu.memory_space<vmem_shared>> -> memref<16x128xf32, #tpu.memory_space<vmem_shared>>
      %dma_start3A_1212 = arith.constant 0 : i32
      %dma_start3A_1213 = tpu.memref_slice %arg6[%add3A_1039, %dma_start3A_1212] : memref<10000x128xf32, #tpu.memory_space<vmem_shared>> -> memref<16x128xf32, #tpu.memory_space<vmem_shared>>
      tpu.enqueue_dma source(%arg16 : memref<16x128xf32, #tpu.memory_space<vmem>>) target(%dma_start3A_1213 : memref<16x128xf32, #tpu.memory_space<vmem_shared>>) target_semaphore(%run_scoped3A : memref<!tpu.dma_semaphore, #tpu.memory_space<semaphore_mem>>)
      %dma_wait3A = arith.constant 0 : i32
      %dma_wait3A_1214 = tpu.memref_slice %arg6[%add3A_1039, %dma_wait3A] : memref<10000x128xf32, #tpu.memory_space<vmem_shared>> -> memref<16x128xf32, #tpu.memory_space<vmem_shared>>
      %dma_wait3A_1215 = arith.constant 0 : i32
      %dma_wait3A_1216 = tpu.memref_slice %arg6[%add3A_1039, %dma_wait3A_1215] : memref<10000x128xf32, #tpu.memory_space<vmem_shared>> -> memref<16x128xf32, #tpu.memory_space<vmem_shared>>
      tpu.wait_dma2 semaphore(%run_scoped3A : memref<!tpu.dma_semaphore, #tpu.memory_space<semaphore_mem>>) src(%arg16 : memref<16x128xf32, #tpu.memory_space<vmem>>) dst(%dma_wait3A_1216 : memref<16x128xf32, #tpu.memory_space<vmem_shared>>)
      tpu.yield
    }) : () -> ()
    %add3A_1040 = arith.constant 128 : i32
    %add3A_1041 = arith.addi %mul3A_1024, %add3A_1040 : i32
    "tpu.region"() ({
      %run_scoped3A = tpu.sem_alloc : memref<!tpu.dma_semaphore, #tpu.memory_space<semaphore_mem>>
      %dma_start3A_1210 = arith.constant 0 : i32
      %dma_start3A_1211 = tpu.memref_slice %arg6[%add3A_1041, %dma_start3A_1210] : memref<10000x128xf32, #tpu.memory_space<vmem_shared>> -> memref<16x128xf32, #tpu.memory_space<vmem_shared>>
      %dma_start3A_1212 = arith.constant 0 : i32
      %dma_start3A_1213 = tpu.memref_slice %arg6[%add3A_1041, %dma_start3A_1212] : memref<10000x128xf32, #tpu.memory_space<vmem_shared>> -> memref<16x128xf32, #tpu.memory_space<vmem_shared>>
      tpu.enqueue_dma source(%arg16 : memref<16x128xf32, #tpu.memory_space<vmem>>) target(%dma_start3A_1213 : memref<16x128xf32, #tpu.memory_space<vmem_shared>>) target_semaphore(%run_scoped3A : memref<!tpu.dma_semaphore, #tpu.memory_space<semaphore_mem>>)
      %dma_wait3A = arith.constant 0 : i32
      %dma_wait3A_1214 = tpu.memref_slice %arg6[%add3A_1041, %dma_wait3A] : memref<10000x128xf32, #tpu.memory_space<vmem_shared>> -> memref<16x128xf32, #tpu.memory_space<vmem_shared>>
      %dma_wait3A_1215 = arith.constant 0 : i32
      %dma_wait3A_1216 = tpu.memref_slice %arg6[%add3A_1041, %dma_wait3A_1215] : memref<10000x128xf32, #tpu.memory_space<vmem_shared>> -> memref<16x128xf32, #tpu.memory_space<vmem_shared>>
      tpu.wait_dma2 semaphore(%run_scoped3A : memref<!tpu.dma_semaphore, #tpu.memory_space<semaphore_mem>>) src(%arg16 : memref<16x128xf32, #tpu.memory_space<vmem>>) dst(%dma_wait3A_1216 : memref<16x128xf32, #tpu.memory_space<vmem_shared>>)
      tpu.yield
    }) : () -> ()
    %add3A_1042 = arith.constant 144 : i32
    %add3A_1043 = arith.addi %mul3A_1024, %add3A_1042 : i32
    "tpu.region"() ({
      %run_scoped3A = tpu.sem_alloc : memref<!tpu.dma_semaphore, #tpu.memory_space<semaphore_mem>>
      %dma_start3A_1210 = arith.constant 0 : i32
      %dma_start3A_1211 = tpu.memref_slice %arg6[%add3A_1043, %dma_start3A_1210] : memref<10000x128xf32, #tpu.memory_space<vmem_shared>> -> memref<16x128xf32, #tpu.memory_space<vmem_shared>>
      %dma_start3A_1212 = arith.constant 0 : i32
      %dma_start3A_1213 = tpu.memref_slice %arg6[%add3A_1043, %dma_start3A_1212] : memref<10000x128xf32, #tpu.memory_space<vmem_shared>> -> memref<16x128xf32, #tpu.memory_space<vmem_shared>>
      tpu.enqueue_dma source(%arg16 : memref<16x128xf32, #tpu.memory_space<vmem>>) target(%dma_start3A_1213 : memref<16x128xf32, #tpu.memory_space<vmem_shared>>) target_semaphore(%run_scoped3A : memref<!tpu.dma_semaphore, #tpu.memory_space<semaphore_mem>>)
      %dma_wait3A = arith.constant 0 : i32
      %dma_wait3A_1214 = tpu.memref_slice %arg6[%add3A_1043, %dma_wait3A] : memref<10000x128xf32, #tpu.memory_space<vmem_shared>> -> memref<16x128xf32, #tpu.memory_space<vmem_shared>>
      %dma_wait3A_1215 = arith.constant 0 : i32
      %dma_wait3A_1216 = tpu.memref_slice %arg6[%add3A_1043, %dma_wait3A_1215] : memref<10000x128xf32, #tpu.memory_space<vmem_shared>> -> memref<16x128xf32, #tpu.memory_space<vmem_shared>>
      tpu.wait_dma2 semaphore(%run_scoped3A : memref<!tpu.dma_semaphore, #tpu.memory_space<semaphore_mem>>) src(%arg16 : memref<16x128xf32, #tpu.memory_space<vmem>>) dst(%dma_wait3A_1216 : memref<16x128xf32, #tpu.memory_space<vmem_shared>>)
      tpu.yield
    }) : () -> ()
    %add3A_1044 = arith.constant 160 : i32
    %add3A_1045 = arith.addi %mul3A_1024, %add3A_1044 : i32
    "tpu.region"() ({
      %run_scoped3A = tpu.sem_alloc : memref<!tpu.dma_semaphore, #tpu.memory_space<semaphore_mem>>
      %dma_start3A_1210 = arith.constant 0 : i32
      %dma_start3A_1211 = tpu.memref_slice %arg6[%add3A_1045, %dma_start3A_1210] : memref<10000x128xf32, #tpu.memory_space<vmem_shared>> -> memref<16x128xf32, #tpu.memory_space<vmem_shared>>
      %dma_start3A_1212 = arith.constant 0 : i32
      %dma_start3A_1213 = tpu.memref_slice %arg6[%add3A_1045, %dma_start3A_1212] : memref<10000x128xf32, #tpu.memory_space<vmem_shared>> -> memref<16x128xf32, #tpu.memory_space<vmem_shared>>
      tpu.enqueue_dma source(%arg16 : memref<16x128xf32, #tpu.memory_space<vmem>>) target(%dma_start3A_1213 : memref<16x128xf32, #tpu.memory_space<vmem_shared>>) target_semaphore(%run_scoped3A : memref<!tpu.dma_semaphore, #tpu.memory_space<semaphore_mem>>)
      %dma_wait3A = arith.constant 0 : i32
      %dma_wait3A_1214 = tpu.memref_slice %arg6[%add3A_1045, %dma_wait3A] : memref<10000x128xf32, #tpu.memory_space<vmem_shared>> -> memref<16x128xf32, #tpu.memory_space<vmem_shared>>
      %dma_wait3A_1215 = arith.constant 0 : i32
      %dma_wait3A_1216 = tpu.memref_slice %arg6[%add3A_1045, %dma_wait3A_1215] : memref<10000x128xf32, #tpu.memory_space<vmem_shared>> -> memref<16x128xf32, #tpu.memory_space<vmem_shared>>
      tpu.wait_dma2 semaphore(%run_scoped3A : memref<!tpu.dma_semaphore, #tpu.memory_space<semaphore_mem>>) src(%arg16 : memref<16x128xf32, #tpu.memory_space<vmem>>) dst(%dma_wait3A_1216 : memref<16x128xf32, #tpu.memory_space<vmem_shared>>)
      tpu.yield
    }) : () -> ()
    %add3A_1046 = arith.constant 176 : i32
    %add3A_1047 = arith.addi %mul3A_1024, %add3A_1046 : i32
    "tpu.region"() ({
      %run_scoped3A = tpu.sem_alloc : memref<!tpu.dma_semaphore, #tpu.memory_space<semaphore_mem>>
      %dma_start3A_1210 = arith.constant 0 : i32
      %dma_start3A_1211 = tpu.memref_slice %arg6[%add3A_1047, %dma_start3A_1210] : memref<10000x128xf32, #tpu.memory_space<vmem_shared>> -> memref<16x128xf32, #tpu.memory_space<vmem_shared>>
      %dma_start3A_1212 = arith.constant 0 : i32
      %dma_start3A_1213 = tpu.memref_slice %arg6[%add3A_1047, %dma_start3A_1212] : memref<10000x128xf32, #tpu.memory_space<vmem_shared>> -> memref<16x128xf32, #tpu.memory_space<vmem_shared>>
      tpu.enqueue_dma source(%arg16 : memref<16x128xf32, #tpu.memory_space<vmem>>) target(%dma_start3A_1213 : memref<16x128xf32, #tpu.memory_space<vmem_shared>>) target_semaphore(%run_scoped3A : memref<!tpu.dma_semaphore, #tpu.memory_space<semaphore_mem>>)
      %dma_wait3A = arith.constant 0 : i32
      %dma_wait3A_1214 = tpu.memref_slice %arg6[%add3A_1047, %dma_wait3A] : memref<10000x128xf32, #tpu.memory_space<vmem_shared>> -> memref<16x128xf32, #tpu.memory_space<vmem_shared>>
      %dma_wait3A_1215 = arith.constant 0 : i32
      %dma_wait3A_1216 = tpu.memref_slice %arg6[%add3A_1047, %dma_wait3A_1215] : memref<10000x128xf32, #tpu.memory_space<vmem_shared>> -> memref<16x128xf32, #tpu.memory_space<vmem_shared>>
      tpu.wait_dma2 semaphore(%run_scoped3A : memref<!tpu.dma_semaphore, #tpu.memory_space<semaphore_mem>>) src(%arg16 : memref<16x128xf32, #tpu.memory_space<vmem>>) dst(%dma_wait3A_1216 : memref<16x128xf32, #tpu.memory_space<vmem_shared>>)
      tpu.yield
    }) : () -> ()
    %add3A_1048 = arith.constant 192 : i32
    %add3A_1049 = arith.addi %mul3A_1024, %add3A_1048 : i32
    "tpu.region"() ({
      %run_scoped3A = tpu.sem_alloc : memref<!tpu.dma_semaphore, #tpu.memory_space<semaphore_mem>>
      %dma_start3A_1210 = arith.constant 0 : i32
      %dma_start3A_1211 = tpu.memref_slice %arg6[%add3A_1049, %dma_start3A_1210] : memref<10000x128xf32, #tpu.memory_space<vmem_shared>> -> memref<16x128xf32, #tpu.memory_space<vmem_shared>>
      %dma_start3A_1212 = arith.constant 0 : i32
      %dma_start3A_1213 = tpu.memref_slice %arg6[%add3A_1049, %dma_start3A_1212] : memref<10000x128xf32, #tpu.memory_space<vmem_shared>> -> memref<16x128xf32, #tpu.memory_space<vmem_shared>>
      tpu.enqueue_dma source(%arg16 : memref<16x128xf32, #tpu.memory_space<vmem>>) target(%dma_start3A_1213 : memref<16x128xf32, #tpu.memory_space<vmem_shared>>) target_semaphore(%run_scoped3A : memref<!tpu.dma_semaphore, #tpu.memory_space<semaphore_mem>>)
      %dma_wait3A = arith.constant 0 : i32
      %dma_wait3A_1214 = tpu.memref_slice %arg6[%add3A_1049, %dma_wait3A] : memref<10000x128xf32, #tpu.memory_space<vmem_shared>> -> memref<16x128xf32, #tpu.memory_space<vmem_shared>>
      %dma_wait3A_1215 = arith.constant 0 : i32
      %dma_wait3A_1216 = tpu.memref_slice %arg6[%add3A_1049, %dma_wait3A_1215] : memref<10000x128xf32, #tpu.memory_space<vmem_shared>> -> memref<16x128xf32, #tpu.memory_space<vmem_shared>>
      tpu.wait_dma2 semaphore(%run_scoped3A : memref<!tpu.dma_semaphore, #tpu.memory_space<semaphore_mem>>) src(%arg16 : memref<16x128xf32, #tpu.memory_space<vmem>>) dst(%dma_wait3A_1216 : memref<16x128xf32, #tpu.memory_space<vmem_shared>>)
      tpu.yield
    }) : () -> ()
    %add3A_1050 = arith.constant 208 : i32
    %add3A_1051 = arith.addi %mul3A_1024, %add3A_1050 : i32
    "tpu.region"() ({
      %run_scoped3A = tpu.sem_alloc : memref<!tpu.dma_semaphore, #tpu.memory_space<semaphore_mem>>
      %dma_start3A_1210 = arith.constant 0 : i32
      %dma_start3A_1211 = tpu.memref_slice %arg6[%add3A_1051, %dma_start3A_1210] : memref<10000x128xf32, #tpu.memory_space<vmem_shared>> -> memref<16x128xf32, #tpu.memory_space<vmem_shared>>
      %dma_start3A_1212 = arith.constant 0 : i32
      %dma_start3A_1213 = tpu.memref_slice %arg6[%add3A_1051, %dma_start3A_1212] : memref<10000x128xf32, #tpu.memory_space<vmem_shared>> -> memref<16x128xf32, #tpu.memory_space<vmem_shared>>
      tpu.enqueue_dma source(%arg16 : memref<16x128xf32, #tpu.memory_space<vmem>>) target(%dma_start3A_1213 : memref<16x128xf32, #tpu.memory_space<vmem_shared>>) target_semaphore(%run_scoped3A : memref<!tpu.dma_semaphore, #tpu.memory_space<semaphore_mem>>)
      %dma_wait3A = arith.constant 0 : i32
      %dma_wait3A_1214 = tpu.memref_slice %arg6[%add3A_1051, %dma_wait3A] : memref<10000x128xf32, #tpu.memory_space<vmem_shared>> -> memref<16x128xf32, #tpu.memory_space<vmem_shared>>
      %dma_wait3A_1215 = arith.constant 0 : i32
      %dma_wait3A_1216 = tpu.memref_slice %arg6[%add3A_1051, %dma_wait3A_1215] : memref<10000x128xf32, #tpu.memory_space<vmem_shared>> -> memref<16x128xf32, #tpu.memory_space<vmem_shared>>
      tpu.wait_dma2 semaphore(%run_scoped3A : memref<!tpu.dma_semaphore, #tpu.memory_space<semaphore_mem>>) src(%arg16 : memref<16x128xf32, #tpu.memory_space<vmem>>) dst(%dma_wait3A_1216 : memref<16x128xf32, #tpu.memory_space<vmem_shared>>)
      tpu.yield
    }) : () -> ()
    %add3A_1052 = arith.constant 224 : i32
    %add3A_1053 = arith.addi %mul3A_1024, %add3A_1052 : i32
    "tpu.region"() ({
      %run_scoped3A = tpu.sem_alloc : memref<!tpu.dma_semaphore, #tpu.memory_space<semaphore_mem>>
      %dma_start3A_1210 = arith.constant 0 : i32
      %dma_start3A_1211 = tpu.memref_slice %arg6[%add3A_1053, %dma_start3A_1210] : memref<10000x128xf32, #tpu.memory_space<vmem_shared>> -> memref<16x128xf32, #tpu.memory_space<vmem_shared>>
      %dma_start3A_1212 = arith.constant 0 : i32
      %dma_start3A_1213 = tpu.memref_slice %arg6[%add3A_1053, %dma_start3A_1212] : memref<10000x128xf32, #tpu.memory_space<vmem_shared>> -> memref<16x128xf32, #tpu.memory_space<vmem_shared>>
      tpu.enqueue_dma source(%arg16 : memref<16x128xf32, #tpu.memory_space<vmem>>) target(%dma_start3A_1213 : memref<16x128xf32, #tpu.memory_space<vmem_shared>>) target_semaphore(%run_scoped3A : memref<!tpu.dma_semaphore, #tpu.memory_space<semaphore_mem>>)
      %dma_wait3A = arith.constant 0 : i32
      %dma_wait3A_1214 = tpu.memref_slice %arg6[%add3A_1053, %dma_wait3A] : memref<10000x128xf32, #tpu.memory_space<vmem_shared>> -> memref<16x128xf32, #tpu.memory_space<vmem_shared>>
      %dma_wait3A_1215 = arith.constant 0 : i32
      %dma_wait3A_1216 = tpu.memref_slice %arg6[%add3A_1053, %dma_wait3A_1215] : memref<10000x128xf32, #tpu.memory_space<vmem_shared>> -> memref<16x128xf32, #tpu.memory_space<vmem_shared>>
      tpu.wait_dma2 semaphore(%run_scoped3A : memref<!tpu.dma_semaphore, #tpu.memory_space<semaphore_mem>>) src(%arg16 : memref<16x128xf32, #tpu.memory_space<vmem>>) dst(%dma_wait3A_1216 : memref<16x128xf32, #tpu.memory_space<vmem_shared>>)
      tpu.yield
    }) : () -> ()
    %add3A_1054 = arith.constant 240 : i32
    %add3A_1055 = arith.addi %mul3A_1024, %add3A_1054 : i32
    "tpu.region"() ({
      %run_scoped3A = tpu.sem_alloc : memref<!tpu.dma_semaphore, #tpu.memory_space<semaphore_mem>>
      %dma_start3A_1210 = arith.constant 0 : i32
      %dma_start3A_1211 = tpu.memref_slice %arg6[%add3A_1055, %dma_start3A_1210] : memref<10000x128xf32, #tpu.memory_space<vmem_shared>> -> memref<16x128xf32, #tpu.memory_space<vmem_shared>>
      %dma_start3A_1212 = arith.constant 0 : i32
      %dma_start3A_1213 = tpu.memref_slice %arg6[%add3A_1055, %dma_start3A_1212] : memref<10000x128xf32, #tpu.memory_space<vmem_shared>> -> memref<16x128xf32, #tpu.memory_space<vmem_shared>>
      tpu.enqueue_dma source(%arg16 : memref<16x128xf32, #tpu.memory_space<vmem>>) target(%dma_start3A_1213 : memref<16x128xf32, #tpu.memory_space<vmem_shared>>) target_semaphore(%run_scoped3A : memref<!tpu.dma_semaphore, #tpu.memory_space<semaphore_mem>>)
      %dma_wait3A = arith.constant 0 : i32
      %dma_wait3A_1214 = tpu.memref_slice %arg6[%add3A_1055, %dma_wait3A] : memref<10000x128xf32, #tpu.memory_space<vmem_shared>> -> memref<16x128xf32, #tpu.memory_space<vmem_shared>>
      %dma_wait3A_1215 = arith.constant 0 : i32
      %dma_wait3A_1216 = tpu.memref_slice %arg6[%add3A_1055, %dma_wait3A_1215] : memref<10000x128xf32, #tpu.memory_space<vmem_shared>> -> memref<16x128xf32, #tpu.memory_space<vmem_shared>>
      tpu.wait_dma2 semaphore(%run_scoped3A : memref<!tpu.dma_semaphore, #tpu.memory_space<semaphore_mem>>) src(%arg16 : memref<16x128xf32, #tpu.memory_space<vmem>>) dst(%dma_wait3A_1216 : memref<16x128xf32, #tpu.memory_space<vmem_shared>>)
      tpu.yield
    }) : () -> ()
    %add3A_1056 = arith.constant 256 : i32
    %add3A_1057 = arith.addi %mul3A_1024, %add3A_1056 : i32
    "tpu.region"() ({
      %run_scoped3A = tpu.sem_alloc : memref<!tpu.dma_semaphore, #tpu.memory_space<semaphore_mem>>
      %dma_start3A_1210 = arith.constant 0 : i32
      %dma_start3A_1211 = tpu.memref_slice %arg6[%add3A_1057, %dma_start3A_1210] : memref<10000x128xf32, #tpu.memory_space<vmem_shared>> -> memref<16x128xf32, #tpu.memory_space<vmem_shared>>
      %dma_start3A_1212 = arith.constant 0 : i32
      %dma_start3A_1213 = tpu.memref_slice %arg6[%add3A_1057, %dma_start3A_1212] : memref<10000x128xf32, #tpu.memory_space<vmem_shared>> -> memref<16x128xf32, #tpu.memory_space<vmem_shared>>
      tpu.enqueue_dma source(%arg16 : memref<16x128xf32, #tpu.memory_space<vmem>>) target(%dma_start3A_1213 : memref<16x128xf32, #tpu.memory_space<vmem_shared>>) target_semaphore(%run_scoped3A : memref<!tpu.dma_semaphore, #tpu.memory_space<semaphore_mem>>)
      %dma_wait3A = arith.constant 0 : i32
      %dma_wait3A_1214 = tpu.memref_slice %arg6[%add3A_1057, %dma_wait3A] : memref<10000x128xf32, #tpu.memory_space<vmem_shared>> -> memref<16x128xf32, #tpu.memory_space<vmem_shared>>
      %dma_wait3A_1215 = arith.constant 0 : i32
      %dma_wait3A_1216 = tpu.memref_slice %arg6[%add3A_1057, %dma_wait3A_1215] : memref<10000x128xf32, #tpu.memory_space<vmem_shared>> -> memref<16x128xf32, #tpu.memory_space<vmem_shared>>
      tpu.wait_dma2 semaphore(%run_scoped3A : memref<!tpu.dma_semaphore, #tpu.memory_space<semaphore_mem>>) src(%arg16 : memref<16x128xf32, #tpu.memory_space<vmem>>) dst(%dma_wait3A_1216 : memref<16x128xf32, #tpu.memory_space<vmem_shared>>)
      tpu.yield
    }) : () -> ()
    %add3A_1058 = arith.constant 272 : i32
    %add3A_1059 = arith.addi %mul3A_1024, %add3A_1058 : i32
    "tpu.region"() ({
      %run_scoped3A = tpu.sem_alloc : memref<!tpu.dma_semaphore, #tpu.memory_space<semaphore_mem>>
      %dma_start3A_1210 = arith.constant 0 : i32
      %dma_start3A_1211 = tpu.memref_slice %arg6[%add3A_1059, %dma_start3A_1210] : memref<10000x128xf32, #tpu.memory_space<vmem_shared>> -> memref<16x128xf32, #tpu.memory_space<vmem_shared>>
      %dma_start3A_1212 = arith.constant 0 : i32
      %dma_start3A_1213 = tpu.memref_slice %arg6[%add3A_1059, %dma_start3A_1212] : memref<10000x128xf32, #tpu.memory_space<vmem_shared>> -> memref<16x128xf32, #tpu.memory_space<vmem_shared>>
      tpu.enqueue_dma source(%arg16 : memref<16x128xf32, #tpu.memory_space<vmem>>) target(%dma_start3A_1213 : memref<16x128xf32, #tpu.memory_space<vmem_shared>>) target_semaphore(%run_scoped3A : memref<!tpu.dma_semaphore, #tpu.memory_space<semaphore_mem>>)
      %dma_wait3A = arith.constant 0 : i32
      %dma_wait3A_1214 = tpu.memref_slice %arg6[%add3A_1059, %dma_wait3A] : memref<10000x128xf32, #tpu.memory_space<vmem_shared>> -> memref<16x128xf32, #tpu.memory_space<vmem_shared>>
      %dma_wait3A_1215 = arith.constant 0 : i32
      %dma_wait3A_1216 = tpu.memref_slice %arg6[%add3A_1059, %dma_wait3A_1215] : memref<10000x128xf32, #tpu.memory_space<vmem_shared>> -> memref<16x128xf32, #tpu.memory_space<vmem_shared>>
      tpu.wait_dma2 semaphore(%run_scoped3A : memref<!tpu.dma_semaphore, #tpu.memory_space<semaphore_mem>>) src(%arg16 : memref<16x128xf32, #tpu.memory_space<vmem>>) dst(%dma_wait3A_1216 : memref<16x128xf32, #tpu.memory_space<vmem_shared>>)
      tpu.yield
    }) : () -> ()
    %add3A_1060 = arith.constant 288 : i32
    %add3A_1061 = arith.addi %mul3A_1024, %add3A_1060 : i32
    "tpu.region"() ({
      %run_scoped3A = tpu.sem_alloc : memref<!tpu.dma_semaphore, #tpu.memory_space<semaphore_mem>>
      %dma_start3A_1210 = arith.constant 0 : i32
      %dma_start3A_1211 = tpu.memref_slice %arg6[%add3A_1061, %dma_start3A_1210] : memref<10000x128xf32, #tpu.memory_space<vmem_shared>> -> memref<16x128xf32, #tpu.memory_space<vmem_shared>>
      %dma_start3A_1212 = arith.constant 0 : i32
      %dma_start3A_1213 = tpu.memref_slice %arg6[%add3A_1061, %dma_start3A_1212] : memref<10000x128xf32, #tpu.memory_space<vmem_shared>> -> memref<16x128xf32, #tpu.memory_space<vmem_shared>>
      tpu.enqueue_dma source(%arg16 : memref<16x128xf32, #tpu.memory_space<vmem>>) target(%dma_start3A_1213 : memref<16x128xf32, #tpu.memory_space<vmem_shared>>) target_semaphore(%run_scoped3A : memref<!tpu.dma_semaphore, #tpu.memory_space<semaphore_mem>>)
      %dma_wait3A = arith.constant 0 : i32
      %dma_wait3A_1214 = tpu.memref_slice %arg6[%add3A_1061, %dma_wait3A] : memref<10000x128xf32, #tpu.memory_space<vmem_shared>> -> memref<16x128xf32, #tpu.memory_space<vmem_shared>>
      %dma_wait3A_1215 = arith.constant 0 : i32
      %dma_wait3A_1216 = tpu.memref_slice %arg6[%add3A_1061, %dma_wait3A_1215] : memref<10000x128xf32, #tpu.memory_space<vmem_shared>> -> memref<16x128xf32, #tpu.memory_space<vmem_shared>>
      tpu.wait_dma2 semaphore(%run_scoped3A : memref<!tpu.dma_semaphore, #tpu.memory_space<semaphore_mem>>) src(%arg16 : memref<16x128xf32, #tpu.memory_space<vmem>>) dst(%dma_wait3A_1216 : memref<16x128xf32, #tpu.memory_space<vmem_shared>>)
      tpu.yield
    }) : () -> ()
    %add3A_1062 = arith.constant 304 : i32
    %add3A_1063 = arith.addi %mul3A_1024, %add3A_1062 : i32
    "tpu.region"() ({
      %run_scoped3A = tpu.sem_alloc : memref<!tpu.dma_semaphore, #tpu.memory_space<semaphore_mem>>
      %dma_start3A_1210 = arith.constant 0 : i32
      %dma_start3A_1211 = tpu.memref_slice %arg6[%add3A_1063, %dma_start3A_1210] : memref<10000x128xf32, #tpu.memory_space<vmem_shared>> -> memref<16x128xf32, #tpu.memory_space<vmem_shared>>
      %dma_start3A_1212 = arith.constant 0 : i32
      %dma_start3A_1213 = tpu.memref_slice %arg6[%add3A_1063, %dma_start3A_1212] : memref<10000x128xf32, #tpu.memory_space<vmem_shared>> -> memref<16x128xf32, #tpu.memory_space<vmem_shared>>
      tpu.enqueue_dma source(%arg16 : memref<16x128xf32, #tpu.memory_space<vmem>>) target(%dma_start3A_1213 : memref<16x128xf32, #tpu.memory_space<vmem_shared>>) target_semaphore(%run_scoped3A : memref<!tpu.dma_semaphore, #tpu.memory_space<semaphore_mem>>)
      %dma_wait3A = arith.constant 0 : i32
      %dma_wait3A_1214 = tpu.memref_slice %arg6[%add3A_1063, %dma_wait3A] : memref<10000x128xf32, #tpu.memory_space<vmem_shared>> -> memref<16x128xf32, #tpu.memory_space<vmem_shared>>
      %dma_wait3A_1215 = arith.constant 0 : i32
      %dma_wait3A_1216 = tpu.memref_slice %arg6[%add3A_1063, %dma_wait3A_1215] : memref<10000x128xf32, #tpu.memory_space<vmem_shared>> -> memref<16x128xf32, #tpu.memory_space<vmem_shared>>
      tpu.wait_dma2 semaphore(%run_scoped3A : memref<!tpu.dma_semaphore, #tpu.memory_space<semaphore_mem>>) src(%arg16 : memref<16x128xf32, #tpu.memory_space<vmem>>) dst(%dma_wait3A_1216 : memref<16x128xf32, #tpu.memory_space<vmem_shared>>)
      tpu.yield
    }) : () -> ()
    %add3A_1064 = arith.constant 320 : i32
    %add3A_1065 = arith.addi %mul3A_1024, %add3A_1064 : i32
    "tpu.region"() ({
      %run_scoped3A = tpu.sem_alloc : memref<!tpu.dma_semaphore, #tpu.memory_space<semaphore_mem>>
      %dma_start3A_1210 = arith.constant 0 : i32
      %dma_start3A_1211 = tpu.memref_slice %arg6[%add3A_1065, %dma_start3A_1210] : memref<10000x128xf32, #tpu.memory_space<vmem_shared>> -> memref<16x128xf32, #tpu.memory_space<vmem_shared>>
      %dma_start3A_1212 = arith.constant 0 : i32
      %dma_start3A_1213 = tpu.memref_slice %arg6[%add3A_1065, %dma_start3A_1212] : memref<10000x128xf32, #tpu.memory_space<vmem_shared>> -> memref<16x128xf32, #tpu.memory_space<vmem_shared>>
      tpu.enqueue_dma source(%arg16 : memref<16x128xf32, #tpu.memory_space<vmem>>) target(%dma_start3A_1213 : memref<16x128xf32, #tpu.memory_space<vmem_shared>>) target_semaphore(%run_scoped3A : memref<!tpu.dma_semaphore, #tpu.memory_space<semaphore_mem>>)
      %dma_wait3A = arith.constant 0 : i32
      %dma_wait3A_1214 = tpu.memref_slice %arg6[%add3A_1065, %dma_wait3A] : memref<10000x128xf32, #tpu.memory_space<vmem_shared>> -> memref<16x128xf32, #tpu.memory_space<vmem_shared>>
      %dma_wait3A_1215 = arith.constant 0 : i32
      %dma_wait3A_1216 = tpu.memref_slice %arg6[%add3A_1065, %dma_wait3A_1215] : memref<10000x128xf32, #tpu.memory_space<vmem_shared>> -> memref<16x128xf32, #tpu.memory_space<vmem_shared>>
      tpu.wait_dma2 semaphore(%run_scoped3A : memref<!tpu.dma_semaphore, #tpu.memory_space<semaphore_mem>>) src(%arg16 : memref<16x128xf32, #tpu.memory_space<vmem>>) dst(%dma_wait3A_1216 : memref<16x128xf32, #tpu.memory_space<vmem_shared>>)
      tpu.yield
    }) : () -> ()
    %add3A_1066 = arith.constant 336 : i32
    %add3A_1067 = arith.addi %mul3A_1024, %add3A_1066 : i32
    "tpu.region"() ({
      %run_scoped3A = tpu.sem_alloc : memref<!tpu.dma_semaphore, #tpu.memory_space<semaphore_mem>>
      %dma_start3A_1210 = arith.constant 0 : i32
      %dma_start3A_1211 = tpu.memref_slice %arg6[%add3A_1067, %dma_start3A_1210] : memref<10000x128xf32, #tpu.memory_space<vmem_shared>> -> memref<16x128xf32, #tpu.memory_space<vmem_shared>>
      %dma_start3A_1212 = arith.constant 0 : i32
      %dma_start3A_1213 = tpu.memref_slice %arg6[%add3A_1067, %dma_start3A_1212] : memref<10000x128xf32, #tpu.memory_space<vmem_shared>> -> memref<16x128xf32, #tpu.memory_space<vmem_shared>>
      tpu.enqueue_dma source(%arg16 : memref<16x128xf32, #tpu.memory_space<vmem>>) target(%dma_start3A_1213 : memref<16x128xf32, #tpu.memory_space<vmem_shared>>) target_semaphore(%run_scoped3A : memref<!tpu.dma_semaphore, #tpu.memory_space<semaphore_mem>>)
      %dma_wait3A = arith.constant 0 : i32
      %dma_wait3A_1214 = tpu.memref_slice %arg6[%add3A_1067, %dma_wait3A] : memref<10000x128xf32, #tpu.memory_space<vmem_shared>> -> memref<16x128xf32, #tpu.memory_space<vmem_shared>>
      %dma_wait3A_1215 = arith.constant 0 : i32
      %dma_wait3A_1216 = tpu.memref_slice %arg6[%add3A_1067, %dma_wait3A_1215] : memref<10000x128xf32, #tpu.memory_space<vmem_shared>> -> memref<16x128xf32, #tpu.memory_space<vmem_shared>>
      tpu.wait_dma2 semaphore(%run_scoped3A : memref<!tpu.dma_semaphore, #tpu.memory_space<semaphore_mem>>) src(%arg16 : memref<16x128xf32, #tpu.memory_space<vmem>>) dst(%dma_wait3A_1216 : memref<16x128xf32, #tpu.memory_space<vmem_shared>>)
      tpu.yield
    }) : () -> ()
    %add3A_1068 = arith.constant 352 : i32
    %add3A_1069 = arith.addi %mul3A_1024, %add3A_1068 : i32
    "tpu.region"() ({
      %run_scoped3A = tpu.sem_alloc : memref<!tpu.dma_semaphore, #tpu.memory_space<semaphore_mem>>
      %dma_start3A_1210 = arith.constant 0 : i32
      %dma_start3A_1211 = tpu.memref_slice %arg6[%add3A_1069, %dma_start3A_1210] : memref<10000x128xf32, #tpu.memory_space<vmem_shared>> -> memref<16x128xf32, #tpu.memory_space<vmem_shared>>
      %dma_start3A_1212 = arith.constant 0 : i32
      %dma_start3A_1213 = tpu.memref_slice %arg6[%add3A_1069, %dma_start3A_1212] : memref<10000x128xf32, #tpu.memory_space<vmem_shared>> -> memref<16x128xf32, #tpu.memory_space<vmem_shared>>
      tpu.enqueue_dma source(%arg16 : memref<16x128xf32, #tpu.memory_space<vmem>>) target(%dma_start3A_1213 : memref<16x128xf32, #tpu.memory_space<vmem_shared>>) target_semaphore(%run_scoped3A : memref<!tpu.dma_semaphore, #tpu.memory_space<semaphore_mem>>)
      %dma_wait3A = arith.constant 0 : i32
      %dma_wait3A_1214 = tpu.memref_slice %arg6[%add3A_1069, %dma_wait3A] : memref<10000x128xf32, #tpu.memory_space<vmem_shared>> -> memref<16x128xf32, #tpu.memory_space<vmem_shared>>
      %dma_wait3A_1215 = arith.constant 0 : i32
      %dma_wait3A_1216 = tpu.memref_slice %arg6[%add3A_1069, %dma_wait3A_1215] : memref<10000x128xf32, #tpu.memory_space<vmem_shared>> -> memref<16x128xf32, #tpu.memory_space<vmem_shared>>
      tpu.wait_dma2 semaphore(%run_scoped3A : memref<!tpu.dma_semaphore, #tpu.memory_space<semaphore_mem>>) src(%arg16 : memref<16x128xf32, #tpu.memory_space<vmem>>) dst(%dma_wait3A_1216 : memref<16x128xf32, #tpu.memory_space<vmem_shared>>)
      tpu.yield
    }) : () -> ()
    %add3A_1070 = arith.constant 368 : i32
    %add3A_1071 = arith.addi %mul3A_1024, %add3A_1070 : i32
    "tpu.region"() ({
      %run_scoped3A = tpu.sem_alloc : memref<!tpu.dma_semaphore, #tpu.memory_space<semaphore_mem>>
      %dma_start3A_1210 = arith.constant 0 : i32
      %dma_start3A_1211 = tpu.memref_slice %arg6[%add3A_1071, %dma_start3A_1210] : memref<10000x128xf32, #tpu.memory_space<vmem_shared>> -> memref<16x128xf32, #tpu.memory_space<vmem_shared>>
      %dma_start3A_1212 = arith.constant 0 : i32
      %dma_start3A_1213 = tpu.memref_slice %arg6[%add3A_1071, %dma_start3A_1212] : memref<10000x128xf32, #tpu.memory_space<vmem_shared>> -> memref<16x128xf32, #tpu.memory_space<vmem_shared>>
      tpu.enqueue_dma source(%arg16 : memref<16x128xf32, #tpu.memory_space<vmem>>) target(%dma_start3A_1213 : memref<16x128xf32, #tpu.memory_space<vmem_shared>>) target_semaphore(%run_scoped3A : memref<!tpu.dma_semaphore, #tpu.memory_space<semaphore_mem>>)
      %dma_wait3A = arith.constant 0 : i32
      %dma_wait3A_1214 = tpu.memref_slice %arg6[%add3A_1071, %dma_wait3A] : memref<10000x128xf32, #tpu.memory_space<vmem_shared>> -> memref<16x128xf32, #tpu.memory_space<vmem_shared>>
      %dma_wait3A_1215 = arith.constant 0 : i32
      %dma_wait3A_1216 = tpu.memref_slice %arg6[%add3A_1071, %dma_wait3A_1215] : memref<10000x128xf32, #tpu.memory_space<vmem_shared>> -> memref<16x128xf32, #tpu.memory_space<vmem_shared>>
      tpu.wait_dma2 semaphore(%run_scoped3A : memref<!tpu.dma_semaphore, #tpu.memory_space<semaphore_mem>>) src(%arg16 : memref<16x128xf32, #tpu.memory_space<vmem>>) dst(%dma_wait3A_1216 : memref<16x128xf32, #tpu.memory_space<vmem_shared>>)
      tpu.yield
    }) : () -> ()
    %add3A_1072 = arith.constant 384 : i32
    %add3A_1073 = arith.addi %mul3A_1024, %add3A_1072 : i32
    "tpu.region"() ({
      %run_scoped3A = tpu.sem_alloc : memref<!tpu.dma_semaphore, #tpu.memory_space<semaphore_mem>>
      %dma_start3A_1210 = arith.constant 0 : i32
      %dma_start3A_1211 = tpu.memref_slice %arg6[%add3A_1073, %dma_start3A_1210] : memref<10000x128xf32, #tpu.memory_space<vmem_shared>> -> memref<16x128xf32, #tpu.memory_space<vmem_shared>>
      %dma_start3A_1212 = arith.constant 0 : i32
      %dma_start3A_1213 = tpu.memref_slice %arg6[%add3A_1073, %dma_start3A_1212] : memref<10000x128xf32, #tpu.memory_space<vmem_shared>> -> memref<16x128xf32, #tpu.memory_space<vmem_shared>>
      tpu.enqueue_dma source(%arg16 : memref<16x128xf32, #tpu.memory_space<vmem>>) target(%dma_start3A_1213 : memref<16x128xf32, #tpu.memory_space<vmem_shared>>) target_semaphore(%run_scoped3A : memref<!tpu.dma_semaphore, #tpu.memory_space<semaphore_mem>>)
      %dma_wait3A = arith.constant 0 : i32
      %dma_wait3A_1214 = tpu.memref_slice %arg6[%add3A_1073, %dma_wait3A] : memref<10000x128xf32, #tpu.memory_space<vmem_shared>> -> memref<16x128xf32, #tpu.memory_space<vmem_shared>>
      %dma_wait3A_1215 = arith.constant 0 : i32
      %dma_wait3A_1216 = tpu.memref_slice %arg6[%add3A_1073, %dma_wait3A_1215] : memref<10000x128xf32, #tpu.memory_space<vmem_shared>> -> memref<16x128xf32, #tpu.memory_space<vmem_shared>>
      tpu.wait_dma2 semaphore(%run_scoped3A : memref<!tpu.dma_semaphore, #tpu.memory_space<semaphore_mem>>) src(%arg16 : memref<16x128xf32, #tpu.memory_space<vmem>>) dst(%dma_wait3A_1216 : memref<16x128xf32, #tpu.memory_space<vmem_shared>>)
      tpu.yield
    }) : () -> ()
    %add3A_1074 = arith.constant 400 : i32
    %add3A_1075 = arith.addi %mul3A_1024, %add3A_1074 : i32
    "tpu.region"() ({
      %run_scoped3A = tpu.sem_alloc : memref<!tpu.dma_semaphore, #tpu.memory_space<semaphore_mem>>
      %dma_start3A_1210 = arith.constant 0 : i32
      %dma_start3A_1211 = tpu.memref_slice %arg6[%add3A_1075, %dma_start3A_1210] : memref<10000x128xf32, #tpu.memory_space<vmem_shared>> -> memref<16x128xf32, #tpu.memory_space<vmem_shared>>
      %dma_start3A_1212 = arith.constant 0 : i32
      %dma_start3A_1213 = tpu.memref_slice %arg6[%add3A_1075, %dma_start3A_1212] : memref<10000x128xf32, #tpu.memory_space<vmem_shared>> -> memref<16x128xf32, #tpu.memory_space<vmem_shared>>
      tpu.enqueue_dma source(%arg16 : memref<16x128xf32, #tpu.memory_space<vmem>>) target(%dma_start3A_1213 : memref<16x128xf32, #tpu.memory_space<vmem_shared>>) target_semaphore(%run_scoped3A : memref<!tpu.dma_semaphore, #tpu.memory_space<semaphore_mem>>)
      %dma_wait3A = arith.constant 0 : i32
      %dma_wait3A_1214 = tpu.memref_slice %arg6[%add3A_1075, %dma_wait3A] : memref<10000x128xf32, #tpu.memory_space<vmem_shared>> -> memref<16x128xf32, #tpu.memory_space<vmem_shared>>
      %dma_wait3A_1215 = arith.constant 0 : i32
      %dma_wait3A_1216 = tpu.memref_slice %arg6[%add3A_1075, %dma_wait3A_1215] : memref<10000x128xf32, #tpu.memory_space<vmem_shared>> -> memref<16x128xf32, #tpu.memory_space<vmem_shared>>
      tpu.wait_dma2 semaphore(%run_scoped3A : memref<!tpu.dma_semaphore, #tpu.memory_space<semaphore_mem>>) src(%arg16 : memref<16x128xf32, #tpu.memory_space<vmem>>) dst(%dma_wait3A_1216 : memref<16x128xf32, #tpu.memory_space<vmem_shared>>)
      tpu.yield
    }) : () -> ()
    %add3A_1076 = arith.constant 416 : i32
    %add3A_1077 = arith.addi %mul3A_1024, %add3A_1076 : i32
    "tpu.region"() ({
      %run_scoped3A = tpu.sem_alloc : memref<!tpu.dma_semaphore, #tpu.memory_space<semaphore_mem>>
      %dma_start3A_1210 = arith.constant 0 : i32
      %dma_start3A_1211 = tpu.memref_slice %arg6[%add3A_1077, %dma_start3A_1210] : memref<10000x128xf32, #tpu.memory_space<vmem_shared>> -> memref<16x128xf32, #tpu.memory_space<vmem_shared>>
      %dma_start3A_1212 = arith.constant 0 : i32
      %dma_start3A_1213 = tpu.memref_slice %arg6[%add3A_1077, %dma_start3A_1212] : memref<10000x128xf32, #tpu.memory_space<vmem_shared>> -> memref<16x128xf32, #tpu.memory_space<vmem_shared>>
      tpu.enqueue_dma source(%arg16 : memref<16x128xf32, #tpu.memory_space<vmem>>) target(%dma_start3A_1213 : memref<16x128xf32, #tpu.memory_space<vmem_shared>>) target_semaphore(%run_scoped3A : memref<!tpu.dma_semaphore, #tpu.memory_space<semaphore_mem>>)
      %dma_wait3A = arith.constant 0 : i32
      %dma_wait3A_1214 = tpu.memref_slice %arg6[%add3A_1077, %dma_wait3A] : memref<10000x128xf32, #tpu.memory_space<vmem_shared>> -> memref<16x128xf32, #tpu.memory_space<vmem_shared>>
      %dma_wait3A_1215 = arith.constant 0 : i32
      %dma_wait3A_1216 = tpu.memref_slice %arg6[%add3A_1077, %dma_wait3A_1215] : memref<10000x128xf32, #tpu.memory_space<vmem_shared>> -> memref<16x128xf32, #tpu.memory_space<vmem_shared>>
      tpu.wait_dma2 semaphore(%run_scoped3A : memref<!tpu.dma_semaphore, #tpu.memory_space<semaphore_mem>>) src(%arg16 : memref<16x128xf32, #tpu.memory_space<vmem>>) dst(%dma_wait3A_1216 : memref<16x128xf32, #tpu.memory_space<vmem_shared>>)
      tpu.yield
    }) : () -> ()
    %add3A_1078 = arith.constant 432 : i32
    %add3A_1079 = arith.addi %mul3A_1024, %add3A_1078 : i32
    "tpu.region"() ({
      %run_scoped3A = tpu.sem_alloc : memref<!tpu.dma_semaphore, #tpu.memory_space<semaphore_mem>>
      %dma_start3A_1210 = arith.constant 0 : i32
      %dma_start3A_1211 = tpu.memref_slice %arg6[%add3A_1079, %dma_start3A_1210] : memref<10000x128xf32, #tpu.memory_space<vmem_shared>> -> memref<16x128xf32, #tpu.memory_space<vmem_shared>>
      %dma_start3A_1212 = arith.constant 0 : i32
      %dma_start3A_1213 = tpu.memref_slice %arg6[%add3A_1079, %dma_start3A_1212] : memref<10000x128xf32, #tpu.memory_space<vmem_shared>> -> memref<16x128xf32, #tpu.memory_space<vmem_shared>>
      tpu.enqueue_dma source(%arg16 : memref<16x128xf32, #tpu.memory_space<vmem>>) target(%dma_start3A_1213 : memref<16x128xf32, #tpu.memory_space<vmem_shared>>) target_semaphore(%run_scoped3A : memref<!tpu.dma_semaphore, #tpu.memory_space<semaphore_mem>>)
      %dma_wait3A = arith.constant 0 : i32
      %dma_wait3A_1214 = tpu.memref_slice %arg6[%add3A_1079, %dma_wait3A] : memref<10000x128xf32, #tpu.memory_space<vmem_shared>> -> memref<16x128xf32, #tpu.memory_space<vmem_shared>>
      %dma_wait3A_1215 = arith.constant 0 : i32
      %dma_wait3A_1216 = tpu.memref_slice %arg6[%add3A_1079, %dma_wait3A_1215] : memref<10000x128xf32, #tpu.memory_space<vmem_shared>> -> memref<16x128xf32, #tpu.memory_space<vmem_shared>>
      tpu.wait_dma2 semaphore(%run_scoped3A : memref<!tpu.dma_semaphore, #tpu.memory_space<semaphore_mem>>) src(%arg16 : memref<16x128xf32, #tpu.memory_space<vmem>>) dst(%dma_wait3A_1216 : memref<16x128xf32, #tpu.memory_space<vmem_shared>>)
      tpu.yield
    }) : () -> ()
    %add3A_1080 = arith.constant 448 : i32
    %add3A_1081 = arith.addi %mul3A_1024, %add3A_1080 : i32
    "tpu.region"() ({
      %run_scoped3A = tpu.sem_alloc : memref<!tpu.dma_semaphore, #tpu.memory_space<semaphore_mem>>
      %dma_start3A_1210 = arith.constant 0 : i32
      %dma_start3A_1211 = tpu.memref_slice %arg6[%add3A_1081, %dma_start3A_1210] : memref<10000x128xf32, #tpu.memory_space<vmem_shared>> -> memref<16x128xf32, #tpu.memory_space<vmem_shared>>
      %dma_start3A_1212 = arith.constant 0 : i32
      %dma_start3A_1213 = tpu.memref_slice %arg6[%add3A_1081, %dma_start3A_1212] : memref<10000x128xf32, #tpu.memory_space<vmem_shared>> -> memref<16x128xf32, #tpu.memory_space<vmem_shared>>
      tpu.enqueue_dma source(%arg16 : memref<16x128xf32, #tpu.memory_space<vmem>>) target(%dma_start3A_1213 : memref<16x128xf32, #tpu.memory_space<vmem_shared>>) target_semaphore(%run_scoped3A : memref<!tpu.dma_semaphore, #tpu.memory_space<semaphore_mem>>)
      %dma_wait3A = arith.constant 0 : i32
      %dma_wait3A_1214 = tpu.memref_slice %arg6[%add3A_1081, %dma_wait3A] : memref<10000x128xf32, #tpu.memory_space<vmem_shared>> -> memref<16x128xf32, #tpu.memory_space<vmem_shared>>
      %dma_wait3A_1215 = arith.constant 0 : i32
      %dma_wait3A_1216 = tpu.memref_slice %arg6[%add3A_1081, %dma_wait3A_1215] : memref<10000x128xf32, #tpu.memory_space<vmem_shared>> -> memref<16x128xf32, #tpu.memory_space<vmem_shared>>
      tpu.wait_dma2 semaphore(%run_scoped3A : memref<!tpu.dma_semaphore, #tpu.memory_space<semaphore_mem>>) src(%arg16 : memref<16x128xf32, #tpu.memory_space<vmem>>) dst(%dma_wait3A_1216 : memref<16x128xf32, #tpu.memory_space<vmem_shared>>)
      tpu.yield
    }) : () -> ()
    %add3A_1082 = arith.constant 464 : i32
    %add3A_1083 = arith.addi %mul3A_1024, %add3A_1082 : i32
    "tpu.region"() ({
      %run_scoped3A = tpu.sem_alloc : memref<!tpu.dma_semaphore, #tpu.memory_space<semaphore_mem>>
      %dma_start3A_1210 = arith.constant 0 : i32
      %dma_start3A_1211 = tpu.memref_slice %arg6[%add3A_1083, %dma_start3A_1210] : memref<10000x128xf32, #tpu.memory_space<vmem_shared>> -> memref<16x128xf32, #tpu.memory_space<vmem_shared>>
      %dma_start3A_1212 = arith.constant 0 : i32
      %dma_start3A_1213 = tpu.memref_slice %arg6[%add3A_1083, %dma_start3A_1212] : memref<10000x128xf32, #tpu.memory_space<vmem_shared>> -> memref<16x128xf32, #tpu.memory_space<vmem_shared>>
      tpu.enqueue_dma source(%arg16 : memref<16x128xf32, #tpu.memory_space<vmem>>) target(%dma_start3A_1213 : memref<16x128xf32, #tpu.memory_space<vmem_shared>>) target_semaphore(%run_scoped3A : memref<!tpu.dma_semaphore, #tpu.memory_space<semaphore_mem>>)
      %dma_wait3A = arith.constant 0 : i32
      %dma_wait3A_1214 = tpu.memref_slice %arg6[%add3A_1083, %dma_wait3A] : memref<10000x128xf32, #tpu.memory_space<vmem_shared>> -> memref<16x128xf32, #tpu.memory_space<vmem_shared>>
      %dma_wait3A_1215 = arith.constant 0 : i32
      %dma_wait3A_1216 = tpu.memref_slice %arg6[%add3A_1083, %dma_wait3A_1215] : memref<10000x128xf32, #tpu.memory_space<vmem_shared>> -> memref<16x128xf32, #tpu.memory_space<vmem_shared>>
      tpu.wait_dma2 semaphore(%run_scoped3A : memref<!tpu.dma_semaphore, #tpu.memory_space<semaphore_mem>>) src(%arg16 : memref<16x128xf32, #tpu.memory_space<vmem>>) dst(%dma_wait3A_1216 : memref<16x128xf32, #tpu.memory_space<vmem_shared>>)
      tpu.yield
    }) : () -> ()
    %add3A_1084 = arith.constant 480 : i32
    %add3A_1085 = arith.addi %mul3A_1024, %add3A_1084 : i32
    "tpu.region"() ({
      %run_scoped3A = tpu.sem_alloc : memref<!tpu.dma_semaphore, #tpu.memory_space<semaphore_mem>>
      %dma_start3A_1210 = arith.constant 0 : i32
      %dma_start3A_1211 = tpu.memref_slice %arg6[%add3A_1085, %dma_start3A_1210] : memref<10000x128xf32, #tpu.memory_space<vmem_shared>> -> memref<16x128xf32, #tpu.memory_space<vmem_shared>>
      %dma_start3A_1212 = arith.constant 0 : i32
      %dma_start3A_1213 = tpu.memref_slice %arg6[%add3A_1085, %dma_start3A_1212] : memref<10000x128xf32, #tpu.memory_space<vmem_shared>> -> memref<16x128xf32, #tpu.memory_space<vmem_shared>>
      tpu.enqueue_dma source(%arg16 : memref<16x128xf32, #tpu.memory_space<vmem>>) target(%dma_start3A_1213 : memref<16x128xf32, #tpu.memory_space<vmem_shared>>) target_semaphore(%run_scoped3A : memref<!tpu.dma_semaphore, #tpu.memory_space<semaphore_mem>>)
      %dma_wait3A = arith.constant 0 : i32
      %dma_wait3A_1214 = tpu.memref_slice %arg6[%add3A_1085, %dma_wait3A] : memref<10000x128xf32, #tpu.memory_space<vmem_shared>> -> memref<16x128xf32, #tpu.memory_space<vmem_shared>>
      %dma_wait3A_1215 = arith.constant 0 : i32
      %dma_wait3A_1216 = tpu.memref_slice %arg6[%add3A_1085, %dma_wait3A_1215] : memref<10000x128xf32, #tpu.memory_space<vmem_shared>> -> memref<16x128xf32, #tpu.memory_space<vmem_shared>>
      tpu.wait_dma2 semaphore(%run_scoped3A : memref<!tpu.dma_semaphore, #tpu.memory_space<semaphore_mem>>) src(%arg16 : memref<16x128xf32, #tpu.memory_space<vmem>>) dst(%dma_wait3A_1216 : memref<16x128xf32, #tpu.memory_space<vmem_shared>>)
      tpu.yield
    }) : () -> ()
    %add3A_1086 = arith.constant 496 : i32
    %add3A_1087 = arith.addi %mul3A_1024, %add3A_1086 : i32
    "tpu.region"() ({
      %run_scoped3A = tpu.sem_alloc : memref<!tpu.dma_semaphore, #tpu.memory_space<semaphore_mem>>
      %dma_start3A_1210 = arith.constant 0 : i32
      %dma_start3A_1211 = tpu.memref_slice %arg6[%add3A_1087, %dma_start3A_1210] : memref<10000x128xf32, #tpu.memory_space<vmem_shared>> -> memref<16x128xf32, #tpu.memory_space<vmem_shared>>
      %dma_start3A_1212 = arith.constant 0 : i32
      %dma_start3A_1213 = tpu.memref_slice %arg6[%add3A_1087, %dma_start3A_1212] : memref<10000x128xf32, #tpu.memory_space<vmem_shared>> -> memref<16x128xf32, #tpu.memory_space<vmem_shared>>
      tpu.enqueue_dma source(%arg16 : memref<16x128xf32, #tpu.memory_space<vmem>>) target(%dma_start3A_1213 : memref<16x128xf32, #tpu.memory_space<vmem_shared>>) target_semaphore(%run_scoped3A : memref<!tpu.dma_semaphore, #tpu.memory_space<semaphore_mem>>)
      %dma_wait3A = arith.constant 0 : i32
      %dma_wait3A_1214 = tpu.memref_slice %arg6[%add3A_1087, %dma_wait3A] : memref<10000x128xf32, #tpu.memory_space<vmem_shared>> -> memref<16x128xf32, #tpu.memory_space<vmem_shared>>
      %dma_wait3A_1215 = arith.constant 0 : i32
      %dma_wait3A_1216 = tpu.memref_slice %arg6[%add3A_1087, %dma_wait3A_1215] : memref<10000x128xf32, #tpu.memory_space<vmem_shared>> -> memref<16x128xf32, #tpu.memory_space<vmem_shared>>
      tpu.wait_dma2 semaphore(%run_scoped3A : memref<!tpu.dma_semaphore, #tpu.memory_space<semaphore_mem>>) src(%arg16 : memref<16x128xf32, #tpu.memory_space<vmem>>) dst(%dma_wait3A_1216 : memref<16x128xf32, #tpu.memory_space<vmem_shared>>)
      tpu.yield
    }) : () -> ()
    %add3A_1088 = arith.constant 512 : i32
    %add3A_1089 = arith.addi %mul3A_1024, %add3A_1088 : i32
    "tpu.region"() ({
      %run_scoped3A = tpu.sem_alloc : memref<!tpu.dma_semaphore, #tpu.memory_space<semaphore_mem>>
      %dma_start3A_1210 = arith.constant 0 : i32
      %dma_start3A_1211 = tpu.memref_slice %arg6[%add3A_1089, %dma_start3A_1210] : memref<10000x128xf32, #tpu.memory_space<vmem_shared>> -> memref<16x128xf32, #tpu.memory_space<vmem_shared>>
      %dma_start3A_1212 = arith.constant 0 : i32
      %dma_start3A_1213 = tpu.memref_slice %arg6[%add3A_1089, %dma_start3A_1212] : memref<10000x128xf32, #tpu.memory_space<vmem_shared>> -> memref<16x128xf32, #tpu.memory_space<vmem_shared>>
      tpu.enqueue_dma source(%arg16 : memref<16x128xf32, #tpu.memory_space<vmem>>) target(%dma_start3A_1213 : memref<16x128xf32, #tpu.memory_space<vmem_shared>>) target_semaphore(%run_scoped3A : memref<!tpu.dma_semaphore, #tpu.memory_space<semaphore_mem>>)
      %dma_wait3A = arith.constant 0 : i32
      %dma_wait3A_1214 = tpu.memref_slice %arg6[%add3A_1089, %dma_wait3A] : memref<10000x128xf32, #tpu.memory_space<vmem_shared>> -> memref<16x128xf32, #tpu.memory_space<vmem_shared>>
      %dma_wait3A_1215 = arith.constant 0 : i32
      %dma_wait3A_1216 = tpu.memref_slice %arg6[%add3A_1089, %dma_wait3A_1215] : memref<10000x128xf32, #tpu.memory_space<vmem_shared>> -> memref<16x128xf32, #tpu.memory_space<vmem_shared>>
      tpu.wait_dma2 semaphore(%run_scoped3A : memref<!tpu.dma_semaphore, #tpu.memory_space<semaphore_mem>>) src(%arg16 : memref<16x128xf32, #tpu.memory_space<vmem>>) dst(%dma_wait3A_1216 : memref<16x128xf32, #tpu.memory_space<vmem_shared>>)
      tpu.yield
    }) : () -> ()
    %add3A_1090 = arith.constant 528 : i32
    %add3A_1091 = arith.addi %mul3A_1024, %add3A_1090 : i32
    "tpu.region"() ({
      %run_scoped3A = tpu.sem_alloc : memref<!tpu.dma_semaphore, #tpu.memory_space<semaphore_mem>>
      %dma_start3A_1210 = arith.constant 0 : i32
      %dma_start3A_1211 = tpu.memref_slice %arg6[%add3A_1091, %dma_start3A_1210] : memref<10000x128xf32, #tpu.memory_space<vmem_shared>> -> memref<16x128xf32, #tpu.memory_space<vmem_shared>>
      %dma_start3A_1212 = arith.constant 0 : i32
      %dma_start3A_1213 = tpu.memref_slice %arg6[%add3A_1091, %dma_start3A_1212] : memref<10000x128xf32, #tpu.memory_space<vmem_shared>> -> memref<16x128xf32, #tpu.memory_space<vmem_shared>>
      tpu.enqueue_dma source(%arg16 : memref<16x128xf32, #tpu.memory_space<vmem>>) target(%dma_start3A_1213 : memref<16x128xf32, #tpu.memory_space<vmem_shared>>) target_semaphore(%run_scoped3A : memref<!tpu.dma_semaphore, #tpu.memory_space<semaphore_mem>>)
      %dma_wait3A = arith.constant 0 : i32
      %dma_wait3A_1214 = tpu.memref_slice %arg6[%add3A_1091, %dma_wait3A] : memref<10000x128xf32, #tpu.memory_space<vmem_shared>> -> memref<16x128xf32, #tpu.memory_space<vmem_shared>>
      %dma_wait3A_1215 = arith.constant 0 : i32
      %dma_wait3A_1216 = tpu.memref_slice %arg6[%add3A_1091, %dma_wait3A_1215] : memref<10000x128xf32, #tpu.memory_space<vmem_shared>> -> memref<16x128xf32, #tpu.memory_space<vmem_shared>>
      tpu.wait_dma2 semaphore(%run_scoped3A : memref<!tpu.dma_semaphore, #tpu.memory_space<semaphore_mem>>) src(%arg16 : memref<16x128xf32, #tpu.memory_space<vmem>>) dst(%dma_wait3A_1216 : memref<16x128xf32, #tpu.memory_space<vmem_shared>>)
      tpu.yield
    }) : () -> ()
    %add3A_1092 = arith.constant 544 : i32
    %add3A_1093 = arith.addi %mul3A_1024, %add3A_1092 : i32
    "tpu.region"() ({
      %run_scoped3A = tpu.sem_alloc : memref<!tpu.dma_semaphore, #tpu.memory_space<semaphore_mem>>
      %dma_start3A_1210 = arith.constant 0 : i32
      %dma_start3A_1211 = tpu.memref_slice %arg6[%add3A_1093, %dma_start3A_1210] : memref<10000x128xf32, #tpu.memory_space<vmem_shared>> -> memref<16x128xf32, #tpu.memory_space<vmem_shared>>
      %dma_start3A_1212 = arith.constant 0 : i32
      %dma_start3A_1213 = tpu.memref_slice %arg6[%add3A_1093, %dma_start3A_1212] : memref<10000x128xf32, #tpu.memory_space<vmem_shared>> -> memref<16x128xf32, #tpu.memory_space<vmem_shared>>
      tpu.enqueue_dma source(%arg16 : memref<16x128xf32, #tpu.memory_space<vmem>>) target(%dma_start3A_1213 : memref<16x128xf32, #tpu.memory_space<vmem_shared>>) target_semaphore(%run_scoped3A : memref<!tpu.dma_semaphore, #tpu.memory_space<semaphore_mem>>)
      %dma_wait3A = arith.constant 0 : i32
      %dma_wait3A_1214 = tpu.memref_slice %arg6[%add3A_1093, %dma_wait3A] : memref<10000x128xf32, #tpu.memory_space<vmem_shared>> -> memref<16x128xf32, #tpu.memory_space<vmem_shared>>
      %dma_wait3A_1215 = arith.constant 0 : i32
      %dma_wait3A_1216 = tpu.memref_slice %arg6[%add3A_1093, %dma_wait3A_1215] : memref<10000x128xf32, #tpu.memory_space<vmem_shared>> -> memref<16x128xf32, #tpu.memory_space<vmem_shared>>
      tpu.wait_dma2 semaphore(%run_scoped3A : memref<!tpu.dma_semaphore, #tpu.memory_space<semaphore_mem>>) src(%arg16 : memref<16x128xf32, #tpu.memory_space<vmem>>) dst(%dma_wait3A_1216 : memref<16x128xf32, #tpu.memory_space<vmem_shared>>)
      tpu.yield
    }) : () -> ()
    %add3A_1094 = arith.constant 560 : i32
    %add3A_1095 = arith.addi %mul3A_1024, %add3A_1094 : i32
    "tpu.region"() ({
      %run_scoped3A = tpu.sem_alloc : memref<!tpu.dma_semaphore, #tpu.memory_space<semaphore_mem>>
      %dma_start3A_1210 = arith.constant 0 : i32
      %dma_start3A_1211 = tpu.memref_slice %arg6[%add3A_1095, %dma_start3A_1210] : memref<10000x128xf32, #tpu.memory_space<vmem_shared>> -> memref<16x128xf32, #tpu.memory_space<vmem_shared>>
      %dma_start3A_1212 = arith.constant 0 : i32
      %dma_start3A_1213 = tpu.memref_slice %arg6[%add3A_1095, %dma_start3A_1212] : memref<10000x128xf32, #tpu.memory_space<vmem_shared>> -> memref<16x128xf32, #tpu.memory_space<vmem_shared>>
      tpu.enqueue_dma source(%arg16 : memref<16x128xf32, #tpu.memory_space<vmem>>) target(%dma_start3A_1213 : memref<16x128xf32, #tpu.memory_space<vmem_shared>>) target_semaphore(%run_scoped3A : memref<!tpu.dma_semaphore, #tpu.memory_space<semaphore_mem>>)
      %dma_wait3A = arith.constant 0 : i32
      %dma_wait3A_1214 = tpu.memref_slice %arg6[%add3A_1095, %dma_wait3A] : memref<10000x128xf32, #tpu.memory_space<vmem_shared>> -> memref<16x128xf32, #tpu.memory_space<vmem_shared>>
      %dma_wait3A_1215 = arith.constant 0 : i32
      %dma_wait3A_1216 = tpu.memref_slice %arg6[%add3A_1095, %dma_wait3A_1215] : memref<10000x128xf32, #tpu.memory_space<vmem_shared>> -> memref<16x128xf32, #tpu.memory_space<vmem_shared>>
      tpu.wait_dma2 semaphore(%run_scoped3A : memref<!tpu.dma_semaphore, #tpu.memory_space<semaphore_mem>>) src(%arg16 : memref<16x128xf32, #tpu.memory_space<vmem>>) dst(%dma_wait3A_1216 : memref<16x128xf32, #tpu.memory_space<vmem_shared>>)
      tpu.yield
    }) : () -> ()
    %add3A_1096 = arith.constant 576 : i32
    %add3A_1097 = arith.addi %mul3A_1024, %add3A_1096 : i32
    "tpu.region"() ({
      %run_scoped3A = tpu.sem_alloc : memref<!tpu.dma_semaphore, #tpu.memory_space<semaphore_mem>>
      %dma_start3A_1210 = arith.constant 0 : i32
      %dma_start3A_1211 = tpu.memref_slice %arg6[%add3A_1097, %dma_start3A_1210] : memref<10000x128xf32, #tpu.memory_space<vmem_shared>> -> memref<16x128xf32, #tpu.memory_space<vmem_shared>>
      %dma_start3A_1212 = arith.constant 0 : i32
      %dma_start3A_1213 = tpu.memref_slice %arg6[%add3A_1097, %dma_start3A_1212] : memref<10000x128xf32, #tpu.memory_space<vmem_shared>> -> memref<16x128xf32, #tpu.memory_space<vmem_shared>>
      tpu.enqueue_dma source(%arg16 : memref<16x128xf32, #tpu.memory_space<vmem>>) target(%dma_start3A_1213 : memref<16x128xf32, #tpu.memory_space<vmem_shared>>) target_semaphore(%run_scoped3A : memref<!tpu.dma_semaphore, #tpu.memory_space<semaphore_mem>>)
      %dma_wait3A = arith.constant 0 : i32
      %dma_wait3A_1214 = tpu.memref_slice %arg6[%add3A_1097, %dma_wait3A] : memref<10000x128xf32, #tpu.memory_space<vmem_shared>> -> memref<16x128xf32, #tpu.memory_space<vmem_shared>>
      %dma_wait3A_1215 = arith.constant 0 : i32
      %dma_wait3A_1216 = tpu.memref_slice %arg6[%add3A_1097, %dma_wait3A_1215] : memref<10000x128xf32, #tpu.memory_space<vmem_shared>> -> memref<16x128xf32, #tpu.memory_space<vmem_shared>>
      tpu.wait_dma2 semaphore(%run_scoped3A : memref<!tpu.dma_semaphore, #tpu.memory_space<semaphore_mem>>) src(%arg16 : memref<16x128xf32, #tpu.memory_space<vmem>>) dst(%dma_wait3A_1216 : memref<16x128xf32, #tpu.memory_space<vmem_shared>>)
      tpu.yield
    }) : () -> ()
    %add3A_1098 = arith.constant 592 : i32
    %add3A_1099 = arith.addi %mul3A_1024, %add3A_1098 : i32
    "tpu.region"() ({
      %run_scoped3A = tpu.sem_alloc : memref<!tpu.dma_semaphore, #tpu.memory_space<semaphore_mem>>
      %dma_start3A_1210 = arith.constant 0 : i32
      %dma_start3A_1211 = tpu.memref_slice %arg6[%add3A_1099, %dma_start3A_1210] : memref<10000x128xf32, #tpu.memory_space<vmem_shared>> -> memref<16x128xf32, #tpu.memory_space<vmem_shared>>
      %dma_start3A_1212 = arith.constant 0 : i32
      %dma_start3A_1213 = tpu.memref_slice %arg6[%add3A_1099, %dma_start3A_1212] : memref<10000x128xf32, #tpu.memory_space<vmem_shared>> -> memref<16x128xf32, #tpu.memory_space<vmem_shared>>
      tpu.enqueue_dma source(%arg16 : memref<16x128xf32, #tpu.memory_space<vmem>>) target(%dma_start3A_1213 : memref<16x128xf32, #tpu.memory_space<vmem_shared>>) target_semaphore(%run_scoped3A : memref<!tpu.dma_semaphore, #tpu.memory_space<semaphore_mem>>)
      %dma_wait3A = arith.constant 0 : i32
      %dma_wait3A_1214 = tpu.memref_slice %arg6[%add3A_1099, %dma_wait3A] : memref<10000x128xf32, #tpu.memory_space<vmem_shared>> -> memref<16x128xf32, #tpu.memory_space<vmem_shared>>
      %dma_wait3A_1215 = arith.constant 0 : i32
      %dma_wait3A_1216 = tpu.memref_slice %arg6[%add3A_1099, %dma_wait3A_1215] : memref<10000x128xf32, #tpu.memory_space<vmem_shared>> -> memref<16x128xf32, #tpu.memory_space<vmem_shared>>
      tpu.wait_dma2 semaphore(%run_scoped3A : memref<!tpu.dma_semaphore, #tpu.memory_space<semaphore_mem>>) src(%arg16 : memref<16x128xf32, #tpu.memory_space<vmem>>) dst(%dma_wait3A_1216 : memref<16x128xf32, #tpu.memory_space<vmem_shared>>)
      tpu.yield
    }) : () -> ()
    %add3A_1100 = arith.constant 608 : i32
    %add3A_1101 = arith.addi %mul3A_1024, %add3A_1100 : i32
    "tpu.region"() ({
      %run_scoped3A = tpu.sem_alloc : memref<!tpu.dma_semaphore, #tpu.memory_space<semaphore_mem>>
      %dma_start3A_1210 = arith.constant 0 : i32
      %dma_start3A_1211 = tpu.memref_slice %arg6[%add3A_1101, %dma_start3A_1210] : memref<10000x128xf32, #tpu.memory_space<vmem_shared>> -> memref<16x128xf32, #tpu.memory_space<vmem_shared>>
      %dma_start3A_1212 = arith.constant 0 : i32
      %dma_start3A_1213 = tpu.memref_slice %arg6[%add3A_1101, %dma_start3A_1212] : memref<10000x128xf32, #tpu.memory_space<vmem_shared>> -> memref<16x128xf32, #tpu.memory_space<vmem_shared>>
      tpu.enqueue_dma source(%arg16 : memref<16x128xf32, #tpu.memory_space<vmem>>) target(%dma_start3A_1213 : memref<16x128xf32, #tpu.memory_space<vmem_shared>>) target_semaphore(%run_scoped3A : memref<!tpu.dma_semaphore, #tpu.memory_space<semaphore_mem>>)
      %dma_wait3A = arith.constant 0 : i32
      %dma_wait3A_1214 = tpu.memref_slice %arg6[%add3A_1101, %dma_wait3A] : memref<10000x128xf32, #tpu.memory_space<vmem_shared>> -> memref<16x128xf32, #tpu.memory_space<vmem_shared>>
      %dma_wait3A_1215 = arith.constant 0 : i32
      %dma_wait3A_1216 = tpu.memref_slice %arg6[%add3A_1101, %dma_wait3A_1215] : memref<10000x128xf32, #tpu.memory_space<vmem_shared>> -> memref<16x128xf32, #tpu.memory_space<vmem_shared>>
      tpu.wait_dma2 semaphore(%run_scoped3A : memref<!tpu.dma_semaphore, #tpu.memory_space<semaphore_mem>>) src(%arg16 : memref<16x128xf32, #tpu.memory_space<vmem>>) dst(%dma_wait3A_1216 : memref<16x128xf32, #tpu.memory_space<vmem_shared>>)
      tpu.yield
    }) : () -> ()
    %eq3A = arith.constant 15 : i32
    %eq3A_1102 = arith.cmpi eq, %arg1, %eq3A : i32
    %convert_element_type3A = arith.extui %eq3A_1102 : i1 to i32
    %cond3A = arith.constant 0 : i32
    %cond3A_1103 = arith.cmpi ne, %convert_element_type3A, %cond3A : i32
    scf.if %cond3A_1103 {
      %add3A_1210 = arith.constant 624 : i32
      %add3A_1211 = arith.addi %mul3A_1024, %add3A_1210 : i32
      "tpu.region"() ({
        %run_scoped3A = tpu.sem_alloc : memref<!tpu.dma_semaphore, #tpu.memory_space<semaphore_mem>>
        %dma_start3A_1212 = arith.constant 0 : i32
        %dma_start3A_1213 = tpu.memref_slice %arg6[%add3A_1211, %dma_start3A_1212] : memref<10000x128xf32, #tpu.memory_space<vmem_shared>> -> memref<16x128xf32, #tpu.memory_space<vmem_shared>>
        %dma_start3A_1214 = arith.constant 0 : i32
        %dma_start3A_1215 = tpu.memref_slice %arg6[%add3A_1211, %dma_start3A_1214] : memref<10000x128xf32, #tpu.memory_space<vmem_shared>> -> memref<16x128xf32, #tpu.memory_space<vmem_shared>>
        tpu.enqueue_dma source(%arg16 : memref<16x128xf32, #tpu.memory_space<vmem>>) target(%dma_start3A_1215 : memref<16x128xf32, #tpu.memory_space<vmem_shared>>) target_semaphore(%run_scoped3A : memref<!tpu.dma_semaphore, #tpu.memory_space<semaphore_mem>>)
        %dma_wait3A = arith.constant 0 : i32
        %dma_wait3A_1216 = tpu.memref_slice %arg6[%add3A_1211, %dma_wait3A] : memref<10000x128xf32, #tpu.memory_space<vmem_shared>> -> memref<16x128xf32, #tpu.memory_space<vmem_shared>>
        %dma_wait3A_1217 = arith.constant 0 : i32
        %dma_wait3A_1218 = tpu.memref_slice %arg6[%add3A_1211, %dma_wait3A_1217] : memref<10000x128xf32, #tpu.memory_space<vmem_shared>> -> memref<16x128xf32, #tpu.memory_space<vmem_shared>>
        tpu.wait_dma2 semaphore(%run_scoped3A : memref<!tpu.dma_semaphore, #tpu.memory_space<semaphore_mem>>) src(%arg16 : memref<16x128xf32, #tpu.memory_space<vmem>>) dst(%dma_wait3A_1218 : memref<16x128xf32, #tpu.memory_space<vmem_shared>>)
        tpu.yield
      }) : () -> ()
    } else {
    }
    %mul3A_1104 = arith.constant 10240 : i32
    %mul3A_1105 = arith.muli %arg1, %mul3A_1104 : i32
    "tpu.region"() ({
      %run_scoped3A = tpu.sem_alloc : memref<!tpu.dma_semaphore, #tpu.memory_space<semaphore_mem>>
      %dma_start3A_1210 = tpu.memref_slice %arg4[%mul3A_1105] : memref<163840xi32, #tpu.memory_space<hbm>> -> memref<10240xi32, #tpu.memory_space<hbm>>
      %dma_start3A_1211 = tpu.memref_slice %arg4[%mul3A_1105] : memref<163840xi32, #tpu.memory_space<hbm>> -> memref<10240xi32, #tpu.memory_space<hbm>>
      tpu.enqueue_dma source(%dma_start3A_1211 : memref<10240xi32, #tpu.memory_space<hbm>>) target(%arg7 : memref<10240xi32, #tpu.memory_space<vmem>>) target_semaphore(%run_scoped3A : memref<!tpu.dma_semaphore, #tpu.memory_space<semaphore_mem>>)
      %dma_wait3A = tpu.memref_slice %arg4[%mul3A_1105] : memref<163840xi32, #tpu.memory_space<hbm>> -> memref<10240xi32, #tpu.memory_space<hbm>>
      %dma_wait3A_1212 = tpu.memref_slice %arg4[%mul3A_1105] : memref<163840xi32, #tpu.memory_space<hbm>> -> memref<10240xi32, #tpu.memory_space<hbm>>
      tpu.wait_dma2 semaphore(%run_scoped3A : memref<!tpu.dma_semaphore, #tpu.memory_space<semaphore_mem>>) src(%dma_wait3A_1212 : memref<10240xi32, #tpu.memory_space<hbm>>) dst(%arg7 : memref<10240xi32, #tpu.memory_space<vmem>>)
      tpu.yield
    }) : () -> ()
    %barrier3A = arith.constant 0 : index
    tpu.barrier barrier_id(%barrier3A)
    %mul3A_1106 = arith.constant 8 : i32
    %mul3A_1107 = arith.muli %arg0, %mul3A_1106 : i32
    %get3A = arith.constant 0 : index
    %get3A_1108 = tpu.vector_load %arg7[%get3A] {strides = array<i32>} : memref<10240xi32, #tpu.memory_space<vmem>>, vector<16xi32>,
    %get3A_1109 = vector.shape_cast %get3A_1108 : vector<16xi32> to vector<16xi32>
    %shift_right_logical3A = arith.constant 16 : i32
    %shift_right_logical3A_1110 = vector.broadcast %shift_right_logical3A : i32 to vector<16xi32>
    %shift_right_logical3A_1111 = arith.shrui %get3A_1109, %shift_right_logical3A_1110 : vector<16xi32>
    %swap3A_1112 = arith.constant 0 : index
    %swap3A_1113 = tpu.vector_load %arg8[%swap3A_1112] {strides = array<i32>} : memref<64xi32, #tpu.memory_space<vmem>>, vector<16xi32>,
    %swap3A_1114 = vector.shape_cast %swap3A_1113 : vector<16xi32> to vector<16xi32>
    %swap3A_1115 = vector.shape_cast %shift_right_logical3A_1111 : vector<16xi32> to vector<16xi32>
    tpu.vector_store %arg8[%swap3A_1112], %swap3A_1115 {strides = array<i32>} : memref<64xi32, #tpu.memory_space<vmem>>, vector<16xi32>,
    %get3A_1116 = arith.constant 16 : index
    %get3A_1117 = tpu.vector_load %arg7[%get3A_1116] {strides = array<i32>} : memref<10240xi32, #tpu.memory_space<vmem>>, vector<16xi32>,
    %get3A_1118 = vector.shape_cast %get3A_1117 : vector<16xi32> to vector<16xi32>
    %shift_right_logical3A_1119 = arith.constant 16 : i32
    %shift_right_logical3A_1120 = vector.broadcast %shift_right_logical3A_1119 : i32 to vector<16xi32>
    %shift_right_logical3A_1121 = arith.shrui %get3A_1118, %shift_right_logical3A_1120 : vector<16xi32>
    %swap3A_1122 = arith.constant 16 : index
    %swap3A_1123 = tpu.vector_load %arg8[%swap3A_1122] {strides = array<i32>} : memref<64xi32, #tpu.memory_space<vmem>>, vector<16xi32>,
    %swap3A_1124 = vector.shape_cast %swap3A_1123 : vector<16xi32> to vector<16xi32>
    %swap3A_1125 = vector.shape_cast %shift_right_logical3A_1121 : vector<16xi32> to vector<16xi32>
    tpu.vector_store %arg8[%swap3A_1122], %swap3A_1125 {strides = array<i32>} : memref<64xi32, #tpu.memory_space<vmem>>, vector<16xi32>,
    %get3A_1126 = arith.constant 32 : index
    %get3A_1127 = tpu.vector_load %arg7[%get3A_1126] {strides = array<i32>} : memref<10240xi32, #tpu.memory_space<vmem>>, vector<16xi32>,
    %get3A_1128 = vector.shape_cast %get3A_1127 : vector<16xi32> to vector<16xi32>
    %shift_right_logical3A_1129 = arith.constant 16 : i32
    %shift_right_logical3A_1130 = vector.broadcast %shift_right_logical3A_1129 : i32 to vector<16xi32>
    %shift_right_logical3A_1131 = arith.shrui %get3A_1128, %shift_right_logical3A_1130 : vector<16xi32>
    %swap3A_1132 = arith.constant 32 : index
    %swap3A_1133 = tpu.vector_load %arg8[%swap3A_1132] {strides = array<i32>} : memref<64xi32, #tpu.memory_space<vmem>>, vector<16xi32>,
    %swap3A_1134 = vector.shape_cast %swap3A_1133 : vector<16xi32> to vector<16xi32>
    %swap3A_1135 = vector.shape_cast %shift_right_logical3A_1131 : vector<16xi32> to vector<16xi32>
    tpu.vector_store %arg8[%swap3A_1132], %swap3A_1135 {strides = array<i32>} : memref<64xi32, #tpu.memory_space<vmem>>, vector<16xi32>,
    %get3A_1136 = arith.constant 48 : index
    %get3A_1137 = tpu.vector_load %arg7[%get3A_1136] {strides = array<i32>} : memref<10240xi32, #tpu.memory_space<vmem>>, vector<16xi32>,
    %get3A_1138 = vector.shape_cast %get3A_1137 : vector<16xi32> to vector<16xi32>
    %shift_right_logical3A_1139 = arith.constant 16 : i32
    %shift_right_logical3A_1140 = vector.broadcast %shift_right_logical3A_1139 : i32 to vector<16xi32>
    %shift_right_logical3A_1141 = arith.shrui %get3A_1138, %shift_right_logical3A_1140 : vector<16xi32>
    %swap3A_1142 = arith.constant 48 : index
    %swap3A_1143 = tpu.vector_load %arg8[%swap3A_1142] {strides = array<i32>} : memref<64xi32, #tpu.memory_space<vmem>>, vector<16xi32>,
    %swap3A_1144 = vector.shape_cast %swap3A_1143 : vector<16xi32> to vector<16xi32>
    %swap3A_1145 = vector.shape_cast %shift_right_logical3A_1141 : vector<16xi32> to vector<16xi32>
    tpu.vector_store %arg8[%swap3A_1142], %swap3A_1145 {strides = array<i32>} : memref<64xi32, #tpu.memory_space<vmem>>, vector<16xi32>,
    %dma_start3A = arith.constant 0 : i32
    %dma_start3A_1146 = arith.constant 0 : i32
    %dma_start3A_1147 = tpu.memref_slice %arg2[%dma_start3A, %dma_start3A_1146] : memref<10000x128xf32, #tpu.memory_space<hbm>> -> memref<10000x128xf32, #tpu.memory_space<hbm>>
    tpu.enqueue_indirect_dma source(%dma_start3A_1147 : memref<10000x128xf32, #tpu.memory_space<hbm>>) target(%arg12 : memref<64x128xf32, #tpu.memory_space<vmem>>) offsets(%arg8 : memref<64xi32, #tpu.memory_space<vmem>>) semaphore(%arg17 : memref<!tpu.dma_semaphore, #tpu.memory_space<semaphore_mem>>)
    %add3A_1148 = arith.constant 0 : i32
    %add3A_1149 = arith.addi %mul3A_1105, %add3A_1148 : i32
    %dma_start3A_1150 = tpu.memref_slice %arg3[%add3A_1149, %mul3A_0] : memref<163840x256xf32, #tpu.memory_space<hbm>> -> memref<64x128xf32, #tpu.memory_space<hbm>>
    %dma_start3A_1151 = tpu.memref_slice %arg3[%add3A_1149, %mul3A_0] : memref<163840x256xf32, #tpu.memory_space<hbm>> -> memref<64x128xf32, #tpu.memory_space<hbm>>
    tpu.enqueue_dma source(%dma_start3A_1151 : memref<64x128xf32, #tpu.memory_space<hbm>>) target(%arg14 : memref<64x128xf32, #tpu.memory_space<vmem>>) target_semaphore(%arg19 : memref<!tpu.dma_semaphore, #tpu.memory_space<semaphore_mem>>)
    %get3A_1152 = arith.constant 64 : index
    %get3A_1153 = tpu.vector_load %arg7[%get3A_1152] {strides = array<i32>} : memref<10240xi32, #tpu.memory_space<vmem>>, vector<16xi32>,
    %get3A_1154 = vector.shape_cast %get3A_1153 : vector<16xi32> to vector<16xi32>
    %shift_right_logical3A_1155 = arith.constant 16 : i32
    %shift_right_logical3A_1156 = vector.broadcast %shift_right_logical3A_1155 : i32 to vector<16xi32>
    %shift_right_logical3A_1157 = arith.shrui %get3A_1154, %shift_right_logical3A_1156 : vector<16xi32>
    %swap3A_1158 = arith.constant 0 : index
    %swap3A_1159 = tpu.vector_load %arg9[%swap3A_1158] {strides = array<i32>} : memref<64xi32, #tpu.memory_space<vmem>>, vector<16xi32>,
    %swap3A_1160 = vector.shape_cast %swap3A_1159 : vector<16xi32> to vector<16xi32>
    %swap3A_1161 = vector.shape_cast %shift_right_logical3A_1157 : vector<16xi32> to vector<16xi32>
    tpu.vector_store %arg9[%swap3A_1158], %swap3A_1161 {strides = array<i32>} : memref<64xi32, #tpu.memory_space<vmem>>, vector<16xi32>,
    %get3A_1162 = arith.constant 80 : index
    %get3A_1163 = tpu.vector_load %arg7[%get3A_1162] {strides = array<i32>} : memref<10240xi32, #tpu.memory_space<vmem>>, vector<16xi32>,
    %get3A_1164 = vector.shape_cast %get3A_1163 : vector<16xi32> to vector<16xi32>
    %shift_right_logical3A_1165 = arith.constant 16 : i32
    %shift_right_logical3A_1166 = vector.broadcast %shift_right_logical3A_1165 : i32 to vector<16xi32>
    %shift_right_logical3A_1167 = arith.shrui %get3A_1164, %shift_right_logical3A_1166 : vector<16xi32>
    %swap3A_1168 = arith.constant 16 : index
    %swap3A_1169 = tpu.vector_load %arg9[%swap3A_1168] {strides = array<i32>} : memref<64xi32, #tpu.memory_space<vmem>>, vector<16xi32>,
    %swap3A_1170 = vector.shape_cast %swap3A_1169 : vector<16xi32> to vector<16xi32>
    %swap3A_1171 = vector.shape_cast %shift_right_logical3A_1167 : vector<16xi32> to vector<16xi32>
    tpu.vector_store %arg9[%swap3A_1168], %swap3A_1171 {strides = array<i32>} : memref<64xi32, #tpu.memory_space<vmem>>, vector<16xi32>,
    %get3A_1172 = arith.constant 96 : index
    %get3A_1173 = tpu.vector_load %arg7[%get3A_1172] {strides = array<i32>} : memref<10240xi32, #tpu.memory_space<vmem>>, vector<16xi32>,
    %get3A_1174 = vector.shape_cast %get3A_1173 : vector<16xi32> to vector<16xi32>
    %shift_right_logical3A_1175 = arith.constant 16 : i32
    %shift_right_logical3A_1176 = vector.broadcast %shift_right_logical3A_1175 : i32 to vector<16xi32>
    %shift_right_logical3A_1177 = arith.shrui %get3A_1174, %shift_right_logical3A_1176 : vector<16xi32>
    %swap3A_1178 = arith.constant 32 : index
    %swap3A_1179 = tpu.vector_load %arg9[%swap3A_1178] {strides = array<i32>} : memref<64xi32, #tpu.memory_space<vmem>>, vector<16xi32>,
    %swap3A_1180 = vector.shape_cast %swap3A_1179 : vector<16xi32> to vector<16xi32>
    %swap3A_1181 = vector.shape_cast %shift_right_logical3A_1177 : vector<16xi32> to vector<16xi32>
    tpu.vector_store %arg9[%swap3A_1178], %swap3A_1181 {strides = array<i32>} : memref<64xi32, #tpu.memory_space<vmem>>, vector<16xi32>,
    %get3A_1182 = arith.constant 112 : index
    %get3A_1183 = tpu.vector_load %arg7[%get3A_1182] {strides = array<i32>} : memref<10240xi32, #tpu.memory_space<vmem>>, vector<16xi32>,
    %get3A_1184 = vector.shape_cast %get3A_1183 : vector<16xi32> to vector<16xi32>
    %shift_right_logical3A_1185 = arith.constant 16 : i32
    %shift_right_logical3A_1186 = vector.broadcast %shift_right_logical3A_1185 : i32 to vector<16xi32>
    %shift_right_logical3A_1187 = arith.shrui %get3A_1184, %shift_right_logical3A_1186 : vector<16xi32>
    %swap3A_1188 = arith.constant 48 : index
    %swap3A_1189 = tpu.vector_load %arg9[%swap3A_1188] {strides = array<i32>} : memref<64xi32, #tpu.memory_space<vmem>>, vector<16xi32>,
    %swap3A_1190 = vector.shape_cast %swap3A_1189 : vector<16xi32> to vector<16xi32>
    %swap3A_1191 = vector.shape_cast %shift_right_logical3A_1187 : vector<16xi32> to vector<16xi32>
    tpu.vector_store %arg9[%swap3A_1188], %swap3A_1191 {strides = array<i32>} : memref<64xi32, #tpu.memory_space<vmem>>, vector<16xi32>,
    %dma_start3A_1192 = arith.constant 0 : i32
    %dma_start3A_1193 = arith.constant 0 : i32
    %dma_start3A_1194 = tpu.memref_slice %arg2[%dma_start3A_1192, %dma_start3A_1193] : memref<10000x128xf32, #tpu.memory_space<hbm>> -> memref<10000x128xf32, #tpu.memory_space<hbm>>
    tpu.enqueue_indirect_dma source(%dma_start3A_1194 : memref<10000x128xf32, #tpu.memory_space<hbm>>) target(%arg13 : memref<64x128xf32, #tpu.memory_space<vmem>>) offsets(%arg9 : memref<64xi32, #tpu.memory_space<vmem>>) semaphore(%arg18 : memref<!tpu.dma_semaphore, #tpu.memory_space<semaphore_mem>>)
    %add3A_1195 = arith.constant 64 : i32
    %add3A_1196 = arith.addi %mul3A_1105, %add3A_1195 : i32
    %dma_start3A_1197 = tpu.memref_slice %arg3[%add3A_1196, %mul3A_0] : memref<163840x256xf32, #tpu.memory_space<hbm>> -> memref<64x128xf32, #tpu.memory_space<hbm>>
    %dma_start3A_1198 = tpu.memref_slice %arg3[%add3A_1196, %mul3A_0] : memref<163840x256xf32, #tpu.memory_space<hbm>> -> memref<64x128xf32, #tpu.memory_space<hbm>>
    tpu.enqueue_dma source(%dma_start3A_1198 : memref<64x128xf32, #tpu.memory_space<hbm>>) target(%arg15 : memref<64x128xf32, #tpu.memory_space<vmem>>) target_semaphore(%arg20 : memref<!tpu.dma_semaphore, #tpu.memory_space<semaphore_mem>>)
    %scan3A = arith.constant 0 : i32
    %scan3A_1199 = arith.constant 0 : i32
    %scan3A_1200 = arith.constant 80 : i32
    %scan3A_1201 = arith.addi %scan3A_1199, %scan3A_1200 : i32
    %scan3A_1202 = arith.constant 1 : i32
    scf.for %scan3A_1210 = %scan3A_1199 to %scan3A_1201 step %scan3A_1202  : i32 {
      %mul3A_1211 = arith.constant 2 : i32
      %mul3A_1212 = arith.muli %mul3A_1211, %scan3A_1210 : i32
      %dma_wait3A = arith.constant 0 : i32
      %dma_wait3A_1213 = arith.constant 0 : i32
      %dma_wait3A_1214 = tpu.memref_slice %arg3[%dma_wait3A, %dma_wait3A_1213] : memref<163840x256xf32, #tpu.memory_space<hbm>> -> memref<64x128xf32, #tpu.memory_space<hbm>>
      %dma_wait3A_1215 = arith.constant 0 : i32
      %dma_wait3A_1216 = arith.constant 0 : i32
      %dma_wait3A_1217 = tpu.memref_slice %arg3[%dma_wait3A_1215, %dma_wait3A_1216] : memref<163840x256xf32, #tpu.memory_space<hbm>> -> memref<64x128xf32, #tpu.memory_space<hbm>>
      tpu.wait_dma2 semaphore(%arg17 : memref<!tpu.dma_semaphore, #tpu.memory_space<semaphore_mem>>) src(%dma_wait3A_1217 : memref<64x128xf32, #tpu.memory_space<hbm>>) dst(%arg12 : memref<64x128xf32, #tpu.memory_space<vmem>>)
      %dma_wait3A_1218 = arith.constant 0 : i32
      %dma_wait3A_1219 = arith.constant 0 : i32
      %dma_wait3A_1220 = tpu.memref_slice %arg3[%dma_wait3A_1218, %dma_wait3A_1219] : memref<163840x256xf32, #tpu.memory_space<hbm>> -> memref<64x128xf32, #tpu.memory_space<hbm>>
      %dma_wait3A_1221 = arith.constant 0 : i32
      %dma_wait3A_1222 = arith.constant 0 : i32
      %dma_wait3A_1223 = tpu.memref_slice %arg3[%dma_wait3A_1221, %dma_wait3A_1222] : memref<163840x256xf32, #tpu.memory_space<hbm>> -> memref<64x128xf32, #tpu.memory_space<hbm>>
      tpu.wait_dma2 semaphore(%arg19 : memref<!tpu.dma_semaphore, #tpu.memory_space<semaphore_mem>>) src(%dma_wait3A_1223 : memref<64x128xf32, #tpu.memory_space<hbm>>) dst(%arg14 : memref<64x128xf32, #tpu.memory_space<vmem>>)
      %scan3A_1224 = arith.constant 0 : i32
      %scan3A_1225 = arith.constant 0 : i32
      %scan3A_1226 = arith.constant 64 : i32
      %scan3A_1227 = arith.addi %scan3A_1225, %scan3A_1226 : i32
      %scan3A_1228 = arith.constant 2 : i32
      scf.for %scan3A_1432 = %scan3A_1225 to %scan3A_1227 step %scan3A_1228  : i32 {
        %get3A_1433 = arith.index_cast %scan3A_1432 : i32 to index
        %get3A_1434 = arith.index_cast %mul3A_1107 : i32 to index
        %get3A_1435 = tpu.vector_load %arg12[%get3A_1433, %get3A_1434] {strides = array<i32>} : memref<64x128xf32, #tpu.memory_space<vmem>>, vector<1x16xf32>,
        %get3A_1436 = vector.shape_cast %get3A_1435 : vector<1x16xf32> to vector<16xf32>
        %get3A_1437 = arith.index_cast %scan3A_1432 : i32 to index
        %get3A_1438 = arith.constant 0 : index
        %get3A_1439 = tpu.vector_load %arg14[%get3A_1437, %get3A_1438] {strides = array<i32>} : memref<64x128xf32, #tpu.memory_space<vmem>>, vector<1x16xf32>,
        %get3A_1440 = vector.shape_cast %get3A_1439 : vector<1x16xf32> to vector<16xf32>
        %slice3A = vector.extract_strided_slice %get3A_1436 {offsets = [0], sizes = [1], strides = [1]} : vector<16xf32> to vector<1xf32>
        %squeeze3A = vector.extract %slice3A[0] : f32 from vector<1xf32>
        %mul3A_1441 = vector.broadcast %squeeze3A : f32 to vector<16xf32>
        %mul3A_1442 = arith.mulf %get3A_1440, %mul3A_1441 : vector<16xf32>
        %swap3A_1443 = arith.index_cast %scan3A_1432 : i32 to index
        %swap3A_1444 = arith.constant 0 : index
        %swap3A_1445 = tpu.vector_load %arg14[%swap3A_1443, %swap3A_1444] {strides = array<i32>} : memref<64x128xf32, #tpu.memory_space<vmem>>, vector<1x16xf32>,
        %swap3A_1446 = vector.shape_cast %swap3A_1445 : vector<1x16xf32> to vector<16xf32>
        %swap3A_1447 = vector.shape_cast %mul3A_1442 : vector<16xf32> to vector<1x16xf32>
        tpu.vector_store %arg14[%swap3A_1443, %swap3A_1444], %swap3A_1447 {strides = array<i32>} : memref<64x128xf32, #tpu.memory_space<vmem>>, vector<1x16xf32>,
        %get3A_1448 = arith.index_cast %scan3A_1432 : i32 to index
        %get3A_1449 = arith.constant 16 : index
        %get3A_1450 = tpu.vector_load %arg14[%get3A_1448, %get3A_1449] {strides = array<i32>} : memref<64x128xf32, #tpu.memory_space<vmem>>, vector<1x16xf32>,
        %get3A_1451 = vector.shape_cast %get3A_1450 : vector<1x16xf32> to vector<16xf32>
        %slice3A_1452 = vector.extract_strided_slice %get3A_1436 {offsets = [1], sizes = [1], strides = [1]} : vector<16xf32> to vector<1xf32>
        %squeeze3A_1453 = vector.extract %slice3A_1452[0] : f32 from vector<1xf32>
        %mul3A_1454 = vector.broadcast %squeeze3A_1453 : f32 to vector<16xf32>
        %mul3A_1455 = arith.mulf %get3A_1451, %mul3A_1454 : vector<16xf32>
        %swap3A_1456 = arith.index_cast %scan3A_1432 : i32 to index
        %swap3A_1457 = arith.constant 16 : index
        %swap3A_1458 = tpu.vector_load %arg14[%swap3A_1456, %swap3A_1457] {strides = array<i32>} : memref<64x128xf32, #tpu.memory_space<vmem>>, vector<1x16xf32>,
        %swap3A_1459 = vector.shape_cast %swap3A_1458 : vector<1x16xf32> to vector<16xf32>
        %swap3A_1460 = vector.shape_cast %mul3A_1455 : vector<16xf32> to vector<1x16xf32>
        tpu.vector_store %arg14[%swap3A_1456, %swap3A_1457], %swap3A_1460 {strides = array<i32>} : memref<64x128xf32, #tpu.memory_space<vmem>>, vector<1x16xf32>,
        %get3A_1461 = arith.index_cast %scan3A_1432 : i32 to index
        %get3A_1462 = arith.constant 32 : index
        %get3A_1463 = tpu.vector_load %arg14[%get3A_1461, %get3A_1462] {strides = array<i32>} : memref<64x128xf32, #tpu.memory_space<vmem>>, vector<1x16xf32>,
        %get3A_1464 = vector.shape_cast %get3A_1463 : vector<1x16xf32> to vector<16xf32>
        %slice3A_1465 = vector.extract_strided_slice %get3A_1436 {offsets = [2], sizes = [1], strides = [1]} : vector<16xf32> to vector<1xf32>
        %squeeze3A_1466 = vector.extract %slice3A_1465[0] : f32 from vector<1xf32>
        %mul3A_1467 = vector.broadcast %squeeze3A_1466 : f32 to vector<16xf32>
        %mul3A_1468 = arith.mulf %get3A_1464, %mul3A_1467 : vector<16xf32>
        %swap3A_1469 = arith.index_cast %scan3A_1432 : i32 to index
        %swap3A_1470 = arith.constant 32 : index
        %swap3A_1471 = tpu.vector_load %arg14[%swap3A_1469, %swap3A_1470] {strides = array<i32>} : memref<64x128xf32, #tpu.memory_space<vmem>>, vector<1x16xf32>,
        %swap3A_1472 = vector.shape_cast %swap3A_1471 : vector<1x16xf32> to vector<16xf32>
        %swap3A_1473 = vector.shape_cast %mul3A_1468 : vector<16xf32> to vector<1x16xf32>
        tpu.vector_store %arg14[%swap3A_1469, %swap3A_1470], %swap3A_1473 {strides = array<i32>} : memref<64x128xf32, #tpu.memory_space<vmem>>, vector<1x16xf32>,
        %get3A_1474 = arith.index_cast %scan3A_1432 : i32 to index
        %get3A_1475 = arith.constant 48 : index
        %get3A_1476 = tpu.vector_load %arg14[%get3A_1474, %get3A_1475] {strides = array<i32>} : memref<64x128xf32, #tpu.memory_space<vmem>>, vector<1x16xf32>,
        %get3A_1477 = vector.shape_cast %get3A_1476 : vector<1x16xf32> to vector<16xf32>
        %slice3A_1478 = vector.extract_strided_slice %get3A_1436 {offsets = [3], sizes = [1], strides = [1]} : vector<16xf32> to vector<1xf32>
        %squeeze3A_1479 = vector.extract %slice3A_1478[0] : f32 from vector<1xf32>
        %mul3A_1480 = vector.broadcast %squeeze3A_1479 : f32 to vector<16xf32>
        %mul3A_1481 = arith.mulf %get3A_1477, %mul3A_1480 : vector<16xf32>
        %swap3A_1482 = arith.index_cast %scan3A_1432 : i32 to index
        %swap3A_1483 = arith.constant 48 : index
        %swap3A_1484 = tpu.vector_load %arg14[%swap3A_1482, %swap3A_1483] {strides = array<i32>} : memref<64x128xf32, #tpu.memory_space<vmem>>, vector<1x16xf32>,
        %swap3A_1485 = vector.shape_cast %swap3A_1484 : vector<1x16xf32> to vector<16xf32>
        %swap3A_1486 = vector.shape_cast %mul3A_1481 : vector<16xf32> to vector<1x16xf32>
        tpu.vector_store %arg14[%swap3A_1482, %swap3A_1483], %swap3A_1486 {strides = array<i32>} : memref<64x128xf32, #tpu.memory_space<vmem>>, vector<1x16xf32>,
        %get3A_1487 = arith.index_cast %scan3A_1432 : i32 to index
        %get3A_1488 = arith.constant 64 : index
        %get3A_1489 = tpu.vector_load %arg14[%get3A_1487, %get3A_1488] {strides = array<i32>} : memref<64x128xf32, #tpu.memory_space<vmem>>, vector<1x16xf32>,
        %get3A_1490 = vector.shape_cast %get3A_1489 : vector<1x16xf32> to vector<16xf32>
        %slice3A_1491 = vector.extract_strided_slice %get3A_1436 {offsets = [4], sizes = [1], strides = [1]} : vector<16xf32> to vector<1xf32>
        %squeeze3A_1492 = vector.extract %slice3A_1491[0] : f32 from vector<1xf32>
        %mul3A_1493 = vector.broadcast %squeeze3A_1492 : f32 to vector<16xf32>
        %mul3A_1494 = arith.mulf %get3A_1490, %mul3A_1493 : vector<16xf32>
        %swap3A_1495 = arith.index_cast %scan3A_1432 : i32 to index
        %swap3A_1496 = arith.constant 64 : index
        %swap3A_1497 = tpu.vector_load %arg14[%swap3A_1495, %swap3A_1496] {strides = array<i32>} : memref<64x128xf32, #tpu.memory_space<vmem>>, vector<1x16xf32>,
        %swap3A_1498 = vector.shape_cast %swap3A_1497 : vector<1x16xf32> to vector<16xf32>
        %swap3A_1499 = vector.shape_cast %mul3A_1494 : vector<16xf32> to vector<1x16xf32>
        tpu.vector_store %arg14[%swap3A_1495, %swap3A_1496], %swap3A_1499 {strides = array<i32>} : memref<64x128xf32, #tpu.memory_space<vmem>>, vector<1x16xf32>,
        %get3A_1500 = arith.index_cast %scan3A_1432 : i32 to index
        %get3A_1501 = arith.constant 80 : index
        %get3A_1502 = tpu.vector_load %arg14[%get3A_1500, %get3A_1501] {strides = array<i32>} : memref<64x128xf32, #tpu.memory_space<vmem>>, vector<1x16xf32>,
        %get3A_1503 = vector.shape_cast %get3A_1502 : vector<1x16xf32> to vector<16xf32>
        %slice3A_1504 = vector.extract_strided_slice %get3A_1436 {offsets = [5], sizes = [1], strides = [1]} : vector<16xf32> to vector<1xf32>
        %squeeze3A_1505 = vector.extract %slice3A_1504[0] : f32 from vector<1xf32>
        %mul3A_1506 = vector.broadcast %squeeze3A_1505 : f32 to vector<16xf32>
        %mul3A_1507 = arith.mulf %get3A_1503, %mul3A_1506 : vector<16xf32>
        %swap3A_1508 = arith.index_cast %scan3A_1432 : i32 to index
        %swap3A_1509 = arith.constant 80 : index
        %swap3A_1510 = tpu.vector_load %arg14[%swap3A_1508, %swap3A_1509] {strides = array<i32>} : memref<64x128xf32, #tpu.memory_space<vmem>>, vector<1x16xf32>,
        %swap3A_1511 = vector.shape_cast %swap3A_1510 : vector<1x16xf32> to vector<16xf32>
        %swap3A_1512 = vector.shape_cast %mul3A_1507 : vector<16xf32> to vector<1x16xf32>
        tpu.vector_store %arg14[%swap3A_1508, %swap3A_1509], %swap3A_1512 {strides = array<i32>} : memref<64x128xf32, #tpu.memory_space<vmem>>, vector<1x16xf32>,
        %get3A_1513 = arith.index_cast %scan3A_1432 : i32 to index
        %get3A_1514 = arith.constant 96 : index
        %get3A_1515 = tpu.vector_load %arg14[%get3A_1513, %get3A_1514] {strides = array<i32>} : memref<64x128xf32, #tpu.memory_space<vmem>>, vector<1x16xf32>,
        %get3A_1516 = vector.shape_cast %get3A_1515 : vector<1x16xf32> to vector<16xf32>
        %slice3A_1517 = vector.extract_strided_slice %get3A_1436 {offsets = [6], sizes = [1], strides = [1]} : vector<16xf32> to vector<1xf32>
        %squeeze3A_1518 = vector.extract %slice3A_1517[0] : f32 from vector<1xf32>
        %mul3A_1519 = vector.broadcast %squeeze3A_1518 : f32 to vector<16xf32>
        %mul3A_1520 = arith.mulf %get3A_1516, %mul3A_1519 : vector<16xf32>
        %swap3A_1521 = arith.index_cast %scan3A_1432 : i32 to index
        %swap3A_1522 = arith.constant 96 : index
        %swap3A_1523 = tpu.vector_load %arg14[%swap3A_1521, %swap3A_1522] {strides = array<i32>} : memref<64x128xf32, #tpu.memory_space<vmem>>, vector<1x16xf32>,
        %swap3A_1524 = vector.shape_cast %swap3A_1523 : vector<1x16xf32> to vector<16xf32>
        %swap3A_1525 = vector.shape_cast %mul3A_1520 : vector<16xf32> to vector<1x16xf32>
        tpu.vector_store %arg14[%swap3A_1521, %swap3A_1522], %swap3A_1525 {strides = array<i32>} : memref<64x128xf32, #tpu.memory_space<vmem>>, vector<1x16xf32>,
        %get3A_1526 = arith.index_cast %scan3A_1432 : i32 to index
        %get3A_1527 = arith.constant 112 : index
        %get3A_1528 = tpu.vector_load %arg14[%get3A_1526, %get3A_1527] {strides = array<i32>} : memref<64x128xf32, #tpu.memory_space<vmem>>, vector<1x16xf32>,
        %get3A_1529 = vector.shape_cast %get3A_1528 : vector<1x16xf32> to vector<16xf32>
        %slice3A_1530 = vector.extract_strided_slice %get3A_1436 {offsets = [7], sizes = [1], strides = [1]} : vector<16xf32> to vector<1xf32>
        %squeeze3A_1531 = vector.extract %slice3A_1530[0] : f32 from vector<1xf32>
        %mul3A_1532 = vector.broadcast %squeeze3A_1531 : f32 to vector<16xf32>
        %mul3A_1533 = arith.mulf %get3A_1529, %mul3A_1532 : vector<16xf32>
        %swap3A_1534 = arith.index_cast %scan3A_1432 : i32 to index
        %swap3A_1535 = arith.constant 112 : index
        %swap3A_1536 = tpu.vector_load %arg14[%swap3A_1534, %swap3A_1535] {strides = array<i32>} : memref<64x128xf32, #tpu.memory_space<vmem>>, vector<1x16xf32>,
        %swap3A_1537 = vector.shape_cast %swap3A_1536 : vector<1x16xf32> to vector<16xf32>
        %swap3A_1538 = vector.shape_cast %mul3A_1533 : vector<16xf32> to vector<1x16xf32>
        tpu.vector_store %arg14[%swap3A_1534, %swap3A_1535], %swap3A_1538 {strides = array<i32>} : memref<64x128xf32, #tpu.memory_space<vmem>>, vector<1x16xf32>,
        %scan3A_1539 = arith.constant 1 : i32
        %scan3A_1540 = arith.addi %scan3A_1432, %scan3A_1539 : i32
        %get3A_1541 = arith.index_cast %scan3A_1540 : i32 to index
        %get3A_1542 = arith.index_cast %mul3A_1107 : i32 to index
        %get3A_1543 = tpu.vector_load %arg12[%get3A_1541, %get3A_1542] {strides = array<i32>} : memref<64x128xf32, #tpu.memory_space<vmem>>, vector<1x16xf32>,
        %get3A_1544 = vector.shape_cast %get3A_1543 : vector<1x16xf32> to vector<16xf32>
        %get3A_1545 = arith.index_cast %scan3A_1540 : i32 to index
        %get3A_1546 = arith.constant 0 : index
        %get3A_1547 = tpu.vector_load %arg14[%get3A_1545, %get3A_1546] {strides = array<i32>} : memref<64x128xf32, #tpu.memory_space<vmem>>, vector<1x16xf32>,
        %get3A_1548 = vector.shape_cast %get3A_1547 : vector<1x16xf32> to vector<16xf32>
        %slice3A_1549 = vector.extract_strided_slice %get3A_1544 {offsets = [0], sizes = [1], strides = [1]} : vector<16xf32> to vector<1xf32>
        %squeeze3A_1550 = vector.extract %slice3A_1549[0] : f32 from vector<1xf32>
        %mul3A_1551 = vector.broadcast %squeeze3A_1550 : f32 to vector<16xf32>
        %mul3A_1552 = arith.mulf %get3A_1548, %mul3A_1551 : vector<16xf32>
        %swap3A_1553 = arith.index_cast %scan3A_1540 : i32 to index
        %swap3A_1554 = arith.constant 0 : index
        %swap3A_1555 = tpu.vector_load %arg14[%swap3A_1553, %swap3A_1554] {strides = array<i32>} : memref<64x128xf32, #tpu.memory_space<vmem>>, vector<1x16xf32>,
        %swap3A_1556 = vector.shape_cast %swap3A_1555 : vector<1x16xf32> to vector<16xf32>
        %swap3A_1557 = vector.shape_cast %mul3A_1552 : vector<16xf32> to vector<1x16xf32>
        tpu.vector_store %arg14[%swap3A_1553, %swap3A_1554], %swap3A_1557 {strides = array<i32>} : memref<64x128xf32, #tpu.memory_space<vmem>>, vector<1x16xf32>,
        %get3A_1558 = arith.index_cast %scan3A_1540 : i32 to index
        %get3A_1559 = arith.constant 16 : index
        %get3A_1560 = tpu.vector_load %arg14[%get3A_1558, %get3A_1559] {strides = array<i32>} : memref<64x128xf32, #tpu.memory_space<vmem>>, vector<1x16xf32>,
        %get3A_1561 = vector.shape_cast %get3A_1560 : vector<1x16xf32> to vector<16xf32>
        %slice3A_1562 = vector.extract_strided_slice %get3A_1544 {offsets = [1], sizes = [1], strides = [1]} : vector<16xf32> to vector<1xf32>
        %squeeze3A_1563 = vector.extract %slice3A_1562[0] : f32 from vector<1xf32>
        %mul3A_1564 = vector.broadcast %squeeze3A_1563 : f32 to vector<16xf32>
        %mul3A_1565 = arith.mulf %get3A_1561, %mul3A_1564 : vector<16xf32>
        %swap3A_1566 = arith.index_cast %scan3A_1540 : i32 to index
        %swap3A_1567 = arith.constant 16 : index
        %swap3A_1568 = tpu.vector_load %arg14[%swap3A_1566, %swap3A_1567] {strides = array<i32>} : memref<64x128xf32, #tpu.memory_space<vmem>>, vector<1x16xf32>,
        %swap3A_1569 = vector.shape_cast %swap3A_1568 : vector<1x16xf32> to vector<16xf32>
        %swap3A_1570 = vector.shape_cast %mul3A_1565 : vector<16xf32> to vector<1x16xf32>
        tpu.vector_store %arg14[%swap3A_1566, %swap3A_1567], %swap3A_1570 {strides = array<i32>} : memref<64x128xf32, #tpu.memory_space<vmem>>, vector<1x16xf32>,
        %get3A_1571 = arith.index_cast %scan3A_1540 : i32 to index
        %get3A_1572 = arith.constant 32 : index
        %get3A_1573 = tpu.vector_load %arg14[%get3A_1571, %get3A_1572] {strides = array<i32>} : memref<64x128xf32, #tpu.memory_space<vmem>>, vector<1x16xf32>,
        %get3A_1574 = vector.shape_cast %get3A_1573 : vector<1x16xf32> to vector<16xf32>
        %slice3A_1575 = vector.extract_strided_slice %get3A_1544 {offsets = [2], sizes = [1], strides = [1]} : vector<16xf32> to vector<1xf32>
        %squeeze3A_1576 = vector.extract %slice3A_1575[0] : f32 from vector<1xf32>
        %mul3A_1577 = vector.broadcast %squeeze3A_1576 : f32 to vector<16xf32>
        %mul3A_1578 = arith.mulf %get3A_1574, %mul3A_1577 : vector<16xf32>
        %swap3A_1579 = arith.index_cast %scan3A_1540 : i32 to index
        %swap3A_1580 = arith.constant 32 : index
        %swap3A_1581 = tpu.vector_load %arg14[%swap3A_1579, %swap3A_1580] {strides = array<i32>} : memref<64x128xf32, #tpu.memory_space<vmem>>, vector<1x16xf32>,
        %swap3A_1582 = vector.shape_cast %swap3A_1581 : vector<1x16xf32> to vector<16xf32>
        %swap3A_1583 = vector.shape_cast %mul3A_1578 : vector<16xf32> to vector<1x16xf32>
        tpu.vector_store %arg14[%swap3A_1579, %swap3A_1580], %swap3A_1583 {strides = array<i32>} : memref<64x128xf32, #tpu.memory_space<vmem>>, vector<1x16xf32>,
        %get3A_1584 = arith.index_cast %scan3A_1540 : i32 to index
        %get3A_1585 = arith.constant 48 : index
        %get3A_1586 = tpu.vector_load %arg14[%get3A_1584, %get3A_1585] {strides = array<i32>} : memref<64x128xf32, #tpu.memory_space<vmem>>, vector<1x16xf32>,
        %get3A_1587 = vector.shape_cast %get3A_1586 : vector<1x16xf32> to vector<16xf32>
        %slice3A_1588 = vector.extract_strided_slice %get3A_1544 {offsets = [3], sizes = [1], strides = [1]} : vector<16xf32> to vector<1xf32>
        %squeeze3A_1589 = vector.extract %slice3A_1588[0] : f32 from vector<1xf32>
        %mul3A_1590 = vector.broadcast %squeeze3A_1589 : f32 to vector<16xf32>
        %mul3A_1591 = arith.mulf %get3A_1587, %mul3A_1590 : vector<16xf32>
        %swap3A_1592 = arith.index_cast %scan3A_1540 : i32 to index
        %swap3A_1593 = arith.constant 48 : index
        %swap3A_1594 = tpu.vector_load %arg14[%swap3A_1592, %swap3A_1593] {strides = array<i32>} : memref<64x128xf32, #tpu.memory_space<vmem>>, vector<1x16xf32>,
        %swap3A_1595 = vector.shape_cast %swap3A_1594 : vector<1x16xf32> to vector<16xf32>
        %swap3A_1596 = vector.shape_cast %mul3A_1591 : vector<16xf32> to vector<1x16xf32>
        tpu.vector_store %arg14[%swap3A_1592, %swap3A_1593], %swap3A_1596 {strides = array<i32>} : memref<64x128xf32, #tpu.memory_space<vmem>>, vector<1x16xf32>,
        %get3A_1597 = arith.index_cast %scan3A_1540 : i32 to index
        %get3A_1598 = arith.constant 64 : index
        %get3A_1599 = tpu.vector_load %arg14[%get3A_1597, %get3A_1598] {strides = array<i32>} : memref<64x128xf32, #tpu.memory_space<vmem>>, vector<1x16xf32>,
        %get3A_1600 = vector.shape_cast %get3A_1599 : vector<1x16xf32> to vector<16xf32>
        %slice3A_1601 = vector.extract_strided_slice %get3A_1544 {offsets = [4], sizes = [1], strides = [1]} : vector<16xf32> to vector<1xf32>
        %squeeze3A_1602 = vector.extract %slice3A_1601[0] : f32 from vector<1xf32>
        %mul3A_1603 = vector.broadcast %squeeze3A_1602 : f32 to vector<16xf32>
        %mul3A_1604 = arith.mulf %get3A_1600, %mul3A_1603 : vector<16xf32>
        %swap3A_1605 = arith.index_cast %scan3A_1540 : i32 to index
        %swap3A_1606 = arith.constant 64 : index
        %swap3A_1607 = tpu.vector_load %arg14[%swap3A_1605, %swap3A_1606] {strides = array<i32>} : memref<64x128xf32, #tpu.memory_space<vmem>>, vector<1x16xf32>,
        %swap3A_1608 = vector.shape_cast %swap3A_1607 : vector<1x16xf32> to vector<16xf32>
        %swap3A_1609 = vector.shape_cast %mul3A_1604 : vector<16xf32> to vector<1x16xf32>
        tpu.vector_store %arg14[%swap3A_1605, %swap3A_1606], %swap3A_1609 {strides = array<i32>} : memref<64x128xf32, #tpu.memory_space<vmem>>, vector<1x16xf32>,
        %get3A_1610 = arith.index_cast %scan3A_1540 : i32 to index
        %get3A_1611 = arith.constant 80 : index
        %get3A_1612 = tpu.vector_load %arg14[%get3A_1610, %get3A_1611] {strides = array<i32>} : memref<64x128xf32, #tpu.memory_space<vmem>>, vector<1x16xf32>,
        %get3A_1613 = vector.shape_cast %get3A_1612 : vector<1x16xf32> to vector<16xf32>
        %slice3A_1614 = vector.extract_strided_slice %get3A_1544 {offsets = [5], sizes = [1], strides = [1]} : vector<16xf32> to vector<1xf32>
        %squeeze3A_1615 = vector.extract %slice3A_1614[0] : f32 from vector<1xf32>
        %mul3A_1616 = vector.broadcast %squeeze3A_1615 : f32 to vector<16xf32>
        %mul3A_1617 = arith.mulf %get3A_1613, %mul3A_1616 : vector<16xf32>
        %swap3A_1618 = arith.index_cast %scan3A_1540 : i32 to index
        %swap3A_1619 = arith.constant 80 : index
        %swap3A_1620 = tpu.vector_load %arg14[%swap3A_1618, %swap3A_1619] {strides = array<i32>} : memref<64x128xf32, #tpu.memory_space<vmem>>, vector<1x16xf32>,
        %swap3A_1621 = vector.shape_cast %swap3A_1620 : vector<1x16xf32> to vector<16xf32>
        %swap3A_1622 = vector.shape_cast %mul3A_1617 : vector<16xf32> to vector<1x16xf32>
        tpu.vector_store %arg14[%swap3A_1618, %swap3A_1619], %swap3A_1622 {strides = array<i32>} : memref<64x128xf32, #tpu.memory_space<vmem>>, vector<1x16xf32>,
        %get3A_1623 = arith.index_cast %scan3A_1540 : i32 to index
        %get3A_1624 = arith.constant 96 : index
        %get3A_1625 = tpu.vector_load %arg14[%get3A_1623, %get3A_1624] {strides = array<i32>} : memref<64x128xf32, #tpu.memory_space<vmem>>, vector<1x16xf32>,
        %get3A_1626 = vector.shape_cast %get3A_1625 : vector<1x16xf32> to vector<16xf32>
        %slice3A_1627 = vector.extract_strided_slice %get3A_1544 {offsets = [6], sizes = [1], strides = [1]} : vector<16xf32> to vector<1xf32>
        %squeeze3A_1628 = vector.extract %slice3A_1627[0] : f32 from vector<1xf32>
        %mul3A_1629 = vector.broadcast %squeeze3A_1628 : f32 to vector<16xf32>
        %mul3A_1630 = arith.mulf %get3A_1626, %mul3A_1629 : vector<16xf32>
        %swap3A_1631 = arith.index_cast %scan3A_1540 : i32 to index
        %swap3A_1632 = arith.constant 96 : index
        %swap3A_1633 = tpu.vector_load %arg14[%swap3A_1631, %swap3A_1632] {strides = array<i32>} : memref<64x128xf32, #tpu.memory_space<vmem>>, vector<1x16xf32>,
        %swap3A_1634 = vector.shape_cast %swap3A_1633 : vector<1x16xf32> to vector<16xf32>
        %swap3A_1635 = vector.shape_cast %mul3A_1630 : vector<16xf32> to vector<1x16xf32>
        tpu.vector_store %arg14[%swap3A_1631, %swap3A_1632], %swap3A_1635 {strides = array<i32>} : memref<64x128xf32, #tpu.memory_space<vmem>>, vector<1x16xf32>,
        %get3A_1636 = arith.index_cast %scan3A_1540 : i32 to index
        %get3A_1637 = arith.constant 112 : index
        %get3A_1638 = tpu.vector_load %arg14[%get3A_1636, %get3A_1637] {strides = array<i32>} : memref<64x128xf32, #tpu.memory_space<vmem>>, vector<1x16xf32>,
        %get3A_1639 = vector.shape_cast %get3A_1638 : vector<1x16xf32> to vector<16xf32>
        %slice3A_1640 = vector.extract_strided_slice %get3A_1544 {offsets = [7], sizes = [1], strides = [1]} : vector<16xf32> to vector<1xf32>
        %squeeze3A_1641 = vector.extract %slice3A_1640[0] : f32 from vector<1xf32>
        %mul3A_1642 = vector.broadcast %squeeze3A_1641 : f32 to vector<16xf32>
        %mul3A_1643 = arith.mulf %get3A_1639, %mul3A_1642 : vector<16xf32>
        %swap3A_1644 = arith.index_cast %scan3A_1540 : i32 to index
        %swap3A_1645 = arith.constant 112 : index
        %swap3A_1646 = tpu.vector_load %arg14[%swap3A_1644, %swap3A_1645] {strides = array<i32>} : memref<64x128xf32, #tpu.memory_space<vmem>>, vector<1x16xf32>,
        %swap3A_1647 = vector.shape_cast %swap3A_1646 : vector<1x16xf32> to vector<16xf32>
        %swap3A_1648 = vector.shape_cast %mul3A_1643 : vector<16xf32> to vector<1x16xf32>
        tpu.vector_store %arg14[%swap3A_1644, %swap3A_1645], %swap3A_1648 {strides = array<i32>} : memref<64x128xf32, #tpu.memory_space<vmem>>, vector<1x16xf32>,
      }
      %scan3A_1229 = arith.constant 64 : i32
      %add3A_1230 = arith.constant 2 : i32
      %add3A_1231 = arith.addi %mul3A_1212, %add3A_1230 : i32
      %lt3A = arith.constant 160 : i32
      %lt3A_1232 = arith.cmpi slt, %add3A_1231, %lt3A : i32
      %convert_element_type3A_1233 = arith.extui %lt3A_1232 : i1 to i32
      %cond3A_1234 = arith.constant 0 : i32
      %cond3A_1235 = arith.cmpi ne, %convert_element_type3A_1233, %cond3A_1234 : i32
      scf.if %cond3A_1235 {
        %add3A_1432 = arith.constant 2 : i32
        %add3A_1433 = arith.addi %mul3A_1212, %add3A_1432 : i32
        %mul3A_1434 = arith.constant 64 : i32
        %mul3A_1435 = arith.muli %add3A_1433, %mul3A_1434 : i32
        %add3A_1436 = arith.constant 0 : i32
        %add3A_1437 = arith.addi %mul3A_1435, %add3A_1436 : i32
        %get3A_1438 = arith.index_cast %add3A_1437 : i32 to index
        %get3A_1439 = tpu.vector_load %arg7[%get3A_1438] {strides = array<i32>} : memref<10240xi32, #tpu.memory_space<vmem>>, vector<16xi32>,
        %get3A_1440 = vector.shape_cast %get3A_1439 : vector<16xi32> to vector<16xi32>
        %shift_right_logical3A_1441 = arith.constant 16 : i32
        %shift_right_logical3A_1442 = vector.broadcast %shift_right_logical3A_1441 : i32 to vector<16xi32>
        %shift_right_logical3A_1443 = arith.shrui %get3A_1440, %shift_right_logical3A_1442 : vector<16xi32>
        %swap3A_1444 = arith.constant 0 : index
        %swap3A_1445 = tpu.vector_load %arg8[%swap3A_1444] {strides = array<i32>} : memref<64xi32, #tpu.memory_space<vmem>>, vector<16xi32>,
        %swap3A_1446 = vector.shape_cast %swap3A_1445 : vector<16xi32> to vector<16xi32>
        %swap3A_1447 = vector.shape_cast %shift_right_logical3A_1443 : vector<16xi32> to vector<16xi32>
        tpu.vector_store %arg8[%swap3A_1444], %swap3A_1447 {strides = array<i32>} : memref<64xi32, #tpu.memory_space<vmem>>, vector<16xi32>,
        %mul3A_1448 = arith.constant 64 : i32
        %mul3A_1449 = arith.muli %add3A_1433, %mul3A_1448 : i32
        %add3A_1450 = arith.constant 16 : i32
        %add3A_1451 = arith.addi %mul3A_1449, %add3A_1450 : i32
        %get3A_1452 = arith.index_cast %add3A_1451 : i32 to index
        %get3A_1453 = tpu.vector_load %arg7[%get3A_1452] {strides = array<i32>} : memref<10240xi32, #tpu.memory_space<vmem>>, vector<16xi32>,
        %get3A_1454 = vector.shape_cast %get3A_1453 : vector<16xi32> to vector<16xi32>
        %shift_right_logical3A_1455 = arith.constant 16 : i32
        %shift_right_logical3A_1456 = vector.broadcast %shift_right_logical3A_1455 : i32 to vector<16xi32>
        %shift_right_logical3A_1457 = arith.shrui %get3A_1454, %shift_right_logical3A_1456 : vector<16xi32>
        %swap3A_1458 = arith.constant 16 : index
        %swap3A_1459 = tpu.vector_load %arg8[%swap3A_1458] {strides = array<i32>} : memref<64xi32, #tpu.memory_space<vmem>>, vector<16xi32>,
        %swap3A_1460 = vector.shape_cast %swap3A_1459 : vector<16xi32> to vector<16xi32>
        %swap3A_1461 = vector.shape_cast %shift_right_logical3A_1457 : vector<16xi32> to vector<16xi32>
        tpu.vector_store %arg8[%swap3A_1458], %swap3A_1461 {strides = array<i32>} : memref<64xi32, #tpu.memory_space<vmem>>, vector<16xi32>,
        %mul3A_1462 = arith.constant 64 : i32
        %mul3A_1463 = arith.muli %add3A_1433, %mul3A_1462 : i32
        %add3A_1464 = arith.constant 32 : i32
        %add3A_1465 = arith.addi %mul3A_1463, %add3A_1464 : i32
        %get3A_1466 = arith.index_cast %add3A_1465 : i32 to index
        %get3A_1467 = tpu.vector_load %arg7[%get3A_1466] {strides = array<i32>} : memref<10240xi32, #tpu.memory_space<vmem>>, vector<16xi32>,
        %get3A_1468 = vector.shape_cast %get3A_1467 : vector<16xi32> to vector<16xi32>
        %shift_right_logical3A_1469 = arith.constant 16 : i32
        %shift_right_logical3A_1470 = vector.broadcast %shift_right_logical3A_1469 : i32 to vector<16xi32>
        %shift_right_logical3A_1471 = arith.shrui %get3A_1468, %shift_right_logical3A_1470 : vector<16xi32>
        %swap3A_1472 = arith.constant 32 : index
        %swap3A_1473 = tpu.vector_load %arg8[%swap3A_1472] {strides = array<i32>} : memref<64xi32, #tpu.memory_space<vmem>>, vector<16xi32>,
        %swap3A_1474 = vector.shape_cast %swap3A_1473 : vector<16xi32> to vector<16xi32>
        %swap3A_1475 = vector.shape_cast %shift_right_logical3A_1471 : vector<16xi32> to vector<16xi32>
        tpu.vector_store %arg8[%swap3A_1472], %swap3A_1475 {strides = array<i32>} : memref<64xi32, #tpu.memory_space<vmem>>, vector<16xi32>,
        %mul3A_1476 = arith.constant 64 : i32
        %mul3A_1477 = arith.muli %add3A_1433, %mul3A_1476 : i32
        %add3A_1478 = arith.constant 48 : i32
        %add3A_1479 = arith.addi %mul3A_1477, %add3A_1478 : i32
        %get3A_1480 = arith.index_cast %add3A_1479 : i32 to index
        %get3A_1481 = tpu.vector_load %arg7[%get3A_1480] {strides = array<i32>} : memref<10240xi32, #tpu.memory_space<vmem>>, vector<16xi32>,
        %get3A_1482 = vector.shape_cast %get3A_1481 : vector<16xi32> to vector<16xi32>
        %shift_right_logical3A_1483 = arith.constant 16 : i32
        %shift_right_logical3A_1484 = vector.broadcast %shift_right_logical3A_1483 : i32 to vector<16xi32>
        %shift_right_logical3A_1485 = arith.shrui %get3A_1482, %shift_right_logical3A_1484 : vector<16xi32>
        %swap3A_1486 = arith.constant 48 : index
        %swap3A_1487 = tpu.vector_load %arg8[%swap3A_1486] {strides = array<i32>} : memref<64xi32, #tpu.memory_space<vmem>>, vector<16xi32>,
        %swap3A_1488 = vector.shape_cast %swap3A_1487 : vector<16xi32> to vector<16xi32>
        %swap3A_1489 = vector.shape_cast %shift_right_logical3A_1485 : vector<16xi32> to vector<16xi32>
        tpu.vector_store %arg8[%swap3A_1486], %swap3A_1489 {strides = array<i32>} : memref<64xi32, #tpu.memory_space<vmem>>, vector<16xi32>,
        %dma_start3A_1490 = arith.constant 0 : i32
        %dma_start3A_1491 = arith.constant 0 : i32
        %dma_start3A_1492 = tpu.memref_slice %arg2[%dma_start3A_1490, %dma_start3A_1491] : memref<10000x128xf32, #tpu.memory_space<hbm>> -> memref<10000x128xf32, #tpu.memory_space<hbm>>
        tpu.enqueue_indirect_dma source(%dma_start3A_1492 : memref<10000x128xf32, #tpu.memory_space<hbm>>) target(%arg12 : memref<64x128xf32, #tpu.memory_space<vmem>>) offsets(%arg8 : memref<64xi32, #tpu.memory_space<vmem>>) semaphore(%arg17 : memref<!tpu.dma_semaphore, #tpu.memory_space<semaphore_mem>>)
      } else {
      }
      %mul3A_1236 = arith.constant 64 : i32
      %mul3A_1237 = arith.muli %mul3A_1212, %mul3A_1236 : i32
      %add3A_1238 = arith.constant 0 : i32
      %add3A_1239 = arith.addi %mul3A_1237, %add3A_1238 : i32
      %get3A_1240 = arith.index_cast %add3A_1239 : i32 to index
      %get3A_1241 = tpu.vector_load %arg7[%get3A_1240] {strides = array<i32>} : memref<10240xi32, #tpu.memory_space<vmem>>, vector<16xi32>,
      %get3A_1242 = vector.shape_cast %get3A_1241 : vector<16xi32> to vector<16xi32>
      %and3A = arith.constant 65535 : i32
      %and3A_1243 = vector.broadcast %and3A : i32 to vector<16xi32>
      %and3A_1244 = arith.andi %get3A_1242, %and3A_1243 : vector<16xi32>
      %swap3A_1245 = arith.constant 0 : i32
      %swap3A_1246 = arith.index_cast %swap3A_1245 : i32 to index
      %swap3A_1247 = arith.constant 0 : index
      %swap3A_1248 = tpu.vector_load %arg10[%swap3A_1246, %swap3A_1247] {strides = array<i32>} : memref<1x64xi32, #tpu.memory_space<vmem>>, vector<1x16xi32>,
      %swap3A_1249 = vector.shape_cast %swap3A_1248 : vector<1x16xi32> to vector<16xi32>
      %swap3A_1250 = vector.shape_cast %and3A_1244 : vector<16xi32> to vector<1x16xi32>
      tpu.vector_store %arg10[%swap3A_1246, %swap3A_1247], %swap3A_1250 {strides = array<i32>} : memref<1x64xi32, #tpu.memory_space<vmem>>, vector<1x16xi32>,
      %mul3A_1251 = arith.constant 64 : i32
      %mul3A_1252 = arith.muli %mul3A_1212, %mul3A_1251 : i32
      %add3A_1253 = arith.constant 16 : i32
      %add3A_1254 = arith.addi %mul3A_1252, %add3A_1253 : i32
      %get3A_1255 = arith.index_cast %add3A_1254 : i32 to index
      %get3A_1256 = tpu.vector_load %arg7[%get3A_1255] {strides = array<i32>} : memref<10240xi32, #tpu.memory_space<vmem>>, vector<16xi32>,
      %get3A_1257 = vector.shape_cast %get3A_1256 : vector<16xi32> to vector<16xi32>
      %and3A_1258 = arith.constant 65535 : i32
      %and3A_1259 = vector.broadcast %and3A_1258 : i32 to vector<16xi32>
      %and3A_1260 = arith.andi %get3A_1257, %and3A_1259 : vector<16xi32>
      %swap3A_1261 = arith.constant 0 : i32
      %swap3A_1262 = arith.index_cast %swap3A_1261 : i32 to index
      %swap3A_1263 = arith.constant 16 : index
      %swap3A_1264 = tpu.vector_load %arg10[%swap3A_1262, %swap3A_1263] {strides = array<i32>} : memref<1x64xi32, #tpu.memory_space<vmem>>, vector<1x16xi32>,
      %swap3A_1265 = vector.shape_cast %swap3A_1264 : vector<1x16xi32> to vector<16xi32>
      %swap3A_1266 = vector.shape_cast %and3A_1260 : vector<16xi32> to vector<1x16xi32>
      tpu.vector_store %arg10[%swap3A_1262, %swap3A_1263], %swap3A_1266 {strides = array<i32>} : memref<1x64xi32, #tpu.memory_space<vmem>>, vector<1x16xi32>,
      %mul3A_1267 = arith.constant 64 : i32
      %mul3A_1268 = arith.muli %mul3A_1212, %mul3A_1267 : i32
      %add3A_1269 = arith.constant 32 : i32
      %add3A_1270 = arith.addi %mul3A_1268, %add3A_1269 : i32
      %get3A_1271 = arith.index_cast %add3A_1270 : i32 to index
      %get3A_1272 = tpu.vector_load %arg7[%get3A_1271] {strides = array<i32>} : memref<10240xi32, #tpu.memory_space<vmem>>, vector<16xi32>,
      %get3A_1273 = vector.shape_cast %get3A_1272 : vector<16xi32> to vector<16xi32>
      %and3A_1274 = arith.constant 65535 : i32
      %and3A_1275 = vector.broadcast %and3A_1274 : i32 to vector<16xi32>
      %and3A_1276 = arith.andi %get3A_1273, %and3A_1275 : vector<16xi32>
      %swap3A_1277 = arith.constant 0 : i32
      %swap3A_1278 = arith.index_cast %swap3A_1277 : i32 to index
      %swap3A_1279 = arith.constant 32 : index
      %swap3A_1280 = tpu.vector_load %arg10[%swap3A_1278, %swap3A_1279] {strides = array<i32>} : memref<1x64xi32, #tpu.memory_space<vmem>>, vector<1x16xi32>,
      %swap3A_1281 = vector.shape_cast %swap3A_1280 : vector<1x16xi32> to vector<16xi32>
      %swap3A_1282 = vector.shape_cast %and3A_1276 : vector<16xi32> to vector<1x16xi32>
      tpu.vector_store %arg10[%swap3A_1278, %swap3A_1279], %swap3A_1282 {strides = array<i32>} : memref<1x64xi32, #tpu.memory_space<vmem>>, vector<1x16xi32>,
      %mul3A_1283 = arith.constant 64 : i32
      %mul3A_1284 = arith.muli %mul3A_1212, %mul3A_1283 : i32
      %add3A_1285 = arith.constant 48 : i32
      %add3A_1286 = arith.addi %mul3A_1284, %add3A_1285 : i32
      %get3A_1287 = arith.index_cast %add3A_1286 : i32 to index
      %get3A_1288 = tpu.vector_load %arg7[%get3A_1287] {strides = array<i32>} : memref<10240xi32, #tpu.memory_space<vmem>>, vector<16xi32>,
      %get3A_1289 = vector.shape_cast %get3A_1288 : vector<16xi32> to vector<16xi32>
      %and3A_1290 = arith.constant 65535 : i32
      %and3A_1291 = vector.broadcast %and3A_1290 : i32 to vector<16xi32>
      %and3A_1292 = arith.andi %get3A_1289, %and3A_1291 : vector<16xi32>
      %swap3A_1293 = arith.constant 0 : i32
      %swap3A_1294 = arith.index_cast %swap3A_1293 : i32 to index
      %swap3A_1295 = arith.constant 48 : index
      %swap3A_1296 = tpu.vector_load %arg10[%swap3A_1294, %swap3A_1295] {strides = array<i32>} : memref<1x64xi32, #tpu.memory_space<vmem>>, vector<1x16xi32>,
      %swap3A_1297 = vector.shape_cast %swap3A_1296 : vector<1x16xi32> to vector<16xi32>
      %swap3A_1298 = vector.shape_cast %and3A_1292 : vector<16xi32> to vector<1x16xi32>
      tpu.vector_store %arg10[%swap3A_1294, %swap3A_1295], %swap3A_1298 {strides = array<i32>} : memref<1x64xi32, #tpu.memory_space<vmem>>, vector<1x16xi32>,
      %dma_start3A_1299 = arith.constant 0 : i32
      %dma_start3A_1300 = arith.constant 0 : i32
      %dma_start3A_1301 = tpu.memref_slice %arg10[%dma_start3A_1299, %dma_start3A_1300] : memref<1x64xi32, #tpu.memory_space<vmem>> -> memref<1x64xi32, #tpu.memory_space<vmem>>
      %dma_start3A_1302 = tpu.memref_squeeze %dma_start3A_1301 : memref<1x64xi32, #tpu.memory_space<vmem>> -> memref<64xi32, #tpu.memory_space<vmem>>
      %dma_start3A_1303 = arith.constant 0 : i32
      %dma_start3A_1304 = arith.constant 0 : i32
      %dma_start3A_1305 = tpu.memref_slice %arg6[%dma_start3A_1303, %dma_start3A_1304] : memref<10000x128xf32, #tpu.memory_space<vmem_shared>> -> memref<10000x128xf32, #tpu.memory_space<vmem_shared>>
      tpu.enqueue_indirect_dma source(%arg14 : memref<64x128xf32, #tpu.memory_space<vmem>>) target(%dma_start3A_1305 : memref<10000x128xf32, #tpu.memory_space<vmem_shared>>) offsets(%dma_start3A_1302 : memref<64xi32, #tpu.memory_space<vmem>>) semaphore(%arg21 : memref<!tpu.dma_semaphore, #tpu.memory_space<semaphore_mem>>) {add = true}
      %dma_wait3A_1306 = arith.constant 0 : i32
      %dma_wait3A_1307 = arith.constant 0 : i32
      %dma_wait3A_1308 = tpu.memref_slice %arg3[%dma_wait3A_1306, %dma_wait3A_1307] : memref<163840x256xf32, #tpu.memory_space<hbm>> -> memref<64x128xf32, #tpu.memory_space<hbm>>
      %dma_wait3A_1309 = arith.constant 0 : i32
      %dma_wait3A_1310 = arith.constant 0 : i32
      %dma_wait3A_1311 = tpu.memref_slice %arg3[%dma_wait3A_1309, %dma_wait3A_1310] : memref<163840x256xf32, #tpu.memory_space<hbm>> -> memref<64x128xf32, #tpu.memory_space<hbm>>
      tpu.wait_dma2 semaphore(%arg18 : memref<!tpu.dma_semaphore, #tpu.memory_space<semaphore_mem>>) src(%dma_wait3A_1311 : memref<64x128xf32, #tpu.memory_space<hbm>>) dst(%arg13 : memref<64x128xf32, #tpu.memory_space<vmem>>)
      %dma_wait3A_1312 = arith.constant 0 : i32
      %dma_wait3A_1313 = arith.constant 0 : i32
      %dma_wait3A_1314 = tpu.memref_slice %arg3[%dma_wait3A_1312, %dma_wait3A_1313] : memref<163840x256xf32, #tpu.memory_space<hbm>> -> memref<64x128xf32, #tpu.memory_space<hbm>>
      %dma_wait3A_1315 = arith.constant 0 : i32
      %dma_wait3A_1316 = arith.constant 0 : i32
      %dma_wait3A_1317 = tpu.memref_slice %arg3[%dma_wait3A_1315, %dma_wait3A_1316] : memref<163840x256xf32, #tpu.memory_space<hbm>> -> memref<64x128xf32, #tpu.memory_space<hbm>>
      tpu.wait_dma2 semaphore(%arg20 : memref<!tpu.dma_semaphore, #tpu.memory_space<semaphore_mem>>) src(%dma_wait3A_1317 : memref<64x128xf32, #tpu.memory_space<hbm>>) dst(%arg15 : memref<64x128xf32, #tpu.memory_space<vmem>>)
      %scan3A_1318 = arith.constant 0 : i32
      %scan3A_1319 = arith.constant 0 : i32
      %scan3A_1320 = arith.constant 64 : i32
      %scan3A_1321 = arith.addi %scan3A_1319, %scan3A_1320 : i32
      %scan3A_1322 = arith.constant 2 : i32
      scf.for %scan3A_1432 = %scan3A_1319 to %scan3A_1321 step %scan3A_1322  : i32 {
        %get3A_1433 = arith.index_cast %scan3A_1432 : i32 to index
        %get3A_1434 = arith.index_cast %mul3A_1107 : i32 to index
        %get3A_1435 = tpu.vector_load %arg13[%get3A_1433, %get3A_1434] {strides = array<i32>} : memref<64x128xf32, #tpu.memory_space<vmem>>, vector<1x16xf32>,
        %get3A_1436 = vector.shape_cast %get3A_1435 : vector<1x16xf32> to vector<16xf32>
        %get3A_1437 = arith.index_cast %scan3A_1432 : i32 to index
        %get3A_1438 = arith.constant 0 : index
        %get3A_1439 = tpu.vector_load %arg15[%get3A_1437, %get3A_1438] {strides = array<i32>} : memref<64x128xf32, #tpu.memory_space<vmem>>, vector<1x16xf32>,
        %get3A_1440 = vector.shape_cast %get3A_1439 : vector<1x16xf32> to vector<16xf32>
        %slice3A = vector.extract_strided_slice %get3A_1436 {offsets = [0], sizes = [1], strides = [1]} : vector<16xf32> to vector<1xf32>
        %squeeze3A = vector.extract %slice3A[0] : f32 from vector<1xf32>
        %mul3A_1441 = vector.broadcast %squeeze3A : f32 to vector<16xf32>
        %mul3A_1442 = arith.mulf %get3A_1440, %mul3A_1441 : vector<16xf32>
        %swap3A_1443 = arith.index_cast %scan3A_1432 : i32 to index
        %swap3A_1444 = arith.constant 0 : index
        %swap3A_1445 = tpu.vector_load %arg15[%swap3A_1443, %swap3A_1444] {strides = array<i32>} : memref<64x128xf32, #tpu.memory_space<vmem>>, vector<1x16xf32>,
        %swap3A_1446 = vector.shape_cast %swap3A_1445 : vector<1x16xf32> to vector<16xf32>
        %swap3A_1447 = vector.shape_cast %mul3A_1442 : vector<16xf32> to vector<1x16xf32>
        tpu.vector_store %arg15[%swap3A_1443, %swap3A_1444], %swap3A_1447 {strides = array<i32>} : memref<64x128xf32, #tpu.memory_space<vmem>>, vector<1x16xf32>,
        %get3A_1448 = arith.index_cast %scan3A_1432 : i32 to index
        %get3A_1449 = arith.constant 16 : index
        %get3A_1450 = tpu.vector_load %arg15[%get3A_1448, %get3A_1449] {strides = array<i32>} : memref<64x128xf32, #tpu.memory_space<vmem>>, vector<1x16xf32>,
        %get3A_1451 = vector.shape_cast %get3A_1450 : vector<1x16xf32> to vector<16xf32>
        %slice3A_1452 = vector.extract_strided_slice %get3A_1436 {offsets = [1], sizes = [1], strides = [1]} : vector<16xf32> to vector<1xf32>
        %squeeze3A_1453 = vector.extract %slice3A_1452[0] : f32 from vector<1xf32>
        %mul3A_1454 = vector.broadcast %squeeze3A_1453 : f32 to vector<16xf32>
        %mul3A_1455 = arith.mulf %get3A_1451, %mul3A_1454 : vector<16xf32>
        %swap3A_1456 = arith.index_cast %scan3A_1432 : i32 to index
        %swap3A_1457 = arith.constant 16 : index
        %swap3A_1458 = tpu.vector_load %arg15[%swap3A_1456, %swap3A_1457] {strides = array<i32>} : memref<64x128xf32, #tpu.memory_space<vmem>>, vector<1x16xf32>,
        %swap3A_1459 = vector.shape_cast %swap3A_1458 : vector<1x16xf32> to vector<16xf32>
        %swap3A_1460 = vector.shape_cast %mul3A_1455 : vector<16xf32> to vector<1x16xf32>
        tpu.vector_store %arg15[%swap3A_1456, %swap3A_1457], %swap3A_1460 {strides = array<i32>} : memref<64x128xf32, #tpu.memory_space<vmem>>, vector<1x16xf32>,
        %get3A_1461 = arith.index_cast %scan3A_1432 : i32 to index
        %get3A_1462 = arith.constant 32 : index
        %get3A_1463 = tpu.vector_load %arg15[%get3A_1461, %get3A_1462] {strides = array<i32>} : memref<64x128xf32, #tpu.memory_space<vmem>>, vector<1x16xf32>,
        %get3A_1464 = vector.shape_cast %get3A_1463 : vector<1x16xf32> to vector<16xf32>
        %slice3A_1465 = vector.extract_strided_slice %get3A_1436 {offsets = [2], sizes = [1], strides = [1]} : vector<16xf32> to vector<1xf32>
        %squeeze3A_1466 = vector.extract %slice3A_1465[0] : f32 from vector<1xf32>
        %mul3A_1467 = vector.broadcast %squeeze3A_1466 : f32 to vector<16xf32>
        %mul3A_1468 = arith.mulf %get3A_1464, %mul3A_1467 : vector<16xf32>
        %swap3A_1469 = arith.index_cast %scan3A_1432 : i32 to index
        %swap3A_1470 = arith.constant 32 : index
        %swap3A_1471 = tpu.vector_load %arg15[%swap3A_1469, %swap3A_1470] {strides = array<i32>} : memref<64x128xf32, #tpu.memory_space<vmem>>, vector<1x16xf32>,
        %swap3A_1472 = vector.shape_cast %swap3A_1471 : vector<1x16xf32> to vector<16xf32>
        %swap3A_1473 = vector.shape_cast %mul3A_1468 : vector<16xf32> to vector<1x16xf32>
        tpu.vector_store %arg15[%swap3A_1469, %swap3A_1470], %swap3A_1473 {strides = array<i32>} : memref<64x128xf32, #tpu.memory_space<vmem>>, vector<1x16xf32>,
        %get3A_1474 = arith.index_cast %scan3A_1432 : i32 to index
        %get3A_1475 = arith.constant 48 : index
        %get3A_1476 = tpu.vector_load %arg15[%get3A_1474, %get3A_1475] {strides = array<i32>} : memref<64x128xf32, #tpu.memory_space<vmem>>, vector<1x16xf32>,
        %get3A_1477 = vector.shape_cast %get3A_1476 : vector<1x16xf32> to vector<16xf32>
        %slice3A_1478 = vector.extract_strided_slice %get3A_1436 {offsets = [3], sizes = [1], strides = [1]} : vector<16xf32> to vector<1xf32>
        %squeeze3A_1479 = vector.extract %slice3A_1478[0] : f32 from vector<1xf32>
        %mul3A_1480 = vector.broadcast %squeeze3A_1479 : f32 to vector<16xf32>
        %mul3A_1481 = arith.mulf %get3A_1477, %mul3A_1480 : vector<16xf32>
        %swap3A_1482 = arith.index_cast %scan3A_1432 : i32 to index
        %swap3A_1483 = arith.constant 48 : index
        %swap3A_1484 = tpu.vector_load %arg15[%swap3A_1482, %swap3A_1483] {strides = array<i32>} : memref<64x128xf32, #tpu.memory_space<vmem>>, vector<1x16xf32>,
        %swap3A_1485 = vector.shape_cast %swap3A_1484 : vector<1x16xf32> to vector<16xf32>
        %swap3A_1486 = vector.shape_cast %mul3A_1481 : vector<16xf32> to vector<1x16xf32>
        tpu.vector_store %arg15[%swap3A_1482, %swap3A_1483], %swap3A_1486 {strides = array<i32>} : memref<64x128xf32, #tpu.memory_space<vmem>>, vector<1x16xf32>,
        %get3A_1487 = arith.index_cast %scan3A_1432 : i32 to index
        %get3A_1488 = arith.constant 64 : index
        %get3A_1489 = tpu.vector_load %arg15[%get3A_1487, %get3A_1488] {strides = array<i32>} : memref<64x128xf32, #tpu.memory_space<vmem>>, vector<1x16xf32>,
        %get3A_1490 = vector.shape_cast %get3A_1489 : vector<1x16xf32> to vector<16xf32>
        %slice3A_1491 = vector.extract_strided_slice %get3A_1436 {offsets = [4], sizes = [1], strides = [1]} : vector<16xf32> to vector<1xf32>
        %squeeze3A_1492 = vector.extract %slice3A_1491[0] : f32 from vector<1xf32>
        %mul3A_1493 = vector.broadcast %squeeze3A_1492 : f32 to vector<16xf32>
        %mul3A_1494 = arith.mulf %get3A_1490, %mul3A_1493 : vector<16xf32>
        %swap3A_1495 = arith.index_cast %scan3A_1432 : i32 to index
        %swap3A_1496 = arith.constant 64 : index
        %swap3A_1497 = tpu.vector_load %arg15[%swap3A_1495, %swap3A_1496] {strides = array<i32>} : memref<64x128xf32, #tpu.memory_space<vmem>>, vector<1x16xf32>,
        %swap3A_1498 = vector.shape_cast %swap3A_1497 : vector<1x16xf32> to vector<16xf32>
        %swap3A_1499 = vector.shape_cast %mul3A_1494 : vector<16xf32> to vector<1x16xf32>
        tpu.vector_store %arg15[%swap3A_1495, %swap3A_1496], %swap3A_1499 {strides = array<i32>} : memref<64x128xf32, #tpu.memory_space<vmem>>, vector<1x16xf32>,
        %get3A_1500 = arith.index_cast %scan3A_1432 : i32 to index
        %get3A_1501 = arith.constant 80 : index
        %get3A_1502 = tpu.vector_load %arg15[%get3A_1500, %get3A_1501] {strides = array<i32>} : memref<64x128xf32, #tpu.memory_space<vmem>>, vector<1x16xf32>,
        %get3A_1503 = vector.shape_cast %get3A_1502 : vector<1x16xf32> to vector<16xf32>
        %slice3A_1504 = vector.extract_strided_slice %get3A_1436 {offsets = [5], sizes = [1], strides = [1]} : vector<16xf32> to vector<1xf32>
        %squeeze3A_1505 = vector.extract %slice3A_1504[0] : f32 from vector<1xf32>
        %mul3A_1506 = vector.broadcast %squeeze3A_1505 : f32 to vector<16xf32>
        %mul3A_1507 = arith.mulf %get3A_1503, %mul3A_1506 : vector<16xf32>
        %swap3A_1508 = arith.index_cast %scan3A_1432 : i32 to index
        %swap3A_1509 = arith.constant 80 : index
        %swap3A_1510 = tpu.vector_load %arg15[%swap3A_1508, %swap3A_1509] {strides = array<i32>} : memref<64x128xf32, #tpu.memory_space<vmem>>, vector<1x16xf32>,
        %swap3A_1511 = vector.shape_cast %swap3A_1510 : vector<1x16xf32> to vector<16xf32>
        %swap3A_1512 = vector.shape_cast %mul3A_1507 : vector<16xf32> to vector<1x16xf32>
        tpu.vector_store %arg15[%swap3A_1508, %swap3A_1509], %swap3A_1512 {strides = array<i32>} : memref<64x128xf32, #tpu.memory_space<vmem>>, vector<1x16xf32>,
        %get3A_1513 = arith.index_cast %scan3A_1432 : i32 to index
        %get3A_1514 = arith.constant 96 : index
        %get3A_1515 = tpu.vector_load %arg15[%get3A_1513, %get3A_1514] {strides = array<i32>} : memref<64x128xf32, #tpu.memory_space<vmem>>, vector<1x16xf32>,
        %get3A_1516 = vector.shape_cast %get3A_1515 : vector<1x16xf32> to vector<16xf32>
        %slice3A_1517 = vector.extract_strided_slice %get3A_1436 {offsets = [6], sizes = [1], strides = [1]} : vector<16xf32> to vector<1xf32>
        %squeeze3A_1518 = vector.extract %slice3A_1517[0] : f32 from vector<1xf32>
        %mul3A_1519 = vector.broadcast %squeeze3A_1518 : f32 to vector<16xf32>
        %mul3A_1520 = arith.mulf %get3A_1516, %mul3A_1519 : vector<16xf32>
        %swap3A_1521 = arith.index_cast %scan3A_1432 : i32 to index
        %swap3A_1522 = arith.constant 96 : index
        %swap3A_1523 = tpu.vector_load %arg15[%swap3A_1521, %swap3A_1522] {strides = array<i32>} : memref<64x128xf32, #tpu.memory_space<vmem>>, vector<1x16xf32>,
        %swap3A_1524 = vector.shape_cast %swap3A_1523 : vector<1x16xf32> to vector<16xf32>
        %swap3A_1525 = vector.shape_cast %mul3A_1520 : vector<16xf32> to vector<1x16xf32>
        tpu.vector_store %arg15[%swap3A_1521, %swap3A_1522], %swap3A_1525 {strides = array<i32>} : memref<64x128xf32, #tpu.memory_space<vmem>>, vector<1x16xf32>,
        %get3A_1526 = arith.index_cast %scan3A_1432 : i32 to index
        %get3A_1527 = arith.constant 112 : index
        %get3A_1528 = tpu.vector_load %arg15[%get3A_1526, %get3A_1527] {strides = array<i32>} : memref<64x128xf32, #tpu.memory_space<vmem>>, vector<1x16xf32>,
        %get3A_1529 = vector.shape_cast %get3A_1528 : vector<1x16xf32> to vector<16xf32>
        %slice3A_1530 = vector.extract_strided_slice %get3A_1436 {offsets = [7], sizes = [1], strides = [1]} : vector<16xf32> to vector<1xf32>
        %squeeze3A_1531 = vector.extract %slice3A_1530[0] : f32 from vector<1xf32>
        %mul3A_1532 = vector.broadcast %squeeze3A_1531 : f32 to vector<16xf32>
        %mul3A_1533 = arith.mulf %get3A_1529, %mul3A_1532 : vector<16xf32>
        %swap3A_1534 = arith.index_cast %scan3A_1432 : i32 to index
        %swap3A_1535 = arith.constant 112 : index
        %swap3A_1536 = tpu.vector_load %arg15[%swap3A_1534, %swap3A_1535] {strides = array<i32>} : memref<64x128xf32, #tpu.memory_space<vmem>>, vector<1x16xf32>,
        %swap3A_1537 = vector.shape_cast %swap3A_1536 : vector<1x16xf32> to vector<16xf32>
        %swap3A_1538 = vector.shape_cast %mul3A_1533 : vector<16xf32> to vector<1x16xf32>
        tpu.vector_store %arg15[%swap3A_1534, %swap3A_1535], %swap3A_1538 {strides = array<i32>} : memref<64x128xf32, #tpu.memory_space<vmem>>, vector<1x16xf32>,
        %scan3A_1539 = arith.constant 1 : i32
        %scan3A_1540 = arith.addi %scan3A_1432, %scan3A_1539 : i32
        %get3A_1541 = arith.index_cast %scan3A_1540 : i32 to index
        %get3A_1542 = arith.index_cast %mul3A_1107 : i32 to index
        %get3A_1543 = tpu.vector_load %arg13[%get3A_1541, %get3A_1542] {strides = array<i32>} : memref<64x128xf32, #tpu.memory_space<vmem>>, vector<1x16xf32>,
        %get3A_1544 = vector.shape_cast %get3A_1543 : vector<1x16xf32> to vector<16xf32>
        %get3A_1545 = arith.index_cast %scan3A_1540 : i32 to index
        %get3A_1546 = arith.constant 0 : index
        %get3A_1547 = tpu.vector_load %arg15[%get3A_1545, %get3A_1546] {strides = array<i32>} : memref<64x128xf32, #tpu.memory_space<vmem>>, vector<1x16xf32>,
        %get3A_1548 = vector.shape_cast %get3A_1547 : vector<1x16xf32> to vector<16xf32>
        %slice3A_1549 = vector.extract_strided_slice %get3A_1544 {offsets = [0], sizes = [1], strides = [1]} : vector<16xf32> to vector<1xf32>
        %squeeze3A_1550 = vector.extract %slice3A_1549[0] : f32 from vector<1xf32>
        %mul3A_1551 = vector.broadcast %squeeze3A_1550 : f32 to vector<16xf32>
        %mul3A_1552 = arith.mulf %get3A_1548, %mul3A_1551 : vector<16xf32>
        %swap3A_1553 = arith.index_cast %scan3A_1540 : i32 to index
        %swap3A_1554 = arith.constant 0 : index
        %swap3A_1555 = tpu.vector_load %arg15[%swap3A_1553, %swap3A_1554] {strides = array<i32>} : memref<64x128xf32, #tpu.memory_space<vmem>>, vector<1x16xf32>,
        %swap3A_1556 = vector.shape_cast %swap3A_1555 : vector<1x16xf32> to vector<16xf32>
        %swap3A_1557 = vector.shape_cast %mul3A_1552 : vector<16xf32> to vector<1x16xf32>
        tpu.vector_store %arg15[%swap3A_1553, %swap3A_1554], %swap3A_1557 {strides = array<i32>} : memref<64x128xf32, #tpu.memory_space<vmem>>, vector<1x16xf32>,
        %get3A_1558 = arith.index_cast %scan3A_1540 : i32 to index
        %get3A_1559 = arith.constant 16 : index
        %get3A_1560 = tpu.vector_load %arg15[%get3A_1558, %get3A_1559] {strides = array<i32>} : memref<64x128xf32, #tpu.memory_space<vmem>>, vector<1x16xf32>,
        %get3A_1561 = vector.shape_cast %get3A_1560 : vector<1x16xf32> to vector<16xf32>
        %slice3A_1562 = vector.extract_strided_slice %get3A_1544 {offsets = [1], sizes = [1], strides = [1]} : vector<16xf32> to vector<1xf32>
        %squeeze3A_1563 = vector.extract %slice3A_1562[0] : f32 from vector<1xf32>
        %mul3A_1564 = vector.broadcast %squeeze3A_1563 : f32 to vector<16xf32>
        %mul3A_1565 = arith.mulf %get3A_1561, %mul3A_1564 : vector<16xf32>
        %swap3A_1566 = arith.index_cast %scan3A_1540 : i32 to index
        %swap3A_1567 = arith.constant 16 : index
        %swap3A_1568 = tpu.vector_load %arg15[%swap3A_1566, %swap3A_1567] {strides = array<i32>} : memref<64x128xf32, #tpu.memory_space<vmem>>, vector<1x16xf32>,
        %swap3A_1569 = vector.shape_cast %swap3A_1568 : vector<1x16xf32> to vector<16xf32>
        %swap3A_1570 = vector.shape_cast %mul3A_1565 : vector<16xf32> to vector<1x16xf32>
        tpu.vector_store %arg15[%swap3A_1566, %swap3A_1567], %swap3A_1570 {strides = array<i32>} : memref<64x128xf32, #tpu.memory_space<vmem>>, vector<1x16xf32>,
        %get3A_1571 = arith.index_cast %scan3A_1540 : i32 to index
        %get3A_1572 = arith.constant 32 : index
        %get3A_1573 = tpu.vector_load %arg15[%get3A_1571, %get3A_1572] {strides = array<i32>} : memref<64x128xf32, #tpu.memory_space<vmem>>, vector<1x16xf32>,
        %get3A_1574 = vector.shape_cast %get3A_1573 : vector<1x16xf32> to vector<16xf32>
        %slice3A_1575 = vector.extract_strided_slice %get3A_1544 {offsets = [2], sizes = [1], strides = [1]} : vector<16xf32> to vector<1xf32>
        %squeeze3A_1576 = vector.extract %slice3A_1575[0] : f32 from vector<1xf32>
        %mul3A_1577 = vector.broadcast %squeeze3A_1576 : f32 to vector<16xf32>
        %mul3A_1578 = arith.mulf %get3A_1574, %mul3A_1577 : vector<16xf32>
        %swap3A_1579 = arith.index_cast %scan3A_1540 : i32 to index
        %swap3A_1580 = arith.constant 32 : index
        %swap3A_1581 = tpu.vector_load %arg15[%swap3A_1579, %swap3A_1580] {strides = array<i32>} : memref<64x128xf32, #tpu.memory_space<vmem>>, vector<1x16xf32>,
        %swap3A_1582 = vector.shape_cast %swap3A_1581 : vector<1x16xf32> to vector<16xf32>
        %swap3A_1583 = vector.shape_cast %mul3A_1578 : vector<16xf32> to vector<1x16xf32>
        tpu.vector_store %arg15[%swap3A_1579, %swap3A_1580], %swap3A_1583 {strides = array<i32>} : memref<64x128xf32, #tpu.memory_space<vmem>>, vector<1x16xf32>,
        %get3A_1584 = arith.index_cast %scan3A_1540 : i32 to index
        %get3A_1585 = arith.constant 48 : index
        %get3A_1586 = tpu.vector_load %arg15[%get3A_1584, %get3A_1585] {strides = array<i32>} : memref<64x128xf32, #tpu.memory_space<vmem>>, vector<1x16xf32>,
        %get3A_1587 = vector.shape_cast %get3A_1586 : vector<1x16xf32> to vector<16xf32>
        %slice3A_1588 = vector.extract_strided_slice %get3A_1544 {offsets = [3], sizes = [1], strides = [1]} : vector<16xf32> to vector<1xf32>
        %squeeze3A_1589 = vector.extract %slice3A_1588[0] : f32 from vector<1xf32>
        %mul3A_1590 = vector.broadcast %squeeze3A_1589 : f32 to vector<16xf32>
        %mul3A_1591 = arith.mulf %get3A_1587, %mul3A_1590 : vector<16xf32>
        %swap3A_1592 = arith.index_cast %scan3A_1540 : i32 to index
        %swap3A_1593 = arith.constant 48 : index
        %swap3A_1594 = tpu.vector_load %arg15[%swap3A_1592, %swap3A_1593] {strides = array<i32>} : memref<64x128xf32, #tpu.memory_space<vmem>>, vector<1x16xf32>,
        %swap3A_1595 = vector.shape_cast %swap3A_1594 : vector<1x16xf32> to vector<16xf32>
        %swap3A_1596 = vector.shape_cast %mul3A_1591 : vector<16xf32> to vector<1x16xf32>
        tpu.vector_store %arg15[%swap3A_1592, %swap3A_1593], %swap3A_1596 {strides = array<i32>} : memref<64x128xf32, #tpu.memory_space<vmem>>, vector<1x16xf32>,
        %get3A_1597 = arith.index_cast %scan3A_1540 : i32 to index
        %get3A_1598 = arith.constant 64 : index
        %get3A_1599 = tpu.vector_load %arg15[%get3A_1597, %get3A_1598] {strides = array<i32>} : memref<64x128xf32, #tpu.memory_space<vmem>>, vector<1x16xf32>,
        %get3A_1600 = vector.shape_cast %get3A_1599 : vector<1x16xf32> to vector<16xf32>
        %slice3A_1601 = vector.extract_strided_slice %get3A_1544 {offsets = [4], sizes = [1], strides = [1]} : vector<16xf32> to vector<1xf32>
        %squeeze3A_1602 = vector.extract %slice3A_1601[0] : f32 from vector<1xf32>
        %mul3A_1603 = vector.broadcast %squeeze3A_1602 : f32 to vector<16xf32>
        %mul3A_1604 = arith.mulf %get3A_1600, %mul3A_1603 : vector<16xf32>
        %swap3A_1605 = arith.index_cast %scan3A_1540 : i32 to index
        %swap3A_1606 = arith.constant 64 : index
        %swap3A_1607 = tpu.vector_load %arg15[%swap3A_1605, %swap3A_1606] {strides = array<i32>} : memref<64x128xf32, #tpu.memory_space<vmem>>, vector<1x16xf32>,
        %swap3A_1608 = vector.shape_cast %swap3A_1607 : vector<1x16xf32> to vector<16xf32>
        %swap3A_1609 = vector.shape_cast %mul3A_1604 : vector<16xf32> to vector<1x16xf32>
        tpu.vector_store %arg15[%swap3A_1605, %swap3A_1606], %swap3A_1609 {strides = array<i32>} : memref<64x128xf32, #tpu.memory_space<vmem>>, vector<1x16xf32>,
        %get3A_1610 = arith.index_cast %scan3A_1540 : i32 to index
        %get3A_1611 = arith.constant 80 : index
        %get3A_1612 = tpu.vector_load %arg15[%get3A_1610, %get3A_1611] {strides = array<i32>} : memref<64x128xf32, #tpu.memory_space<vmem>>, vector<1x16xf32>,
        %get3A_1613 = vector.shape_cast %get3A_1612 : vector<1x16xf32> to vector<16xf32>
        %slice3A_1614 = vector.extract_strided_slice %get3A_1544 {offsets = [5], sizes = [1], strides = [1]} : vector<16xf32> to vector<1xf32>
        %squeeze3A_1615 = vector.extract %slice3A_1614[0] : f32 from vector<1xf32>
        %mul3A_1616 = vector.broadcast %squeeze3A_1615 : f32 to vector<16xf32>
        %mul3A_1617 = arith.mulf %get3A_1613, %mul3A_1616 : vector<16xf32>
        %swap3A_1618 = arith.index_cast %scan3A_1540 : i32 to index
        %swap3A_1619 = arith.constant 80 : index
        %swap3A_1620 = tpu.vector_load %arg15[%swap3A_1618, %swap3A_1619] {strides = array<i32>} : memref<64x128xf32, #tpu.memory_space<vmem>>, vector<1x16xf32>,
        %swap3A_1621 = vector.shape_cast %swap3A_1620 : vector<1x16xf32> to vector<16xf32>
        %swap3A_1622 = vector.shape_cast %mul3A_1617 : vector<16xf32> to vector<1x16xf32>
        tpu.vector_store %arg15[%swap3A_1618, %swap3A_1619], %swap3A_1622 {strides = array<i32>} : memref<64x128xf32, #tpu.memory_space<vmem>>, vector<1x16xf32>,
        %get3A_1623 = arith.index_cast %scan3A_1540 : i32 to index
        %get3A_1624 = arith.constant 96 : index
        %get3A_1625 = tpu.vector_load %arg15[%get3A_1623, %get3A_1624] {strides = array<i32>} : memref<64x128xf32, #tpu.memory_space<vmem>>, vector<1x16xf32>,
        %get3A_1626 = vector.shape_cast %get3A_1625 : vector<1x16xf32> to vector<16xf32>
        %slice3A_1627 = vector.extract_strided_slice %get3A_1544 {offsets = [6], sizes = [1], strides = [1]} : vector<16xf32> to vector<1xf32>
        %squeeze3A_1628 = vector.extract %slice3A_1627[0] : f32 from vector<1xf32>
        %mul3A_1629 = vector.broadcast %squeeze3A_1628 : f32 to vector<16xf32>
        %mul3A_1630 = arith.mulf %get3A_1626, %mul3A_1629 : vector<16xf32>
        %swap3A_1631 = arith.index_cast %scan3A_1540 : i32 to index
        %swap3A_1632 = arith.constant 96 : index
        %swap3A_1633 = tpu.vector_load %arg15[%swap3A_1631, %swap3A_1632] {strides = array<i32>} : memref<64x128xf32, #tpu.memory_space<vmem>>, vector<1x16xf32>,
        %swap3A_1634 = vector.shape_cast %swap3A_1633 : vector<1x16xf32> to vector<16xf32>
        %swap3A_1635 = vector.shape_cast %mul3A_1630 : vector<16xf32> to vector<1x16xf32>
        tpu.vector_store %arg15[%swap3A_1631, %swap3A_1632], %swap3A_1635 {strides = array<i32>} : memref<64x128xf32, #tpu.memory_space<vmem>>, vector<1x16xf32>,
        %get3A_1636 = arith.index_cast %scan3A_1540 : i32 to index
        %get3A_1637 = arith.constant 112 : index
        %get3A_1638 = tpu.vector_load %arg15[%get3A_1636, %get3A_1637] {strides = array<i32>} : memref<64x128xf32, #tpu.memory_space<vmem>>, vector<1x16xf32>,
        %get3A_1639 = vector.shape_cast %get3A_1638 : vector<1x16xf32> to vector<16xf32>
        %slice3A_1640 = vector.extract_strided_slice %get3A_1544 {offsets = [7], sizes = [1], strides = [1]} : vector<16xf32> to vector<1xf32>
        %squeeze3A_1641 = vector.extract %slice3A_1640[0] : f32 from vector<1xf32>
        %mul3A_1642 = vector.broadcast %squeeze3A_1641 : f32 to vector<16xf32>
        %mul3A_1643 = arith.mulf %get3A_1639, %mul3A_1642 : vector<16xf32>
        %swap3A_1644 = arith.index_cast %scan3A_1540 : i32 to index
        %swap3A_1645 = arith.constant 112 : index
        %swap3A_1646 = tpu.vector_load %arg15[%swap3A_1644, %swap3A_1645] {strides = array<i32>} : memref<64x128xf32, #tpu.memory_space<vmem>>, vector<1x16xf32>,
        %swap3A_1647 = vector.shape_cast %swap3A_1646 : vector<1x16xf32> to vector<16xf32>
        %swap3A_1648 = vector.shape_cast %mul3A_1643 : vector<16xf32> to vector<1x16xf32>
        tpu.vector_store %arg15[%swap3A_1644, %swap3A_1645], %swap3A_1648 {strides = array<i32>} : memref<64x128xf32, #tpu.memory_space<vmem>>, vector<1x16xf32>,
      }
      %scan3A_1323 = arith.constant 64 : i32
      %add3A_1324 = arith.constant 3 : i32
      %add3A_1325 = arith.addi %mul3A_1212, %add3A_1324 : i32
      %lt3A_1326 = arith.constant 160 : i32
      %lt3A_1327 = arith.cmpi slt, %add3A_1325, %lt3A_1326 : i32
      %convert_element_type3A_1328 = arith.extui %lt3A_1327 : i1 to i32
      %cond3A_1329 = arith.constant 0 : i32
      %cond3A_1330 = arith.cmpi ne, %convert_element_type3A_1328, %cond3A_1329 : i32
      scf.if %cond3A_1330 {
        %add3A_1432 = arith.constant 3 : i32
        %add3A_1433 = arith.addi %mul3A_1212, %add3A_1432 : i32
        %mul3A_1434 = arith.constant 64 : i32
        %mul3A_1435 = arith.muli %add3A_1433, %mul3A_1434 : i32
        %add3A_1436 = arith.constant 0 : i32
        %add3A_1437 = arith.addi %mul3A_1435, %add3A_1436 : i32
        %get3A_1438 = arith.index_cast %add3A_1437 : i32 to index
        %get3A_1439 = tpu.vector_load %arg7[%get3A_1438] {strides = array<i32>} : memref<10240xi32, #tpu.memory_space<vmem>>, vector<16xi32>,
        %get3A_1440 = vector.shape_cast %get3A_1439 : vector<16xi32> to vector<16xi32>
        %shift_right_logical3A_1441 = arith.constant 16 : i32
        %shift_right_logical3A_1442 = vector.broadcast %shift_right_logical3A_1441 : i32 to vector<16xi32>
        %shift_right_logical3A_1443 = arith.shrui %get3A_1440, %shift_right_logical3A_1442 : vector<16xi32>
        %swap3A_1444 = arith.constant 0 : index
        %swap3A_1445 = tpu.vector_load %arg9[%swap3A_1444] {strides = array<i32>} : memref<64xi32, #tpu.memory_space<vmem>>, vector<16xi32>,
        %swap3A_1446 = vector.shape_cast %swap3A_1445 : vector<16xi32> to vector<16xi32>
        %swap3A_1447 = vector.shape_cast %shift_right_logical3A_1443 : vector<16xi32> to vector<16xi32>
        tpu.vector_store %arg9[%swap3A_1444], %swap3A_1447 {strides = array<i32>} : memref<64xi32, #tpu.memory_space<vmem>>, vector<16xi32>,
        %mul3A_1448 = arith.constant 64 : i32
        %mul3A_1449 = arith.muli %add3A_1433, %mul3A_1448 : i32
        %add3A_1450 = arith.constant 16 : i32
        %add3A_1451 = arith.addi %mul3A_1449, %add3A_1450 : i32
        %get3A_1452 = arith.index_cast %add3A_1451 : i32 to index
        %get3A_1453 = tpu.vector_load %arg7[%get3A_1452] {strides = array<i32>} : memref<10240xi32, #tpu.memory_space<vmem>>, vector<16xi32>,
        %get3A_1454 = vector.shape_cast %get3A_1453 : vector<16xi32> to vector<16xi32>
        %shift_right_logical3A_1455 = arith.constant 16 : i32
        %shift_right_logical3A_1456 = vector.broadcast %shift_right_logical3A_1455 : i32 to vector<16xi32>
        %shift_right_logical3A_1457 = arith.shrui %get3A_1454, %shift_right_logical3A_1456 : vector<16xi32>
        %swap3A_1458 = arith.constant 16 : index
        %swap3A_1459 = tpu.vector_load %arg9[%swap3A_1458] {strides = array<i32>} : memref<64xi32, #tpu.memory_space<vmem>>, vector<16xi32>,
        %swap3A_1460 = vector.shape_cast %swap3A_1459 : vector<16xi32> to vector<16xi32>
        %swap3A_1461 = vector.shape_cast %shift_right_logical3A_1457 : vector<16xi32> to vector<16xi32>
        tpu.vector_store %arg9[%swap3A_1458], %swap3A_1461 {strides = array<i32>} : memref<64xi32, #tpu.memory_space<vmem>>, vector<16xi32>,
        %mul3A_1462 = arith.constant 64 : i32
        %mul3A_1463 = arith.muli %add3A_1433, %mul3A_1462 : i32
        %add3A_1464 = arith.constant 32 : i32
        %add3A_1465 = arith.addi %mul3A_1463, %add3A_1464 : i32
        %get3A_1466 = arith.index_cast %add3A_1465 : i32 to index
        %get3A_1467 = tpu.vector_load %arg7[%get3A_1466] {strides = array<i32>} : memref<10240xi32, #tpu.memory_space<vmem>>, vector<16xi32>,
        %get3A_1468 = vector.shape_cast %get3A_1467 : vector<16xi32> to vector<16xi32>
        %shift_right_logical3A_1469 = arith.constant 16 : i32
        %shift_right_logical3A_1470 = vector.broadcast %shift_right_logical3A_1469 : i32 to vector<16xi32>
        %shift_right_logical3A_1471 = arith.shrui %get3A_1468, %shift_right_logical3A_1470 : vector<16xi32>
        %swap3A_1472 = arith.constant 32 : index
        %swap3A_1473 = tpu.vector_load %arg9[%swap3A_1472] {strides = array<i32>} : memref<64xi32, #tpu.memory_space<vmem>>, vector<16xi32>,
        %swap3A_1474 = vector.shape_cast %swap3A_1473 : vector<16xi32> to vector<16xi32>
        %swap3A_1475 = vector.shape_cast %shift_right_logical3A_1471 : vector<16xi32> to vector<16xi32>
        tpu.vector_store %arg9[%swap3A_1472], %swap3A_1475 {strides = array<i32>} : memref<64xi32, #tpu.memory_space<vmem>>, vector<16xi32>,
        %mul3A_1476 = arith.constant 64 : i32
        %mul3A_1477 = arith.muli %add3A_1433, %mul3A_1476 : i32
        %add3A_1478 = arith.constant 48 : i32
        %add3A_1479 = arith.addi %mul3A_1477, %add3A_1478 : i32
        %get3A_1480 = arith.index_cast %add3A_1479 : i32 to index
        %get3A_1481 = tpu.vector_load %arg7[%get3A_1480] {strides = array<i32>} : memref<10240xi32, #tpu.memory_space<vmem>>, vector<16xi32>,
        %get3A_1482 = vector.shape_cast %get3A_1481 : vector<16xi32> to vector<16xi32>
        %shift_right_logical3A_1483 = arith.constant 16 : i32
        %shift_right_logical3A_1484 = vector.broadcast %shift_right_logical3A_1483 : i32 to vector<16xi32>
        %shift_right_logical3A_1485 = arith.shrui %get3A_1482, %shift_right_logical3A_1484 : vector<16xi32>
        %swap3A_1486 = arith.constant 48 : index
        %swap3A_1487 = tpu.vector_load %arg9[%swap3A_1486] {strides = array<i32>} : memref<64xi32, #tpu.memory_space<vmem>>, vector<16xi32>,
        %swap3A_1488 = vector.shape_cast %swap3A_1487 : vector<16xi32> to vector<16xi32>
        %swap3A_1489 = vector.shape_cast %shift_right_logical3A_1485 : vector<16xi32> to vector<16xi32>
        tpu.vector_store %arg9[%swap3A_1486], %swap3A_1489 {strides = array<i32>} : memref<64xi32, #tpu.memory_space<vmem>>, vector<16xi32>,
        %dma_start3A_1490 = arith.constant 0 : i32
        %dma_start3A_1491 = arith.constant 0 : i32
        %dma_start3A_1492 = tpu.memref_slice %arg2[%dma_start3A_1490, %dma_start3A_1491] : memref<10000x128xf32, #tpu.memory_space<hbm>> -> memref<10000x128xf32, #tpu.memory_space<hbm>>
        tpu.enqueue_indirect_dma source(%dma_start3A_1492 : memref<10000x128xf32, #tpu.memory_space<hbm>>) target(%arg13 : memref<64x128xf32, #tpu.memory_space<vmem>>) offsets(%arg9 : memref<64xi32, #tpu.memory_space<vmem>>) semaphore(%arg18 : memref<!tpu.dma_semaphore, #tpu.memory_space<semaphore_mem>>)
      } else {
      }
      %add3A_1331 = arith.constant 1 : i32
      %add3A_1332 = arith.addi %mul3A_1212, %add3A_1331 : i32
      %mul3A_1333 = arith.constant 64 : i32
      %mul3A_1334 = arith.muli %add3A_1332, %mul3A_1333 : i32
      %add3A_1335 = arith.constant 0 : i32
      %add3A_1336 = arith.addi %mul3A_1334, %add3A_1335 : i32
      %get3A_1337 = arith.index_cast %add3A_1336 : i32 to index
      %get3A_1338 = tpu.vector_load %arg7[%get3A_1337] {strides = array<i32>} : memref<10240xi32, #tpu.memory_space<vmem>>, vector<16xi32>,
      %get3A_1339 = vector.shape_cast %get3A_1338 : vector<16xi32> to vector<16xi32>
      %and3A_1340 = arith.constant 65535 : i32
      %and3A_1341 = vector.broadcast %and3A_1340 : i32 to vector<16xi32>
      %and3A_1342 = arith.andi %get3A_1339, %and3A_1341 : vector<16xi32>
      %swap3A_1343 = arith.constant 0 : i32
      %swap3A_1344 = arith.index_cast %swap3A_1343 : i32 to index
      %swap3A_1345 = arith.constant 0 : index
      %swap3A_1346 = tpu.vector_load %arg11[%swap3A_1344, %swap3A_1345] {strides = array<i32>} : memref<1x64xi32, #tpu.memory_space<vmem>>, vector<1x16xi32>,
      %swap3A_1347 = vector.shape_cast %swap3A_1346 : vector<1x16xi32> to vector<16xi32>
      %swap3A_1348 = vector.shape_cast %and3A_1342 : vector<16xi32> to vector<1x16xi32>
      tpu.vector_store %arg11[%swap3A_1344, %swap3A_1345], %swap3A_1348 {strides = array<i32>} : memref<1x64xi32, #tpu.memory_space<vmem>>, vector<1x16xi32>,
      %mul3A_1349 = arith.constant 64 : i32
      %mul3A_1350 = arith.muli %add3A_1332, %mul3A_1349 : i32
      %add3A_1351 = arith.constant 16 : i32
      %add3A_1352 = arith.addi %mul3A_1350, %add3A_1351 : i32
      %get3A_1353 = arith.index_cast %add3A_1352 : i32 to index
      %get3A_1354 = tpu.vector_load %arg7[%get3A_1353] {strides = array<i32>} : memref<10240xi32, #tpu.memory_space<vmem>>, vector<16xi32>,
      %get3A_1355 = vector.shape_cast %get3A_1354 : vector<16xi32> to vector<16xi32>
      %and3A_1356 = arith.constant 65535 : i32
      %and3A_1357 = vector.broadcast %and3A_1356 : i32 to vector<16xi32>
      %and3A_1358 = arith.andi %get3A_1355, %and3A_1357 : vector<16xi32>
      %swap3A_1359 = arith.constant 0 : i32
      %swap3A_1360 = arith.index_cast %swap3A_1359 : i32 to index
      %swap3A_1361 = arith.constant 16 : index
      %swap3A_1362 = tpu.vector_load %arg11[%swap3A_1360, %swap3A_1361] {strides = array<i32>} : memref<1x64xi32, #tpu.memory_space<vmem>>, vector<1x16xi32>,
      %swap3A_1363 = vector.shape_cast %swap3A_1362 : vector<1x16xi32> to vector<16xi32>
      %swap3A_1364 = vector.shape_cast %and3A_1358 : vector<16xi32> to vector<1x16xi32>
      tpu.vector_store %arg11[%swap3A_1360, %swap3A_1361], %swap3A_1364 {strides = array<i32>} : memref<1x64xi32, #tpu.memory_space<vmem>>, vector<1x16xi32>,
      %mul3A_1365 = arith.constant 64 : i32
      %mul3A_1366 = arith.muli %add3A_1332, %mul3A_1365 : i32
      %add3A_1367 = arith.constant 32 : i32
      %add3A_1368 = arith.addi %mul3A_1366, %add3A_1367 : i32
      %get3A_1369 = arith.index_cast %add3A_1368 : i32 to index
      %get3A_1370 = tpu.vector_load %arg7[%get3A_1369] {strides = array<i32>} : memref<10240xi32, #tpu.memory_space<vmem>>, vector<16xi32>,
      %get3A_1371 = vector.shape_cast %get3A_1370 : vector<16xi32> to vector<16xi32>
      %and3A_1372 = arith.constant 65535 : i32
      %and3A_1373 = vector.broadcast %and3A_1372 : i32 to vector<16xi32>
      %and3A_1374 = arith.andi %get3A_1371, %and3A_1373 : vector<16xi32>
      %swap3A_1375 = arith.constant 0 : i32
      %swap3A_1376 = arith.index_cast %swap3A_1375 : i32 to index
      %swap3A_1377 = arith.constant 32 : index
      %swap3A_1378 = tpu.vector_load %arg11[%swap3A_1376, %swap3A_1377] {strides = array<i32>} : memref<1x64xi32, #tpu.memory_space<vmem>>, vector<1x16xi32>,
      %swap3A_1379 = vector.shape_cast %swap3A_1378 : vector<1x16xi32> to vector<16xi32>
      %swap3A_1380 = vector.shape_cast %and3A_1374 : vector<16xi32> to vector<1x16xi32>
      tpu.vector_store %arg11[%swap3A_1376, %swap3A_1377], %swap3A_1380 {strides = array<i32>} : memref<1x64xi32, #tpu.memory_space<vmem>>, vector<1x16xi32>,
      %mul3A_1381 = arith.constant 64 : i32
      %mul3A_1382 = arith.muli %add3A_1332, %mul3A_1381 : i32
      %add3A_1383 = arith.constant 48 : i32
      %add3A_1384 = arith.addi %mul3A_1382, %add3A_1383 : i32
      %get3A_1385 = arith.index_cast %add3A_1384 : i32 to index
      %get3A_1386 = tpu.vector_load %arg7[%get3A_1385] {strides = array<i32>} : memref<10240xi32, #tpu.memory_space<vmem>>, vector<16xi32>,
      %get3A_1387 = vector.shape_cast %get3A_1386 : vector<16xi32> to vector<16xi32>
      %and3A_1388 = arith.constant 65535 : i32
      %and3A_1389 = vector.broadcast %and3A_1388 : i32 to vector<16xi32>
      %and3A_1390 = arith.andi %get3A_1387, %and3A_1389 : vector<16xi32>
      %swap3A_1391 = arith.constant 0 : i32
      %swap3A_1392 = arith.index_cast %swap3A_1391 : i32 to index
      %swap3A_1393 = arith.constant 48 : index
      %swap3A_1394 = tpu.vector_load %arg11[%swap3A_1392, %swap3A_1393] {strides = array<i32>} : memref<1x64xi32, #tpu.memory_space<vmem>>, vector<1x16xi32>,
      %swap3A_1395 = vector.shape_cast %swap3A_1394 : vector<1x16xi32> to vector<16xi32>
      %swap3A_1396 = vector.shape_cast %and3A_1390 : vector<16xi32> to vector<1x16xi32>
      tpu.vector_store %arg11[%swap3A_1392, %swap3A_1393], %swap3A_1396 {strides = array<i32>} : memref<1x64xi32, #tpu.memory_space<vmem>>, vector<1x16xi32>,
      %dma_start3A_1397 = arith.constant 0 : i32
      %dma_start3A_1398 = arith.constant 0 : i32
      %dma_start3A_1399 = tpu.memref_slice %arg11[%dma_start3A_1397, %dma_start3A_1398] : memref<1x64xi32, #tpu.memory_space<vmem>> -> memref<1x64xi32, #tpu.memory_space<vmem>>
      %dma_start3A_1400 = tpu.memref_squeeze %dma_start3A_1399 : memref<1x64xi32, #tpu.memory_space<vmem>> -> memref<64xi32, #tpu.memory_space<vmem>>
      %dma_start3A_1401 = arith.constant 0 : i32
      %dma_start3A_1402 = arith.constant 0 : i32
      %dma_start3A_1403 = tpu.memref_slice %arg6[%dma_start3A_1401, %dma_start3A_1402] : memref<10000x128xf32, #tpu.memory_space<vmem_shared>> -> memref<10000x128xf32, #tpu.memory_space<vmem_shared>>
      tpu.enqueue_indirect_dma source(%arg15 : memref<64x128xf32, #tpu.memory_space<vmem>>) target(%dma_start3A_1403 : memref<10000x128xf32, #tpu.memory_space<vmem_shared>>) offsets(%dma_start3A_1400 : memref<64xi32, #tpu.memory_space<vmem>>) semaphore(%arg22 : memref<!tpu.dma_semaphore, #tpu.memory_space<semaphore_mem>>) {add = true}
      %dma_wait3A_1404 = arith.constant 0 : i32
      %dma_wait3A_1405 = arith.constant 0 : i32
      %dma_wait3A_1406 = tpu.memref_slice %arg10[%dma_wait3A_1404, %dma_wait3A_1405] : memref<1x64xi32, #tpu.memory_space<vmem>> -> memref<1x64xi32, #tpu.memory_space<vmem>>
      %dma_wait3A_1407 = tpu.memref_squeeze %dma_wait3A_1406 : memref<1x64xi32, #tpu.memory_space<vmem>> -> memref<64xi32, #tpu.memory_space<vmem>>
      %dma_wait3A_1408 = arith.constant 0 : i32
      %dma_wait3A_1409 = arith.constant 0 : i32
      %dma_wait3A_1410 = tpu.memref_slice %arg6[%dma_wait3A_1408, %dma_wait3A_1409] : memref<10000x128xf32, #tpu.memory_space<vmem_shared>> -> memref<10000x128xf32, #tpu.memory_space<vmem_shared>>
      tpu.wait_indirect_dma semaphore(%arg21 : memref<!tpu.dma_semaphore, #tpu.memory_space<semaphore_mem>>) src(%arg14 : memref<64x128xf32, #tpu.memory_space<vmem>>) dst(%dma_wait3A_1410 : memref<10000x128xf32, #tpu.memory_space<vmem_shared>>)
      %add3A_1411 = arith.constant 2 : i32
      %add3A_1412 = arith.addi %mul3A_1212, %add3A_1411 : i32
      %lt3A_1413 = arith.constant 160 : i32
      %lt3A_1414 = arith.cmpi slt, %add3A_1412, %lt3A_1413 : i32
      %convert_element_type3A_1415 = arith.extui %lt3A_1414 : i1 to i32
      %cond3A_1416 = arith.constant 0 : i32
      %cond3A_1417 = arith.cmpi ne, %convert_element_type3A_1415, %cond3A_1416 : i32
      scf.if %cond3A_1417 {
        %add3A_1432 = arith.constant 2 : i32
        %add3A_1433 = arith.addi %mul3A_1212, %add3A_1432 : i32
        %mul3A_1434 = arith.constant 64 : i32
        %mul3A_1435 = arith.muli %add3A_1433, %mul3A_1434 : i32
        %add3A_1436 = arith.addi %mul3A_1105, %mul3A_1435 : i32
        %dma_start3A_1437 = tpu.memref_slice %arg3[%add3A_1436, %mul3A_0] : memref<163840x256xf32, #tpu.memory_space<hbm>> -> memref<64x128xf32, #tpu.memory_space<hbm>>
        %dma_start3A_1438 = tpu.memref_slice %arg3[%add3A_1436, %mul3A_0] : memref<163840x256xf32, #tpu.memory_space<hbm>> -> memref<64x128xf32, #tpu.memory_space<hbm>>
        tpu.enqueue_dma source(%dma_start3A_1438 : memref<64x128xf32, #tpu.memory_space<hbm>>) target(%arg14 : memref<64x128xf32, #tpu.memory_space<vmem>>) target_semaphore(%arg19 : memref<!tpu.dma_semaphore, #tpu.memory_space<semaphore_mem>>)
      } else {
      }
      %dma_wait3A_1418 = arith.constant 0 : i32
      %dma_wait3A_1419 = arith.constant 0 : i32
      %dma_wait3A_1420 = tpu.memref_slice %arg11[%dma_wait3A_1418, %dma_wait3A_1419] : memref<1x64xi32, #tpu.memory_space<vmem>> -> memref<1x64xi32, #tpu.memory_space<vmem>>
      %dma_wait3A_1421 = tpu.memref_squeeze %dma_wait3A_1420 : memref<1x64xi32, #tpu.memory_space<vmem>> -> memref<64xi32, #tpu.memory_space<vmem>>
      %dma_wait3A_1422 = arith.constant 0 : i32
      %dma_wait3A_1423 = arith.constant 0 : i32
      %dma_wait3A_1424 = tpu.memref_slice %arg6[%dma_wait3A_1422, %dma_wait3A_1423] : memref<10000x128xf32, #tpu.memory_space<vmem_shared>> -> memref<10000x128xf32, #tpu.memory_space<vmem_shared>>
      tpu.wait_indirect_dma semaphore(%arg22 : memref<!tpu.dma_semaphore, #tpu.memory_space<semaphore_mem>>) src(%arg15 : memref<64x128xf32, #tpu.memory_space<vmem>>) dst(%dma_wait3A_1424 : memref<10000x128xf32, #tpu.memory_space<vmem_shared>>)
      %add3A_1425 = arith.constant 3 : i32
      %add3A_1426 = arith.addi %mul3A_1212, %add3A_1425 : i32
      %lt3A_1427 = arith.constant 160 : i32
      %lt3A_1428 = arith.cmpi slt, %add3A_1426, %lt3A_1427 : i32
      %convert_element_type3A_1429 = arith.extui %lt3A_1428 : i1 to i32
      %cond3A_1430 = arith.constant 0 : i32
      %cond3A_1431 = arith.cmpi ne, %convert_element_type3A_1429, %cond3A_1430 : i32
      scf.if %cond3A_1431 {
        %add3A_1432 = arith.constant 3 : i32
        %add3A_1433 = arith.addi %mul3A_1212, %add3A_1432 : i32
        %mul3A_1434 = arith.constant 64 : i32
        %mul3A_1435 = arith.muli %add3A_1433, %mul3A_1434 : i32
        %add3A_1436 = arith.addi %mul3A_1105, %mul3A_1435 : i32
        %dma_start3A_1437 = tpu.memref_slice %arg3[%add3A_1436, %mul3A_0] : memref<163840x256xf32, #tpu.memory_space<hbm>> -> memref<64x128xf32, #tpu.memory_space<hbm>>
        %dma_start3A_1438 = tpu.memref_slice %arg3[%add3A_1436, %mul3A_0] : memref<163840x256xf32, #tpu.memory_space<hbm>> -> memref<64x128xf32, #tpu.memory_space<hbm>>
        tpu.enqueue_dma source(%dma_start3A_1438 : memref<64x128xf32, #tpu.memory_space<hbm>>) target(%arg15 : memref<64x128xf32, #tpu.memory_space<vmem>>) target_semaphore(%arg20 : memref<!tpu.dma_semaphore, #tpu.memory_space<semaphore_mem>>)
      } else {
      }
    }
    %scan3A_1203 = arith.constant 80 : i32
    %barrier3A_1204 = arith.constant 0 : index
    tpu.barrier barrier_id(%barrier3A_1204)
    "tpu.region"() ({
      %run_scoped3A = tpu.sem_alloc : memref<!tpu.dma_semaphore, #tpu.memory_space<semaphore_mem>>
      %dma_start3A_1210 = arith.constant 0 : i32
      %dma_start3A_1211 = tpu.memref_slice %arg5[%arg0, %mul3A_1024, %dma_start3A_1210] : memref<2x10000x128xf32, #tpu.memory_space<hbm>> -> memref<1x624x128xf32, #tpu.memory_space<hbm>>
      %dma_start3A_1212 = tpu.memref_squeeze %dma_start3A_1211 : memref<1x624x128xf32, #tpu.memory_space<hbm>> -> memref<624x128xf32, #tpu.memory_space<hbm>>
      %dma_start3A_1213 = arith.constant 0 : i32
      %dma_start3A_1214 = tpu.memref_slice %arg6[%mul3A_1024, %dma_start3A_1213] : memref<10000x128xf32, #tpu.memory_space<vmem_shared>> -> memref<624x128xf32, #tpu.memory_space<vmem_shared>>
      tpu.enqueue_dma source(%dma_start3A_1214 : memref<624x128xf32, #tpu.memory_space<vmem_shared>>) target(%dma_start3A_1212 : memref<624x128xf32, #tpu.memory_space<hbm>>) target_semaphore(%run_scoped3A : memref<!tpu.dma_semaphore, #tpu.memory_space<semaphore_mem>>)
      %dma_wait3A = arith.constant 0 : i32
      %dma_wait3A_1215 = tpu.memref_slice %arg5[%arg0, %mul3A_1024, %dma_wait3A] : memref<2x10000x128xf32, #tpu.memory_space<hbm>> -> memref<1x624x128xf32, #tpu.memory_space<hbm>>
      %dma_wait3A_1216 = tpu.memref_squeeze %dma_wait3A_1215 : memref<1x624x128xf32, #tpu.memory_space<hbm>> -> memref<624x128xf32, #tpu.memory_space<hbm>>
      %dma_wait3A_1217 = arith.constant 0 : i32
      %dma_wait3A_1218 = tpu.memref_slice %arg6[%mul3A_1024, %dma_wait3A_1217] : memref<10000x128xf32, #tpu.memory_space<vmem_shared>> -> memref<624x128xf32, #tpu.memory_space<vmem_shared>>
      tpu.wait_dma2 semaphore(%run_scoped3A : memref<!tpu.dma_semaphore, #tpu.memory_space<semaphore_mem>>) src(%dma_wait3A_1218 : memref<624x128xf32, #tpu.memory_space<vmem_shared>>) dst(%dma_wait3A_1216 : memref<624x128xf32, #tpu.memory_space<hbm>>)
      tpu.yield
    }) : () -> ()
    %eq3A_1205 = arith.constant 15 : i32
    %eq3A_1206 = arith.cmpi eq, %arg1, %eq3A_1205 : i32
    %convert_element_type3A_1207 = arith.extui %eq3A_1206 : i1 to i32
    %cond3A_1208 = arith.constant 0 : i32
    %cond3A_1209 = arith.cmpi ne, %convert_element_type3A_1207, %cond3A_1208 : i32
    scf.if %cond3A_1209 {
      %add3A_1210 = arith.constant 624 : i32
      %add3A_1211 = arith.addi %mul3A_1024, %add3A_1210 : i32
      %add3A_1212 = arith.constant 624 : i32
      %add3A_1213 = arith.addi %mul3A_1024, %add3A_1212 : i32
      "tpu.region"() ({
        %run_scoped3A = tpu.sem_alloc : memref<!tpu.dma_semaphore, #tpu.memory_space<semaphore_mem>>
        %dma_start3A_1214 = arith.constant 0 : i32
        %dma_start3A_1215 = tpu.memref_slice %arg5[%arg0, %add3A_1213, %dma_start3A_1214] : memref<2x10000x128xf32, #tpu.memory_space<hbm>> -> memref<1x16x128xf32, #tpu.memory_space<hbm>>
        %dma_start3A_1216 = tpu.memref_squeeze %dma_start3A_1215 : memref<1x16x128xf32, #tpu.memory_space<hbm>> -> memref<16x128xf32, #tpu.memory_space<hbm>>
        %dma_start3A_1217 = arith.constant 0 : i32
        %dma_start3A_1218 = tpu.memref_slice %arg6[%add3A_1211, %dma_start3A_1217] : memref<10000x128xf32, #tpu.memory_space<vmem_shared>> -> memref<16x128xf32, #tpu.memory_space<vmem_shared>>
        tpu.enqueue_dma source(%dma_start3A_1218 : memref<16x128xf32, #tpu.memory_space<vmem_shared>>) target(%dma_start3A_1216 : memref<16x128xf32, #tpu.memory_space<hbm>>) target_semaphore(%run_scoped3A : memref<!tpu.dma_semaphore, #tpu.memory_space<semaphore_mem>>)
        %dma_wait3A = arith.constant 0 : i32
        %dma_wait3A_1219 = tpu.memref_slice %arg5[%arg0, %add3A_1213, %dma_wait3A] : memref<2x10000x128xf32, #tpu.memory_space<hbm>> -> memref<1x16x128xf32, #tpu.memory_space<hbm>>
        %dma_wait3A_1220 = tpu.memref_squeeze %dma_wait3A_1219 : memref<1x16x128xf32, #tpu.memory_space<hbm>> -> memref<16x128xf32, #tpu.memory_space<hbm>>
        %dma_wait3A_1221 = arith.constant 0 : i32
        %dma_wait3A_1222 = tpu.memref_slice %arg6[%add3A_1211, %dma_wait3A_1221] : memref<10000x128xf32, #tpu.memory_space<vmem_shared>> -> memref<16x128xf32, #tpu.memory_space<vmem_shared>>
        tpu.wait_dma2 semaphore(%run_scoped3A : memref<!tpu.dma_semaphore, #tpu.memory_space<semaphore_mem>>) src(%dma_wait3A_1222 : memref<16x128xf32, #tpu.memory_space<vmem_shared>>) dst(%dma_wait3A_1220 : memref<16x128xf32, #tpu.memory_space<hbm>>)
        tpu.yield
      }) : () -> ()
    } else {
    }
    return
  }
}

module attributes {stable_mosaic.version = 14 : i64} {
  func.func @_edge_body(%arg0: i32, %arg1: memref<3x2048xf32, #tpu.memory_space<vmem>>, %arg2: memref<8x2048xf32, #tpu.memory_space<vmem>>, %arg3: memref<144x256xf32, #tpu.memory_space<vmem>>, %arg4: memref<2048x256xf32, #tpu.memory_space<vmem>>) attributes {dimension_semantics = [#tpu.dimension_semantics<arbitrary>], iteration_bounds = array<i64: 80>, scalar_prefetch = 0 : i64, scratch_operands = 0 : i64, tpu.core_type = #tpu.core_type<tc>, window_params = [{transform_indices = @transform_0, window_bounds = array<i64: 3, 2048>}, {transform_indices = @transform_1, window_bounds = array<i64: 8, 2048>}, {pipeline_mode = #tpu.pipeline_mode<synchronous>, transform_indices = @transform_2, window_bounds = array<i64: 144, 256>}, {transform_indices = @transform_3, window_bounds = array<i64: 2048, 256>}]} {
    %get3A = arith.constant 0 : index
    %get3A_0 = arith.constant 0 : index
    %get3A_1 = vector.load %arg1[%get3A, %get3A_0] : memref<3x2048xf32, #tpu.memory_space<vmem>>, vector<1x2048xf32>
    %get3A_2 = arith.constant 1 : index
    %get3A_3 = arith.constant 0 : index
    %get3A_4 = vector.load %arg1[%get3A_2, %get3A_3] : memref<3x2048xf32, #tpu.memory_space<vmem>>, vector<1x2048xf32>
    %get3A_5 = arith.constant 2 : index
    %get3A_6 = arith.constant 0 : index
    %get3A_7 = vector.load %arg1[%get3A_5, %get3A_6] : memref<3x2048xf32, #tpu.memory_space<vmem>>, vector<1x2048xf32>
    %mul3A = arith.mulf %get3A_1, %get3A_1 : vector<1x2048xf32>
    %mul3A_8 = arith.mulf %get3A_4, %get3A_4 : vector<1x2048xf32>
    %add3A = arith.addf %mul3A, %mul3A_8 : vector<1x2048xf32>
    %mul3A_9 = arith.mulf %get3A_7, %get3A_7 : vector<1x2048xf32>
    %add3A_10 = arith.addf %add3A, %mul3A_9 : vector<1x2048xf32>
    %add3A_11 = arith.constant 9.99999996E-13 : f32
    %add3A_12 = vector.broadcast %add3A_11 : f32 to vector<1x2048xf32>
    %add3A_13 = arith.addf %add3A_10, %add3A_12 : vector<1x2048xf32>
    %rsqrt3A = math.rsqrt %add3A_13 : vector<1x2048xf32>
    %mul3A_14 = arith.mulf %get3A_1, %rsqrt3A : vector<1x2048xf32>
    %mul3A_15 = arith.mulf %get3A_4, %rsqrt3A : vector<1x2048xf32>
    %mul3A_16 = arith.mulf %get3A_7, %rsqrt3A : vector<1x2048xf32>
    %broadcast_in_dim3A = arith.constant 1.000000e+00 : f32
    %broadcast_in_dim3A_17 = vector.broadcast %broadcast_in_dim3A : f32 to vector<1x2048xf32>
    %mul3A_18 = arith.constant 1.73205078 : f32
    %mul3A_19 = vector.broadcast %mul3A_18 : f32 to vector<1x2048xf32>
    %mul3A_20 = arith.mulf %mul3A_19, %mul3A_14 : vector<1x2048xf32>
    %mul3A_21 = arith.constant 1.73205078 : f32
    %mul3A_22 = vector.broadcast %mul3A_21 : f32 to vector<1x2048xf32>
    %mul3A_23 = arith.mulf %mul3A_22, %mul3A_15 : vector<1x2048xf32>
    %mul3A_24 = arith.constant 1.73205078 : f32
    %mul3A_25 = vector.broadcast %mul3A_24 : f32 to vector<1x2048xf32>
    %mul3A_26 = arith.mulf %mul3A_25, %mul3A_16 : vector<1x2048xf32>
    %mul3A_27 = arith.constant 3.87298346 : f32
    %mul3A_28 = vector.broadcast %mul3A_27 : f32 to vector<1x2048xf32>
    %mul3A_29 = arith.mulf %mul3A_28, %mul3A_14 : vector<1x2048xf32>
    %mul3A_30 = arith.mulf %mul3A_29, %mul3A_15 : vector<1x2048xf32>
    %mul3A_31 = arith.constant 3.87298346 : f32
    %mul3A_32 = vector.broadcast %mul3A_31 : f32 to vector<1x2048xf32>
    %mul3A_33 = arith.mulf %mul3A_32, %mul3A_15 : vector<1x2048xf32>
    %mul3A_34 = arith.mulf %mul3A_33, %mul3A_16 : vector<1x2048xf32>
    %mul3A_35 = arith.constant 3.000000e+00 : f32
    %mul3A_36 = vector.broadcast %mul3A_35 : f32 to vector<1x2048xf32>
    %mul3A_37 = arith.mulf %mul3A_36, %mul3A_16 : vector<1x2048xf32>
    %mul3A_38 = arith.mulf %mul3A_37, %mul3A_16 : vector<1x2048xf32>
    %sub3A = arith.constant 1.000000e+00 : f32
    %sub3A_39 = vector.broadcast %sub3A : f32 to vector<1x2048xf32>
    %sub3A_40 = arith.subf %mul3A_38, %sub3A_39 : vector<1x2048xf32>
    %mul3A_41 = arith.constant 1.11803401 : f32
    %mul3A_42 = vector.broadcast %mul3A_41 : f32 to vector<1x2048xf32>
    %mul3A_43 = arith.mulf %mul3A_42, %sub3A_40 : vector<1x2048xf32>
    %mul3A_44 = arith.constant 3.87298346 : f32
    %mul3A_45 = vector.broadcast %mul3A_44 : f32 to vector<1x2048xf32>
    %mul3A_46 = arith.mulf %mul3A_45, %mul3A_14 : vector<1x2048xf32>
    %mul3A_47 = arith.mulf %mul3A_46, %mul3A_16 : vector<1x2048xf32>
    %mul3A_48 = arith.mulf %mul3A_14, %mul3A_14 : vector<1x2048xf32>
    %mul3A_49 = arith.mulf %mul3A_15, %mul3A_15 : vector<1x2048xf32>
    %sub3A_50 = arith.subf %mul3A_48, %mul3A_49 : vector<1x2048xf32>
    %mul3A_51 = arith.constant 1.93649173 : f32
    %mul3A_52 = vector.broadcast %mul3A_51 : f32 to vector<1x2048xf32>
    %mul3A_53 = arith.mulf %mul3A_52, %sub3A_50 : vector<1x2048xf32>
    %mul3A_54 = arith.constant 2.091650e+00 : f32
    %mul3A_55 = vector.broadcast %mul3A_54 : f32 to vector<1x2048xf32>
    %mul3A_56 = arith.mulf %mul3A_55, %mul3A_15 : vector<1x2048xf32>
    %mul3A_57 = arith.constant 3.000000e+00 : f32
    %mul3A_58 = vector.broadcast %mul3A_57 : f32 to vector<1x2048xf32>
    %mul3A_59 = arith.mulf %mul3A_58, %mul3A_14 : vector<1x2048xf32>
    %mul3A_60 = arith.mulf %mul3A_59, %mul3A_14 : vector<1x2048xf32>
    %mul3A_61 = arith.mulf %mul3A_15, %mul3A_15 : vector<1x2048xf32>
    %sub3A_62 = arith.subf %mul3A_60, %mul3A_61 : vector<1x2048xf32>
    %mul3A_63 = arith.mulf %mul3A_56, %sub3A_62 : vector<1x2048xf32>
    %mul3A_64 = arith.constant 10.2469511 : f32
    %mul3A_65 = vector.broadcast %mul3A_64 : f32 to vector<1x2048xf32>
    %mul3A_66 = arith.mulf %mul3A_65, %mul3A_14 : vector<1x2048xf32>
    %mul3A_67 = arith.mulf %mul3A_66, %mul3A_15 : vector<1x2048xf32>
    %mul3A_68 = arith.mulf %mul3A_67, %mul3A_16 : vector<1x2048xf32>
    %mul3A_69 = arith.constant 1.62018514 : f32
    %mul3A_70 = vector.broadcast %mul3A_69 : f32 to vector<1x2048xf32>
    %mul3A_71 = arith.mulf %mul3A_70, %mul3A_15 : vector<1x2048xf32>
    %mul3A_72 = arith.constant 5.000000e+00 : f32
    %mul3A_73 = vector.broadcast %mul3A_72 : f32 to vector<1x2048xf32>
    %mul3A_74 = arith.mulf %mul3A_73, %mul3A_16 : vector<1x2048xf32>
    %mul3A_75 = arith.mulf %mul3A_74, %mul3A_16 : vector<1x2048xf32>
    %sub3A_76 = arith.constant 1.000000e+00 : f32
    %sub3A_77 = vector.broadcast %sub3A_76 : f32 to vector<1x2048xf32>
    %sub3A_78 = arith.subf %mul3A_75, %sub3A_77 : vector<1x2048xf32>
    %mul3A_79 = arith.mulf %mul3A_71, %sub3A_78 : vector<1x2048xf32>
    %integer_pow3A = arith.mulf %mul3A_16, %mul3A_16 : vector<1x2048xf32>
    %integer_pow3A_80 = arith.mulf %mul3A_16, %integer_pow3A : vector<1x2048xf32>
    %mul3A_81 = arith.constant 5.000000e+00 : f32
    %mul3A_82 = vector.broadcast %mul3A_81 : f32 to vector<1x2048xf32>
    %mul3A_83 = arith.mulf %mul3A_82, %integer_pow3A_80 : vector<1x2048xf32>
    %mul3A_84 = arith.constant 3.000000e+00 : f32
    %mul3A_85 = vector.broadcast %mul3A_84 : f32 to vector<1x2048xf32>
    %mul3A_86 = arith.mulf %mul3A_85, %mul3A_16 : vector<1x2048xf32>
    %sub3A_87 = arith.subf %mul3A_83, %mul3A_86 : vector<1x2048xf32>
    %mul3A_88 = arith.constant 1.32287562 : f32
    %mul3A_89 = vector.broadcast %mul3A_88 : f32 to vector<1x2048xf32>
    %mul3A_90 = arith.mulf %mul3A_89, %sub3A_87 : vector<1x2048xf32>
    %mul3A_91 = arith.constant 1.62018514 : f32
    %mul3A_92 = vector.broadcast %mul3A_91 : f32 to vector<1x2048xf32>
    %mul3A_93 = arith.mulf %mul3A_92, %mul3A_14 : vector<1x2048xf32>
    %mul3A_94 = arith.constant 5.000000e+00 : f32
    %mul3A_95 = vector.broadcast %mul3A_94 : f32 to vector<1x2048xf32>
    %mul3A_96 = arith.mulf %mul3A_95, %mul3A_16 : vector<1x2048xf32>
    %mul3A_97 = arith.mulf %mul3A_96, %mul3A_16 : vector<1x2048xf32>
    %sub3A_98 = arith.constant 1.000000e+00 : f32
    %sub3A_99 = vector.broadcast %sub3A_98 : f32 to vector<1x2048xf32>
    %sub3A_100 = arith.subf %mul3A_97, %sub3A_99 : vector<1x2048xf32>
    %mul3A_101 = arith.mulf %mul3A_93, %sub3A_100 : vector<1x2048xf32>
    %mul3A_102 = arith.mulf %mul3A_14, %mul3A_14 : vector<1x2048xf32>
    %mul3A_103 = arith.mulf %mul3A_15, %mul3A_15 : vector<1x2048xf32>
    %sub3A_104 = arith.subf %mul3A_102, %mul3A_103 : vector<1x2048xf32>
    %mul3A_105 = arith.constant 5.12347555 : f32
    %mul3A_106 = vector.broadcast %mul3A_105 : f32 to vector<1x2048xf32>
    %mul3A_107 = arith.mulf %mul3A_106, %sub3A_104 : vector<1x2048xf32>
    %mul3A_108 = arith.mulf %mul3A_107, %mul3A_16 : vector<1x2048xf32>
    %mul3A_109 = arith.constant 2.091650e+00 : f32
    %mul3A_110 = vector.broadcast %mul3A_109 : f32 to vector<1x2048xf32>
    %mul3A_111 = arith.mulf %mul3A_110, %mul3A_14 : vector<1x2048xf32>
    %mul3A_112 = arith.mulf %mul3A_14, %mul3A_14 : vector<1x2048xf32>
    %mul3A_113 = arith.constant 3.000000e+00 : f32
    %mul3A_114 = vector.broadcast %mul3A_113 : f32 to vector<1x2048xf32>
    %mul3A_115 = arith.mulf %mul3A_114, %mul3A_15 : vector<1x2048xf32>
    %mul3A_116 = arith.mulf %mul3A_115, %mul3A_15 : vector<1x2048xf32>
    %sub3A_117 = arith.subf %mul3A_112, %mul3A_116 : vector<1x2048xf32>
    %mul3A_118 = arith.mulf %mul3A_111, %sub3A_117 : vector<1x2048xf32>
    %iota3A = tpu.iota {dimensions = array<i32: 1>} : vector<1x2048xi32>
    %mul3A_119 = arith.constant 2048 : i32
    %mul3A_120 = arith.muli %arg0, %mul3A_119 : i32
    %add3A_121 = vector.broadcast %mul3A_120 : i32 to vector<1x2048xi32>
    %add3A_122 = arith.addi %iota3A, %add3A_121 : vector<1x2048xi32>
    %lt3A = arith.constant 160000 : i32
    %lt3A_123 = vector.broadcast %lt3A : i32 to vector<1x2048xi32>
    %lt3A_124 = arith.cmpi slt, %add3A_122, %lt3A_123 : vector<1x2048xi32>
    %convert_element_type3A = arith.extui %lt3A_124 : vector<1x2048xi1> to vector<1x2048xi32>
    %convert_element_type3A_125 = arith.sitofp %convert_element_type3A : vector<1x2048xi32> to vector<1x2048xf32>
    %concatenate3A = tpu.concatenate %broadcast_in_dim3A_17, %mul3A_20, %mul3A_23, %mul3A_26, %mul3A_30, %mul3A_34, %mul3A_43, %mul3A_47, %mul3A_53, %mul3A_63, %mul3A_68, %mul3A_79, %mul3A_90, %mul3A_101, %mul3A_108, %mul3A_118 in 0 : vector<1x2048xf32>, vector<1x2048xf32>, vector<1x2048xf32>, vector<1x2048xf32>, vector<1x2048xf32>, vector<1x2048xf32>, vector<1x2048xf32>, vector<1x2048xf32>, vector<1x2048xf32>, vector<1x2048xf32>, vector<1x2048xf32>, vector<1x2048xf32>, vector<1x2048xf32>, vector<1x2048xf32>, vector<1x2048xf32>, vector<1x2048xf32> -> vector<16x2048xf32>
    %mul3A_126 = vector.broadcast %convert_element_type3A_125 : vector<1x2048xf32> to vector<16x2048xf32>
    %mul3A_127 = arith.mulf %concatenate3A, %mul3A_126 : vector<16x2048xf32>
    %get3A_128 = arith.constant 0 : index
    %get3A_129 = arith.constant 0 : index
    %get3A_130 = vector.load %arg2[%get3A_128, %get3A_129] : memref<8x2048xf32, #tpu.memory_space<vmem>>, vector<1x2048xf32>
    %mul3A_131 = vector.broadcast %get3A_130 : vector<1x2048xf32> to vector<16x2048xf32>
    %mul3A_132 = arith.mulf %mul3A_131, %mul3A_127 : vector<16x2048xf32>
    %get3A_133 = arith.constant 1 : index
    %get3A_134 = arith.constant 0 : index
    %get3A_135 = vector.load %arg2[%get3A_133, %get3A_134] : memref<8x2048xf32, #tpu.memory_space<vmem>>, vector<1x2048xf32>
    %mul3A_136 = vector.broadcast %get3A_135 : vector<1x2048xf32> to vector<16x2048xf32>
    %mul3A_137 = arith.mulf %mul3A_136, %mul3A_127 : vector<16x2048xf32>
    %get3A_138 = arith.constant 2 : index
    %get3A_139 = arith.constant 0 : index
    %get3A_140 = vector.load %arg2[%get3A_138, %get3A_139] : memref<8x2048xf32, #tpu.memory_space<vmem>>, vector<1x2048xf32>
    %mul3A_141 = vector.broadcast %get3A_140 : vector<1x2048xf32> to vector<16x2048xf32>
    %mul3A_142 = arith.mulf %mul3A_141, %mul3A_127 : vector<16x2048xf32>
    %get3A_143 = arith.constant 3 : index
    %get3A_144 = arith.constant 0 : index
    %get3A_145 = vector.load %arg2[%get3A_143, %get3A_144] : memref<8x2048xf32, #tpu.memory_space<vmem>>, vector<1x2048xf32>
    %mul3A_146 = vector.broadcast %get3A_145 : vector<1x2048xf32> to vector<16x2048xf32>
    %mul3A_147 = arith.mulf %mul3A_146, %mul3A_127 : vector<16x2048xf32>
    %get3A_148 = arith.constant 4 : index
    %get3A_149 = arith.constant 0 : index
    %get3A_150 = vector.load %arg2[%get3A_148, %get3A_149] : memref<8x2048xf32, #tpu.memory_space<vmem>>, vector<1x2048xf32>
    %mul3A_151 = vector.broadcast %get3A_150 : vector<1x2048xf32> to vector<16x2048xf32>
    %mul3A_152 = arith.mulf %mul3A_151, %mul3A_127 : vector<16x2048xf32>
    %get3A_153 = arith.constant 5 : index
    %get3A_154 = arith.constant 0 : index
    %get3A_155 = vector.load %arg2[%get3A_153, %get3A_154] : memref<8x2048xf32, #tpu.memory_space<vmem>>, vector<1x2048xf32>
    %mul3A_156 = vector.broadcast %get3A_155 : vector<1x2048xf32> to vector<16x2048xf32>
    %mul3A_157 = arith.mulf %mul3A_156, %mul3A_127 : vector<16x2048xf32>
    %get3A_158 = arith.constant 6 : index
    %get3A_159 = arith.constant 0 : index
    %get3A_160 = vector.load %arg2[%get3A_158, %get3A_159] : memref<8x2048xf32, #tpu.memory_space<vmem>>, vector<1x2048xf32>
    %mul3A_161 = vector.broadcast %get3A_160 : vector<1x2048xf32> to vector<16x2048xf32>
    %mul3A_162 = arith.mulf %mul3A_161, %mul3A_127 : vector<16x2048xf32>
    %get3A_163 = arith.constant 7 : index
    %get3A_164 = arith.constant 0 : index
    %get3A_165 = vector.load %arg2[%get3A_163, %get3A_164] : memref<8x2048xf32, #tpu.memory_space<vmem>>, vector<1x2048xf32>
    %mul3A_166 = vector.broadcast %get3A_165 : vector<1x2048xf32> to vector<16x2048xf32>
    %mul3A_167 = arith.mulf %mul3A_166, %mul3A_127 : vector<16x2048xf32>
    %concatenate3A_168 = tpu.concatenate %mul3A_132, %mul3A_137, %mul3A_142, %mul3A_147, %mul3A_152, %mul3A_157, %mul3A_162, %mul3A_167, %mul3A_127 in 0 : vector<16x2048xf32>, vector<16x2048xf32>, vector<16x2048xf32>, vector<16x2048xf32>, vector<16x2048xf32>, vector<16x2048xf32>, vector<16x2048xf32>, vector<16x2048xf32>, vector<16x2048xf32> -> vector<144x2048xf32>
    %get3A_169 = arith.constant 0 : index
    %get3A_170 = arith.constant 0 : index
    %get3A_171 = vector.load %arg3[%get3A_169, %get3A_170] : memref<144x256xf32, #tpu.memory_space<vmem>>, vector<144x256xf32>
    %dot_general3A = arith.constant dense<0.000000e+00> : vector<2048x256xf32>
    %dot_general3A_172 = tpu.matmul %concatenate3A_168, %get3A_171, %dot_general3A {dimension_numbers = #tpu.dot_dimension_numbers<[0], [0], [1], [1], [0, 1, 1, 1], [], []>, transpose_lhs_hint = false} : vector<144x2048xf32>, vector<144x256xf32>, vector<2048x256xf32> -> vector<2048x256xf32>
    %swap3A = arith.constant 0 : index
    %swap3A_173 = arith.constant 0 : index
    %swap3A_174 = vector.load %arg4[%swap3A, %swap3A_173] : memref<2048x256xf32, #tpu.memory_space<vmem>>, vector<2048x256xf32>
    tpu.vector_store %arg4[%swap3A, %swap3A_173], %dot_general3A_172 {strides = array<i32>} : memref<2048x256xf32, #tpu.memory_space<vmem>>, vector<2048x256xf32>,
    return
  }
  func.func @transform_0(%arg0: i32) -> (i32, i32) {
    %c0_i32 = arith.constant 0 : i32
    %c0_i32_0 = arith.constant 0 : i32
    return %c0_i32, %arg0 : i32, i32
  }
  func.func @transform_1(%arg0: i32) -> (i32, i32) {
    %c0_i32 = arith.constant 0 : i32
    %c0_i32_0 = arith.constant 0 : i32
    return %c0_i32, %arg0 : i32, i32
  }
  func.func @transform_2(%arg0: i32) -> (i32, i32) {
    %c0_i32 = arith.constant 0 : i32
    %c0_i32_0 = arith.constant 0 : i32
    %c0_i32_1 = arith.constant 0 : i32
    return %c0_i32, %c0_i32_0 : i32, i32
  }
  func.func @transform_3(%arg0: i32) -> (i32, i32) {
    %c0_i32 = arith.constant 0 : i32
    %c0_i32_0 = arith.constant 0 : i32
    return %arg0, %c0_i32 : i32, i32
  }
}

module attributes {stable_mosaic.version = 14 : i64} {
  func.func @_pre_body(%arg0: i32, %arg1: memref<2000x128xf32, #tpu.memory_space<vmem>>, %arg2: memref<128x128xf32, #tpu.memory_space<vmem>>, %arg3: memref<128x128xf32, #tpu.memory_space<vmem>>, %arg4: memref<2000x128xf32, #tpu.memory_space<vmem>>) attributes {dimension_semantics = [#tpu.dimension_semantics<arbitrary>], iteration_bounds = array<i64: 5>, scalar_prefetch = 0 : i64, scratch_operands = 0 : i64, tpu.core_type = #tpu.core_type<tc>, window_params = [{transform_indices = @transform_0, window_bounds = array<i64: 2000, 128>}, {pipeline_mode = #tpu.pipeline_mode<synchronous>, transform_indices = @transform_1, window_bounds = array<i64: 128, 128>}, {pipeline_mode = #tpu.pipeline_mode<synchronous>, transform_indices = @transform_2, window_bounds = array<i64: 128, 128>}, {transform_indices = @transform_3, window_bounds = array<i64: 2000, 128>}]} {
    %get3A = arith.constant 0 : index
    %get3A_0 = arith.constant 0 : index
    %get3A_1 = vector.load %arg1[%get3A, %get3A_0] : memref<2000x128xf32, #tpu.memory_space<vmem>>, vector<2000x128xf32>
    %get3A_2 = arith.constant 0 : index
    %get3A_3 = arith.constant 0 : index
    %get3A_4 = vector.load %arg2[%get3A_2, %get3A_3] : memref<128x128xf32, #tpu.memory_space<vmem>>, vector<128x128xf32>
    %dot_general3A = arith.constant dense<0.000000e+00> : vector<2000x128xf32>
    %dot_general3A_5 = tpu.matmul %get3A_1, %get3A_4, %dot_general3A {dimension_numbers = #tpu.dot_dimension_numbers<[1], [0], [0], [1], [0, 0, 1, 1], [], []>, transpose_lhs_hint = false} : vector<2000x128xf32>, vector<128x128xf32>, vector<2000x128xf32> -> vector<2000x128xf32>
    %mul3A = arith.mulf %dot_general3A_5, %dot_general3A_5 : vector<2000x128xf32>
    %reduce_sum3A = arith.constant dense<0.000000e+00> : vector<2000xf32>
    %reduce_sum3A_6 = vector.multi_reduction <add>, %mul3A, %reduce_sum3A [1] : vector<2000x128xf32> to vector<2000xf32>
    %broadcast_in_dim3A = vector.shape_cast %reduce_sum3A_6 : vector<2000xf32> to vector<2000x1xf32>
    %div3A = arith.constant 1.280000e+02 : f32
    %div3A_7 = vector.broadcast %div3A : f32 to vector<2000x1xf32>
    %div3A_8 = arith.divf %broadcast_in_dim3A, %div3A_7 : vector<2000x1xf32>
    %add3A = arith.constant 9.99999997E-7 : f32
    %add3A_9 = vector.broadcast %add3A : f32 to vector<2000x1xf32>
    %add3A_10 = arith.addf %div3A_8, %add3A_9 : vector<2000x1xf32>
    %rsqrt3A = math.rsqrt %add3A_10 : vector<2000x1xf32>
    %mul3A_11 = vector.broadcast %rsqrt3A : vector<2000x1xf32> to vector<2000x128xf32>
    %mul3A_12 = arith.mulf %dot_general3A_5, %mul3A_11 : vector<2000x128xf32>
    %get3A_13 = arith.constant 0 : index
    %get3A_14 = arith.constant 0 : index
    %get3A_15 = vector.load %arg3[%get3A_13, %get3A_14] : memref<128x128xf32, #tpu.memory_space<vmem>>, vector<128x128xf32>
    %dot_general3A_16 = arith.constant dense<0.000000e+00> : vector<2000x128xf32>
    %dot_general3A_17 = tpu.matmul %mul3A_12, %get3A_15, %dot_general3A_16 {dimension_numbers = #tpu.dot_dimension_numbers<[1], [0], [0], [1], [0, 0, 1, 1], [], []>, transpose_lhs_hint = false} : vector<2000x128xf32>, vector<128x128xf32>, vector<2000x128xf32> -> vector<2000x128xf32>
    %swap3A = arith.constant 0 : index
    %swap3A_18 = arith.constant 0 : index
    %swap3A_19 = vector.load %arg4[%swap3A, %swap3A_18] : memref<2000x128xf32, #tpu.memory_space<vmem>>, vector<2000x128xf32>
    tpu.vector_store %arg4[%swap3A, %swap3A_18], %dot_general3A_17 {strides = array<i32>} : memref<2000x128xf32, #tpu.memory_space<vmem>>, vector<2000x128xf32>,
    return
  }
  func.func @transform_0(%arg0: i32) -> (i32, i32) {
    %c0_i32 = arith.constant 0 : i32
    %c0_i32_0 = arith.constant 0 : i32
    return %arg0, %c0_i32 : i32, i32
  }
  func.func @transform_1(%arg0: i32) -> (i32, i32) {
    %c0_i32 = arith.constant 0 : i32
    %c0_i32_0 = arith.constant 0 : i32
    %c0_i32_1 = arith.constant 0 : i32
    return %c0_i32, %c0_i32_0 : i32, i32
  }
  func.func @transform_2(%arg0: i32) -> (i32, i32) {
    %c0_i32 = arith.constant 0 : i32
    %c0_i32_0 = arith.constant 0 : i32
    %c0_i32_1 = arith.constant 0 : i32
    return %c0_i32, %c0_i32_0 : i32, i32
  }
  func.func @transform_3(%arg0: i32) -> (i32, i32) {
    %c0_i32 = arith.constant 0 : i32
    %c0_i32_0 = arith.constant 0 : i32
    return %arg0, %c0_i32 : i32, i32
  }
}

module attributes {stable_mosaic.version = 14 : i64} {
  func.func @_post_body(%arg0: i32, %arg1: memref<2000x128xf32, #tpu.memory_space<vmem>>, %arg2: memref<2000x128xf32, #tpu.memory_space<vmem>>, %arg3: memref<2000x128xf32, #tpu.memory_space<vmem>>, %arg4: memref<128x128xf32, #tpu.memory_space<vmem>>, %arg5: memref<128x128xf32, #tpu.memory_space<vmem>>, %arg6: memref<128x128xf32, #tpu.memory_space<vmem>>, %arg7: memref<128x1xf32, #tpu.memory_space<vmem>>, %arg8: memref<2000x1xf32, #tpu.memory_space<vmem>>, %arg9: memref<2000x128xf32, #tpu.memory_space<vmem>>) attributes {dimension_semantics = [#tpu.dimension_semantics<arbitrary>], iteration_bounds = array<i64: 5>, scalar_prefetch = 0 : i64, scratch_operands = 0 : i64, tpu.core_type = #tpu.core_type<tc>, window_params = [{transform_indices = @transform_0, window_bounds = array<i64: 2000, 128>}, {transform_indices = @transform_1, window_bounds = array<i64: 2000, 128>}, {transform_indices = @transform_2, window_bounds = array<i64: 2000, 128>}, {pipeline_mode = #tpu.pipeline_mode<synchronous>, transform_indices = @transform_3, window_bounds = array<i64: 128, 128>}, {pipeline_mode = #tpu.pipeline_mode<synchronous>, transform_indices = @transform_4, window_bounds = array<i64: 128, 128>}, {pipeline_mode = #tpu.pipeline_mode<synchronous>, transform_indices = @transform_5, window_bounds = array<i64: 128, 128>}, {pipeline_mode = #tpu.pipeline_mode<synchronous>, transform_indices = @transform_6, window_bounds = array<i64: 128, 1>}, {transform_indices = @transform_7, window_bounds = array<i64: 2000, 1>}, {transform_indices = @transform_8, window_bounds = array<i64: 2000, 128>}]} {
    %get3A = arith.constant 0 : index
    %get3A_0 = arith.constant 0 : index
    %get3A_1 = vector.load %arg1[%get3A, %get3A_0] : memref<2000x128xf32, #tpu.memory_space<vmem>>, vector<2000x128xf32>
    %mul3A = arith.constant 6.250000e-02 : f32
    %mul3A_2 = vector.broadcast %mul3A : f32 to vector<2000x128xf32>
    %mul3A_3 = arith.mulf %get3A_1, %mul3A_2 : vector<2000x128xf32>
    %get3A_4 = arith.constant 0 : index
    %get3A_5 = arith.constant 0 : index
    %get3A_6 = vector.load %arg2[%get3A_4, %get3A_5] : memref<2000x128xf32, #tpu.memory_space<vmem>>, vector<2000x128xf32>
    %mul3A_7 = arith.constant 6.250000e-02 : f32
    %mul3A_8 = vector.broadcast %mul3A_7 : f32 to vector<2000x128xf32>
    %mul3A_9 = arith.mulf %get3A_6, %mul3A_8 : vector<2000x128xf32>
    %mul3A_10 = arith.mulf %mul3A_3, %mul3A_3 : vector<2000x128xf32>
    %reduce_sum3A = arith.constant dense<0.000000e+00> : vector<2000xf32>
    %reduce_sum3A_11 = vector.multi_reduction <add>, %mul3A_10, %reduce_sum3A [1] : vector<2000x128xf32> to vector<2000xf32>
    %broadcast_in_dim3A = vector.shape_cast %reduce_sum3A_11 : vector<2000xf32> to vector<2000x1xf32>
    %mul3A_12 = arith.mulf %mul3A_9, %mul3A_9 : vector<2000x128xf32>
    %reduce_sum3A_13 = arith.constant dense<0.000000e+00> : vector<2000xf32>
    %reduce_sum3A_14 = vector.multi_reduction <add>, %mul3A_12, %reduce_sum3A_13 [1] : vector<2000x128xf32> to vector<2000xf32>
    %broadcast_in_dim3A_15 = vector.shape_cast %reduce_sum3A_14 : vector<2000xf32> to vector<2000x1xf32>
    %add3A = arith.addf %broadcast_in_dim3A, %broadcast_in_dim3A_15 : vector<2000x1xf32>
    %mul3A_16 = arith.constant 3.906250e-03 : f32
    %mul3A_17 = vector.broadcast %mul3A_16 : f32 to vector<2000x1xf32>
    %mul3A_18 = arith.mulf %add3A, %mul3A_17 : vector<2000x1xf32>
    %add3A_19 = arith.constant 9.99999997E-7 : f32
    %add3A_20 = vector.broadcast %add3A_19 : f32 to vector<2000x1xf32>
    %add3A_21 = arith.addf %mul3A_18, %add3A_20 : vector<2000x1xf32>
    %rsqrt3A = math.rsqrt %add3A_21 : vector<2000x1xf32>
    %mul3A_22 = vector.broadcast %rsqrt3A : vector<2000x1xf32> to vector<2000x128xf32>
    %mul3A_23 = arith.mulf %mul3A_3, %mul3A_22 : vector<2000x128xf32>
    %mul3A_24 = vector.broadcast %rsqrt3A : vector<2000x1xf32> to vector<2000x128xf32>
    %mul3A_25 = arith.mulf %mul3A_9, %mul3A_24 : vector<2000x128xf32>
    %get3A_26 = arith.constant 0 : index
    %get3A_27 = arith.constant 0 : index
    %get3A_28 = vector.load %arg4[%get3A_26, %get3A_27] : memref<128x128xf32, #tpu.memory_space<vmem>>, vector<128x128xf32>
    %dot_general3A = arith.constant dense<0.000000e+00> : vector<2000x128xf32>
    %dot_general3A_29 = tpu.matmul %mul3A_23, %get3A_28, %dot_general3A {dimension_numbers = #tpu.dot_dimension_numbers<[1], [0], [0], [1], [0, 0, 1, 1], [], []>, transpose_lhs_hint = false} : vector<2000x128xf32>, vector<128x128xf32>, vector<2000x128xf32> -> vector<2000x128xf32>
    %get3A_30 = arith.constant 0 : index
    %get3A_31 = arith.constant 0 : index
    %get3A_32 = vector.load %arg5[%get3A_30, %get3A_31] : memref<128x128xf32, #tpu.memory_space<vmem>>, vector<128x128xf32>
    %dot_general3A_33 = arith.constant dense<0.000000e+00> : vector<2000x128xf32>
    %dot_general3A_34 = tpu.matmul %mul3A_25, %get3A_32, %dot_general3A_33 {dimension_numbers = #tpu.dot_dimension_numbers<[1], [0], [0], [1], [0, 0, 1, 1], [], []>, transpose_lhs_hint = false} : vector<2000x128xf32>, vector<128x128xf32>, vector<2000x128xf32> -> vector<2000x128xf32>
    %add3A_35 = arith.addf %dot_general3A_29, %dot_general3A_34 : vector<2000x128xf32>
    %mul3A_36 = arith.mulf %add3A_35, %add3A_35 : vector<2000x128xf32>
    %reduce_sum3A_37 = arith.constant dense<0.000000e+00> : vector<2000xf32>
    %reduce_sum3A_38 = vector.multi_reduction <add>, %mul3A_36, %reduce_sum3A_37 [1] : vector<2000x128xf32> to vector<2000xf32>
    %broadcast_in_dim3A_39 = vector.shape_cast %reduce_sum3A_38 : vector<2000xf32> to vector<2000x1xf32>
    %div3A = arith.constant 1.280000e+02 : f32
    %div3A_40 = vector.broadcast %div3A : f32 to vector<2000x1xf32>
    %div3A_41 = arith.divf %broadcast_in_dim3A_39, %div3A_40 : vector<2000x1xf32>
    %add3A_42 = arith.constant 9.99999997E-7 : f32
    %add3A_43 = vector.broadcast %add3A_42 : f32 to vector<2000x1xf32>
    %add3A_44 = arith.addf %div3A_41, %add3A_43 : vector<2000x1xf32>
    %rsqrt3A_45 = math.rsqrt %add3A_44 : vector<2000x1xf32>
    %mul3A_46 = vector.broadcast %rsqrt3A_45 : vector<2000x1xf32> to vector<2000x128xf32>
    %mul3A_47 = arith.mulf %add3A_35, %mul3A_46 : vector<2000x128xf32>
    %get3A_48 = arith.constant 0 : index
    %get3A_49 = arith.constant 0 : index
    %get3A_50 = vector.load %arg3[%get3A_48, %get3A_49] : memref<2000x128xf32, #tpu.memory_space<vmem>>, vector<2000x128xf32>
    %add3A_51 = arith.addf %get3A_50, %mul3A_47 : vector<2000x128xf32>
    %get3A_52 = arith.constant 0 : index
    %get3A_53 = arith.constant 0 : index
    %get3A_54 = vector.load %arg6[%get3A_52, %get3A_53] : memref<128x128xf32, #tpu.memory_space<vmem>>, vector<128x128xf32>
    %dot_general3A_55 = arith.constant dense<0.000000e+00> : vector<2000x128xf32>
    %dot_general3A_56 = tpu.matmul %add3A_51, %get3A_54, %dot_general3A_55 {dimension_numbers = #tpu.dot_dimension_numbers<[1], [0], [0], [1], [0, 0, 1, 1], [], []>, transpose_lhs_hint = false} : vector<2000x128xf32>, vector<128x128xf32>, vector<2000x128xf32> -> vector<2000x128xf32>
    %swap3A = arith.constant 0 : index
    %swap3A_57 = arith.constant 0 : index
    %swap3A_58 = vector.load %arg9[%swap3A, %swap3A_57] : memref<2000x128xf32, #tpu.memory_space<vmem>>, vector<2000x128xf32>
    tpu.vector_store %arg9[%swap3A, %swap3A_57], %dot_general3A_56 {strides = array<i32>} : memref<2000x128xf32, #tpu.memory_space<vmem>>, vector<2000x128xf32>,
    %get3A_59 = arith.constant 0 : index
    %get3A_60 = arith.constant 0 : index
    %get3A_61 = vector.load %arg7[%get3A_59, %get3A_60] : memref<128x1xf32, #tpu.memory_space<vmem>>, vector<128x1xf32>
    %dot_general3A_62 = arith.constant dense<0.000000e+00> : vector<2000x1xf32>
    %dot_general3A_63 = tpu.matmul %dot_general3A_56, %get3A_61, %dot_general3A_62 {dimension_numbers = #tpu.dot_dimension_numbers<[1], [0], [0], [1], [0, 0, 1, 1], [], []>, transpose_lhs_hint = false} : vector<2000x128xf32>, vector<128x1xf32>, vector<2000x1xf32> -> vector<2000x1xf32>
    %swap3A_64 = arith.constant 0 : index
    %swap3A_65 = arith.constant 0 : index
    %swap3A_66 = vector.load %arg8[%swap3A_64, %swap3A_65] : memref<2000x1xf32, #tpu.memory_space<vmem>>, vector<2000x1xf32>
    tpu.vector_store %arg8[%swap3A_64, %swap3A_65], %dot_general3A_63 {strides = array<i32>} : memref<2000x1xf32, #tpu.memory_space<vmem>>, vector<2000x1xf32>,
    return
  }
  func.func @transform_0(%arg0: i32) -> (i32, i32) {
    %c0_i32 = arith.constant 0 : i32
    %c0_i32_0 = arith.constant 0 : i32
    return %arg0, %c0_i32 : i32, i32
  }
  func.func @transform_1(%arg0: i32) -> (i32, i32) {
    %c0_i32 = arith.constant 0 : i32
    %c0_i32_0 = arith.constant 0 : i32
    return %arg0, %c0_i32 : i32, i32
  }
  func.func @transform_2(%arg0: i32) -> (i32, i32) {
    %c0_i32 = arith.constant 0 : i32
    %c0_i32_0 = arith.constant 0 : i32
    return %arg0, %c0_i32 : i32, i32
  }
  func.func @transform_3(%arg0: i32) -> (i32, i32) {
    %c0_i32 = arith.constant 0 : i32
    %c0_i32_0 = arith.constant 0 : i32
    %c0_i32_1 = arith.constant 0 : i32
    return %c0_i32, %c0_i32_0 : i32, i32
  }
  func.func @transform_4(%arg0: i32) -> (i32, i32) {
    %c0_i32 = arith.constant 0 : i32
    %c0_i32_0 = arith.constant 0 : i32
    %c0_i32_1 = arith.constant 0 : i32
    return %c0_i32, %c0_i32_0 : i32, i32
  }
  func.func @transform_5(%arg0: i32) -> (i32, i32) {
    %c0_i32 = arith.constant 0 : i32
    %c0_i32_0 = arith.constant 0 : i32
    %c0_i32_1 = arith.constant 0 : i32
    return %c0_i32, %c0_i32_0 : i32, i32
  }
  func.func @transform_6(%arg0: i32) -> (i32, i32) {
    %c0_i32 = arith.constant 0 : i32
    %c0_i32_0 = arith.constant 0 : i32
    %c0_i32_1 = arith.constant 0 : i32
    return %c0_i32, %c0_i32_0 : i32, i32
  }
  func.func @transform_7(%arg0: i32) -> (i32, i32) {
    %c0_i32 = arith.constant 0 : i32
    %c0_i32_0 = arith.constant 0 : i32
    return %arg0, %c0_i32 : i32, i32
  }
  func.func @transform_8(%arg0: i32) -> (i32, i32) {
    %c0_i32 = arith.constant 0 : i32
    %c0_i32_0 = arith.constant 0 : i32
    return %arg0, %c0_i32 : i32, i32
  }
}

</mosaic_0001>

<sc_bundles>
// kernel: kernel.6.cloned.1.call-start
scs
__scs_entry_jumppad:
0x0: {  	(pc) =	sbr.rel $0x88, $3  }
0x1: {  	(tag) =	ssettag $0x0;
	lr =	simm.s32 $0x1  }
0x2: {  	[smem:$0x3F95] =	sst lr;
	_ =	strace $0xD0000000  }
0x3: {  	_ = 	snop  }
0x4: {  	_ = 	snop  }
0x5: {  	_ = 	snop  }
0x6: {  	_ = 	snop  }
0x7: {  	_ = 	snop  }
__scs_overlays_trampoline_lowered:
0x8: {  	[smem:$0x3FA4] =	sst s0  }
0x9: {  	[smem:$0x3FA5] =	sst s1  }
0xa: {  	[smem:$0x3FA6] =	sst s2  }
0xb: {  	[smem:$0x3FA7] =	sst s3  }
0xc: {  	[smem:$0x3FA8] =	sst s4  }
0xd: {  	[smem:$0x3FA9] =	sst s5  }
0xe: {  	[smem:$0x3FAA] =	sst s6  }
0xf: {  	[smem:$0x3FAB] =	sst s7  }
0x10: {  	[smem:$0x3FAC] =	sst s8  }
0x11: {  	[smem:$0x3FAD] =	sst s9;
	s0 =	simm.s32 @!p0 $0x0  }
0x12: {  	s1 =	sld [smem:$0x3F93];
	s0 =	simm.s32 @p0 $0x1  }
0x13: {  	[smem:$0x3FAE] =	sst s0;
	s0 =	simm.s32 @!p1 $0x0  }
0x14: {  	s2 =	sld [smem:$0x3F92];
	s0 =	simm.s32 @p1 $0x1  }
0x15: {  	[smem:$0x3FAF] =	sst s0;
	s0 =	simm.s32 @!p2 $0x0  }
0x16: {  	s3 =	sld [smem:$0x3FDB];
	s0 =	simm.s32 @p2 $0x1  }
0x17: {  	s4 =	simm.s32 $0x1BF5;
	[smem:$0x3FB1] =	sst s0  }
0x18: {  	s0 =	sld [smem:$0x3F94];
	_ =	swait.ge [sflag:s4], $0x0  }
0x19: {  	s7 =	sld [smem:$0x3F95]  }
0x1a: {  	s8 =	sadd.s32 $0xFFFFE003, lr  }
0x1b: {  	s9 =	sadd.s32 $0xFFFFFEF7, lr;
	s5 =	simm.s32 $0xFFFFFFFF;
	p2 =	slt.u32 s8, $0xFFFFF086  }
0x1c: {  	p1 =	slt.u32 s9, $0xF7A;
	s5 =	simm.s32 @!p2 $0x0  }
0x1d: {  	s5 =	simm.s32 @p1 $0x1;
	p0 =	seq.s32 s7, s2  }
0x1e: {  	s7 =	smul.u32 @!p0 $0xF7A, s2;
	p2 =	seq.s32 @!p0 s5, $0x0  }
0x1f: {  	s9 =	smul.u32 $0xF7A, s1;
	s8 =	simm.s32 @!p0 $0x1BF5;
	p2 =	por !p2, p0  }
0x20: {  	[sflag:s8] =	ssyncset.s32 @!p0 $0xFFFFF086;
	s6 =	sadd.s32 @!p0 s3, s7;
	s7 =	simm.s32 @!p0 $0x108  }
0x21: {  	s3 =	sadd.s32 s3, s9;
	s6 =	sadd.s32 @!p0 $0x88, s6;
	s7 =	simm.s32 @p2 $0x1082  }
0x22: {  	[simem:s7], [sflag:s8] =	dma.local @!p0 [hbm:s6], $0xF7A  }
0x23: {  	s9 =	sor.u32 $0xD0000000, s2;
	s6 =	simm.s32 $0x108;
	_ =	swait.ge @!p0 [sflag:s8], $0x0  }
0x24: {  	s3 =	sadd.s32 $0x88, s3;
	s6 =	simm.s32 @!p1 $0x1082;
	[sflag:s4] =	ssyncset.s32 $0xFFFFF086  }
0x25: {  	[simem:s6], [sflag:s4] =	dma.local [hbm:s3], $0xF7A  }
0x26: {  	[smem:$0x3F95] =	sst s1;
	(tag) =	ssettag s2;
	_ =	strace s9  }
0x27: {  	s1 =	sld [smem:$0x3FA5]  }
0x28: {  	s2 =	sld [smem:$0x3FA6]  }
0x29: {  	s4 =	sld [smem:$0x3FA8]  }
0x2a: {  	p0 =	seq.s32 s5, $0x0;
	s5 =	sld [smem:$0x3FA9]  }
0x2b: {  	s6 =	sld [smem:$0x3FAA]  }
0x2c: {  	s7 =	sld [smem:$0x3FAB]  }
0x2d: {  	s3 =	simm.s32 $0x108;
	s8 =	sld [smem:$0x3FAC]  }
0x2e: {  	s3 =	simm.s32 @!p0 $0x1082;
	s9 =	sld [smem:$0x3FAD]  }
0x2f: {  	lr =	sadd.s32 s0, s3;
	s0 =	sld [smem:$0x3FA4]  }
0x30: {  	s3 =	sld [smem:$0x3FA7]  }
0x31: {  	[smem:$0x3FB0] =	sst s10  }
0x32: {  	s10 =	sld [smem:$0x3FAE];
	_ =	sdelay $0x3  }
0x33: {  	p0 =	seq.s32 s10, $0x1;
	s10 =	sld [smem:$0x3FB0];
	_ =	sdelay $0x3  }
0x34: {  	[smem:$0x3FB0] =	sst s10  }
0x35: {  	s10 =	sld [smem:$0x3FAF];
	_ =	sdelay $0x3  }
0x36: {  	p1 =	seq.s32 s10, $0x1;
	s10 =	sld [smem:$0x3FB0];
	_ =	sdelay $0x3  }
0x37: {  	[smem:$0x3FB0] =	sst s10  }
0x38: {  	s10 =	sld [smem:$0x3FB1]  }
0x39: {  	_ = 	snop;
	(pc) =	sbr.ind lr, $3  }
0x3a: {  	_ = 	snop  }
0x3b: {  	_ = 	snop  }
0x3c: {  	p2 =	seq.s32 s10, $0x1;
	s10 =	sld [smem:$0x3FB0]  }
0x3d: {  	_ =	shalt  }
0x3e: {  	_ =	shalt  }
0x3f: {  	_ =	shalt  }
0x40: {  	_ =	shalt  }
0x41: {  	_ =	shalt  }
0x42: {  	_ =	shalt  }
0x43: {  	_ =	shalt  }
0x44: {  	_ =	shalt  }
0x45: {  	_ =	shalt  }
0x46: {  	_ =	shalt  }
0x47: {  	_ =	shalt  }
0x48: {  	_ =	shalt  }
0x49: {  	_ =	shalt  }
0x4a: {  	_ =	shalt  }
0x4b: {  	_ =	shalt  }
0x4c: {  	_ =	shalt  }
0x4d: {  	_ =	shalt  }
0x4e: {  	_ =	shalt  }
0x4f: {  	_ =	shalt  }
0x50: {  	_ =	shalt  }
0x51: {  	_ =	shalt  }
0x52: {  	_ =	shalt  }
0x53: {  	_ =	shalt  }
0x54: {  	_ =	shalt  }
0x55: {  	_ =	shalt  }
0x56: {  	_ =	shalt  }
0x57: {  	_ =	shalt  }
0x58: {  	_ =	shalt  }
0x59: {  	_ =	shalt  }
0x5a: {  	_ =	shalt  }
0x5b: {  	_ =	shalt  }
0x5c: {  	_ =	shalt  }
0x5d: {  	_ =	shalt  }
0x5e: {  	_ =	shalt  }
0x5f: {  	_ =	shalt  }
0x60: {  	_ =	shalt  }
0x61: {  	_ =	shalt  }
0x62: {  	_ =	shalt  }
0x63: {  	_ =	shalt  }
0x64: {  	_ =	shalt  }
0x65: {  	_ =	shalt  }
0x66: {  	_ =	shalt  }
0x67: {  	_ =	shalt  }
0x68: {  	_ =	shalt  }
0x69: {  	_ =	shalt  }
0x6a: {  	_ =	shalt  }
0x6b: {  	_ =	shalt  }
0x6c: {  	_ =	shalt  }
0x6d: {  	_ =	shalt  }
0x6e: {  	_ =	shalt  }
0x6f: {  	_ =	shalt  }
0x70: {  	_ =	shalt  }
0x71: {  	_ =	shalt  }
0x72: {  	_ =	shalt  }
0x73: {  	_ =	shalt  }
0x74: {  	_ =	shalt  }
0x75: {  	_ =	shalt  }
0x76: {  	_ =	shalt  }
0x77: {  	_ =	shalt  }
0x78: {  	_ =	shalt  }
0x79: {  	_ =	shalt  }
0x7a: {  	_ =	shalt  }
0x7b: {  	_ =	shalt  }
0x7c: {  	_ =	shalt  }
0x7d: {  	_ =	shalt  }
0x7e: {  	_ =	shalt  }
0x7f: {  	_ =	shalt  }
0x80: {  	_ =	shalt  }
0x81: {  	_ =	shalt  }
0x82: {  	_ =	shalt  }
0x83: {  	_ =	shalt  }
0x84: {  	_ =	shalt  }
0x85: {  	_ =	shalt  }
0x86: {  	_ =	shalt  }
0x87: {  	_ =	shalt  }
.Lfunc_end0:
.L_simem_size_0:
called_computation_lowered:
.L_overlay_start_0:
0x88: {  	s2 =	sld [smem:$0x3FD9]  }
0x89: {  	s3 =	sld [smem:$0x3FFE];
	_ =	sdelay $0x1  }
0x8a: {  	s1 =	srdreg.scid  }
0x8b: {  	s0 =	sand.u32 $0x1, s1  }
0x8c: {  	s14 =	sshll.u32 s0, $0xA;
	s2 =	sadd.s32 s3, s2  }
0x8d: {  	s2 =	sadd.s32 s2, s14  }
0x8e: {  	[smem:$0x3FBC] =	sst s2  }
0x8f: {  	_ = 	snop  }
0x90: {  	s2 =	sld [smem:$0x3FD0];
	_ =	sdelay $0x2  }
0x91: {  	s15 =	simm.s32 $0xA;
	s4 =	simm.s32 $0x10  }
0x92: {  	[smem:s4], [sflag:s15] =	dma.local [hbm:s2], $0x1  }
0x93: {  	_ =	swait.eq [sflag:s15], $0x1  }
0x94: {  	[sflag:s15] =	ssyncset.done $0x0  }
0x95: {  	[sflag:s15] =	ssyncadd.s32 $0xFFFFFFFF  }
0x96: {  	s16 =	sld [smem:$0x11];
	(tm) =	ssettm $0x1  }
0x97: {  	s17 =	sld [smem:$0x3FFB];
	_ =	sdelay $0x3  }
0x98: {  	_ =	strace s17  }
0x99: {  	s3 =	sld [smem:$0x3FFC];
	_ =	sdelay $0x3  }
0x9a: {  	_ =	strace s3  }
0x9b: {  	s3 =	sld [smem:$0x3FFD];
	_ =	sdelay $0x3  }
0x9c: {  	_ =	strace s3  }
0x9d: {  	_ =	strace $0x8FFFFFFF  }
0x9e: {  	s18 =	sld [smem:$0x3FDB];
	_ =	sdelay $0x1  }
0x9f: {  	s19 =	simm.s32 $_scs_section_size  }
0xa0: {  	s5 =	simm.s32 $_size__tile_overlayer_lowered;
	s6 =	simm.s32 $_tile_overlayer_lowered  }
0xa1: {  	s22 =	simm.s32 $0x1BFF;
	s21 =	sshll.u32 s6, $0x1;
	s3 =	sadd.s32 s19, s18  }
0xa2: {  	s7 =	simm.s32 $0x0;
	s20 =	sshll.u32 s5, $0x1;
	s5 =	sadd.s32 s21, s3  }
0xa3: {  	[timem:s7], [sflag:s22] =	dma.local [hbm:s5], s20  }
0xa4: {  	_ =	swait.ge [sflag:s22], s20  }
0xa5: {  	s4 =	ssub.s32 $0x0, s20;
	[sflag:s22] =	ssyncset.done $0x0  }
0xa6: {  	[sflag:s22] =	ssyncadd.s32 s4;
	_ =	sdelay $0x1  }
0xa7: {  	s23 =	simm.s32 $0x1B8B  }
0xa8: {  	_ =	swait.ge [sflag:s23], $0x1  }
0xa9: {  	[sflag:s23] =	ssyncset.done $0x0  }
0xaa: {  	s25 =	simm.s32 $0x1B8E;
	s24 =	sld [smem:$0x3FFE];
	[sflag:s23] =	ssyncadd.s32 $0xFFFFFFFF  }
0xab: {  	s26 =	simm.s32 $execute0_lowered;
	[smem:$0x3FD2] =	sst s25  }
0xac: {  	s5 =	sshll.u32 s26, $0x1;
	_ =	strace $0x80000046;
	[dreg:$0x1] =	wrdreg $0xFFFFFFFF  }
0xad: {  	s28 =	simm.s32 $_size_execute0_lowered;
	s3 =	sadd.s32 s3, s5;
	[dreg:$0x0] =	wrdreg $0x0  }
0xae: {  	s5 =	sshll.u32 s28, $0x1;
	[dreg:$0x2] =	wrdreg s3  }
0xaf: {  	[dreg:$0x3] =	wrdreg s5  }
0xb0: {  	[dreg:$0x4] =	wrdreg $0xC0  }
0xb1: {  	_ =	task [dreg:s7], $0x5FFFF  }
0xb2: {  	[dreg:$0x1] =	wrdreg $0xFFFFFFFF  }
0xb3: {  	[dreg:$0x0] =	wrdreg $0x60  }
0xb4: {  	[dreg:$0x2] =	wrdreg s16  }
0xb5: {  	[dreg:$0x3] =	wrdreg s24  }
0xb6: {  	[dreg:$0x4] =	wrdreg $0x0  }
0xb7: {  	[dreg:$0x5] =	wrdreg $0x9  }
0xb8: {  	_ =	task.clear_ibuf [dreg:s7], $0x6FFFF;
	_ =	strace $0x90000046  }
0xb9: {  	s29 =	simm.s32 $0x9;
	_ =	strace $0x80000048  }
0xba: {  	_ =	swait.ge [sflag:s29], $0x1  }
0xbb: {  	[sflag:s29] =	ssyncadd.s32 $0xFFFFFFFF  }
0xbc: {  	_ =	strace $0x90000048  }
0xbd: {  	_ =	sfence  }
0xbe: {  	s30 =	sld [smem:$0x0];
	_ =	sdelay $0x2  }
0xbf: {  	s31 =	sshll.u32 s1, $0xD;
	s1 =	sshrl.u32 s1, $0x2  }
0xc0: {  	s3 =	sand.u32 $0x4000, s31;
	s1 =	sadd.s32 s1, s30  }
0xc1: {  	s0 =	sor.u32 s3, s0;
	s1 =	sshll.u32 s1, $0x11  }
0xc2: {  	s0 =	sor.u32 s1, s0  }
0xc3: {  	s0 =	sadd.s32 $0x8F2B, s0  }
0xc4: {  	[sflag:s0] =	ssyncadd.remote.s32 $0x1  }
0xc5: {  	_ =	sfence.sel $0xFFFF  }
0xc6: {  	[dreg:$0x0] =	wrdreg $0xFFFFFFFF;
	(pc) =	sbr.abs _section_cstart, $3  }
0xc7: {  	[dreg:$0x1] =	wrdreg $0xFFFFFFFF  }
0xc8: {  	_ =	task.clear_ibuf [dreg:s7], $0x2FFFF;
	_ =	strace $0x9FFFFFFF  }
0xc9: {  	(tm) =	ssettm $0x7FFFFFFF  }
tec
execute0_lowered:
.L_overlay_start_1:
0x0: {  	(tag) =	ssettag $0x1  }
0x1: {  	s11 =	stileid.u32  }
0x2: {  	s1 =	rddreg [dreg:$0x0];
	s21 =	smul.u32 $0x500, s11  }
0x3: {  	s0 =	rddreg [dreg:$0x1];
	s2 =	simm.s32 $0x0;
	s6 =	smul.u32 $0x4E000, s11  }
0x4: {  	[smem:$0x7FF] =	sst s2;
	s2 =	sadd.s32 s21, s0  }
0x5: {  	s3 =	rddreg [dreg:$0x2];
	s6 =	sshrl.u32 s6, $0x2;
	s2 =	sadd.s32 $0x2E00, s2  }
0x6: {  	_ =	strace $0x80000047;
	s23 =	sadd.s32 s6, s3;
	[dreg:$0x10] =	wrdreg s2  }
0x7: {  	s4 =	srdreg.scid;
	s22 =	sadd.s32 $0x800, s23;
	[dreg:$0x4] =	wrdreg s23  }
0x8: {  	s5 =	sadd.s32 $0x7E00, s0;
	s24 =	sadd.s32 $0x1000, s23;
	[dreg:$0x5] =	wrdreg s22  }
0x9: {  	s4 =	sand.u32 $0x1, s4;
	s25 =	sadd.s32 $0x1800, s23;
	[dreg:$0x6] =	wrdreg s24  }
0xa: {  	s31 =	smul.u32 $0x280000, s11;
	s26 =	sadd.s32 $0x2000, s23;
	[dreg:$0x7] =	wrdreg s25  }
0xb: {  	s10 =	smul.u32 $0x13800, s11;
	s28 =	sadd.s32 $0x2800, s23;
	[dreg:$0x8] =	wrdreg s26  }
0xc: {  	s7 =	ssub.s32 $0x2, s4;
	s29 =	sadd.s32 $0x3000, s23;
	[dreg:$0x9] =	wrdreg s28  }
0xd: {  	s14 =	smul.u32 $0x138800, s4;
	s30 =	sadd.s32 $0x3800, s23;
	[dreg:$0xa] =	wrdreg s29  }
0xe: {  	s15 =	sshll.u32 s4, $0xA;
	s12 =	sadd.s32 $0x4000, s23;
	[dreg:$0xb] =	wrdreg s30  }
0xf: {  	s0 =	sadd.s32 $0x507E00, s0;
	s13 =	sadd.s32 $0x4800, s23;
	[dreg:$0xc] =	wrdreg s12  }
0x10: {  	s8 =	sshrl.u32 s7, $0x1;
	s9 =	sadd.s32 $0x5000, s23;
	[dreg:$0xd] =	wrdreg s13  }
0x11: {  	s19 =	sor.u32 s15, s31;
	s31 =	sadd.s32 $0x8800, s23;
	[dreg:$0xe] =	wrdreg s9  }
0x12: {  	s6 =	ssub.s32 s7, s8;
	s2 =	sadd.s32 $0x9000, s23;
	[dreg:$0x1a] =	wrdreg s31  }
0x13: {  	s8 =	sshrl.u32 s14, $0x3;
	s7 =	sadd.s32 $0xA000, s23;
	[dreg:$0x1b] =	wrdreg s2  }
0x14: {  	s20 =	sadd.s32 s0, s8;
	s8 =	sadd.s32 $0xA800, s23;
	[dreg:$0x1d] =	wrdreg s7  }
0x15: {  	s17 =	sadd.s32 s10, s14;
	s10 =	sadd.s32 $0xB000, s23;
	[dreg:$0x1e] =	wrdreg s8  }
0x16: {  	p0 =	sne.s32 s11, $0xF;
	s11 =	sadd.s32 $0xB800, s23;
	[dreg:$0x1f] =	wrdreg s10  }
0x17: {  	s14 =	sadd.s32 $0xD000, s23;
	[smem:$0x7EC] =	sst s11  }
0x18: {  	s15 =	sadd.s32 $0xD800, s23;
	[smem:$0x7EF] =	sst s14  }
0x19: {  	s18 =	sshrl.u32 s17, $0x3;
	s17 =	sadd.s32 $0xE800, s23;
	[smem:$0x7F0] =	sst s15  }
0x1a: {  	s12 =	sadd.s32 $0x5800, s23;
	[smem:$0x7F2] =	sst s17  }
0x1b: {  	s0 =	sadd.s32 s0, s18;
	[dreg:$0xf] =	wrdreg s12  }
0x1c: {  	s21 =	sadd.s32 $0x27000, s20;
	[dreg:$0x12] =	wrdreg s0  }
0x1d: {  	s24 =	smax.u32 s6, $0x1;
	[dreg:$0x13] =	wrdreg s21  }
0x1e: {  	s25 =	sadd.s32 $0x6000, s23;
	[dreg:$0x14] =	wrdreg s24  }
0x1f: {  	s26 =	sadd.s32 $0x6800, s23;
	[dreg:$0x15] =	wrdreg s25  }
0x20: {  	s16 =	sshrl.u32 s19, $0x3;
	s28 =	sadd.s32 $0x7000, s23;
	[dreg:$0x16] =	wrdreg s26  }
0x21: {  	s9 =	sadd.s32 s5, s16;
	s29 =	sadd.s32 $0x7800, s23;
	[dreg:$0x17] =	wrdreg s28  }
0x22: {  	s22 =	sshll.u32 s4, $0x3;
	s30 =	sadd.s32 $0x8000, s23;
	[dreg:$0x18] =	wrdreg s29  }
0x23: {  	s4 =	sadd.s32 $0x9800, s23;
	s13 =	sadd.s32 $0xC800, s23;
	[dreg:$0x19] =	wrdreg s30  }
0x24: {  	s16 =	sadd.s32 $0xE000, s23;
	s18 =	sadd.s32 $0xF000, s23;
	[dreg:$0x1c] =	wrdreg s4  }
0x25: {  	s20 =	sadd.s32 $0xF800, s23;
	s2 =	simm.s32 $0x7;
	[smem:$0x7EE] =	sst s13  }
0x26: {  	s7 =	simm.s32 $0x40;
	s8 =	simm.s32 $0x400;
	[smem:$0x7F1] =	sst s16  }
0x27: {  	s10 =	simm.s32 $0x1A280;
	s11 =	simm.s32 $0x1C280;
	[smem:$0x7F3] =	sst s18  }
0x28: {  	s14 =	simm.s32 $0x16180;
	s15 =	simm.s32 $0x2;
	[smem:$0x7F4] =	sst s20  }
0x29: {  	s17 =	simm.s32 $0x5;
	s12 =	sadd.s32 $0xC000, s23;
	[dreg:$0x11] =	wrdreg s9  }
0x2a: {  	s24 =	sor.u32 $0x16300, s22;
	s21 =	sadd.s32 $0x10000, s23;
	[smem:$0x7ED] =	sst s12  }
0x2b: {  	s6 =	sor.u32 $0x18300, s22;
	s22 =	sadd.s32 $0x10800, s23;
	[smem:$0x7F5] =	sst s21  }
0x2c: {  	s25 =	sadd.s32 $0x11000, s23;
	s26 =	sadd.s32 $0x11800, s23;
	[smem:$0x7F6] =	sst s22  }
0x2d: {  	s28 =	sadd.s32 $0x12000, s23;
	s29 =	sadd.s32 $0x12800, s23;
	[smem:$0x7F7] =	sst s25  }
0x2e: {  	s30 =	sadd.s32 $0x13000, s23;
	s31 =	sadd.s32 $0x800, s9;
	[smem:$0x7F8] =	sst s26  }
.Ltmp0:
0x2f: {  	s4 =	simm.s32 $0x1E280;
	[smem:$0x7F9] =	sst s28;
	(pc) =	sbr.rel .LBB2_1-.Ltmp0, $4  }
0x30: {  	s9 =	simm.s32 $0x800;
	s13 =	simm.s32 $0x3;
	[smem:$0x7FA] =	sst s29  }
0x31: {  	s20 =	simm.s32 $0x4;
	s16 =	simm.s32 $0x16200;
	[smem:$0x7FB] =	sst s30  }
0x32: {  	s18 =	simm.s32 $0x6;
	s26 =	sadd.s32 $0x138000, s3;
	[smem:$0x7FC] =	sst s31  }
0x33: {  	v0 =	vimm.f32 $0.0e+00;
	s12 =	simm.s32 $0x1;
	s21 =	simm.s32 $0x0;
	[smem:$0x7FD] =	sst s26  }
.LBB2_8:
0x34: {  	_ =	swait.ge [sflag:s18], $0x2000  }
0x35: {  	[sflag:s18] =	ssyncset.done $0x0  }
0x36: {  	[sflag:s18] =	ssyncadd.s32 $0xFFFFE000  }
0x37: {  	s0 =	stileid.u32;
	[bflag:$0x0] =	sbarrier.arrive $0xFFFF  }
0x38: {  	s0 =	sshll.u32 s0, $0x6;
	s23 =	rddreg [dreg:$0x4]  }
0x39: {  	s0 =	sor.u32 $0x1C07, s0;
	s25 =	rddreg [dreg:$0x12];
	s22 =	sshrl.u32 s23, $0x3  }
0x3a: {  	[hbm:s25], [sflag:s0] =	dma.local [spmem:s22], $0x2700  }
0x3b: {  	_ =	swait.ge [sflag:s2], $0x2700  }
0x3c: {  	s26 =	sld [smem:$0x7FD];
	_ =	sdelay $0x1  }
0x3d: {  	[sflag:s2] =	ssyncset.done $0x0  }
0x3e: {  	s25 =	rddreg [dreg:$0x13];
	[sflag:s2] =	ssyncadd.s32 $0xFFFFD900;
	s22 =	sshrl.u32 @!p0 s26, $0x3  }
0x3f: {  	[hbm:s25], [sflag:s0] =	dma.local @!p0 [spmem:s22], $0x100  }
0x40: {  	s0 =	simm.s32 @!p0 $0x7  }
0x41: {  	_ =	swait.ge @!p0 [sflag:s0], $0x100  }
0x42: {  	s21 =	sadd.s32 $0x1, s21;
	s31 =	rddreg [dreg:$0x14]  }
0x43: {  	p1 =	sne.s32 s21, s31  }
.Ltmp1:
0x44: {  	_ = 	snop;
	(pc) =	sbr.rel @!p1 .LBB2_9-.Ltmp1, $3  }
0x45: {  	_ =	sdelay $0x1  }
0x46: {  	[sflag:s0] =	ssyncset.done @!p0 $0x0  }
0x47: {  	[sflag:s0] =	ssyncadd.s32 @!p0 $0xFFFFFF00  }
.LBB2_1:
0x48: {  	[tilespmem:$0x1E280] =	vst v0  }
0x49: {  	[tilespmem:$0x1E290] =	vst v0  }
0x4a: {  	[tilespmem:$0x1E2A0] =	vst v0  }
0x4b: {  	[tilespmem:$0x1E2B0] =	vst v0  }
0x4c: {  	[tilespmem:$0x1E2C0] =	vst v0  }
0x4d: {  	[tilespmem:$0x1E2D0] =	vst v0  }
0x4e: {  	[tilespmem:$0x1E2E0] =	vst v0  }
0x4f: {  	[tilespmem:$0x1E2F0] =	vst v0  }
0x50: {  	[tilespmem:$0x1E300] =	vst v0  }
0x51: {  	[tilespmem:$0x1E310] =	vst v0  }
0x52: {  	[tilespmem:$0x1E320] =	vst v0  }
0x53: {  	[tilespmem:$0x1E330] =	vst v0  }
0x54: {  	[tilespmem:$0x1E340] =	vst v0  }
0x55: {  	[tilespmem:$0x1E350] =	vst v0  }
0x56: {  	[tilespmem:$0x1E360] =	vst v0  }
0x57: {  	[tilespmem:$0x1E370] =	vst v0  }
0x58: {  	[tilespmem:$0x1E380] =	vst v0  }
0x59: {  	[tilespmem:$0x1E390] =	vst v0  }
0x5a: {  	[tilespmem:$0x1E3A0] =	vst v0  }
0x5b: {  	[tilespmem:$0x1E3B0] =	vst v0  }
0x5c: {  	[tilespmem:$0x1E3C0] =	vst v0  }
0x5d: {  	[tilespmem:$0x1E3D0] =	vst v0  }
0x5e: {  	[tilespmem:$0x1E3E0] =	vst v0  }
0x5f: {  	[tilespmem:$0x1E3F0] =	vst v0  }
0x60: {  	[tilespmem:$0x1E400] =	vst v0  }
0x61: {  	[tilespmem:$0x1E410] =	vst v0  }
0x62: {  	[tilespmem:$0x1E420] =	vst v0  }
0x63: {  	[tilespmem:$0x1E430] =	vst v0  }
0x64: {  	[tilespmem:$0x1E440] =	vst v0  }
0x65: {  	[tilespmem:$0x1E450] =	vst v0  }
0x66: {  	[tilespmem:$0x1E460] =	vst v0  }
0x67: {  	[tilespmem:$0x1E470] =	vst v0  }
0x68: {  	[tilespmem:$0x1E480] =	vst v0  }
0x69: {  	[tilespmem:$0x1E490] =	vst v0  }
0x6a: {  	[tilespmem:$0x1E4A0] =	vst v0  }
0x6b: {  	[tilespmem:$0x1E4B0] =	vst v0  }
0x6c: {  	[tilespmem:$0x1E4C0] =	vst v0  }
0x6d: {  	[tilespmem:$0x1E4D0] =	vst v0  }
0x6e: {  	[tilespmem:$0x1E4E0] =	vst v0  }
0x6f: {  	[tilespmem:$0x1E4F0] =	vst v0  }
0x70: {  	[tilespmem:$0x1E500] =	vst v0  }
0x71: {  	[tilespmem:$0x1E510] =	vst v0  }
0x72: {  	[tilespmem:$0x1E520] =	vst v0  }
0x73: {  	[tilespmem:$0x1E530] =	vst v0  }
0x74: {  	[tilespmem:$0x1E540] =	vst v0  }
0x75: {  	[tilespmem:$0x1E550] =	vst v0  }
0x76: {  	[tilespmem:$0x1E560] =	vst v0  }
0x77: {  	[tilespmem:$0x1E570] =	vst v0  }
0x78: {  	[tilespmem:$0x1E580] =	vst v0  }
0x79: {  	[tilespmem:$0x1E590] =	vst v0  }
0x7a: {  	[tilespmem:$0x1E5A0] =	vst v0  }
0x7b: {  	[tilespmem:$0x1E5B0] =	vst v0  }
0x7c: {  	[tilespmem:$0x1E5C0] =	vst v0  }
0x7d: {  	[tilespmem:$0x1E5D0] =	vst v0  }
0x7e: {  	[tilespmem:$0x1E5E0] =	vst v0  }
0x7f: {  	[tilespmem:$0x1E5F0] =	vst v0  }
0x80: {  	[tilespmem:$0x1E600] =	vst v0  }
0x81: {  	[tilespmem:$0x1E610] =	vst v0  }
0x82: {  	[tilespmem:$0x1E620] =	vst v0  }
0x83: {  	[tilespmem:$0x1E630] =	vst v0  }
0x84: {  	[tilespmem:$0x1E640] =	vst v0  }
0x85: {  	[tilespmem:$0x1E650] =	vst v0  }
0x86: {  	[tilespmem:$0x1E660] =	vst v0  }
0x87: {  	[tilespmem:$0x1E670] =	vst v0  }
0x88: {  	[tilespmem:$0x1E680] =	vst v0  }
0x89: {  	[tilespmem:$0x1E690] =	vst v0  }
0x8a: {  	[tilespmem:$0x1E6A0] =	vst v0  }
0x8b: {  	[tilespmem:$0x1E6B0] =	vst v0  }
0x8c: {  	[tilespmem:$0x1E6C0] =	vst v0  }
0x8d: {  	[tilespmem:$0x1E6D0] =	vst v0  }
0x8e: {  	[tilespmem:$0x1E6E0] =	vst v0  }
0x8f: {  	[tilespmem:$0x1E6F0] =	vst v0  }
0x90: {  	[tilespmem:$0x1E700] =	vst v0  }
0x91: {  	[tilespmem:$0x1E710] =	vst v0  }
0x92: {  	[tilespmem:$0x1E720] =	vst v0  }
0x93: {  	[tilespmem:$0x1E730] =	vst v0  }
0x94: {  	[tilespmem:$0x1E740] =	vst v0  }
0x95: {  	[tilespmem:$0x1E750] =	vst v0  }
0x96: {  	[tilespmem:$0x1E760] =	vst v0  }
0x97: {  	[tilespmem:$0x1E770] =	vst v0  }
0x98: {  	[tilespmem:$0x1E780] =	vst v0  }
0x99: {  	[tilespmem:$0x1E790] =	vst v0  }
0x9a: {  	[tilespmem:$0x1E7A0] =	vst v0  }
0x9b: {  	[tilespmem:$0x1E7B0] =	vst v0  }
0x9c: {  	[tilespmem:$0x1E7C0] =	vst v0  }
0x9d: {  	[tilespmem:$0x1E7D0] =	vst v0  }
0x9e: {  	[tilespmem:$0x1E7E0] =	vst v0  }
0x9f: {  	[tilespmem:$0x1E7F0] =	vst v0  }
0xa0: {  	[tilespmem:$0x1E800] =	vst v0  }
0xa1: {  	[tilespmem:$0x1E810] =	vst v0  }
0xa2: {  	[tilespmem:$0x1E820] =	vst v0  }
0xa3: {  	[tilespmem:$0x1E830] =	vst v0  }
0xa4: {  	[tilespmem:$0x1E840] =	vst v0  }
0xa5: {  	[tilespmem:$0x1E850] =	vst v0  }
0xa6: {  	[tilespmem:$0x1E860] =	vst v0  }
0xa7: {  	[tilespmem:$0x1E870] =	vst v0  }
0xa8: {  	[tilespmem:$0x1E880] =	vst v0  }
0xa9: {  	[tilespmem:$0x1E890] =	vst v0  }
0xaa: {  	[tilespmem:$0x1E8A0] =	vst v0  }
0xab: {  	[tilespmem:$0x1E8B0] =	vst v0  }
0xac: {  	[tilespmem:$0x1E8C0] =	vst v0  }
0xad: {  	[tilespmem:$0x1E8D0] =	vst v0  }
0xae: {  	[tilespmem:$0x1E8E0] =	vst v0  }
0xaf: {  	[tilespmem:$0x1E8F0] =	vst v0  }
0xb0: {  	[tilespmem:$0x1E900] =	vst v0  }
0xb1: {  	[tilespmem:$0x1E910] =	vst v0  }
0xb2: {  	[tilespmem:$0x1E920] =	vst v0  }
0xb3: {  	[tilespmem:$0x1E930] =	vst v0  }
0xb4: {  	[tilespmem:$0x1E940] =	vst v0  }
0xb5: {  	[tilespmem:$0x1E950] =	vst v0  }
0xb6: {  	[tilespmem:$0x1E960] =	vst v0  }
0xb7: {  	[tilespmem:$0x1E970] =	vst v0  }
0xb8: {  	[tilespmem:$0x1E980] =	vst v0  }
0xb9: {  	[tilespmem:$0x1E990] =	vst v0  }
0xba: {  	[tilespmem:$0x1E9A0] =	vst v0  }
0xbb: {  	[tilespmem:$0x1E9B0] =	vst v0  }
0xbc: {  	[tilespmem:$0x1E9C0] =	vst v0  }
0xbd: {  	[tilespmem:$0x1E9D0] =	vst v0  }
0xbe: {  	[tilespmem:$0x1E9E0] =	vst v0  }
0xbf: {  	[tilespmem:$0x1E9F0] =	vst v0  }
0xc0: {  	[tilespmem:$0x1EA00] =	vst v0  }
0xc1: {  	[tilespmem:$0x1EA10] =	vst v0  }
0xc2: {  	[tilespmem:$0x1EA20] =	vst v0  }
0xc3: {  	[tilespmem:$0x1EA30] =	vst v0  }
0xc4: {  	[tilespmem:$0x1EA40] =	vst v0  }
0xc5: {  	[tilespmem:$0x1EA50] =	vst v0  }
0xc6: {  	[tilespmem:$0x1EA60] =	vst v0  }
0xc7: {  	[tilespmem:$0x1EA70] =	vst v0  }
0xc8: {  	[spmem:s23] =	stream.linear.scatter [tilespmem:s4], [sflag:$0x7], $0x800, $0x38;
	[tilespmem:$0x1EA80] =	vst v63  }
0xc9: {  	_ =	swait.ge [sflag:s2], $0x800  }
0xca: {  	[sflag:s2] =	ssyncset.done $0x0  }
0xcb: {  	s0 =	rddreg [dreg:$0x5];
	[sflag:s2] =	ssyncadd.s32 $0xFFFFF800  }
0xcc: {  	[spmem:s0] =	stream.linear.scatter [tilespmem:s4], [sflag:$0x7], $0x800, $0x38;
	[tilespmem:$0x1EA80] =	vst v63  }
0xcd: {  	_ =	swait.ge [sflag:s2], $0x800  }
0xce: {  	[sflag:s2] =	ssyncset.done $0x0  }
0xcf: {  	s28 =	rddreg [dreg:$0x6];
	[sflag:s2] =	ssyncadd.s32 $0xFFFFF800  }
0xd0: {  	[spmem:s28] =	stream.linear.scatter [tilespmem:s4], [sflag:$0x7], $0x800, $0x38;
	[tilespmem:$0x1EA80] =	vst v63  }
0xd1: {  	_ =	swait.ge [sflag:s2], $0x800  }
0xd2: {  	[sflag:s2] =	ssyncset.done $0x0  }
0xd3: {  	s29 =	rddreg [dreg:$0x7];
	[sflag:s2] =	ssyncadd.s32 $0xFFFFF800  }
0xd4: {  	[spmem:s29] =	stream.linear.scatter [tilespmem:s4], [sflag:$0x7], $0x800, $0x38;
	[tilespmem:$0x1EA80] =	vst v63  }
0xd5: {  	_ =	swait.ge [sflag:s2], $0x800  }
0xd6: {  	[sflag:s2] =	ssyncset.done $0x0  }
0xd7: {  	s30 =	rddreg [dreg:$0x8];
	[sflag:s2] =	ssyncadd.s32 $0xFFFFF800  }
0xd8: {  	[spmem:s30] =	stream.linear.scatter [tilespmem:s4], [sflag:$0x7], $0x800, $0x38;
	[tilespmem:$0x1EA80] =	vst v63  }
0xd9: {  	_ =	swait.ge [sflag:s2], $0x800  }
0xda: {  	[sflag:s2] =	ssyncset.done $0x0  }
0xdb: {  	s31 =	rddreg [dreg:$0x9];
	[sflag:s2] =	ssyncadd.s32 $0xFFFFF800  }
0xdc: {  	[spmem:s31] =	stream.linear.scatter [tilespmem:s4], [sflag:$0x7], $0x800, $0x38;
	[tilespmem:$0x1EA80] =	vst v63  }
0xdd: {  	_ =	swait.ge [sflag:s2], $0x800  }
0xde: {  	[sflag:s2] =	ssyncset.done $0x0  }
0xdf: {  	s22 =	rddreg [dreg:$0xa];
	[sflag:s2] =	ssyncadd.s32 $0xFFFFF800  }
0xe0: {  	[spmem:s22] =	stream.linear.scatter [tilespmem:s4], [sflag:$0x7], $0x800, $0x38;
	[tilespmem:$0x1EA80] =	vst v63  }
0xe1: {  	_ =	swait.ge [sflag:s2], $0x800  }
0xe2: {  	[sflag:s2] =	ssyncset.done $0x0  }
0xe3: {  	s23 =	rddreg [dreg:$0xb];
	[sflag:s2] =	ssyncadd.s32 $0xFFFFF800  }
0xe4: {  	[spmem:s23] =	stream.linear.scatter [tilespmem:s4], [sflag:$0x7], $0x800, $0x38;
	[tilespmem:$0x1EA80] =	vst v63  }
0xe5: {  	_ =	swait.ge [sflag:s2], $0x800  }
0xe6: {  	[sflag:s2] =	ssyncset.done $0x0  }
0xe7: {  	s25 =	rddreg [dreg:$0xc];
	[sflag:s2] =	ssyncadd.s32 $0xFFFFF800  }
0xe8: {  	[spmem:s25] =	stream.linear.scatter [tilespmem:s4], [sflag:$0x7], $0x800, $0x38;
	[tilespmem:$0x1EA80] =	vst v63  }
0xe9: {  	_ =	swait.ge [sflag:s2], $0x800  }
0xea: {  	[sflag:s2] =	ssyncset.done $0x0  }
0xeb: {  	s28 =	rddreg [dreg:$0xd];
	[sflag:s2] =	ssyncadd.s32 $0xFFFFF800  }
0xec: {  	[spmem:s28] =	stream.linear.scatter [tilespmem:s4], [sflag:$0x7], $0x800, $0x38;
	[tilespmem:$0x1EA80] =	vst v63  }
0xed: {  	_ =	swait.ge [sflag:s2], $0x800  }
0xee: {  	[sflag:s2] =	ssyncset.done $0x0  }
0xef: {  	s29 =	rddreg [dreg:$0xe];
	[sflag:s2] =	ssyncadd.s32 $0xFFFFF800  }
0xf0: {  	[spmem:s29] =	stream.linear.scatter [tilespmem:s4], [sflag:$0x7], $0x800, $0x38;
	[tilespmem:$0x1EA80] =	vst v63  }
0xf1: {  	_ =	swait.ge [sflag:s2], $0x800  }
0xf2: {  	[sflag:s2] =	ssyncset.done $0x0  }
0xf3: {  	s30 =	rddreg [dreg:$0xf];
	[sflag:s2] =	ssyncadd.s32 $0xFFFFF800  }
0xf4: {  	[spmem:s30] =	stream.linear.scatter [tilespmem:s4], [sflag:$0x7], $0x800, $0x38;
	[tilespmem:$0x1EA80] =	vst v63  }
0xf5: {  	_ =	swait.ge [sflag:s2], $0x800  }
0xf6: {  	[sflag:s2] =	ssyncset.done $0x0  }
0xf7: {  	s31 =	rddreg [dreg:$0x15];
	[sflag:s2] =	ssyncadd.s32 $0xFFFFF800  }
0xf8: {  	[spmem:s31] =	stream.linear.scatter [tilespmem:s4], [sflag:$0x7], $0x800, $0x38;
	[tilespmem:$0x1EA80] =	vst v63  }
0xf9: {  	_ =	swait.ge [sflag:s2], $0x800  }
0xfa: {  	[sflag:s2] =	ssyncset.done $0x0  }
0xfb: {  	s22 =	rddreg [dreg:$0x16];
	[sflag:s2] =	ssyncadd.s32 $0xFFFFF800  }
0xfc: {  	[spmem:s22] =	stream.linear.scatter [tilespmem:s4], [sflag:$0x7], $0x800, $0x38;
	[tilespmem:$0x1EA80] =	vst v63  }
0xfd: {  	_ =	swait.ge [sflag:s2], $0x800  }
0xfe: {  	[sflag:s2] =	ssyncset.done $0x0  }
0xff: {  	s23 =	rddreg [dreg:$0x17];
	[sflag:s2] =	ssyncadd.s32 $0xFFFFF800  }
0x100: {  	[spmem:s23] =	stream.linear.scatter [tilespmem:s4], [sflag:$0x7], $0x800, $0x38;
	[tilespmem:$0x1EA80] =	vst v63  }
0x101: {  	_ =	swait.ge [sflag:s2], $0x800  }
0x102: {  	[sflag:s2] =	ssyncset.done $0x0  }
0x103: {  	s25 =	rddreg [dreg:$0x18];
	[sflag:s2] =	ssyncadd.s32 $0xFFFFF800  }
0x104: {  	[spmem:s25] =	stream.linear.scatter [tilespmem:s4], [sflag:$0x7], $0x800, $0x38;
	[tilespmem:$0x1EA80] =	vst v63  }
0x105: {  	_ =	swait.ge [sflag:s2], $0x800  }
0x106: {  	[sflag:s2] =	ssyncset.done $0x0  }
0x107: {  	s28 =	rddreg [dreg:$0x19];
	[sflag:s2] =	ssyncadd.s32 $0xFFFFF800  }
0x108: {  	[spmem:s28] =	stream.linear.scatter [tilespmem:s4], [sflag:$0x7], $0x800, $0x38;
	[tilespmem:$0x1EA80] =	vst v63  }
0x109: {  	_ =	swait.ge [sflag:s2], $0x800  }
0x10a: {  	[sflag:s2] =	ssyncset.done $0x0  }
0x10b: {  	s29 =	rddreg [dreg:$0x1a];
	[sflag:s2] =	ssyncadd.s32 $0xFFFFF800  }
0x10c: {  	[spmem:s29] =	stream.linear.scatter [tilespmem:s4], [sflag:$0x7], $0x800, $0x38;
	[tilespmem:$0x1EA80] =	vst v63  }
0x10d: {  	_ =	swait.ge [sflag:s2], $0x800  }
0x10e: {  	[sflag:s2] =	ssyncset.done $0x0  }
0x10f: {  	s30 =	rddreg [dreg:$0x1b];
	[sflag:s2] =	ssyncadd.s32 $0xFFFFF800  }
0x110: {  	[spmem:s30] =	stream.linear.scatter [tilespmem:s4], [sflag:$0x7], $0x800, $0x38;
	[tilespmem:$0x1EA80] =	vst v63  }
0x111: {  	_ =	swait.ge [sflag:s2], $0x800  }
0x112: {  	[sflag:s2] =	ssyncset.done $0x0  }
0x113: {  	s31 =	rddreg [dreg:$0x1c];
	[sflag:s2] =	ssyncadd.s32 $0xFFFFF800  }
0x114: {  	[spmem:s31] =	stream.linear.scatter [tilespmem:s4], [sflag:$0x7], $0x800, $0x38;
	[tilespmem:$0x1EA80] =	vst v63  }
0x115: {  	_ =	swait.ge [sflag:s2], $0x800  }
0x116: {  	[sflag:s2] =	ssyncset.done $0x0  }
0x117: {  	s22 =	rddreg [dreg:$0x1d];
	[sflag:s2] =	ssyncadd.s32 $0xFFFFF800  }
0x118: {  	[spmem:s22] =	stream.linear.scatter [tilespmem:s4], [sflag:$0x7], $0x800, $0x38;
	[tilespmem:$0x1EA80] =	vst v63  }
0x119: {  	_ =	swait.ge [sflag:s2], $0x800  }
0x11a: {  	[sflag:s2] =	ssyncset.done $0x0  }
0x11b: {  	s23 =	rddreg [dreg:$0x1e];
	[sflag:s2] =	ssyncadd.s32 $0xFFFFF800  }
0x11c: {  	[spmem:s23] =	stream.linear.scatter [tilespmem:s4], [sflag:$0x7], $0x800, $0x38;
	[tilespmem:$0x1EA80] =	vst v63  }
0x11d: {  	_ =	swait.ge [sflag:s2], $0x800  }
0x11e: {  	[sflag:s2] =	ssyncset.done $0x0  }
0x11f: {  	s25 =	rddreg [dreg:$0x1f];
	[sflag:s2] =	ssyncadd.s32 $0xFFFFF800  }
0x120: {  	[spmem:s25] =	stream.linear.scatter [tilespmem:s4], [sflag:$0x7], $0x800, $0x38;
	[tilespmem:$0x1EA80] =	vst v63  }
0x121: {  	_ =	swait.ge [sflag:s2], $0x800  }
0x122: {  	s28 =	sld [smem:$0x7EC]  }
0x123: {  	[sflag:s2] =	ssyncset.done $0x0  }
0x124: {  	[sflag:s2] =	ssyncadd.s32 $0xFFFFF800  }
0x125: {  	[spmem:s28] =	stream.linear.scatter [tilespmem:s4], [sflag:$0x7], $0x800, $0x38;
	[tilespmem:$0x1EA80] =	vst v63  }
0x126: {  	_ =	swait.ge [sflag:s2], $0x800  }
0x127: {  	s29 =	sld [smem:$0x7ED]  }
0x128: {  	[sflag:s2] =	ssyncset.done $0x0  }
0x129: {  	[sflag:s2] =	ssyncadd.s32 $0xFFFFF800  }
0x12a: {  	[spmem:s29] =	stream.linear.scatter [tilespmem:s4], [sflag:$0x7], $0x800, $0x38;
	[tilespmem:$0x1EA80] =	vst v63  }
0x12b: {  	_ =	swait.ge [sflag:s2], $0x800  }
0x12c: {  	s30 =	sld [smem:$0x7EE]  }
0x12d: {  	[sflag:s2] =	ssyncset.done $0x0  }
0x12e: {  	[sflag:s2] =	ssyncadd.s32 $0xFFFFF800  }
0x12f: {  	[spmem:s30] =	stream.linear.scatter [tilespmem:s4], [sflag:$0x7], $0x800, $0x38;
	[tilespmem:$0x1EA80] =	vst v63  }
0x130: {  	_ =	swait.ge [sflag:s2], $0x800  }
0x131: {  	s31 =	sld [smem:$0x7EF]  }
0x132: {  	[sflag:s2] =	ssyncset.done $0x0  }
0x133: {  	[sflag:s2] =	ssyncadd.s32 $0xFFFFF800  }
0x134: {  	[spmem:s31] =	stream.linear.scatter [tilespmem:s4], [sflag:$0x7], $0x800, $0x38;
	[tilespmem:$0x1EA80] =	vst v63  }
0x135: {  	_ =	swait.ge [sflag:s2], $0x800  }
0x136: {  	s22 =	sld [smem:$0x7F0]  }
0x137: {  	[sflag:s2] =	ssyncset.done $0x0  }
0x138: {  	[sflag:s2] =	ssyncadd.s32 $0xFFFFF800  }
0x139: {  	[spmem:s22] =	stream.linear.scatter [tilespmem:s4], [sflag:$0x7], $0x800, $0x38;
	[tilespmem:$0x1EA80] =	vst v63  }
0x13a: {  	_ =	swait.ge [sflag:s2], $0x800  }
0x13b: {  	s23 =	sld [smem:$0x7F1]  }
0x13c: {  	[sflag:s2] =	ssyncset.done $0x0  }
0x13d: {  	[sflag:s2] =	ssyncadd.s32 $0xFFFFF800  }
0x13e: {  	[spmem:s23] =	stream.linear.scatter [tilespmem:s4], [sflag:$0x7], $0x800, $0x38;
	[tilespmem:$0x1EA80] =	vst v63  }
0x13f: {  	_ =	swait.ge [sflag:s2], $0x800  }
0x140: {  	s25 =	sld [smem:$0x7F2]  }
0x141: {  	[sflag:s2] =	ssyncset.done $0x0  }
0x142: {  	[sflag:s2] =	ssyncadd.s32 $0xFFFFF800  }
0x143: {  	[spmem:s25] =	stream.linear.scatter [tilespmem:s4], [sflag:$0x7], $0x800, $0x38;
	[tilespmem:$0x1EA80] =	vst v63  }
0x144: {  	_ =	swait.ge [sflag:s2], $0x800  }
0x145: {  	s28 =	sld [smem:$0x7F3]  }
0x146: {  	[sflag:s2] =	ssyncset.done $0x0  }
0x147: {  	[sflag:s2] =	ssyncadd.s32 $0xFFFFF800  }
0x148: {  	[spmem:s28] =	stream.linear.scatter [tilespmem:s4], [sflag:$0x7], $0x800, $0x38;
	[tilespmem:$0x1EA80] =	vst v63  }
0x149: {  	_ =	swait.ge [sflag:s2], $0x800  }
0x14a: {  	s29 =	sld [smem:$0x7F4]  }
0x14b: {  	[sflag:s2] =	ssyncset.done $0x0  }
0x14c: {  	[sflag:s2] =	ssyncadd.s32 $0xFFFFF800  }
0x14d: {  	[spmem:s29] =	stream.linear.scatter [tilespmem:s4], [sflag:$0x7], $0x800, $0x38;
	[tilespmem:$0x1EA80] =	vst v63  }
0x14e: {  	_ =	swait.ge [sflag:s2], $0x800  }
0x14f: {  	s30 =	sld [smem:$0x7F5]  }
0x150: {  	[sflag:s2] =	ssyncset.done $0x0  }
0x151: {  	[sflag:s2] =	ssyncadd.s32 $0xFFFFF800  }
0x152: {  	[spmem:s30] =	stream.linear.scatter [tilespmem:s4], [sflag:$0x7], $0x800, $0x38;
	[tilespmem:$0x1EA80] =	vst v63  }
0x153: {  	_ =	swait.ge [sflag:s2], $0x800  }
0x154: {  	s31 =	sld [smem:$0x7F6]  }
0x155: {  	[sflag:s2] =	ssyncset.done $0x0  }
0x156: {  	[sflag:s2] =	ssyncadd.s32 $0xFFFFF800  }
0x157: {  	[spmem:s31] =	stream.linear.scatter [tilespmem:s4], [sflag:$0x7], $0x800, $0x38;
	[tilespmem:$0x1EA80] =	vst v63  }
0x158: {  	_ =	swait.ge [sflag:s2], $0x800  }
0x159: {  	s22 =	sld [smem:$0x7F7]  }
0x15a: {  	[sflag:s2] =	ssyncset.done $0x0  }
0x15b: {  	[sflag:s2] =	ssyncadd.s32 $0xFFFFF800  }
0x15c: {  	[spmem:s22] =	stream.linear.scatter [tilespmem:s4], [sflag:$0x7], $0x800, $0x38;
	[tilespmem:$0x1EA80] =	vst v63  }
0x15d: {  	_ =	swait.ge [sflag:s2], $0x800  }
0x15e: {  	s23 =	sld [smem:$0x7F8]  }
0x15f: {  	[sflag:s2] =	ssyncset.done $0x0  }
0x160: {  	[sflag:s2] =	ssyncadd.s32 $0xFFFFF800  }
0x161: {  	[spmem:s23] =	stream.linear.scatter [tilespmem:s4], [sflag:$0x7], $0x800, $0x38;
	[tilespmem:$0x1EA80] =	vst v63  }
0x162: {  	_ =	swait.ge [sflag:s2], $0x800  }
0x163: {  	s25 =	sld [smem:$0x7F9]  }
0x164: {  	[sflag:s2] =	ssyncset.done $0x0  }
0x165: {  	[sflag:s2] =	ssyncadd.s32 $0xFFFFF800  }
0x166: {  	[spmem:s25] =	stream.linear.scatter [tilespmem:s4], [sflag:$0x7], $0x800, $0x38;
	[tilespmem:$0x1EA80] =	vst v63  }
0x167: {  	_ =	swait.ge [sflag:s2], $0x800  }
0x168: {  	s28 =	sld [smem:$0x7FA]  }
0x169: {  	[sflag:s2] =	ssyncset.done $0x0  }
0x16a: {  	[sflag:s2] =	ssyncadd.s32 $0xFFFFF800  }
0x16b: {  	[spmem:s28] =	stream.linear.scatter [tilespmem:s4], [sflag:$0x7], $0x800, $0x38;
	[tilespmem:$0x1EA80] =	vst v63  }
0x16c: {  	_ =	swait.ge [sflag:s2], $0x800  }
0x16d: {  	s29 =	sld [smem:$0x7FB]  }
0x16e: {  	[sflag:s2] =	ssyncset.done $0x0  }
0x16f: {  	[sflag:s2] =	ssyncadd.s32 $0xFFFFF800  }
0x170: {  	[spmem:s29] =	stream.linear.scatter [tilespmem:s4], [sflag:$0x7], $0x800, $0x38;
	[tilespmem:$0x1EA80] =	vst v63  }
0x171: {  	_ =	swait.ge [sflag:s2], $0x800  }
0x172: {  	[sflag:s2] =	ssyncset.done $0x0  }
0x173: {  	s0 =	simm.s32 @!p0 $0x1E280;
	[sflag:s2] =	ssyncadd.s32 $0xFFFFF800  }
0x174: {  	[spmem:s26] =	stream.linear.scatter @!p0 [tilespmem:s0], [sflag:$0x7], $0x800, $0x38;
	[tilespmem:$0x1EA80] =	vst v63  }
0x175: {  	s0 =	simm.s32 @!p0 $0x7  }
0x176: {  	_ =	swait.ge @!p0 [sflag:s0], $0x800  }
0x177: {  	s30 =	simm.s32 $0x0;
	[sflag:s0] =	ssyncset.done @!p0 $0x0  }
0x178: {  	s31 =	simm.s32 $0x13880;
	s22 =	rddreg [dreg:$0x10];
	[sflag:s0] =	ssyncadd.s32 @!p0 $0xFFFFF800  }
0x179: {  	[tilespmem:s31], [sflag:$0x7] =	stream.linear.gather [hbm4b:s22+s30], $0x2800, $0x38;
	[tilespmem:$0x1EA80] =	vst v63  }
0x17a: {  	_ =	swait.ge [sflag:s2], $0x2800  }
0x17b: {  	[sflag:s2] =	ssyncset.done $0x0  }
0x17c: {  	[sflag:s2] =	ssyncadd.s32 $0xFFFFD800  }
0x17d: {  	[bflag:$0x0] =	sbarrier.arrive $0xFFFF  }
0x17e: {  	v1 =	vld [tilespmem:$0x13880]  }
0x17f: {  	v2 =	vld [tilespmem:$0x13890]  }
0x180: {  	v3 =	vld [tilespmem:$0x138A0]  }
0x181: {  	v4 =	vld [tilespmem:$0x138B0];
	_ =	sdelay $0x1  }
0x182: {  	v1 =	vshrl.u32 v1, $0x10  }
0x183: {  	[tilespmem:$0x16080] =	vst v1;
	v1 =	vshrl.u32 v2, $0x10  }
0x184: {  	[tilespmem:$0x16090] =	vst v1;
	v1 =	vshrl.u32 v3, $0x10  }
0x185: {  	[tilespmem:$0x160A0] =	vst v1;
	v1 =	vshrl.u32 v4, $0x10  }
0x186: {  	s25 =	simm.s32 $0x16080;
	s26 =	simm.s32 $0x16280;
	[tilespmem:$0x160B0] =	vst v1  }
0x187: {  	[tilespmem:s26], [sflag:$0x1] =	stream.indirect.gather [hbm4b:s1+s7], $0x80, s25, s7, $0xb8;
	[tilespmem:$0x1EA80] =	vst v63  }
0x188: {  	s28 =	rddreg [dreg:$0x11]  }
0x189: {  	[tilespmem:s10], [sflag:$0x3] =	stream.strided.gather [hbm4b:s28+s8], $0x2000, s9, s8, $0x38;
	[tilespmem:$0x1EA80] =	vst v63  }
0x18a: {  	v1 =	vld [tilespmem:$0x138C0]  }
0x18b: {  	v2 =	vld [tilespmem:$0x138D0]  }
0x18c: {  	v3 =	vld [tilespmem:$0x138E0]  }
0x18d: {  	v63 =	vld [tilespmem:$0x138F0];
	_ =	sdelay $0x1  }
0x18e: {  	v1 =	vshrl.u32 v1, $0x10  }
0x18f: {  	[tilespmem:$0x16100] =	vst v1;
	v1 =	vshrl.u32 v2, $0x10  }
0x190: {  	[tilespmem:$0x16110] =	vst v1;
	v1 =	vshrl.u32 v3, $0x10  }
0x191: {  	[tilespmem:$0x16120] =	vst v1;
	v1 =	vshrl.u32 v63, $0x10  }
0x192: {  	s29 =	simm.s32 $0x16100;
	s30 =	simm.s32 $0x18280;
	s31 =	sld [smem:$0x7FC];
	[tilespmem:$0x16130] =	vst v1  }
0x193: {  	[tilespmem:s30], [sflag:$0x2] =	stream.indirect.gather [hbm4b:s1+s7], $0x80, s29, s7, $0xb8;
	[tilespmem:$0x1EA80] =	vst v63  }
0x194: {  	s22 =	simm.s32 $0x0  }
0x195: {  	[tilespmem:s11], [sflag:$0x4] =	stream.strided.gather [hbm4b:s31+s8], $0x2000, s9, s8, $0x38;
	[tilespmem:$0x1EA80] =	vst v63  }
.LBB2_2:
0x196: {  	_ =	swait.ge [sflag:s12], $0x2000  }
0x197: {  	[sflag:s12] =	ssyncset.done $0x0  }
0x198: {  	[sflag:s12] =	ssyncadd.s32 $0xFFFFE000  }
0x199: {  	_ =	swait.ge [sflag:s13], $0x2000  }
0x19a: {  	[sflag:s13] =	ssyncset.done $0x0  }
0x19b: {  	[sflag:s13] =	ssyncadd.s32 $0xFFFFE000  }
0x19c: {  	v2 =	vld [tilespmem:s24+$0xFFFFFF80]  }
0x19d: {  	s26 =	simm.s32 $0x1A300  }
0x19e: {  	v4 =	vld [tilespmem:s26+$0xFFFFFFC0]  }
0x19f: {  	v5 =	vld [tilespmem:s26+$0xFFFFFF90]  }
0x1a0: {  	v8 =	vld [tilespmem:s26+$0xFFFFFFB0]  }
0x1a1: {  	v1 =	vld [tilespmem:s26+$0xFFFFFFE0];
	v6 =	vbroadcast v2, $0x4  }
0x1a2: {  	v7 =	vld [tilespmem:s26+$0xFFFFFFA0];
	v3 =	vbroadcast v2, $0x0  }
0x1a3: {  	v10 =	vbroadcast v2, $0x1;
	v11 =	vmul.f32 v4, v6;
	v4 =	vld [tilespmem:s26+$0xFFFFFF80]  }
0x1a4: {  	v9 =	vbroadcast v2, $0x2;
	v13 =	vbroadcast v2, $0x3;
	v6 =	vld [tilespmem:s26+$0xFFFFFFF0]  }
0x1a5: {  	s25 =	simm.s32 $0x0;
	v12 =	vmul.f32 v5, v10;
	v5 =	vbroadcast v2, $0x5  }
0x1a6: {  	s0 =	simm.s32 $0x1A300;
	s28 =	smov.u32 s24;
	s23 =	smov.u32 s24;
	v10 =	vmul.f32 v8, v13;
	v8 =	vld [tilespmem:s26+$0xFFFFFFD0];
	[tilespmem:s26+$0xFFFFFFC0] =	vst v11;
	v11 =	vbroadcast v2, $0x6  }
.LBB2_3:
0x1a7: {  	s25 =	sadd.s32 $0x2, s25;
	[tilespmem:s26+$0xFFFFFF90] =	vst v12;
	v7 =	vmul.f32 v7, v9;
	v2 =	vbroadcast v2, $0x7;
	s0 =	sadd.s32 $0x100, s0;
	s28 =	sadd.s32 $0x100, s28  }
0x1a8: {  	p1 =	slt.u32 s25, $0x3E;
	v3 =	vmul.f32 v3, v4;
	[tilespmem:s26+$0xFFFFFFB0] =	vst v10;
	v1 =	vmul.f32 v1, v11  }
0x1a9: {  	[tilespmem:s26+$0xFFFFFFA0] =	vst v7;
	v2 =	vmul.f32 v6, v2  }
0x1aa: {  	[tilespmem:s26+$0xFFFFFFE0] =	vst v1  }
0x1ab: {  	v1 =	vmul.f32 v8, v5;
	[tilespmem:s26+$0xFFFFFFF0] =	vst v2  }
0x1ac: {  	[tilespmem:s26+$0xFFFFFF80] =	vst v3  }
0x1ad: {  	[tilespmem:s26+$0xFFFFFFD0] =	vst v1;
	v1 =	vld [tilespmem:s26+$0x10]  }
0x1ae: {  	v2 =	vld [tilespmem:s23+$0x0];
	s23 =	smov.u32 s28  }
0x1af: {  	v3 =	vld [tilespmem:s26+$0x70]  }
0x1b0: {  	v4 =	vld [tilespmem:s26+$0x0]  }
0x1b1: {  	v5 =	vld [tilespmem:s26+$0x20]  }
0x1b2: {  	v6 =	vld [tilespmem:s26+$0x40]  }
0x1b3: {  	v7 =	vbroadcast v2, $0x0;
	v8 =	vld [tilespmem:s26+$0x30];
	v9 =	vbroadcast v2, $0x7  }
0x1b4: {  	v10 =	vbroadcast v2, $0x2;
	v12 =	vbroadcast v2, $0x6;
	v11 =	vld [tilespmem:s26+$0x60]  }
0x1b5: {  	v4 =	vmul.f32 v7, v4;
	v7 =	vbroadcast v2, $0x4;
	v13 =	vld [tilespmem:s26+$0x50]  }
0x1b6: {  	v5 =	vmul.f32 v5, v10;
	v10 =	vbroadcast v2, $0x3  }
0x1b7: {  	[tilespmem:s26+$0x0] =	vst v4;
	v4 =	vbroadcast v2, $0x1;
	v6 =	vmul.f32 v6, v7  }
0x1b8: {  	v2 =	vbroadcast v2, $0x5;
	[tilespmem:s26+$0x20] =	vst v5;
	v5 =	vmul.f32 v8, v10  }
0x1b9: {  	v3 =	vmul.f32 v3, v9;
	[tilespmem:s26+$0x40] =	vst v6;
	v6 =	vmul.f32 v11, v12  }
0x1ba: {  	v1 =	vmul.f32 v1, v4;
	[tilespmem:s26+$0x30] =	vst v5;
	v2 =	vmul.f32 v13, v2  }
0x1bb: {  	[tilespmem:s26+$0x70] =	vst v3  }
0x1bc: {  	[tilespmem:s26+$0x10] =	vst v1  }
0x1bd: {  	[tilespmem:s26+$0x60] =	vst v6  }
0x1be: {  	[tilespmem:s26+$0x50] =	vst v2;
	s26 =	smov.u32 s0  }
0x1bf: {  	v2 =	vld [tilespmem:s28+$0xFFFFFF80]  }
0x1c0: {  	v1 =	vld [tilespmem:s0+$0xFFFFFFE0]  }
0x1c1: {  	v5 =	vld [tilespmem:s0+$0xFFFFFFC0]  }
0x1c2: {  	v8 =	vld [tilespmem:s0+$0xFFFFFF90]  }
0x1c3: {  	v10 =	vld [tilespmem:s0+$0xFFFFFFB0]  }
.Ltmp2:
0x1c4: {  	v3 =	vbroadcast v2, $0x0;
	v7 =	vld [tilespmem:s0+$0xFFFFFFA0];
	v6 =	vbroadcast v2, $0x4;
	(pc) =	sbr.rel @p1 .LBB2_3-.Ltmp2, $4  }
0x1c5: {  	v11 =	vbroadcast v2, $0x1;
	v9 =	vbroadcast v2, $0x2;
	v4 =	vld [tilespmem:s0+$0xFFFFFF80]  }
0x1c6: {  	v13 =	vbroadcast v2, $0x3;
	v14 =	vmul.f32 v5, v6;
	v6 =	vld [tilespmem:s0+$0xFFFFFFF0]  }
0x1c7: {  	v5 =	vbroadcast v2, $0x5;
	v12 =	vmul.f32 v8, v11  }
0x1c8: {  	v11 =	vbroadcast v2, $0x6;
	v10 =	vmul.f32 v10, v13;
	[tilespmem:s0+$0xFFFFFFC0] =	vst v14;
	v8 =	vld [tilespmem:s0+$0xFFFFFFD0]  }
0x1c9: {  	[tilespmem:s26+$0xFFFFFF90] =	vst v12;
	v7 =	vmul.f32 v7, v9  }
0x1ca: {  	v2 =	vbroadcast v2, $0x7;
	[tilespmem:s26+$0xFFFFFFB0] =	vst v10;
	v1 =	vmul.f32 v1, v11  }
0x1cb: {  	v3 =	vmul.f32 v3, v4;
	[tilespmem:s26+$0xFFFFFFA0] =	vst v7  }
0x1cc: {  	v2 =	vmul.f32 v6, v2;
	[tilespmem:s26+$0xFFFFFFE0] =	vst v1  }
0x1cd: {  	[tilespmem:s26+$0xFFFFFF80] =	vst v3;
	v1 =	vmul.f32 v8, v5  }
0x1ce: {  	[tilespmem:s26+$0xFFFFFFF0] =	vst v2  }
0x1cf: {  	[tilespmem:s26+$0xFFFFFFD0] =	vst v1  }
0x1d0: {  	v1 =	vld [tilespmem:s23+$0x0];
	_ =	sdelay $0x1  }
0x1d1: {  	v2 =	vld [tilespmem:s26+$0x0]  }
0x1d2: {  	v3 =	vld [tilespmem:s26+$0x20]  }
0x1d3: {  	v4 =	vld [tilespmem:s26+$0x40]  }
0x1d4: {  	v6 =	vld [tilespmem:s26+$0x30];
	v5 =	vbroadcast v1, $0x0  }
0x1d5: {  	v7 =	vld [tilespmem:s26+$0x70];
	v8 =	vbroadcast v1, $0x2  }
0x1d6: {  	v9 =	vld [tilespmem:s26+$0x10];
	v2 =	vmul.f32 v5, v2;
	v5 =	vbroadcast v1, $0x4  }
0x1d7: {  	v10 =	vld [tilespmem:s26+$0x60];
	v3 =	vmul.f32 v3, v8;
	v8 =	vbroadcast v1, $0x3  }
0x1d8: {  	v12 =	vld [tilespmem:s26+$0x50];
	v11 =	vbroadcast v1, $0x7;
	[tilespmem:s26+$0x0] =	vst v2;
	v2 =	vmul.f32 v4, v5  }
0x1d9: {  	v4 =	vbroadcast v1, $0x1;
	[tilespmem:s26+$0x20] =	vst v3;
	v3 =	vmul.f32 v6, v8  }
0x1da: {  	v5 =	vbroadcast v1, $0x6;
	[tilespmem:s26+$0x40] =	vst v2;
	v2 =	vmul.f32 v7, v11  }
0x1db: {  	v1 =	vbroadcast v1, $0x5;
	v4 =	vmul.f32 v9, v4;
	[tilespmem:s26+$0x30] =	vst v3  }
0x1dc: {  	s28 =	sshll.u32 s22, $0x1;
	v3 =	vmul.f32 v10, v5;
	[tilespmem:s26+$0x70] =	vst v2  }
0x1dd: {  	p1 =	seq.s32 s22, $0x4F;
	s23 =	sadd.s32 $0x2, s28;
	v1 =	vmul.f32 v12, v1;
	[tilespmem:s26+$0x10] =	vst v4  }
0x1de: {  	s0 =	sshll.u32 @!p1 s23, $0x6;
	[tilespmem:s26+$0x60] =	vst v3  }
0x1df: {  	s0 =	sand.u32 @!p1 $0x3FFFFFC0, s0;
	[tilespmem:s26+$0x50] =	vst v1  }
0x1e0: {  	v1 =	vld @!p1 [tilespmem:s0+$0x13880];
	_ =	sdelay $0x4  }
0x1e1: {  	v1 =	vshrl.u32 @!p1 v1, $0x10  }
0x1e2: {  	[tilespmem:$0x16080] =	vst @!p1 v1  }
0x1e3: {  	v1 =	vld @!p1 [tilespmem:s0+$0x13890];
	_ =	sdelay $0x4  }
0x1e4: {  	v1 =	vshrl.u32 @!p1 v1, $0x10  }
0x1e5: {  	[tilespmem:$0x16090] =	vst @!p1 v1  }
0x1e6: {  	v1 =	vld @!p1 [tilespmem:s0+$0x138A0];
	_ =	sdelay $0x4  }
0x1e7: {  	v1 =	vshrl.u32 @!p1 v1, $0x10  }
0x1e8: {  	[tilespmem:$0x160A0] =	vst @!p1 v1  }
0x1e9: {  	v1 =	vld @!p1 [tilespmem:s0+$0x138B0];
	_ =	sdelay $0x4  }
0x1ea: {  	v1 =	vshrl.u32 @!p1 v1, $0x10  }
0x1eb: {  	s25 =	simm.s32 @!p1 $0x16080;
	s26 =	simm.s32 @!p1 $0x16280;
	s0 =	simm.s32 @!p1 $0x40;
	[tilespmem:$0x160B0] =	vst @!p1 v1  }
0x1ec: {  	[tilespmem:s26], [sflag:$0x1] =	stream.indirect.gather @!p1 [hbm4b:s1+s0], $0x80, s25, s0, $0xb8;
	[tilespmem:$0x1EA80] =	vst v63  }
0x1ed: {  	s26 =	sshll.u32 s22, $0x7  }
0x1ee: {  	s26 =	sand.u32 $0x3FFFFF80, s26  }
0x1ef: {  	v1 =	vld [tilespmem:s26+$0x13880];
	_ =	sdelay $0x4  }
0x1f0: {  	v1 =	vand.u32 $0xFFFF, v1  }
0x1f1: {  	[tilespmem:$0x16180] =	vst v1  }
0x1f2: {  	v1 =	vld [tilespmem:s26+$0x13890];
	_ =	sdelay $0x4  }
0x1f3: {  	v1 =	vand.u32 $0xFFFF, v1  }
0x1f4: {  	[tilespmem:$0x16190] =	vst v1  }
0x1f5: {  	v1 =	vld [tilespmem:s26+$0x138A0];
	_ =	sdelay $0x4  }
0x1f6: {  	v1 =	vand.u32 $0xFFFF, v1  }
0x1f7: {  	[tilespmem:$0x161A0] =	vst v1  }
0x1f8: {  	v1 =	vld [tilespmem:s26+$0x138B0];
	_ =	sdelay $0x4  }
0x1f9: {  	v1 =	vand.u32 $0xFFFF, v1  }
0x1fa: {  	[tilespmem:$0x161B0] =	vst v1  }
0x1fb: {  	[spmem:s3] =	stream.indirect.scatter.add.f32 [tilespmem:s10], [sflag:$0x5], $0x80, s14, s7, $0xb8;
	[tilespmem:$0x1EA80] =	vst v63  }
0x1fc: {  	_ =	swait.ge [sflag:s15], $0x2000  }
0x1fd: {  	[sflag:s15] =	ssyncset.done $0x0  }
0x1fe: {  	[sflag:s15] =	ssyncadd.s32 $0xFFFFE000  }
0x1ff: {  	_ =	swait.ge [sflag:s20], $0x2000  }
0x200: {  	[sflag:s20] =	ssyncset.done $0x0  }
0x201: {  	[sflag:s20] =	ssyncadd.s32 $0xFFFFE000  }
0x202: {  	v2 =	vld [tilespmem:s6+$0xFFFFFF80]  }
0x203: {  	s29 =	simm.s32 $0x1C300  }
0x204: {  	v4 =	vld [tilespmem:s29+$0xFFFFFFC0]  }
0x205: {  	v5 =	vld [tilespmem:s29+$0xFFFFFF90]  }
0x206: {  	v8 =	vld [tilespmem:s29+$0xFFFFFFB0]  }
0x207: {  	v1 =	vld [tilespmem:s29+$0xFFFFFFE0];
	v6 =	vbroadcast v2, $0x4  }
0x208: {  	v7 =	vld [tilespmem:s29+$0xFFFFFFA0];
	v3 =	vbroadcast v2, $0x0  }
0x209: {  	v10 =	vbroadcast v2, $0x1;
	v11 =	vmul.f32 v4, v6;
	v4 =	vld [tilespmem:s29+$0xFFFFFF80]  }
0x20a: {  	v9 =	vbroadcast v2, $0x2;
	v13 =	vbroadcast v2, $0x3;
	v6 =	vld [tilespmem:s29+$0xFFFFFFF0]  }
0x20b: {  	s31 =	simm.s32 $0x1C300;
	v12 =	vmul.f32 v5, v10;
	v5 =	vbroadcast v2, $0x5  }
0x20c: {  	s30 =	smov.u32 s6;
	s0 =	simm.s32 $0x0;
	s25 =	smov.u32 s6;
	v10 =	vmul.f32 v8, v13;
	v8 =	vld [tilespmem:s29+$0xFFFFFFD0];
	[tilespmem:s29+$0xFFFFFFC0] =	vst v11;
	v11 =	vbroadcast v2, $0x6  }
.LBB2_5:
0x20d: {  	s0 =	sadd.s32 $0x2, s0;
	[tilespmem:s29+$0xFFFFFF90] =	vst v12;
	v7 =	vmul.f32 v7, v9;
	v2 =	vbroadcast v2, $0x7;
	s31 =	sadd.s32 $0x100, s31;
	s30 =	sadd.s32 $0x100, s30  }
0x20e: {  	p2 =	slt.u32 s0, $0x3E;
	v3 =	vmul.f32 v3, v4;
	[tilespmem:s29+$0xFFFFFFB0] =	vst v10;
	v1 =	vmul.f32 v1, v11  }
0x20f: {  	[tilespmem:s29+$0xFFFFFFA0] =	vst v7;
	v2 =	vmul.f32 v6, v2  }
0x210: {  	[tilespmem:s29+$0xFFFFFFE0] =	vst v1  }
0x211: {  	v1 =	vmul.f32 v8, v5;
	[tilespmem:s29+$0xFFFFFFF0] =	vst v2  }
0x212: {  	[tilespmem:s29+$0xFFFFFF80] =	vst v3  }
0x213: {  	[tilespmem:s29+$0xFFFFFFD0] =	vst v1;
	v1 =	vld [tilespmem:s29+$0x10]  }
0x214: {  	v2 =	vld [tilespmem:s25+$0x0];
	s25 =	smov.u32 s30  }
0x215: {  	v3 =	vld [tilespmem:s29+$0x70]  }
0x216: {  	v4 =	vld [tilespmem:s29+$0x0]  }
0x217: {  	v5 =	vld [tilespmem:s29+$0x20]  }
0x218: {  	v6 =	vld [tilespmem:s29+$0x40]  }
0x219: {  	v7 =	vbroadcast v2, $0x0;
	v8 =	vld [tilespmem:s29+$0x30];
	v9 =	vbroadcast v2, $0x7  }
0x21a: {  	v10 =	vbroadcast v2, $0x2;
	v12 =	vbroadcast v2, $0x6;
	v11 =	vld [tilespmem:s29+$0x60]  }
0x21b: {  	v4 =	vmul.f32 v7, v4;
	v7 =	vbroadcast v2, $0x4;
	v13 =	vld [tilespmem:s29+$0x50]  }
0x21c: {  	v5 =	vmul.f32 v5, v10;
	v10 =	vbroadcast v2, $0x3  }
0x21d: {  	[tilespmem:s29+$0x0] =	vst v4;
	v4 =	vbroadcast v2, $0x1;
	v6 =	vmul.f32 v6, v7  }
0x21e: {  	v2 =	vbroadcast v2, $0x5;
	[tilespmem:s29+$0x20] =	vst v5;
	v5 =	vmul.f32 v8, v10  }
0x21f: {  	v3 =	vmul.f32 v3, v9;
	[tilespmem:s29+$0x40] =	vst v6;
	v6 =	vmul.f32 v11, v12  }
0x220: {  	v1 =	vmul.f32 v1, v4;
	[tilespmem:s29+$0x30] =	vst v5;
	v2 =	vmul.f32 v13, v2  }
0x221: {  	[tilespmem:s29+$0x70] =	vst v3  }
0x222: {  	[tilespmem:s29+$0x10] =	vst v1  }
0x223: {  	[tilespmem:s29+$0x60] =	vst v6  }
0x224: {  	[tilespmem:s29+$0x50] =	vst v2;
	s29 =	smov.u32 s31  }
0x225: {  	v2 =	vld [tilespmem:s30+$0xFFFFFF80]  }
0x226: {  	v1 =	vld [tilespmem:s31+$0xFFFFFFE0]  }
0x227: {  	v5 =	vld [tilespmem:s31+$0xFFFFFFC0]  }
0x228: {  	v8 =	vld [tilespmem:s31+$0xFFFFFF90]  }
0x229: {  	v10 =	vld [tilespmem:s31+$0xFFFFFFB0]  }
.Ltmp3:
0x22a: {  	v3 =	vbroadcast v2, $0x0;
	v7 =	vld [tilespmem:s31+$0xFFFFFFA0];
	v6 =	vbroadcast v2, $0x4;
	(pc) =	sbr.rel @p2 .LBB2_5-.Ltmp3, $4  }
0x22b: {  	v11 =	vbroadcast v2, $0x1;
	v9 =	vbroadcast v2, $0x2;
	v4 =	vld [tilespmem:s31+$0xFFFFFF80]  }
0x22c: {  	v13 =	vbroadcast v2, $0x3;
	v14 =	vmul.f32 v5, v6;
	v6 =	vld [tilespmem:s31+$0xFFFFFFF0]  }
0x22d: {  	v5 =	vbroadcast v2, $0x5;
	v12 =	vmul.f32 v8, v11  }
0x22e: {  	v11 =	vbroadcast v2, $0x6;
	v10 =	vmul.f32 v10, v13;
	[tilespmem:s31+$0xFFFFFFC0] =	vst v14;
	v8 =	vld [tilespmem:s31+$0xFFFFFFD0]  }
0x22f: {  	[tilespmem:s29+$0xFFFFFF90] =	vst v12;
	v7 =	vmul.f32 v7, v9  }
0x230: {  	v2 =	vbroadcast v2, $0x7;
	[tilespmem:s29+$0xFFFFFFB0] =	vst v10;
	v1 =	vmul.f32 v1, v11  }
0x231: {  	v3 =	vmul.f32 v3, v4;
	[tilespmem:s29+$0xFFFFFFA0] =	vst v7  }
0x232: {  	v2 =	vmul.f32 v6, v2;
	[tilespmem:s29+$0xFFFFFFE0] =	vst v1  }
0x233: {  	[tilespmem:s29+$0xFFFFFF80] =	vst v3;
	v1 =	vmul.f32 v8, v5  }
0x234: {  	[tilespmem:s29+$0xFFFFFFF0] =	vst v2  }
0x235: {  	[tilespmem:s29+$0xFFFFFFD0] =	vst v1  }
0x236: {  	v1 =	vld [tilespmem:s25+$0x0];
	_ =	sdelay $0x2  }
0x237: {  	v2 =	vld [tilespmem:s29+$0x0]  }
0x238: {  	v3 =	vld [tilespmem:s29+$0x20]  }
0x239: {  	v56 =	vld [tilespmem:s29+$0x10];
	v52 =	vbroadcast v1, $0x0;
	v55 =	vbroadcast v1, $0x2  }
0x23a: {  	v61 =	vld [tilespmem:s29+$0x50];
	v57 =	vbroadcast v1, $0x4;
	v59 =	vbroadcast v1, $0x3  }
0x23b: {  	v51 =	vld [tilespmem:s29+$0x40];
	v60 =	vbroadcast v1, $0x7;
	v62 =	vbroadcast v1, $0x1  }
0x23c: {  	v53 =	vld [tilespmem:s29+$0x30];
	v63 =	vbroadcast v1, $0x6;
	v2 =	vmul.f32 v52, v2  }
0x23d: {  	v54 =	vld [tilespmem:s29+$0x70];
	v1 =	vbroadcast v1, $0x5;
	v3 =	vmul.f32 v3, v55  }
0x23e: {  	v58 =	vld [tilespmem:s29+$0x60];
	v4 =	vmul.f32 v56, v62;
	[tilespmem:s29+$0x0] =	vst v2  }
0x23f: {  	v1 =	vmul.f32 v61, v1;
	[tilespmem:s29+$0x20] =	vst v3  }
0x240: {  	v2 =	vmul.f32 v51, v57;
	[tilespmem:s29+$0x10] =	vst v4  }
0x241: {  	v3 =	vmul.f32 v53, v59;
	[tilespmem:s29+$0x50] =	vst v1  }
0x242: {  	[tilespmem:s29+$0x40] =	vst v2;
	v2 =	vmul.f32 v54, v60  }
0x243: {  	[tilespmem:s29+$0x30] =	vst v3;
	v3 =	vmul.f32 v58, v63  }
0x244: {  	s0 =	sadd.s32 $0x3, s28;
	[tilespmem:s29+$0x70] =	vst v2  }
0x245: {  	s25 =	sshll.u32 @!p1 s0, $0x6;
	[tilespmem:s29+$0x60] =	vst v3  }
0x246: {  	v1 =	vld @!p1 [tilespmem:s25+$0x13880];
	_ =	sdelay $0x4  }
0x247: {  	v1 =	vshrl.u32 @!p1 v1, $0x10  }
0x248: {  	s28 =	sor.u32 @!p1 $0x50, s25;
	[tilespmem:$0x16100] =	vst @!p1 v1  }
0x249: {  	v1 =	vld @!p1 [tilespmem:s28+$0x13880];
	_ =	sdelay $0x4  }
0x24a: {  	v1 =	vshrl.u32 @!p1 v1, $0x10  }
0x24b: {  	s28 =	sor.u32 @!p1 $0x60, s25;
	[tilespmem:$0x16110] =	vst @!p1 v1  }
0x24c: {  	v1 =	vld @!p1 [tilespmem:s28+$0x13880];
	_ =	sdelay $0x4  }
0x24d: {  	v1 =	vshrl.u32 @!p1 v1, $0x10  }
0x24e: {  	s25 =	sor.u32 @!p1 $0x70, s25;
	[tilespmem:$0x16120] =	vst @!p1 v1  }
0x24f: {  	v1 =	vld @!p1 [tilespmem:s25+$0x13880];
	_ =	sdelay $0x4  }
0x250: {  	v1 =	vshrl.u32 @!p1 v1, $0x10  }
0x251: {  	s29 =	simm.s32 @!p1 $0x18280;
	s28 =	simm.s32 @!p1 $0x16100;
	s25 =	simm.s32 @!p1 $0x40;
	[tilespmem:$0x16130] =	vst @!p1 v1  }
0x252: {  	[tilespmem:s29], [sflag:$0x2] =	stream.indirect.gather @!p1 [hbm4b:s1+s25], $0x80, s28, s25, $0xb8;
	[tilespmem:$0x1EA80] =	vst v63  }
0x253: {  	v1 =	vld [tilespmem:s26+$0x138C0];
	_ =	sdelay $0x4  }
0x254: {  	v1 =	vand.u32 $0xFFFF, v1  }
0x255: {  	[tilespmem:$0x16200] =	vst v1  }
0x256: {  	v1 =	vld [tilespmem:s26+$0x138D0];
	_ =	sdelay $0x4  }
0x257: {  	v1 =	vand.u32 $0xFFFF, v1  }
0x258: {  	[tilespmem:$0x16210] =	vst v1  }
0x259: {  	v1 =	vld [tilespmem:s26+$0x138E0];
	_ =	sdelay $0x4  }
0x25a: {  	v1 =	vand.u32 $0xFFFF, v1  }
0x25b: {  	[tilespmem:$0x16220] =	vst v1  }
0x25c: {  	v1 =	vld [tilespmem:s26+$0x138F0];
	_ =	sdelay $0x4  }
0x25d: {  	v1 =	vand.u32 $0xFFFF, v1  }
.Ltmp4:
0x25e: {  	[tilespmem:$0x16230] =	vst v1;
	(pc) =	sbr.rel @p1 .LBB2_8-.Ltmp4, $4  }
0x25f: {  	[spmem:s3] =	stream.indirect.scatter.add.f32 [tilespmem:s11], [sflag:$0x6], $0x80, s16, s7, $0xb8;
	[tilespmem:$0x1EA80] =	vst v63  }
0x260: {  	_ =	swait.ge [sflag:s17], $0x2000  }
0x261: {  	[sflag:s17] =	ssyncset.done $0x0  }
0x262: {  	[sflag:s17] =	ssyncadd.s32 $0xFFFFE000  }
0x263: {  	s23 =	sshll.u32 s23, $0xE  }
0x264: {  	s23 =	sadd.s32 s19, s23  }
0x265: {  	s23 =	sshrl.u32 s23, $0x3  }
0x266: {  	s23 =	sadd.s32 s5, s23  }
0x267: {  	[tilespmem:s10], [sflag:$0x3] =	stream.strided.gather [hbm4b:s23+s8], $0x2000, s9, s8, $0x38;
	[tilespmem:$0x1EA80] =	vst v63  }
.Ltmp5:
0x268: {  	s0 =	sshll.u32 s0, $0xE;
	(pc) =	sbr.rel .LBB2_2-.Ltmp5, $4  }
0x269: {  	s0 =	sadd.s32 s19, s0;
	_ =	swait.ge [sflag:s18], $0x2000  }
0x26a: {  	s0 =	sshrl.u32 s0, $0x3;
	[sflag:s18] =	ssyncset.done $0x0  }
0x26b: {  	s22 =	sadd.s32 $0x1, s22;
	s0 =	sadd.s32 s5, s0;
	[sflag:s18] =	ssyncadd.s32 $0xFFFFE000  }
0x26c: {  	[tilespmem:s11], [sflag:$0x4] =	stream.strided.gather [hbm4b:s0+s8], $0x2000, s9, s8, $0x38;
	[tilespmem:$0x1EA80] =	vst v63  }
.LBB2_9:
0x26d: {  	_ =	sfence.sel $0x180000  }
0x26e: {  	[bflag:$0x0] =	sbarrier.arrive $0xFFFF  }
0x26f: {  	_ =	strace $0x90000047  }
0x270: {  	s0 =	stileid.u32;
	[bflag:$0x2] =	sbarrier.arrive $0xFFFF  }
0x271: {  	p0 =	sne.s32 s0, $0x0;
	s0 =	rddreg [dreg:$0x3]  }
0x272: {  	s0 =	sadd.s32 @!p0 $0x100000, s0  }
0x273: {  	[sflag:s0] =	ssyncadd.tile.s32 @!p0 $0x1;
	_ =	shalt  }
.Lfunc_end2:
_tile_overlayer_lowered:
.L_overlay_start_2:
0x274: {  	(tag) =	ssettag $0x2  }
0x275: {  	s0 =	rddreg [dreg:$0x0];
	s2 =	stileid.u32  }
0x276: {  	s1 =	rddreg [dreg:$0x1];
	p0 =	sne.s32 s2, $0x0  }
0x277: {  	s3 =	rddreg [dreg:$0x2];
	[bflag:$0x3] =	sbarrier.arrive $0xFFFF;
	s2 =	simm.s32 @!p0 $0x1C07  }
0x278: {  	[timem:s3], [sflag:s2] =	dma.local @!p0 [hbm:s0], s1  }
0x279: {  	s0 =	simm.s32 @!p0 $0x7  }
0x27a: {  	_ =	swait.ge @!p0 [sflag:s0], s1  }
0x27b: {  	s1 =	ssub.s32 @!p0 $0x0, s1;
	[sflag:s0] =	ssyncset.done @!p0 $0x0  }
0x27c: {  	[sflag:s0] =	ssyncadd.s32 @!p0 s1  }
0x27d: {  	[bflag:$0x3] =	sbarrier.arrive $0xFFFF  }
0x27e: {  	_ =	shalt  }

</sc_bundles>
